<compile_context>
chip_gen: v7x
topology: tpu7x:2x2x1
jax: 0.10.2.dev20260603
libtpu: 0.0.44.dev20260713+nightly
codegen_flags: <defaults>
</compile_context>

<pallas_src>
import jax
import jax.numpy as jnp
from jax import lax
from jax.experimental import pallas as pl
from jax.experimental.pallas import tpu as pltpu
from jax.experimental.pallas import tpu_sc as plsc

_NUM_EMB = 1000000
_EMB_DIM = 16
_BATCH = 16384
_HIST = 50

_NC = 2
_NS = 16
_NW = _NC * _NS
_CU = 4
_BLK = _CU * 128
_PLANE = _CU * 1024


def _b_body(wt_hbm, table_hbm, out3,
            ibuf0, ibuf1, rbuf0, rbuf1, tbuf0, tbuf1,
            si, sg0, sg1, sw0, sw1):
    wid = lax.axis_index("s") * _NC + lax.axis_index("c")
    cu0 = wid * _CU
    b0 = wid * _BLK

    ibufs = (ibuf0, ibuf1)
    rbufs = (rbuf0, rbuf1)
    tbufs = (tbuf0, tbuf1)
    sgs = (sg0, sg1)
    sws = (sw0, sw1)

    lane = lax.iota(jnp.int32, 16)

    def fire_idx(h, par):
        pltpu.async_copy(wt_hbm.at[h, pl.ds(b0, _BLK)], ibufs[par], si)

    def wait_idx(par):
        pltpu.make_async_copy(wt_hbm.at[0, pl.ds(b0, _BLK)], ibufs[par], si
                              ).wait()

    def fire_gathers(par):
        pltpu.async_copy(
            table_hbm.at[ibufs[par]], rbufs[par], sgs[par])

    def wait_gathers(par):
        pltpu.make_async_copy(
            table_hbm.at[ibufs[par]], rbufs[par], sgs[par]).wait()

    def fire_writes(h, par):
        for su in range(2):
            pltpu.async_copy(
                tbufs[par].at[pl.ds(su * _PLANE, _PLANE)],
                out3.at[h, su, pl.ds(cu0 * 1024, _PLANE)], sws[par])

    def wait_writes(h, par):
        for su in range(2):
            pltpu.make_async_copy(
                tbufs[par].at[pl.ds(su * _PLANE, _PLANE)],
                out3.at[h, su, pl.ds(cu0 * 1024, _PLANE)], sws[par]).wait()

    def transpose(par):
        rbuf = rbufs[par]
        tbuf = tbufs[par]

        for j in range(_EMB_DIM):
            t = j + lane
            dvj = jnp.where(t >= _EMB_DIM, t - _EMB_DIM, t)
            posd = ((dvj >> 3) * _PLANE) + ((dvj & 7) * 128)

            def trans_j(lb, _, dvj=dvj, posd=posd):
                lvec = lb * 16 + lane
                for q in range(_CU):
                    v = plsc.load_gather(rbuf, [q * 128 + lvec, dvj])
                    sidx = posd + (q * 1024) + lvec
                    plsc.store_scatter(tbuf, [sidx], v)
                return 0

            lax.fori_loop(0, 8, trans_j, 0)

    pltpu.sync_copy(wt_hbm.at[0, pl.ds(b0, _BLK)], ibufs[0])
    fire_gathers(0)
    fire_idx(1, 1)

    def step(hh, _):
        for par in range(2):
            h = 2 * hh + par
            nxt = 1 - par

            @pl.when(h + 1 < _HIST)
            def _():
                wait_idx(nxt)

                @pl.when(h >= 1)
                def _():
                    wait_writes(h, nxt)

                fire_gathers(nxt)

            wait_gathers(par)

            @pl.when(h + 2 < _HIST)
            def _():
                fire_idx(h + 2, par)

            transpose(par)
            fire_writes(h, par)
        return 0

    lax.fori_loop(0, _HIST // 2, step, 0)
    wait_writes(_HIST - 2, 0)
    wait_writes(_HIST - 1, 1)


_gather = pl.kernel(
    _b_body,
    out_type=jax.ShapeDtypeStruct((_HIST, 2, 128 * 1024), jnp.float32),
    mesh=plsc.VectorSubcoreMesh(core_axis_name="c", subcore_axis_name="s"),
    scratch_types=[
        pltpu.VMEM((_BLK,), jnp.int32),
        pltpu.VMEM((_BLK,), jnp.int32),
        pltpu.VMEM((_BLK, _EMB_DIM), jnp.float32),
        pltpu.VMEM((_BLK, _EMB_DIM), jnp.float32),
        pltpu.VMEM((2 * _PLANE,), jnp.float32),
        pltpu.VMEM((2 * _PLANE,), jnp.float32),
        pltpu.SemaphoreType.DMA,
        pltpu.SemaphoreType.DMA,
        pltpu.SemaphoreType.DMA,
        pltpu.SemaphoreType.DMA,
        pltpu.SemaphoreType.DMA,
    ],
    compiler_params=pltpu.CompilerParams(
        use_tc_tiling_on_sc=False, needs_layout_passes=False),
)


def kernel(weights, emb_table):
    wT = weights.T
    out3 = _gather(wT, emb_table)
    out5 = out3.reshape(_HIST, 2, 128, 8, 128)
    return out5.transpose(2, 4, 0, 1, 3).reshape(_BATCH, _HIST, _EMB_DIM)

# --- scband reference (transcript-rebuilt; emitter-appended) ---
"""Pipeline reference for scband-kc-embedding-78804059947134 (READ-ONLY COPY).

The authoritative reference and input builder live on the scoring server;
editing this copy changes nothing except your own understanding.
"""

import jax, jax.numpy as jnp
import numpy as np

NUM_EMB = 1000000
EMB_DIM = 16
BATCH = 16384
HIST = 50

def setup_inputs(seed: int = 0) -> dict:
    key = jax.random.key(seed)
    k_idx, k_tbl = jax.random.split(key)
    weights = jax.random.randint(k_idx, (BATCH, HIST), 0, NUM_EMB, dtype=jnp.int32)
    emb_table = jax.random.normal(k_tbl, (NUM_EMB, EMB_DIM), dtype=jnp.float32)
    return {"weights": weights, "emb_table": emb_table}

def reference(weights, emb_table):
    # kc_embedding.forward: despite the docstring mentioning multi-hot weights,
    # the code calls nn.Embedding(weights), i.e., a plain index-based lookup.
    return jnp.take(emb_table, weights, axis=0)

if __name__ == "__main__":
    import jax
    _d = setup_inputs()
    print(jax.jit(kernel)(*tuple(_d.values())))

</pallas_src>

<mosaic_0001>
#map = affine_map<(d0, d1) -> (0, 0)>
#map1 = affine_map<(d0, d1) -> (0, 0, 0)>
module attributes {stable_mosaic.version = 14 : i64} {
  func.func @_b_body(%arg0: i32, %arg1: i32, %arg2: memref<50x16384xi32, #tpu.memory_space<hbm>>, %arg3: memref<1000000x16xf32, #tpu.memory_space<hbm>>, %arg4: memref<50x2x131072xf32, #tpu.memory_space<hbm>>, %arg5: memref<512xi32, #tpu.memory_space<vmem>>, %arg6: memref<512xi32, #tpu.memory_space<vmem>>, %arg7: memref<512x16xf32, #tpu.memory_space<vmem>>, %arg8: memref<512x16xf32, #tpu.memory_space<vmem>>, %arg9: memref<8192xf32, #tpu.memory_space<vmem>>, %arg10: memref<8192xf32, #tpu.memory_space<vmem>>, %arg11: memref<!tpu.dma_semaphore, #tpu.memory_space<semaphore_mem>>, %arg12: memref<!tpu.dma_semaphore, #tpu.memory_space<semaphore_mem>>, %arg13: memref<!tpu.dma_semaphore, #tpu.memory_space<semaphore_mem>>, %arg14: memref<!tpu.dma_semaphore, #tpu.memory_space<semaphore_mem>>, %arg15: memref<!tpu.dma_semaphore, #tpu.memory_space<semaphore_mem>>) attributes {dimension_semantics = [#tpu.dimension_semantics<core_parallel>, #tpu.dimension_semantics<subcore_parallel>], iteration_bounds = array<i64: 2, 16>, scalar_prefetch = 0 : i64, scratch_operands = 11 : i64, tpu.core_type = #tpu.core_type<sc_vector_subcore>, window_params = [{transform_indices = #map}, {transform_indices = #map}, {transform_indices = #map1}]} {
    %mul3A = arith.constant 2 : i32
    %mul3A_0 = arith.muli %arg1, %mul3A : i32
    %add3A = arith.addi %mul3A_0, %arg0 : i32
    %mul3A_1 = arith.constant 4 : i32
    %mul3A_2 = arith.muli %add3A, %mul3A_1 : i32
    %mul3A_3 = arith.constant 512 : i32
    %mul3A_4 = arith.muli %add3A, %mul3A_3 : i32
    %iota3A = tpu.iota {dimensions = array<i32: 0>} : vector<16xi32>
    %run_scoped3A = arith.constant 0 : i32
    "tpu.region"() ({
      %run_scoped3A_65 = tpu.sem_alloc : memref<!tpu.dma_semaphore, #tpu.memory_space<semaphore_mem>>
      %dma_start3A_66 = tpu.memref_slice %arg2[%run_scoped3A, %mul3A_4] : memref<50x16384xi32, #tpu.memory_space<hbm>> -> memref<1x512xi32, #tpu.memory_space<hbm>>
      %dma_start3A_67 = tpu.memref_squeeze %dma_start3A_66 : memref<1x512xi32, #tpu.memory_space<hbm>> -> memref<512xi32, #tpu.memory_space<hbm>>
      %dma_start3A_68 = tpu.memref_slice %arg2[%run_scoped3A, %mul3A_4] : memref<50x16384xi32, #tpu.memory_space<hbm>> -> memref<1x512xi32, #tpu.memory_space<hbm>>
      %dma_start3A_69 = tpu.memref_squeeze %dma_start3A_68 : memref<1x512xi32, #tpu.memory_space<hbm>> -> memref<512xi32, #tpu.memory_space<hbm>>
      tpu.enqueue_dma source(%dma_start3A_69 : memref<512xi32, #tpu.memory_space<hbm>>) target(%arg5 : memref<512xi32, #tpu.memory_space<vmem>>) target_semaphore(%run_scoped3A_65 : memref<!tpu.dma_semaphore, #tpu.memory_space<semaphore_mem>>)
      %dma_wait3A_70 = tpu.memref_slice %arg2[%run_scoped3A, %mul3A_4] : memref<50x16384xi32, #tpu.memory_space<hbm>> -> memref<1x512xi32, #tpu.memory_space<hbm>>
      %dma_wait3A_71 = tpu.memref_squeeze %dma_wait3A_70 : memref<1x512xi32, #tpu.memory_space<hbm>> -> memref<512xi32, #tpu.memory_space<hbm>>
      %dma_wait3A_72 = tpu.memref_slice %arg2[%run_scoped3A, %mul3A_4] : memref<50x16384xi32, #tpu.memory_space<hbm>> -> memref<1x512xi32, #tpu.memory_space<hbm>>
      %dma_wait3A_73 = tpu.memref_squeeze %dma_wait3A_72 : memref<1x512xi32, #tpu.memory_space<hbm>> -> memref<512xi32, #tpu.memory_space<hbm>>
      tpu.wait_dma2 semaphore(%run_scoped3A_65 : memref<!tpu.dma_semaphore, #tpu.memory_space<semaphore_mem>>) src(%dma_wait3A_73 : memref<512xi32, #tpu.memory_space<hbm>>) dst(%arg5 : memref<512xi32, #tpu.memory_space<vmem>>)
      tpu.yield
    }) : () -> ()
    %dma_start3A = arith.constant 0 : i32
    %dma_start3A_5 = arith.constant 0 : i32
    %dma_start3A_6 = tpu.memref_slice %arg3[%dma_start3A, %dma_start3A_5] : memref<1000000x16xf32, #tpu.memory_space<hbm>> -> memref<1000000x16xf32, #tpu.memory_space<hbm>>
    tpu.enqueue_indirect_dma source(%dma_start3A_6 : memref<1000000x16xf32, #tpu.memory_space<hbm>>) target(%arg7 : memref<512x16xf32, #tpu.memory_space<vmem>>) offsets(%arg5 : memref<512xi32, #tpu.memory_space<vmem>>) semaphore(%arg12 : memref<!tpu.dma_semaphore, #tpu.memory_space<semaphore_mem>>)
    %dma_start3A_7 = arith.constant 1 : i32
    %dma_start3A_8 = tpu.memref_slice %arg2[%dma_start3A_7, %mul3A_4] : memref<50x16384xi32, #tpu.memory_space<hbm>> -> memref<1x512xi32, #tpu.memory_space<hbm>>
    %dma_start3A_9 = tpu.memref_squeeze %dma_start3A_8 : memref<1x512xi32, #tpu.memory_space<hbm>> -> memref<512xi32, #tpu.memory_space<hbm>>
    %dma_start3A_10 = tpu.memref_slice %arg2[%dma_start3A_7, %mul3A_4] : memref<50x16384xi32, #tpu.memory_space<hbm>> -> memref<1x512xi32, #tpu.memory_space<hbm>>
    %dma_start3A_11 = tpu.memref_squeeze %dma_start3A_10 : memref<1x512xi32, #tpu.memory_space<hbm>> -> memref<512xi32, #tpu.memory_space<hbm>>
    tpu.enqueue_dma source(%dma_start3A_11 : memref<512xi32, #tpu.memory_space<hbm>>) target(%arg6 : memref<512xi32, #tpu.memory_space<vmem>>) target_semaphore(%arg11 : memref<!tpu.dma_semaphore, #tpu.memory_space<semaphore_mem>>)
    %scan3A = arith.constant 0 : i32
    %scan3A_12 = arith.constant 0 : i32
    %scan3A_13 = arith.constant 25 : i32
    %scan3A_14 = arith.addi %scan3A_12, %scan3A_13 : i32
    %scan3A_15 = arith.constant 1 : i32
    %scan3A_16 = scf.for %scan3A_65 = %scan3A_12 to %scan3A_14 step %scan3A_15 iter_args(%scan3A_66 = %scan3A) -> (i32)  : i32 {
      %mul3A_67 = arith.constant 2 : i32
      %mul3A_68 = arith.muli %mul3A_67, %scan3A_65 : i32
      %add3A_69 = arith.constant 0 : i32
      %add3A_70 = arith.addi %mul3A_68, %add3A_69 : i32
      %add3A_71 = arith.constant 1 : i32
      %add3A_72 = arith.addi %add3A_70, %add3A_71 : i32
      %lt3A = arith.constant 50 : i32
      %lt3A_73 = arith.cmpi slt, %add3A_72, %lt3A : i32
      %convert_element_type3A = arith.extui %lt3A_73 : i1 to i32
      %cond3A = arith.constant 0 : i32
      %cond3A_74 = arith.cmpi ne, %convert_element_type3A, %cond3A : i32
      scf.if %cond3A_74 {
        %dma_wait3A_1106 = arith.constant 0 : i32
        %dma_wait3A_1107 = tpu.memref_slice %arg2[%dma_wait3A_1106, %mul3A_4] : memref<50x16384xi32, #tpu.memory_space<hbm>> -> memref<1x512xi32, #tpu.memory_space<hbm>>
        %dma_wait3A_1108 = tpu.memref_squeeze %dma_wait3A_1107 : memref<1x512xi32, #tpu.memory_space<hbm>> -> memref<512xi32, #tpu.memory_space<hbm>>
        %dma_wait3A_1109 = tpu.memref_slice %arg2[%dma_wait3A_1106, %mul3A_4] : memref<50x16384xi32, #tpu.memory_space<hbm>> -> memref<1x512xi32, #tpu.memory_space<hbm>>
        %dma_wait3A_1110 = tpu.memref_squeeze %dma_wait3A_1109 : memref<1x512xi32, #tpu.memory_space<hbm>> -> memref<512xi32, #tpu.memory_space<hbm>>
        tpu.wait_dma2 semaphore(%arg11 : memref<!tpu.dma_semaphore, #tpu.memory_space<semaphore_mem>>) src(%dma_wait3A_1110 : memref<512xi32, #tpu.memory_space<hbm>>) dst(%arg6 : memref<512xi32, #tpu.memory_space<vmem>>)
        %ge3A_1111 = arith.constant 1 : i32
        %ge3A_1112 = arith.cmpi sge, %add3A_70, %ge3A_1111 : i32
        %convert_element_type3A_1113 = arith.extui %ge3A_1112 : i1 to i32
        %cond3A_1114 = arith.constant 0 : i32
        %cond3A_1115 = arith.cmpi ne, %convert_element_type3A_1113, %cond3A_1114 : i32
        scf.if %cond3A_1115 {
          %mul3A_1119 = arith.constant 1024 : i32
          %mul3A_1120 = arith.muli %mul3A_2, %mul3A_1119 : i32
          %dma_wait3A_1121 = arith.constant 0 : i32
          %dma_wait3A_1122 = arith.constant 0 : i32
          %dma_wait3A_1123 = tpu.memref_slice %arg10[%dma_wait3A_1122] : memref<8192xf32, #tpu.memory_space<vmem>> -> memref<4096xf32, #tpu.memory_space<vmem>>
          %dma_wait3A_1124 = tpu.memref_slice %arg4[%add3A_70, %dma_wait3A_1121, %mul3A_1120] : memref<50x2x131072xf32, #tpu.memory_space<hbm>> -> memref<1x1x4096xf32, #tpu.memory_space<hbm>>
          %dma_wait3A_1125 = tpu.memref_squeeze %dma_wait3A_1124 : memref<1x1x4096xf32, #tpu.memory_space<hbm>> -> memref<4096xf32, #tpu.memory_space<hbm>>
          %dma_wait3A_1126 = tpu.memref_slice %arg4[%add3A_70, %dma_wait3A_1121, %mul3A_1120] : memref<50x2x131072xf32, #tpu.memory_space<hbm>> -> memref<1x1x4096xf32, #tpu.memory_space<hbm>>
          %dma_wait3A_1127 = tpu.memref_squeeze %dma_wait3A_1126 : memref<1x1x4096xf32, #tpu.memory_space<hbm>> -> memref<4096xf32, #tpu.memory_space<hbm>>
          %dma_wait3A_1128 = arith.constant 0 : i32
          %dma_wait3A_1129 = tpu.memref_slice %arg10[%dma_wait3A_1128] : memref<8192xf32, #tpu.memory_space<vmem>> -> memref<4096xf32, #tpu.memory_space<vmem>>
          tpu.wait_dma2 semaphore(%arg15 : memref<!tpu.dma_semaphore, #tpu.memory_space<semaphore_mem>>) src(%dma_wait3A_1129 : memref<4096xf32, #tpu.memory_space<vmem>>) dst(%dma_wait3A_1127 : memref<4096xf32, #tpu.memory_space<hbm>>)
          %mul3A_1130 = arith.constant 1024 : i32
          %mul3A_1131 = arith.muli %mul3A_2, %mul3A_1130 : i32
          %dma_wait3A_1132 = arith.constant 1 : i32
          %dma_wait3A_1133 = arith.constant 4096 : i32
          %dma_wait3A_1134 = tpu.memref_slice %arg10[%dma_wait3A_1133] : memref<8192xf32, #tpu.memory_space<vmem>> -> memref<4096xf32, #tpu.memory_space<vmem>>
          %dma_wait3A_1135 = tpu.memref_slice %arg4[%add3A_70, %dma_wait3A_1132, %mul3A_1131] : memref<50x2x131072xf32, #tpu.memory_space<hbm>> -> memref<1x1x4096xf32, #tpu.memory_space<hbm>>
          %dma_wait3A_1136 = tpu.memref_squeeze %dma_wait3A_1135 : memref<1x1x4096xf32, #tpu.memory_space<hbm>> -> memref<4096xf32, #tpu.memory_space<hbm>>
          %dma_wait3A_1137 = tpu.memref_slice %arg4[%add3A_70, %dma_wait3A_1132, %mul3A_1131] : memref<50x2x131072xf32, #tpu.memory_space<hbm>> -> memref<1x1x4096xf32, #tpu.memory_space<hbm>>
          %dma_wait3A_1138 = tpu.memref_squeeze %dma_wait3A_1137 : memref<1x1x4096xf32, #tpu.memory_space<hbm>> -> memref<4096xf32, #tpu.memory_space<hbm>>
          %dma_wait3A_1139 = arith.constant 4096 : i32
          %dma_wait3A_1140 = tpu.memref_slice %arg10[%dma_wait3A_1139] : memref<8192xf32, #tpu.memory_space<vmem>> -> memref<4096xf32, #tpu.memory_space<vmem>>
          tpu.wait_dma2 semaphore(%arg15 : memref<!tpu.dma_semaphore, #tpu.memory_space<semaphore_mem>>) src(%dma_wait3A_1140 : memref<4096xf32, #tpu.memory_space<vmem>>) dst(%dma_wait3A_1138 : memref<4096xf32, #tpu.memory_space<hbm>>)
        } else {
        }
        %dma_start3A_1116 = arith.constant 0 : i32
        %dma_start3A_1117 = arith.constant 0 : i32
        %dma_start3A_1118 = tpu.memref_slice %arg3[%dma_start3A_1116, %dma_start3A_1117] : memref<1000000x16xf32, #tpu.memory_space<hbm>> -> memref<1000000x16xf32, #tpu.memory_space<hbm>>
        tpu.enqueue_indirect_dma source(%dma_start3A_1118 : memref<1000000x16xf32, #tpu.memory_space<hbm>>) target(%arg8 : memref<512x16xf32, #tpu.memory_space<vmem>>) offsets(%arg6 : memref<512xi32, #tpu.memory_space<vmem>>) semaphore(%arg13 : memref<!tpu.dma_semaphore, #tpu.memory_space<semaphore_mem>>)
      } else {
      }
      %dma_wait3A_75 = arith.constant 0 : i32
      %dma_wait3A_76 = arith.constant 0 : i32
      %dma_wait3A_77 = tpu.memref_slice %arg3[%dma_wait3A_75, %dma_wait3A_76] : memref<1000000x16xf32, #tpu.memory_space<hbm>> -> memref<1000000x16xf32, #tpu.memory_space<hbm>>
      tpu.wait_indirect_dma semaphore(%arg12 : memref<!tpu.dma_semaphore, #tpu.memory_space<semaphore_mem>>) src(%dma_wait3A_77 : memref<1000000x16xf32, #tpu.memory_space<hbm>>) dst(%arg7 : memref<512x16xf32, #tpu.memory_space<vmem>>)
      %add3A_78 = arith.constant 2 : i32
      %add3A_79 = arith.addi %add3A_70, %add3A_78 : i32
      %lt3A_80 = arith.constant 50 : i32
      %lt3A_81 = arith.cmpi slt, %add3A_79, %lt3A_80 : i32
      %convert_element_type3A_82 = arith.extui %lt3A_81 : i1 to i32
      %cond3A_83 = arith.constant 0 : i32
      %cond3A_84 = arith.cmpi ne, %convert_element_type3A_82, %cond3A_83 : i32
      scf.if %cond3A_84 {
        %add3A_1106 = arith.constant 2 : i32
        %add3A_1107 = arith.addi %add3A_70, %add3A_1106 : i32
        %dma_start3A_1108 = tpu.memref_slice %arg2[%add3A_1107, %mul3A_4] : memref<50x16384xi32, #tpu.memory_space<hbm>> -> memref<1x512xi32, #tpu.memory_space<hbm>>
        %dma_start3A_1109 = tpu.memref_squeeze %dma_start3A_1108 : memref<1x512xi32, #tpu.memory_space<hbm>> -> memref<512xi32, #tpu.memory_space<hbm>>
        %dma_start3A_1110 = tpu.memref_slice %arg2[%add3A_1107, %mul3A_4] : memref<50x16384xi32, #tpu.memory_space<hbm>> -> memref<1x512xi32, #tpu.memory_space<hbm>>
        %dma_start3A_1111 = tpu.memref_squeeze %dma_start3A_1110 : memref<1x512xi32, #tpu.memory_space<hbm>> -> memref<512xi32, #tpu.memory_space<hbm>>
        tpu.enqueue_dma source(%dma_start3A_1111 : memref<512xi32, #tpu.memory_space<hbm>>) target(%arg5 : memref<512xi32, #tpu.memory_space<vmem>>) target_semaphore(%arg11 : memref<!tpu.dma_semaphore, #tpu.memory_space<semaphore_mem>>)
      } else {
      }
      %add3A_85 = arith.constant 0 : i32
      %add3A_86 = vector.broadcast %add3A_85 : i32 to vector<16xi32>
      %add3A_87 = arith.addi %add3A_86, %iota3A : vector<16xi32>
      %ge3A = arith.constant 16 : i32
      %ge3A_88 = vector.broadcast %ge3A : i32 to vector<16xi32>
      %ge3A_89 = arith.cmpi sge, %add3A_87, %ge3A_88 : vector<16xi32>
      %sub3A = arith.constant 16 : i32
      %sub3A_90 = vector.broadcast %sub3A : i32 to vector<16xi32>
      %sub3A_91 = arith.subi %add3A_87, %sub3A_90 : vector<16xi32>
      %select_n3A = arith.select %ge3A_89, %sub3A_91, %add3A_87 : vector<16xi1>, vector<16xi32>
      %shift_right_arithmetic3A = arith.constant 3 : i32
      %shift_right_arithmetic3A_92 = vector.broadcast %shift_right_arithmetic3A : i32 to vector<16xi32>
      %shift_right_arithmetic3A_93 = arith.shrsi %select_n3A, %shift_right_arithmetic3A_92 : vector<16xi32>
      %mul3A_94 = arith.constant 4096 : i32
      %mul3A_95 = vector.broadcast %mul3A_94 : i32 to vector<16xi32>
      %mul3A_96 = arith.muli %shift_right_arithmetic3A_93, %mul3A_95 : vector<16xi32>
      %and3A = arith.constant 7 : i32
      %and3A_97 = vector.broadcast %and3A : i32 to vector<16xi32>
      %and3A_98 = arith.andi %select_n3A, %and3A_97 : vector<16xi32>
      %mul3A_99 = arith.constant 128 : i32
      %mul3A_100 = vector.broadcast %mul3A_99 : i32 to vector<16xi32>
      %mul3A_101 = arith.muli %and3A_98, %mul3A_100 : vector<16xi32>
      %add3A_102 = arith.addi %mul3A_96, %mul3A_101 : vector<16xi32>
      %scan3A_103 = arith.constant 0 : i32
      %scan3A_104 = arith.constant 0 : i32
      %scan3A_105 = arith.constant 8 : i32
      %scan3A_106 = arith.addi %scan3A_104, %scan3A_105 : i32
      %scan3A_107 = arith.constant 1 : i32
      %scan3A_108 = scf.for %scan3A_1106 = %scan3A_104 to %scan3A_106 step %scan3A_107 iter_args(%scan3A_1107 = %scan3A_103) -> (i32)  : i32 {
        %mul3A_1108 = arith.constant 16 : i32
        %mul3A_1109 = arith.muli %scan3A_1106, %mul3A_1108 : i32
        %add3A_1110 = vector.broadcast %mul3A_1109 : i32 to vector<16xi32>
        %add3A_1111 = arith.addi %add3A_1110, %iota3A : vector<16xi32>
        %add3A_1112 = arith.constant 0 : i32
        %add3A_1113 = vector.broadcast %add3A_1112 : i32 to vector<16xi32>
        %add3A_1114 = arith.addi %add3A_1113, %add3A_1111 : vector<16xi32>
        %gather3A = tpu.vector_load_idx %arg7[%add3A_1114, %select_n3A] : memref<512x16xf32, #tpu.memory_space<vmem>>[vector<16xi32>, vector<16xi32>], vector<16xf32>,
        %add3A_1115 = arith.constant 0 : i32
        %add3A_1116 = vector.broadcast %add3A_1115 : i32 to vector<16xi32>
        %add3A_1117 = arith.addi %add3A_102, %add3A_1116 : vector<16xi32>
        %add3A_1118 = arith.addi %add3A_1117, %add3A_1111 : vector<16xi32>
        tpu.vector_store_idx %arg9[%add3A_1118], %gather3A : memref<8192xf32, #tpu.memory_space<vmem>>[vector<16xi32>], vector<16xf32>,
        %add3A_1119 = arith.constant 128 : i32
        %add3A_1120 = vector.broadcast %add3A_1119 : i32 to vector<16xi32>
        %add3A_1121 = arith.addi %add3A_1120, %add3A_1111 : vector<16xi32>
        %gather3A_1122 = tpu.vector_load_idx %arg7[%add3A_1121, %select_n3A] : memref<512x16xf32, #tpu.memory_space<vmem>>[vector<16xi32>, vector<16xi32>], vector<16xf32>,
        %add3A_1123 = arith.constant 1024 : i32
        %add3A_1124 = vector.broadcast %add3A_1123 : i32 to vector<16xi32>
        %add3A_1125 = arith.addi %add3A_102, %add3A_1124 : vector<16xi32>
        %add3A_1126 = arith.addi %add3A_1125, %add3A_1111 : vector<16xi32>
        tpu.vector_store_idx %arg9[%add3A_1126], %gather3A_1122 : memref<8192xf32, #tpu.memory_space<vmem>>[vector<16xi32>], vector<16xf32>,
        %add3A_1127 = arith.constant 256 : i32
        %add3A_1128 = vector.broadcast %add3A_1127 : i32 to vector<16xi32>
        %add3A_1129 = arith.addi %add3A_1128, %add3A_1111 : vector<16xi32>
        %gather3A_1130 = tpu.vector_load_idx %arg7[%add3A_1129, %select_n3A] : memref<512x16xf32, #tpu.memory_space<vmem>>[vector<16xi32>, vector<16xi32>], vector<16xf32>,
        %add3A_1131 = arith.constant 2048 : i32
        %add3A_1132 = vector.broadcast %add3A_1131 : i32 to vector<16xi32>
        %add3A_1133 = arith.addi %add3A_102, %add3A_1132 : vector<16xi32>
        %add3A_1134 = arith.addi %add3A_1133, %add3A_1111 : vector<16xi32>
        tpu.vector_store_idx %arg9[%add3A_1134], %gather3A_1130 : memref<8192xf32, #tpu.memory_space<vmem>>[vector<16xi32>], vector<16xf32>,
        %add3A_1135 = arith.constant 384 : i32
        %add3A_1136 = vector.broadcast %add3A_1135 : i32 to vector<16xi32>
        %add3A_1137 = arith.addi %add3A_1136, %add3A_1111 : vector<16xi32>
        %gather3A_1138 = tpu.vector_load_idx %arg7[%add3A_1137, %select_n3A] : memref<512x16xf32, #tpu.memory_space<vmem>>[vector<16xi32>, vector<16xi32>], vector<16xf32>,
        %add3A_1139 = arith.constant 3072 : i32
        %add3A_1140 = vector.broadcast %add3A_1139 : i32 to vector<16xi32>
        %add3A_1141 = arith.addi %add3A_102, %add3A_1140 : vector<16xi32>
        %add3A_1142 = arith.addi %add3A_1141, %add3A_1111 : vector<16xi32>
        tpu.vector_store_idx %arg9[%add3A_1142], %gather3A_1138 : memref<8192xf32, #tpu.memory_space<vmem>>[vector<16xi32>], vector<16xf32>,
        %scan3A_1143 = arith.constant 0 : i32
        scf.yield %scan3A_1143 : i32
      }
      %scan3A_109 = arith.constant 8 : i32
      %add3A_110 = arith.constant 1 : i32
      %add3A_111 = vector.broadcast %add3A_110 : i32 to vector<16xi32>
      %add3A_112 = arith.addi %add3A_111, %iota3A : vector<16xi32>
      %ge3A_113 = arith.constant 16 : i32
      %ge3A_114 = vector.broadcast %ge3A_113 : i32 to vector<16xi32>
      %ge3A_115 = arith.cmpi sge, %add3A_112, %ge3A_114 : vector<16xi32>
      %sub3A_116 = arith.constant 16 : i32
      %sub3A_117 = vector.broadcast %sub3A_116 : i32 to vector<16xi32>
      %sub3A_118 = arith.subi %add3A_112, %sub3A_117 : vector<16xi32>
      %select_n3A_119 = arith.select %ge3A_115, %sub3A_118, %add3A_112 : vector<16xi1>, vector<16xi32>
      %shift_right_arithmetic3A_120 = arith.constant 3 : i32
      %shift_right_arithmetic3A_121 = vector.broadcast %shift_right_arithmetic3A_120 : i32 to vector<16xi32>
      %shift_right_arithmetic3A_122 = arith.shrsi %select_n3A_119, %shift_right_arithmetic3A_121 : vector<16xi32>
      %mul3A_123 = arith.constant 4096 : i32
      %mul3A_124 = vector.broadcast %mul3A_123 : i32 to vector<16xi32>
      %mul3A_125 = arith.muli %shift_right_arithmetic3A_122, %mul3A_124 : vector<16xi32>
      %and3A_126 = arith.constant 7 : i32
      %and3A_127 = vector.broadcast %and3A_126 : i32 to vector<16xi32>
      %and3A_128 = arith.andi %select_n3A_119, %and3A_127 : vector<16xi32>
      %mul3A_129 = arith.constant 128 : i32
      %mul3A_130 = vector.broadcast %mul3A_129 : i32 to vector<16xi32>
      %mul3A_131 = arith.muli %and3A_128, %mul3A_130 : vector<16xi32>
      %add3A_132 = arith.addi %mul3A_125, %mul3A_131 : vector<16xi32>
      %scan3A_133 = arith.constant 0 : i32
      %scan3A_134 = arith.constant 0 : i32
      %scan3A_135 = arith.constant 8 : i32
      %scan3A_136 = arith.addi %scan3A_134, %scan3A_135 : i32
      %scan3A_137 = arith.constant 1 : i32
      %scan3A_138 = scf.for %scan3A_1106 = %scan3A_134 to %scan3A_136 step %scan3A_137 iter_args(%scan3A_1107 = %scan3A_133) -> (i32)  : i32 {
        %mul3A_1108 = arith.constant 16 : i32
        %mul3A_1109 = arith.muli %scan3A_1106, %mul3A_1108 : i32
        %add3A_1110 = vector.broadcast %mul3A_1109 : i32 to vector<16xi32>
        %add3A_1111 = arith.addi %add3A_1110, %iota3A : vector<16xi32>
        %add3A_1112 = arith.constant 0 : i32
        %add3A_1113 = vector.broadcast %add3A_1112 : i32 to vector<16xi32>
        %add3A_1114 = arith.addi %add3A_1113, %add3A_1111 : vector<16xi32>
        %gather3A = tpu.vector_load_idx %arg7[%add3A_1114, %select_n3A_119] : memref<512x16xf32, #tpu.memory_space<vmem>>[vector<16xi32>, vector<16xi32>], vector<16xf32>,
        %add3A_1115 = arith.constant 0 : i32
        %add3A_1116 = vector.broadcast %add3A_1115 : i32 to vector<16xi32>
        %add3A_1117 = arith.addi %add3A_132, %add3A_1116 : vector<16xi32>
        %add3A_1118 = arith.addi %add3A_1117, %add3A_1111 : vector<16xi32>
        tpu.vector_store_idx %arg9[%add3A_1118], %gather3A : memref<8192xf32, #tpu.memory_space<vmem>>[vector<16xi32>], vector<16xf32>,
        %add3A_1119 = arith.constant 128 : i32
        %add3A_1120 = vector.broadcast %add3A_1119 : i32 to vector<16xi32>
        %add3A_1121 = arith.addi %add3A_1120, %add3A_1111 : vector<16xi32>
        %gather3A_1122 = tpu.vector_load_idx %arg7[%add3A_1121, %select_n3A_119] : memref<512x16xf32, #tpu.memory_space<vmem>>[vector<16xi32>, vector<16xi32>], vector<16xf32>,
        %add3A_1123 = arith.constant 1024 : i32
        %add3A_1124 = vector.broadcast %add3A_1123 : i32 to vector<16xi32>
        %add3A_1125 = arith.addi %add3A_132, %add3A_1124 : vector<16xi32>
        %add3A_1126 = arith.addi %add3A_1125, %add3A_1111 : vector<16xi32>
        tpu.vector_store_idx %arg9[%add3A_1126], %gather3A_1122 : memref<8192xf32, #tpu.memory_space<vmem>>[vector<16xi32>], vector<16xf32>,
        %add3A_1127 = arith.constant 256 : i32
        %add3A_1128 = vector.broadcast %add3A_1127 : i32 to vector<16xi32>
        %add3A_1129 = arith.addi %add3A_1128, %add3A_1111 : vector<16xi32>
        %gather3A_1130 = tpu.vector_load_idx %arg7[%add3A_1129, %select_n3A_119] : memref<512x16xf32, #tpu.memory_space<vmem>>[vector<16xi32>, vector<16xi32>], vector<16xf32>,
        %add3A_1131 = arith.constant 2048 : i32
        %add3A_1132 = vector.broadcast %add3A_1131 : i32 to vector<16xi32>
        %add3A_1133 = arith.addi %add3A_132, %add3A_1132 : vector<16xi32>
        %add3A_1134 = arith.addi %add3A_1133, %add3A_1111 : vector<16xi32>
        tpu.vector_store_idx %arg9[%add3A_1134], %gather3A_1130 : memref<8192xf32, #tpu.memory_space<vmem>>[vector<16xi32>], vector<16xf32>,
        %add3A_1135 = arith.constant 384 : i32
        %add3A_1136 = vector.broadcast %add3A_1135 : i32 to vector<16xi32>
        %add3A_1137 = arith.addi %add3A_1136, %add3A_1111 : vector<16xi32>
        %gather3A_1138 = tpu.vector_load_idx %arg7[%add3A_1137, %select_n3A_119] : memref<512x16xf32, #tpu.memory_space<vmem>>[vector<16xi32>, vector<16xi32>], vector<16xf32>,
        %add3A_1139 = arith.constant 3072 : i32
        %add3A_1140 = vector.broadcast %add3A_1139 : i32 to vector<16xi32>
        %add3A_1141 = arith.addi %add3A_132, %add3A_1140 : vector<16xi32>
        %add3A_1142 = arith.addi %add3A_1141, %add3A_1111 : vector<16xi32>
        tpu.vector_store_idx %arg9[%add3A_1142], %gather3A_1138 : memref<8192xf32, #tpu.memory_space<vmem>>[vector<16xi32>], vector<16xf32>,
        %scan3A_1143 = arith.constant 0 : i32
        scf.yield %scan3A_1143 : i32
      }
      %scan3A_139 = arith.constant 8 : i32
      %add3A_140 = arith.constant 2 : i32
      %add3A_141 = vector.broadcast %add3A_140 : i32 to vector<16xi32>
      %add3A_142 = arith.addi %add3A_141, %iota3A : vector<16xi32>
      %ge3A_143 = arith.constant 16 : i32
      %ge3A_144 = vector.broadcast %ge3A_143 : i32 to vector<16xi32>
      %ge3A_145 = arith.cmpi sge, %add3A_142, %ge3A_144 : vector<16xi32>
      %sub3A_146 = arith.constant 16 : i32
      %sub3A_147 = vector.broadcast %sub3A_146 : i32 to vector<16xi32>
      %sub3A_148 = arith.subi %add3A_142, %sub3A_147 : vector<16xi32>
      %select_n3A_149 = arith.select %ge3A_145, %sub3A_148, %add3A_142 : vector<16xi1>, vector<16xi32>
      %shift_right_arithmetic3A_150 = arith.constant 3 : i32
      %shift_right_arithmetic3A_151 = vector.broadcast %shift_right_arithmetic3A_150 : i32 to vector<16xi32>
      %shift_right_arithmetic3A_152 = arith.shrsi %select_n3A_149, %shift_right_arithmetic3A_151 : vector<16xi32>
      %mul3A_153 = arith.constant 4096 : i32
      %mul3A_154 = vector.broadcast %mul3A_153 : i32 to vector<16xi32>
      %mul3A_155 = arith.muli %shift_right_arithmetic3A_152, %mul3A_154 : vector<16xi32>
      %and3A_156 = arith.constant 7 : i32
      %and3A_157 = vector.broadcast %and3A_156 : i32 to vector<16xi32>
      %and3A_158 = arith.andi %select_n3A_149, %and3A_157 : vector<16xi32>
      %mul3A_159 = arith.constant 128 : i32
      %mul3A_160 = vector.broadcast %mul3A_159 : i32 to vector<16xi32>
      %mul3A_161 = arith.muli %and3A_158, %mul3A_160 : vector<16xi32>
      %add3A_162 = arith.addi %mul3A_155, %mul3A_161 : vector<16xi32>
      %scan3A_163 = arith.constant 0 : i32
      %scan3A_164 = arith.constant 0 : i32
      %scan3A_165 = arith.constant 8 : i32
      %scan3A_166 = arith.addi %scan3A_164, %scan3A_165 : i32
      %scan3A_167 = arith.constant 1 : i32
      %scan3A_168 = scf.for %scan3A_1106 = %scan3A_164 to %scan3A_166 step %scan3A_167 iter_args(%scan3A_1107 = %scan3A_163) -> (i32)  : i32 {
        %mul3A_1108 = arith.constant 16 : i32
        %mul3A_1109 = arith.muli %scan3A_1106, %mul3A_1108 : i32
        %add3A_1110 = vector.broadcast %mul3A_1109 : i32 to vector<16xi32>
        %add3A_1111 = arith.addi %add3A_1110, %iota3A : vector<16xi32>
        %add3A_1112 = arith.constant 0 : i32
        %add3A_1113 = vector.broadcast %add3A_1112 : i32 to vector<16xi32>
        %add3A_1114 = arith.addi %add3A_1113, %add3A_1111 : vector<16xi32>
        %gather3A = tpu.vector_load_idx %arg7[%add3A_1114, %select_n3A_149] : memref<512x16xf32, #tpu.memory_space<vmem>>[vector<16xi32>, vector<16xi32>], vector<16xf32>,
        %add3A_1115 = arith.constant 0 : i32
        %add3A_1116 = vector.broadcast %add3A_1115 : i32 to vector<16xi32>
        %add3A_1117 = arith.addi %add3A_162, %add3A_1116 : vector<16xi32>
        %add3A_1118 = arith.addi %add3A_1117, %add3A_1111 : vector<16xi32>
        tpu.vector_store_idx %arg9[%add3A_1118], %gather3A : memref<8192xf32, #tpu.memory_space<vmem>>[vector<16xi32>], vector<16xf32>,
        %add3A_1119 = arith.constant 128 : i32
        %add3A_1120 = vector.broadcast %add3A_1119 : i32 to vector<16xi32>
        %add3A_1121 = arith.addi %add3A_1120, %add3A_1111 : vector<16xi32>
        %gather3A_1122 = tpu.vector_load_idx %arg7[%add3A_1121, %select_n3A_149] : memref<512x16xf32, #tpu.memory_space<vmem>>[vector<16xi32>, vector<16xi32>], vector<16xf32>,
        %add3A_1123 = arith.constant 1024 : i32
        %add3A_1124 = vector.broadcast %add3A_1123 : i32 to vector<16xi32>
        %add3A_1125 = arith.addi %add3A_162, %add3A_1124 : vector<16xi32>
        %add3A_1126 = arith.addi %add3A_1125, %add3A_1111 : vector<16xi32>
        tpu.vector_store_idx %arg9[%add3A_1126], %gather3A_1122 : memref<8192xf32, #tpu.memory_space<vmem>>[vector<16xi32>], vector<16xf32>,
        %add3A_1127 = arith.constant 256 : i32
        %add3A_1128 = vector.broadcast %add3A_1127 : i32 to vector<16xi32>
        %add3A_1129 = arith.addi %add3A_1128, %add3A_1111 : vector<16xi32>
        %gather3A_1130 = tpu.vector_load_idx %arg7[%add3A_1129, %select_n3A_149] : memref<512x16xf32, #tpu.memory_space<vmem>>[vector<16xi32>, vector<16xi32>], vector<16xf32>,
        %add3A_1131 = arith.constant 2048 : i32
        %add3A_1132 = vector.broadcast %add3A_1131 : i32 to vector<16xi32>
        %add3A_1133 = arith.addi %add3A_162, %add3A_1132 : vector<16xi32>
        %add3A_1134 = arith.addi %add3A_1133, %add3A_1111 : vector<16xi32>
        tpu.vector_store_idx %arg9[%add3A_1134], %gather3A_1130 : memref<8192xf32, #tpu.memory_space<vmem>>[vector<16xi32>], vector<16xf32>,
        %add3A_1135 = arith.constant 384 : i32
        %add3A_1136 = vector.broadcast %add3A_1135 : i32 to vector<16xi32>
        %add3A_1137 = arith.addi %add3A_1136, %add3A_1111 : vector<16xi32>
        %gather3A_1138 = tpu.vector_load_idx %arg7[%add3A_1137, %select_n3A_149] : memref<512x16xf32, #tpu.memory_space<vmem>>[vector<16xi32>, vector<16xi32>], vector<16xf32>,
        %add3A_1139 = arith.constant 3072 : i32
        %add3A_1140 = vector.broadcast %add3A_1139 : i32 to vector<16xi32>
        %add3A_1141 = arith.addi %add3A_162, %add3A_1140 : vector<16xi32>
        %add3A_1142 = arith.addi %add3A_1141, %add3A_1111 : vector<16xi32>
        tpu.vector_store_idx %arg9[%add3A_1142], %gather3A_1138 : memref<8192xf32, #tpu.memory_space<vmem>>[vector<16xi32>], vector<16xf32>,
        %scan3A_1143 = arith.constant 0 : i32
        scf.yield %scan3A_1143 : i32
      }
      %scan3A_169 = arith.constant 8 : i32
      %add3A_170 = arith.constant 3 : i32
      %add3A_171 = vector.broadcast %add3A_170 : i32 to vector<16xi32>
      %add3A_172 = arith.addi %add3A_171, %iota3A : vector<16xi32>
      %ge3A_173 = arith.constant 16 : i32
      %ge3A_174 = vector.broadcast %ge3A_173 : i32 to vector<16xi32>
      %ge3A_175 = arith.cmpi sge, %add3A_172, %ge3A_174 : vector<16xi32>
      %sub3A_176 = arith.constant 16 : i32
      %sub3A_177 = vector.broadcast %sub3A_176 : i32 to vector<16xi32>
      %sub3A_178 = arith.subi %add3A_172, %sub3A_177 : vector<16xi32>
      %select_n3A_179 = arith.select %ge3A_175, %sub3A_178, %add3A_172 : vector<16xi1>, vector<16xi32>
      %shift_right_arithmetic3A_180 = arith.constant 3 : i32
      %shift_right_arithmetic3A_181 = vector.broadcast %shift_right_arithmetic3A_180 : i32 to vector<16xi32>
      %shift_right_arithmetic3A_182 = arith.shrsi %select_n3A_179, %shift_right_arithmetic3A_181 : vector<16xi32>
      %mul3A_183 = arith.constant 4096 : i32
      %mul3A_184 = vector.broadcast %mul3A_183 : i32 to vector<16xi32>
      %mul3A_185 = arith.muli %shift_right_arithmetic3A_182, %mul3A_184 : vector<16xi32>
      %and3A_186 = arith.constant 7 : i32
      %and3A_187 = vector.broadcast %and3A_186 : i32 to vector<16xi32>
      %and3A_188 = arith.andi %select_n3A_179, %and3A_187 : vector<16xi32>
      %mul3A_189 = arith.constant 128 : i32
      %mul3A_190 = vector.broadcast %mul3A_189 : i32 to vector<16xi32>
      %mul3A_191 = arith.muli %and3A_188, %mul3A_190 : vector<16xi32>
      %add3A_192 = arith.addi %mul3A_185, %mul3A_191 : vector<16xi32>
      %scan3A_193 = arith.constant 0 : i32
      %scan3A_194 = arith.constant 0 : i32
      %scan3A_195 = arith.constant 8 : i32
      %scan3A_196 = arith.addi %scan3A_194, %scan3A_195 : i32
      %scan3A_197 = arith.constant 1 : i32
      %scan3A_198 = scf.for %scan3A_1106 = %scan3A_194 to %scan3A_196 step %scan3A_197 iter_args(%scan3A_1107 = %scan3A_193) -> (i32)  : i32 {
        %mul3A_1108 = arith.constant 16 : i32
        %mul3A_1109 = arith.muli %scan3A_1106, %mul3A_1108 : i32
        %add3A_1110 = vector.broadcast %mul3A_1109 : i32 to vector<16xi32>
        %add3A_1111 = arith.addi %add3A_1110, %iota3A : vector<16xi32>
        %add3A_1112 = arith.constant 0 : i32
        %add3A_1113 = vector.broadcast %add3A_1112 : i32 to vector<16xi32>
        %add3A_1114 = arith.addi %add3A_1113, %add3A_1111 : vector<16xi32>
        %gather3A = tpu.vector_load_idx %arg7[%add3A_1114, %select_n3A_179] : memref<512x16xf32, #tpu.memory_space<vmem>>[vector<16xi32>, vector<16xi32>], vector<16xf32>,
        %add3A_1115 = arith.constant 0 : i32
        %add3A_1116 = vector.broadcast %add3A_1115 : i32 to vector<16xi32>
        %add3A_1117 = arith.addi %add3A_192, %add3A_1116 : vector<16xi32>
        %add3A_1118 = arith.addi %add3A_1117, %add3A_1111 : vector<16xi32>
        tpu.vector_store_idx %arg9[%add3A_1118], %gather3A : memref<8192xf32, #tpu.memory_space<vmem>>[vector<16xi32>], vector<16xf32>,
        %add3A_1119 = arith.constant 128 : i32
        %add3A_1120 = vector.broadcast %add3A_1119 : i32 to vector<16xi32>
        %add3A_1121 = arith.addi %add3A_1120, %add3A_1111 : vector<16xi32>
        %gather3A_1122 = tpu.vector_load_idx %arg7[%add3A_1121, %select_n3A_179] : memref<512x16xf32, #tpu.memory_space<vmem>>[vector<16xi32>, vector<16xi32>], vector<16xf32>,
        %add3A_1123 = arith.constant 1024 : i32
        %add3A_1124 = vector.broadcast %add3A_1123 : i32 to vector<16xi32>
        %add3A_1125 = arith.addi %add3A_192, %add3A_1124 : vector<16xi32>
        %add3A_1126 = arith.addi %add3A_1125, %add3A_1111 : vector<16xi32>
        tpu.vector_store_idx %arg9[%add3A_1126], %gather3A_1122 : memref<8192xf32, #tpu.memory_space<vmem>>[vector<16xi32>], vector<16xf32>,
        %add3A_1127 = arith.constant 256 : i32
        %add3A_1128 = vector.broadcast %add3A_1127 : i32 to vector<16xi32>
        %add3A_1129 = arith.addi %add3A_1128, %add3A_1111 : vector<16xi32>
        %gather3A_1130 = tpu.vector_load_idx %arg7[%add3A_1129, %select_n3A_179] : memref<512x16xf32, #tpu.memory_space<vmem>>[vector<16xi32>, vector<16xi32>], vector<16xf32>,
        %add3A_1131 = arith.constant 2048 : i32
        %add3A_1132 = vector.broadcast %add3A_1131 : i32 to vector<16xi32>
        %add3A_1133 = arith.addi %add3A_192, %add3A_1132 : vector<16xi32>
        %add3A_1134 = arith.addi %add3A_1133, %add3A_1111 : vector<16xi32>
        tpu.vector_store_idx %arg9[%add3A_1134], %gather3A_1130 : memref<8192xf32, #tpu.memory_space<vmem>>[vector<16xi32>], vector<16xf32>,
        %add3A_1135 = arith.constant 384 : i32
        %add3A_1136 = vector.broadcast %add3A_1135 : i32 to vector<16xi32>
        %add3A_1137 = arith.addi %add3A_1136, %add3A_1111 : vector<16xi32>
        %gather3A_1138 = tpu.vector_load_idx %arg7[%add3A_1137, %select_n3A_179] : memref<512x16xf32, #tpu.memory_space<vmem>>[vector<16xi32>, vector<16xi32>], vector<16xf32>,
        %add3A_1139 = arith.constant 3072 : i32
        %add3A_1140 = vector.broadcast %add3A_1139 : i32 to vector<16xi32>
        %add3A_1141 = arith.addi %add3A_192, %add3A_1140 : vector<16xi32>
        %add3A_1142 = arith.addi %add3A_1141, %add3A_1111 : vector<16xi32>
        tpu.vector_store_idx %arg9[%add3A_1142], %gather3A_1138 : memref<8192xf32, #tpu.memory_space<vmem>>[vector<16xi32>], vector<16xf32>,
        %scan3A_1143 = arith.constant 0 : i32
        scf.yield %scan3A_1143 : i32
      }
      %scan3A_199 = arith.constant 8 : i32
      %add3A_200 = arith.constant 4 : i32
      %add3A_201 = vector.broadcast %add3A_200 : i32 to vector<16xi32>
      %add3A_202 = arith.addi %add3A_201, %iota3A : vector<16xi32>
      %ge3A_203 = arith.constant 16 : i32
      %ge3A_204 = vector.broadcast %ge3A_203 : i32 to vector<16xi32>
      %ge3A_205 = arith.cmpi sge, %add3A_202, %ge3A_204 : vector<16xi32>
      %sub3A_206 = arith.constant 16 : i32
      %sub3A_207 = vector.broadcast %sub3A_206 : i32 to vector<16xi32>
      %sub3A_208 = arith.subi %add3A_202, %sub3A_207 : vector<16xi32>
      %select_n3A_209 = arith.select %ge3A_205, %sub3A_208, %add3A_202 : vector<16xi1>, vector<16xi32>
      %shift_right_arithmetic3A_210 = arith.constant 3 : i32
      %shift_right_arithmetic3A_211 = vector.broadcast %shift_right_arithmetic3A_210 : i32 to vector<16xi32>
      %shift_right_arithmetic3A_212 = arith.shrsi %select_n3A_209, %shift_right_arithmetic3A_211 : vector<16xi32>
      %mul3A_213 = arith.constant 4096 : i32
      %mul3A_214 = vector.broadcast %mul3A_213 : i32 to vector<16xi32>
      %mul3A_215 = arith.muli %shift_right_arithmetic3A_212, %mul3A_214 : vector<16xi32>
      %and3A_216 = arith.constant 7 : i32
      %and3A_217 = vector.broadcast %and3A_216 : i32 to vector<16xi32>
      %and3A_218 = arith.andi %select_n3A_209, %and3A_217 : vector<16xi32>
      %mul3A_219 = arith.constant 128 : i32
      %mul3A_220 = vector.broadcast %mul3A_219 : i32 to vector<16xi32>
      %mul3A_221 = arith.muli %and3A_218, %mul3A_220 : vector<16xi32>
      %add3A_222 = arith.addi %mul3A_215, %mul3A_221 : vector<16xi32>
      %scan3A_223 = arith.constant 0 : i32
      %scan3A_224 = arith.constant 0 : i32
      %scan3A_225 = arith.constant 8 : i32
      %scan3A_226 = arith.addi %scan3A_224, %scan3A_225 : i32
      %scan3A_227 = arith.constant 1 : i32
      %scan3A_228 = scf.for %scan3A_1106 = %scan3A_224 to %scan3A_226 step %scan3A_227 iter_args(%scan3A_1107 = %scan3A_223) -> (i32)  : i32 {
        %mul3A_1108 = arith.constant 16 : i32
        %mul3A_1109 = arith.muli %scan3A_1106, %mul3A_1108 : i32
        %add3A_1110 = vector.broadcast %mul3A_1109 : i32 to vector<16xi32>
        %add3A_1111 = arith.addi %add3A_1110, %iota3A : vector<16xi32>
        %add3A_1112 = arith.constant 0 : i32
        %add3A_1113 = vector.broadcast %add3A_1112 : i32 to vector<16xi32>
        %add3A_1114 = arith.addi %add3A_1113, %add3A_1111 : vector<16xi32>
        %gather3A = tpu.vector_load_idx %arg7[%add3A_1114, %select_n3A_209] : memref<512x16xf32, #tpu.memory_space<vmem>>[vector<16xi32>, vector<16xi32>], vector<16xf32>,
        %add3A_1115 = arith.constant 0 : i32
        %add3A_1116 = vector.broadcast %add3A_1115 : i32 to vector<16xi32>
        %add3A_1117 = arith.addi %add3A_222, %add3A_1116 : vector<16xi32>
        %add3A_1118 = arith.addi %add3A_1117, %add3A_1111 : vector<16xi32>
        tpu.vector_store_idx %arg9[%add3A_1118], %gather3A : memref<8192xf32, #tpu.memory_space<vmem>>[vector<16xi32>], vector<16xf32>,
        %add3A_1119 = arith.constant 128 : i32
        %add3A_1120 = vector.broadcast %add3A_1119 : i32 to vector<16xi32>
        %add3A_1121 = arith.addi %add3A_1120, %add3A_1111 : vector<16xi32>
        %gather3A_1122 = tpu.vector_load_idx %arg7[%add3A_1121, %select_n3A_209] : memref<512x16xf32, #tpu.memory_space<vmem>>[vector<16xi32>, vector<16xi32>], vector<16xf32>,
        %add3A_1123 = arith.constant 1024 : i32
        %add3A_1124 = vector.broadcast %add3A_1123 : i32 to vector<16xi32>
        %add3A_1125 = arith.addi %add3A_222, %add3A_1124 : vector<16xi32>
        %add3A_1126 = arith.addi %add3A_1125, %add3A_1111 : vector<16xi32>
        tpu.vector_store_idx %arg9[%add3A_1126], %gather3A_1122 : memref<8192xf32, #tpu.memory_space<vmem>>[vector<16xi32>], vector<16xf32>,
        %add3A_1127 = arith.constant 256 : i32
        %add3A_1128 = vector.broadcast %add3A_1127 : i32 to vector<16xi32>
        %add3A_1129 = arith.addi %add3A_1128, %add3A_1111 : vector<16xi32>
        %gather3A_1130 = tpu.vector_load_idx %arg7[%add3A_1129, %select_n3A_209] : memref<512x16xf32, #tpu.memory_space<vmem>>[vector<16xi32>, vector<16xi32>], vector<16xf32>,
        %add3A_1131 = arith.constant 2048 : i32
        %add3A_1132 = vector.broadcast %add3A_1131 : i32 to vector<16xi32>
        %add3A_1133 = arith.addi %add3A_222, %add3A_1132 : vector<16xi32>
        %add3A_1134 = arith.addi %add3A_1133, %add3A_1111 : vector<16xi32>
        tpu.vector_store_idx %arg9[%add3A_1134], %gather3A_1130 : memref<8192xf32, #tpu.memory_space<vmem>>[vector<16xi32>], vector<16xf32>,
        %add3A_1135 = arith.constant 384 : i32
        %add3A_1136 = vector.broadcast %add3A_1135 : i32 to vector<16xi32>
        %add3A_1137 = arith.addi %add3A_1136, %add3A_1111 : vector<16xi32>
        %gather3A_1138 = tpu.vector_load_idx %arg7[%add3A_1137, %select_n3A_209] : memref<512x16xf32, #tpu.memory_space<vmem>>[vector<16xi32>, vector<16xi32>], vector<16xf32>,
        %add3A_1139 = arith.constant 3072 : i32
        %add3A_1140 = vector.broadcast %add3A_1139 : i32 to vector<16xi32>
        %add3A_1141 = arith.addi %add3A_222, %add3A_1140 : vector<16xi32>
        %add3A_1142 = arith.addi %add3A_1141, %add3A_1111 : vector<16xi32>
        tpu.vector_store_idx %arg9[%add3A_1142], %gather3A_1138 : memref<8192xf32, #tpu.memory_space<vmem>>[vector<16xi32>], vector<16xf32>,
        %scan3A_1143 = arith.constant 0 : i32
        scf.yield %scan3A_1143 : i32
      }
      %scan3A_229 = arith.constant 8 : i32
      %add3A_230 = arith.constant 5 : i32
      %add3A_231 = vector.broadcast %add3A_230 : i32 to vector<16xi32>
      %add3A_232 = arith.addi %add3A_231, %iota3A : vector<16xi32>
      %ge3A_233 = arith.constant 16 : i32
      %ge3A_234 = vector.broadcast %ge3A_233 : i32 to vector<16xi32>
      %ge3A_235 = arith.cmpi sge, %add3A_232, %ge3A_234 : vector<16xi32>
      %sub3A_236 = arith.constant 16 : i32
      %sub3A_237 = vector.broadcast %sub3A_236 : i32 to vector<16xi32>
      %sub3A_238 = arith.subi %add3A_232, %sub3A_237 : vector<16xi32>
      %select_n3A_239 = arith.select %ge3A_235, %sub3A_238, %add3A_232 : vector<16xi1>, vector<16xi32>
      %shift_right_arithmetic3A_240 = arith.constant 3 : i32
      %shift_right_arithmetic3A_241 = vector.broadcast %shift_right_arithmetic3A_240 : i32 to vector<16xi32>
      %shift_right_arithmetic3A_242 = arith.shrsi %select_n3A_239, %shift_right_arithmetic3A_241 : vector<16xi32>
      %mul3A_243 = arith.constant 4096 : i32
      %mul3A_244 = vector.broadcast %mul3A_243 : i32 to vector<16xi32>
      %mul3A_245 = arith.muli %shift_right_arithmetic3A_242, %mul3A_244 : vector<16xi32>
      %and3A_246 = arith.constant 7 : i32
      %and3A_247 = vector.broadcast %and3A_246 : i32 to vector<16xi32>
      %and3A_248 = arith.andi %select_n3A_239, %and3A_247 : vector<16xi32>
      %mul3A_249 = arith.constant 128 : i32
      %mul3A_250 = vector.broadcast %mul3A_249 : i32 to vector<16xi32>
      %mul3A_251 = arith.muli %and3A_248, %mul3A_250 : vector<16xi32>
      %add3A_252 = arith.addi %mul3A_245, %mul3A_251 : vector<16xi32>
      %scan3A_253 = arith.constant 0 : i32
      %scan3A_254 = arith.constant 0 : i32
      %scan3A_255 = arith.constant 8 : i32
      %scan3A_256 = arith.addi %scan3A_254, %scan3A_255 : i32
      %scan3A_257 = arith.constant 1 : i32
      %scan3A_258 = scf.for %scan3A_1106 = %scan3A_254 to %scan3A_256 step %scan3A_257 iter_args(%scan3A_1107 = %scan3A_253) -> (i32)  : i32 {
        %mul3A_1108 = arith.constant 16 : i32
        %mul3A_1109 = arith.muli %scan3A_1106, %mul3A_1108 : i32
        %add3A_1110 = vector.broadcast %mul3A_1109 : i32 to vector<16xi32>
        %add3A_1111 = arith.addi %add3A_1110, %iota3A : vector<16xi32>
        %add3A_1112 = arith.constant 0 : i32
        %add3A_1113 = vector.broadcast %add3A_1112 : i32 to vector<16xi32>
        %add3A_1114 = arith.addi %add3A_1113, %add3A_1111 : vector<16xi32>
        %gather3A = tpu.vector_load_idx %arg7[%add3A_1114, %select_n3A_239] : memref<512x16xf32, #tpu.memory_space<vmem>>[vector<16xi32>, vector<16xi32>], vector<16xf32>,
        %add3A_1115 = arith.constant 0 : i32
        %add3A_1116 = vector.broadcast %add3A_1115 : i32 to vector<16xi32>
        %add3A_1117 = arith.addi %add3A_252, %add3A_1116 : vector<16xi32>
        %add3A_1118 = arith.addi %add3A_1117, %add3A_1111 : vector<16xi32>
        tpu.vector_store_idx %arg9[%add3A_1118], %gather3A : memref<8192xf32, #tpu.memory_space<vmem>>[vector<16xi32>], vector<16xf32>,
        %add3A_1119 = arith.constant 128 : i32
        %add3A_1120 = vector.broadcast %add3A_1119 : i32 to vector<16xi32>
        %add3A_1121 = arith.addi %add3A_1120, %add3A_1111 : vector<16xi32>
        %gather3A_1122 = tpu.vector_load_idx %arg7[%add3A_1121, %select_n3A_239] : memref<512x16xf32, #tpu.memory_space<vmem>>[vector<16xi32>, vector<16xi32>], vector<16xf32>,
        %add3A_1123 = arith.constant 1024 : i32
        %add3A_1124 = vector.broadcast %add3A_1123 : i32 to vector<16xi32>
        %add3A_1125 = arith.addi %add3A_252, %add3A_1124 : vector<16xi32>
        %add3A_1126 = arith.addi %add3A_1125, %add3A_1111 : vector<16xi32>
        tpu.vector_store_idx %arg9[%add3A_1126], %gather3A_1122 : memref<8192xf32, #tpu.memory_space<vmem>>[vector<16xi32>], vector<16xf32>,
        %add3A_1127 = arith.constant 256 : i32
        %add3A_1128 = vector.broadcast %add3A_1127 : i32 to vector<16xi32>
        %add3A_1129 = arith.addi %add3A_1128, %add3A_1111 : vector<16xi32>
        %gather3A_1130 = tpu.vector_load_idx %arg7[%add3A_1129, %select_n3A_239] : memref<512x16xf32, #tpu.memory_space<vmem>>[vector<16xi32>, vector<16xi32>], vector<16xf32>,
        %add3A_1131 = arith.constant 2048 : i32
        %add3A_1132 = vector.broadcast %add3A_1131 : i32 to vector<16xi32>
        %add3A_1133 = arith.addi %add3A_252, %add3A_1132 : vector<16xi32>
        %add3A_1134 = arith.addi %add3A_1133, %add3A_1111 : vector<16xi32>
        tpu.vector_store_idx %arg9[%add3A_1134], %gather3A_1130 : memref<8192xf32, #tpu.memory_space<vmem>>[vector<16xi32>], vector<16xf32>,
        %add3A_1135 = arith.constant 384 : i32
        %add3A_1136 = vector.broadcast %add3A_1135 : i32 to vector<16xi32>
        %add3A_1137 = arith.addi %add3A_1136, %add3A_1111 : vector<16xi32>
        %gather3A_1138 = tpu.vector_load_idx %arg7[%add3A_1137, %select_n3A_239] : memref<512x16xf32, #tpu.memory_space<vmem>>[vector<16xi32>, vector<16xi32>], vector<16xf32>,
        %add3A_1139 = arith.constant 3072 : i32
        %add3A_1140 = vector.broadcast %add3A_1139 : i32 to vector<16xi32>
        %add3A_1141 = arith.addi %add3A_252, %add3A_1140 : vector<16xi32>
        %add3A_1142 = arith.addi %add3A_1141, %add3A_1111 : vector<16xi32>
        tpu.vector_store_idx %arg9[%add3A_1142], %gather3A_1138 : memref<8192xf32, #tpu.memory_space<vmem>>[vector<16xi32>], vector<16xf32>,
        %scan3A_1143 = arith.constant 0 : i32
        scf.yield %scan3A_1143 : i32
      }
      %scan3A_259 = arith.constant 8 : i32
      %add3A_260 = arith.constant 6 : i32
      %add3A_261 = vector.broadcast %add3A_260 : i32 to vector<16xi32>
      %add3A_262 = arith.addi %add3A_261, %iota3A : vector<16xi32>
      %ge3A_263 = arith.constant 16 : i32
      %ge3A_264 = vector.broadcast %ge3A_263 : i32 to vector<16xi32>
      %ge3A_265 = arith.cmpi sge, %add3A_262, %ge3A_264 : vector<16xi32>
      %sub3A_266 = arith.constant 16 : i32
      %sub3A_267 = vector.broadcast %sub3A_266 : i32 to vector<16xi32>
      %sub3A_268 = arith.subi %add3A_262, %sub3A_267 : vector<16xi32>
      %select_n3A_269 = arith.select %ge3A_265, %sub3A_268, %add3A_262 : vector<16xi1>, vector<16xi32>
      %shift_right_arithmetic3A_270 = arith.constant 3 : i32
      %shift_right_arithmetic3A_271 = vector.broadcast %shift_right_arithmetic3A_270 : i32 to vector<16xi32>
      %shift_right_arithmetic3A_272 = arith.shrsi %select_n3A_269, %shift_right_arithmetic3A_271 : vector<16xi32>
      %mul3A_273 = arith.constant 4096 : i32
      %mul3A_274 = vector.broadcast %mul3A_273 : i32 to vector<16xi32>
      %mul3A_275 = arith.muli %shift_right_arithmetic3A_272, %mul3A_274 : vector<16xi32>
      %and3A_276 = arith.constant 7 : i32
      %and3A_277 = vector.broadcast %and3A_276 : i32 to vector<16xi32>
      %and3A_278 = arith.andi %select_n3A_269, %and3A_277 : vector<16xi32>
      %mul3A_279 = arith.constant 128 : i32
      %mul3A_280 = vector.broadcast %mul3A_279 : i32 to vector<16xi32>
      %mul3A_281 = arith.muli %and3A_278, %mul3A_280 : vector<16xi32>
      %add3A_282 = arith.addi %mul3A_275, %mul3A_281 : vector<16xi32>
      %scan3A_283 = arith.constant 0 : i32
      %scan3A_284 = arith.constant 0 : i32
      %scan3A_285 = arith.constant 8 : i32
      %scan3A_286 = arith.addi %scan3A_284, %scan3A_285 : i32
      %scan3A_287 = arith.constant 1 : i32
      %scan3A_288 = scf.for %scan3A_1106 = %scan3A_284 to %scan3A_286 step %scan3A_287 iter_args(%scan3A_1107 = %scan3A_283) -> (i32)  : i32 {
        %mul3A_1108 = arith.constant 16 : i32
        %mul3A_1109 = arith.muli %scan3A_1106, %mul3A_1108 : i32
        %add3A_1110 = vector.broadcast %mul3A_1109 : i32 to vector<16xi32>
        %add3A_1111 = arith.addi %add3A_1110, %iota3A : vector<16xi32>
        %add3A_1112 = arith.constant 0 : i32
        %add3A_1113 = vector.broadcast %add3A_1112 : i32 to vector<16xi32>
        %add3A_1114 = arith.addi %add3A_1113, %add3A_1111 : vector<16xi32>
        %gather3A = tpu.vector_load_idx %arg7[%add3A_1114, %select_n3A_269] : memref<512x16xf32, #tpu.memory_space<vmem>>[vector<16xi32>, vector<16xi32>], vector<16xf32>,
        %add3A_1115 = arith.constant 0 : i32
        %add3A_1116 = vector.broadcast %add3A_1115 : i32 to vector<16xi32>
        %add3A_1117 = arith.addi %add3A_282, %add3A_1116 : vector<16xi32>
        %add3A_1118 = arith.addi %add3A_1117, %add3A_1111 : vector<16xi32>
        tpu.vector_store_idx %arg9[%add3A_1118], %gather3A : memref<8192xf32, #tpu.memory_space<vmem>>[vector<16xi32>], vector<16xf32>,
        %add3A_1119 = arith.constant 128 : i32
        %add3A_1120 = vector.broadcast %add3A_1119 : i32 to vector<16xi32>
        %add3A_1121 = arith.addi %add3A_1120, %add3A_1111 : vector<16xi32>
        %gather3A_1122 = tpu.vector_load_idx %arg7[%add3A_1121, %select_n3A_269] : memref<512x16xf32, #tpu.memory_space<vmem>>[vector<16xi32>, vector<16xi32>], vector<16xf32>,
        %add3A_1123 = arith.constant 1024 : i32
        %add3A_1124 = vector.broadcast %add3A_1123 : i32 to vector<16xi32>
        %add3A_1125 = arith.addi %add3A_282, %add3A_1124 : vector<16xi32>
        %add3A_1126 = arith.addi %add3A_1125, %add3A_1111 : vector<16xi32>
        tpu.vector_store_idx %arg9[%add3A_1126], %gather3A_1122 : memref<8192xf32, #tpu.memory_space<vmem>>[vector<16xi32>], vector<16xf32>,
        %add3A_1127 = arith.constant 256 : i32
        %add3A_1128 = vector.broadcast %add3A_1127 : i32 to vector<16xi32>
        %add3A_1129 = arith.addi %add3A_1128, %add3A_1111 : vector<16xi32>
        %gather3A_1130 = tpu.vector_load_idx %arg7[%add3A_1129, %select_n3A_269] : memref<512x16xf32, #tpu.memory_space<vmem>>[vector<16xi32>, vector<16xi32>], vector<16xf32>,
        %add3A_1131 = arith.constant 2048 : i32
        %add3A_1132 = vector.broadcast %add3A_1131 : i32 to vector<16xi32>
        %add3A_1133 = arith.addi %add3A_282, %add3A_1132 : vector<16xi32>
        %add3A_1134 = arith.addi %add3A_1133, %add3A_1111 : vector<16xi32>
        tpu.vector_store_idx %arg9[%add3A_1134], %gather3A_1130 : memref<8192xf32, #tpu.memory_space<vmem>>[vector<16xi32>], vector<16xf32>,
        %add3A_1135 = arith.constant 384 : i32
        %add3A_1136 = vector.broadcast %add3A_1135 : i32 to vector<16xi32>
        %add3A_1137 = arith.addi %add3A_1136, %add3A_1111 : vector<16xi32>
        %gather3A_1138 = tpu.vector_load_idx %arg7[%add3A_1137, %select_n3A_269] : memref<512x16xf32, #tpu.memory_space<vmem>>[vector<16xi32>, vector<16xi32>], vector<16xf32>,
        %add3A_1139 = arith.constant 3072 : i32
        %add3A_1140 = vector.broadcast %add3A_1139 : i32 to vector<16xi32>
        %add3A_1141 = arith.addi %add3A_282, %add3A_1140 : vector<16xi32>
        %add3A_1142 = arith.addi %add3A_1141, %add3A_1111 : vector<16xi32>
        tpu.vector_store_idx %arg9[%add3A_1142], %gather3A_1138 : memref<8192xf32, #tpu.memory_space<vmem>>[vector<16xi32>], vector<16xf32>,
        %scan3A_1143 = arith.constant 0 : i32
        scf.yield %scan3A_1143 : i32
      }
      %scan3A_289 = arith.constant 8 : i32
      %add3A_290 = arith.constant 7 : i32
      %add3A_291 = vector.broadcast %add3A_290 : i32 to vector<16xi32>
      %add3A_292 = arith.addi %add3A_291, %iota3A : vector<16xi32>
      %ge3A_293 = arith.constant 16 : i32
      %ge3A_294 = vector.broadcast %ge3A_293 : i32 to vector<16xi32>
      %ge3A_295 = arith.cmpi sge, %add3A_292, %ge3A_294 : vector<16xi32>
      %sub3A_296 = arith.constant 16 : i32
      %sub3A_297 = vector.broadcast %sub3A_296 : i32 to vector<16xi32>
      %sub3A_298 = arith.subi %add3A_292, %sub3A_297 : vector<16xi32>
      %select_n3A_299 = arith.select %ge3A_295, %sub3A_298, %add3A_292 : vector<16xi1>, vector<16xi32>
      %shift_right_arithmetic3A_300 = arith.constant 3 : i32
      %shift_right_arithmetic3A_301 = vector.broadcast %shift_right_arithmetic3A_300 : i32 to vector<16xi32>
      %shift_right_arithmetic3A_302 = arith.shrsi %select_n3A_299, %shift_right_arithmetic3A_301 : vector<16xi32>
      %mul3A_303 = arith.constant 4096 : i32
      %mul3A_304 = vector.broadcast %mul3A_303 : i32 to vector<16xi32>
      %mul3A_305 = arith.muli %shift_right_arithmetic3A_302, %mul3A_304 : vector<16xi32>
      %and3A_306 = arith.constant 7 : i32
      %and3A_307 = vector.broadcast %and3A_306 : i32 to vector<16xi32>
      %and3A_308 = arith.andi %select_n3A_299, %and3A_307 : vector<16xi32>
      %mul3A_309 = arith.constant 128 : i32
      %mul3A_310 = vector.broadcast %mul3A_309 : i32 to vector<16xi32>
      %mul3A_311 = arith.muli %and3A_308, %mul3A_310 : vector<16xi32>
      %add3A_312 = arith.addi %mul3A_305, %mul3A_311 : vector<16xi32>
      %scan3A_313 = arith.constant 0 : i32
      %scan3A_314 = arith.constant 0 : i32
      %scan3A_315 = arith.constant 8 : i32
      %scan3A_316 = arith.addi %scan3A_314, %scan3A_315 : i32
      %scan3A_317 = arith.constant 1 : i32
      %scan3A_318 = scf.for %scan3A_1106 = %scan3A_314 to %scan3A_316 step %scan3A_317 iter_args(%scan3A_1107 = %scan3A_313) -> (i32)  : i32 {
        %mul3A_1108 = arith.constant 16 : i32
        %mul3A_1109 = arith.muli %scan3A_1106, %mul3A_1108 : i32
        %add3A_1110 = vector.broadcast %mul3A_1109 : i32 to vector<16xi32>
        %add3A_1111 = arith.addi %add3A_1110, %iota3A : vector<16xi32>
        %add3A_1112 = arith.constant 0 : i32
        %add3A_1113 = vector.broadcast %add3A_1112 : i32 to vector<16xi32>
        %add3A_1114 = arith.addi %add3A_1113, %add3A_1111 : vector<16xi32>
        %gather3A = tpu.vector_load_idx %arg7[%add3A_1114, %select_n3A_299] : memref<512x16xf32, #tpu.memory_space<vmem>>[vector<16xi32>, vector<16xi32>], vector<16xf32>,
        %add3A_1115 = arith.constant 0 : i32
        %add3A_1116 = vector.broadcast %add3A_1115 : i32 to vector<16xi32>
        %add3A_1117 = arith.addi %add3A_312, %add3A_1116 : vector<16xi32>
        %add3A_1118 = arith.addi %add3A_1117, %add3A_1111 : vector<16xi32>
        tpu.vector_store_idx %arg9[%add3A_1118], %gather3A : memref<8192xf32, #tpu.memory_space<vmem>>[vector<16xi32>], vector<16xf32>,
        %add3A_1119 = arith.constant 128 : i32
        %add3A_1120 = vector.broadcast %add3A_1119 : i32 to vector<16xi32>
        %add3A_1121 = arith.addi %add3A_1120, %add3A_1111 : vector<16xi32>
        %gather3A_1122 = tpu.vector_load_idx %arg7[%add3A_1121, %select_n3A_299] : memref<512x16xf32, #tpu.memory_space<vmem>>[vector<16xi32>, vector<16xi32>], vector<16xf32>,
        %add3A_1123 = arith.constant 1024 : i32
        %add3A_1124 = vector.broadcast %add3A_1123 : i32 to vector<16xi32>
        %add3A_1125 = arith.addi %add3A_312, %add3A_1124 : vector<16xi32>
        %add3A_1126 = arith.addi %add3A_1125, %add3A_1111 : vector<16xi32>
        tpu.vector_store_idx %arg9[%add3A_1126], %gather3A_1122 : memref<8192xf32, #tpu.memory_space<vmem>>[vector<16xi32>], vector<16xf32>,
        %add3A_1127 = arith.constant 256 : i32
        %add3A_1128 = vector.broadcast %add3A_1127 : i32 to vector<16xi32>
        %add3A_1129 = arith.addi %add3A_1128, %add3A_1111 : vector<16xi32>
        %gather3A_1130 = tpu.vector_load_idx %arg7[%add3A_1129, %select_n3A_299] : memref<512x16xf32, #tpu.memory_space<vmem>>[vector<16xi32>, vector<16xi32>], vector<16xf32>,
        %add3A_1131 = arith.constant 2048 : i32
        %add3A_1132 = vector.broadcast %add3A_1131 : i32 to vector<16xi32>
        %add3A_1133 = arith.addi %add3A_312, %add3A_1132 : vector<16xi32>
        %add3A_1134 = arith.addi %add3A_1133, %add3A_1111 : vector<16xi32>
        tpu.vector_store_idx %arg9[%add3A_1134], %gather3A_1130 : memref<8192xf32, #tpu.memory_space<vmem>>[vector<16xi32>], vector<16xf32>,
        %add3A_1135 = arith.constant 384 : i32
        %add3A_1136 = vector.broadcast %add3A_1135 : i32 to vector<16xi32>
        %add3A_1137 = arith.addi %add3A_1136, %add3A_1111 : vector<16xi32>
        %gather3A_1138 = tpu.vector_load_idx %arg7[%add3A_1137, %select_n3A_299] : memref<512x16xf32, #tpu.memory_space<vmem>>[vector<16xi32>, vector<16xi32>], vector<16xf32>,
        %add3A_1139 = arith.constant 3072 : i32
        %add3A_1140 = vector.broadcast %add3A_1139 : i32 to vector<16xi32>
        %add3A_1141 = arith.addi %add3A_312, %add3A_1140 : vector<16xi32>
        %add3A_1142 = arith.addi %add3A_1141, %add3A_1111 : vector<16xi32>
        tpu.vector_store_idx %arg9[%add3A_1142], %gather3A_1138 : memref<8192xf32, #tpu.memory_space<vmem>>[vector<16xi32>], vector<16xf32>,
        %scan3A_1143 = arith.constant 0 : i32
        scf.yield %scan3A_1143 : i32
      }
      %scan3A_319 = arith.constant 8 : i32
      %add3A_320 = arith.constant 8 : i32
      %add3A_321 = vector.broadcast %add3A_320 : i32 to vector<16xi32>
      %add3A_322 = arith.addi %add3A_321, %iota3A : vector<16xi32>
      %ge3A_323 = arith.constant 16 : i32
      %ge3A_324 = vector.broadcast %ge3A_323 : i32 to vector<16xi32>
      %ge3A_325 = arith.cmpi sge, %add3A_322, %ge3A_324 : vector<16xi32>
      %sub3A_326 = arith.constant 16 : i32
      %sub3A_327 = vector.broadcast %sub3A_326 : i32 to vector<16xi32>
      %sub3A_328 = arith.subi %add3A_322, %sub3A_327 : vector<16xi32>
      %select_n3A_329 = arith.select %ge3A_325, %sub3A_328, %add3A_322 : vector<16xi1>, vector<16xi32>
      %shift_right_arithmetic3A_330 = arith.constant 3 : i32
      %shift_right_arithmetic3A_331 = vector.broadcast %shift_right_arithmetic3A_330 : i32 to vector<16xi32>
      %shift_right_arithmetic3A_332 = arith.shrsi %select_n3A_329, %shift_right_arithmetic3A_331 : vector<16xi32>
      %mul3A_333 = arith.constant 4096 : i32
      %mul3A_334 = vector.broadcast %mul3A_333 : i32 to vector<16xi32>
      %mul3A_335 = arith.muli %shift_right_arithmetic3A_332, %mul3A_334 : vector<16xi32>
      %and3A_336 = arith.constant 7 : i32
      %and3A_337 = vector.broadcast %and3A_336 : i32 to vector<16xi32>
      %and3A_338 = arith.andi %select_n3A_329, %and3A_337 : vector<16xi32>
      %mul3A_339 = arith.constant 128 : i32
      %mul3A_340 = vector.broadcast %mul3A_339 : i32 to vector<16xi32>
      %mul3A_341 = arith.muli %and3A_338, %mul3A_340 : vector<16xi32>
      %add3A_342 = arith.addi %mul3A_335, %mul3A_341 : vector<16xi32>
      %scan3A_343 = arith.constant 0 : i32
      %scan3A_344 = arith.constant 0 : i32
      %scan3A_345 = arith.constant 8 : i32
      %scan3A_346 = arith.addi %scan3A_344, %scan3A_345 : i32
      %scan3A_347 = arith.constant 1 : i32
      %scan3A_348 = scf.for %scan3A_1106 = %scan3A_344 to %scan3A_346 step %scan3A_347 iter_args(%scan3A_1107 = %scan3A_343) -> (i32)  : i32 {
        %mul3A_1108 = arith.constant 16 : i32
        %mul3A_1109 = arith.muli %scan3A_1106, %mul3A_1108 : i32
        %add3A_1110 = vector.broadcast %mul3A_1109 : i32 to vector<16xi32>
        %add3A_1111 = arith.addi %add3A_1110, %iota3A : vector<16xi32>
        %add3A_1112 = arith.constant 0 : i32
        %add3A_1113 = vector.broadcast %add3A_1112 : i32 to vector<16xi32>
        %add3A_1114 = arith.addi %add3A_1113, %add3A_1111 : vector<16xi32>
        %gather3A = tpu.vector_load_idx %arg7[%add3A_1114, %select_n3A_329] : memref<512x16xf32, #tpu.memory_space<vmem>>[vector<16xi32>, vector<16xi32>], vector<16xf32>,
        %add3A_1115 = arith.constant 0 : i32
        %add3A_1116 = vector.broadcast %add3A_1115 : i32 to vector<16xi32>
        %add3A_1117 = arith.addi %add3A_342, %add3A_1116 : vector<16xi32>
        %add3A_1118 = arith.addi %add3A_1117, %add3A_1111 : vector<16xi32>
        tpu.vector_store_idx %arg9[%add3A_1118], %gather3A : memref<8192xf32, #tpu.memory_space<vmem>>[vector<16xi32>], vector<16xf32>,
        %add3A_1119 = arith.constant 128 : i32
        %add3A_1120 = vector.broadcast %add3A_1119 : i32 to vector<16xi32>
        %add3A_1121 = arith.addi %add3A_1120, %add3A_1111 : vector<16xi32>
        %gather3A_1122 = tpu.vector_load_idx %arg7[%add3A_1121, %select_n3A_329] : memref<512x16xf32, #tpu.memory_space<vmem>>[vector<16xi32>, vector<16xi32>], vector<16xf32>,
        %add3A_1123 = arith.constant 1024 : i32
        %add3A_1124 = vector.broadcast %add3A_1123 : i32 to vector<16xi32>
        %add3A_1125 = arith.addi %add3A_342, %add3A_1124 : vector<16xi32>
        %add3A_1126 = arith.addi %add3A_1125, %add3A_1111 : vector<16xi32>
        tpu.vector_store_idx %arg9[%add3A_1126], %gather3A_1122 : memref<8192xf32, #tpu.memory_space<vmem>>[vector<16xi32>], vector<16xf32>,
        %add3A_1127 = arith.constant 256 : i32
        %add3A_1128 = vector.broadcast %add3A_1127 : i32 to vector<16xi32>
        %add3A_1129 = arith.addi %add3A_1128, %add3A_1111 : vector<16xi32>
        %gather3A_1130 = tpu.vector_load_idx %arg7[%add3A_1129, %select_n3A_329] : memref<512x16xf32, #tpu.memory_space<vmem>>[vector<16xi32>, vector<16xi32>], vector<16xf32>,
        %add3A_1131 = arith.constant 2048 : i32
        %add3A_1132 = vector.broadcast %add3A_1131 : i32 to vector<16xi32>
        %add3A_1133 = arith.addi %add3A_342, %add3A_1132 : vector<16xi32>
        %add3A_1134 = arith.addi %add3A_1133, %add3A_1111 : vector<16xi32>
        tpu.vector_store_idx %arg9[%add3A_1134], %gather3A_1130 : memref<8192xf32, #tpu.memory_space<vmem>>[vector<16xi32>], vector<16xf32>,
        %add3A_1135 = arith.constant 384 : i32
        %add3A_1136 = vector.broadcast %add3A_1135 : i32 to vector<16xi32>
        %add3A_1137 = arith.addi %add3A_1136, %add3A_1111 : vector<16xi32>
        %gather3A_1138 = tpu.vector_load_idx %arg7[%add3A_1137, %select_n3A_329] : memref<512x16xf32, #tpu.memory_space<vmem>>[vector<16xi32>, vector<16xi32>], vector<16xf32>,
        %add3A_1139 = arith.constant 3072 : i32
        %add3A_1140 = vector.broadcast %add3A_1139 : i32 to vector<16xi32>
        %add3A_1141 = arith.addi %add3A_342, %add3A_1140 : vector<16xi32>
        %add3A_1142 = arith.addi %add3A_1141, %add3A_1111 : vector<16xi32>
        tpu.vector_store_idx %arg9[%add3A_1142], %gather3A_1138 : memref<8192xf32, #tpu.memory_space<vmem>>[vector<16xi32>], vector<16xf32>,
        %scan3A_1143 = arith.constant 0 : i32
        scf.yield %scan3A_1143 : i32
      }
      %scan3A_349 = arith.constant 8 : i32
      %add3A_350 = arith.constant 9 : i32
      %add3A_351 = vector.broadcast %add3A_350 : i32 to vector<16xi32>
      %add3A_352 = arith.addi %add3A_351, %iota3A : vector<16xi32>
      %ge3A_353 = arith.constant 16 : i32
      %ge3A_354 = vector.broadcast %ge3A_353 : i32 to vector<16xi32>
      %ge3A_355 = arith.cmpi sge, %add3A_352, %ge3A_354 : vector<16xi32>
      %sub3A_356 = arith.constant 16 : i32
      %sub3A_357 = vector.broadcast %sub3A_356 : i32 to vector<16xi32>
      %sub3A_358 = arith.subi %add3A_352, %sub3A_357 : vector<16xi32>
      %select_n3A_359 = arith.select %ge3A_355, %sub3A_358, %add3A_352 : vector<16xi1>, vector<16xi32>
      %shift_right_arithmetic3A_360 = arith.constant 3 : i32
      %shift_right_arithmetic3A_361 = vector.broadcast %shift_right_arithmetic3A_360 : i32 to vector<16xi32>
      %shift_right_arithmetic3A_362 = arith.shrsi %select_n3A_359, %shift_right_arithmetic3A_361 : vector<16xi32>
      %mul3A_363 = arith.constant 4096 : i32
      %mul3A_364 = vector.broadcast %mul3A_363 : i32 to vector<16xi32>
      %mul3A_365 = arith.muli %shift_right_arithmetic3A_362, %mul3A_364 : vector<16xi32>
      %and3A_366 = arith.constant 7 : i32
      %and3A_367 = vector.broadcast %and3A_366 : i32 to vector<16xi32>
      %and3A_368 = arith.andi %select_n3A_359, %and3A_367 : vector<16xi32>
      %mul3A_369 = arith.constant 128 : i32
      %mul3A_370 = vector.broadcast %mul3A_369 : i32 to vector<16xi32>
      %mul3A_371 = arith.muli %and3A_368, %mul3A_370 : vector<16xi32>
      %add3A_372 = arith.addi %mul3A_365, %mul3A_371 : vector<16xi32>
      %scan3A_373 = arith.constant 0 : i32
      %scan3A_374 = arith.constant 0 : i32
      %scan3A_375 = arith.constant 8 : i32
      %scan3A_376 = arith.addi %scan3A_374, %scan3A_375 : i32
      %scan3A_377 = arith.constant 1 : i32
      %scan3A_378 = scf.for %scan3A_1106 = %scan3A_374 to %scan3A_376 step %scan3A_377 iter_args(%scan3A_1107 = %scan3A_373) -> (i32)  : i32 {
        %mul3A_1108 = arith.constant 16 : i32
        %mul3A_1109 = arith.muli %scan3A_1106, %mul3A_1108 : i32
        %add3A_1110 = vector.broadcast %mul3A_1109 : i32 to vector<16xi32>
        %add3A_1111 = arith.addi %add3A_1110, %iota3A : vector<16xi32>
        %add3A_1112 = arith.constant 0 : i32
        %add3A_1113 = vector.broadcast %add3A_1112 : i32 to vector<16xi32>
        %add3A_1114 = arith.addi %add3A_1113, %add3A_1111 : vector<16xi32>
        %gather3A = tpu.vector_load_idx %arg7[%add3A_1114, %select_n3A_359] : memref<512x16xf32, #tpu.memory_space<vmem>>[vector<16xi32>, vector<16xi32>], vector<16xf32>,
        %add3A_1115 = arith.constant 0 : i32
        %add3A_1116 = vector.broadcast %add3A_1115 : i32 to vector<16xi32>
        %add3A_1117 = arith.addi %add3A_372, %add3A_1116 : vector<16xi32>
        %add3A_1118 = arith.addi %add3A_1117, %add3A_1111 : vector<16xi32>
        tpu.vector_store_idx %arg9[%add3A_1118], %gather3A : memref<8192xf32, #tpu.memory_space<vmem>>[vector<16xi32>], vector<16xf32>,
        %add3A_1119 = arith.constant 128 : i32
        %add3A_1120 = vector.broadcast %add3A_1119 : i32 to vector<16xi32>
        %add3A_1121 = arith.addi %add3A_1120, %add3A_1111 : vector<16xi32>
        %gather3A_1122 = tpu.vector_load_idx %arg7[%add3A_1121, %select_n3A_359] : memref<512x16xf32, #tpu.memory_space<vmem>>[vector<16xi32>, vector<16xi32>], vector<16xf32>,
        %add3A_1123 = arith.constant 1024 : i32
        %add3A_1124 = vector.broadcast %add3A_1123 : i32 to vector<16xi32>
        %add3A_1125 = arith.addi %add3A_372, %add3A_1124 : vector<16xi32>
        %add3A_1126 = arith.addi %add3A_1125, %add3A_1111 : vector<16xi32>
        tpu.vector_store_idx %arg9[%add3A_1126], %gather3A_1122 : memref<8192xf32, #tpu.memory_space<vmem>>[vector<16xi32>], vector<16xf32>,
        %add3A_1127 = arith.constant 256 : i32
        %add3A_1128 = vector.broadcast %add3A_1127 : i32 to vector<16xi32>
        %add3A_1129 = arith.addi %add3A_1128, %add3A_1111 : vector<16xi32>
        %gather3A_1130 = tpu.vector_load_idx %arg7[%add3A_1129, %select_n3A_359] : memref<512x16xf32, #tpu.memory_space<vmem>>[vector<16xi32>, vector<16xi32>], vector<16xf32>,
        %add3A_1131 = arith.constant 2048 : i32
        %add3A_1132 = vector.broadcast %add3A_1131 : i32 to vector<16xi32>
        %add3A_1133 = arith.addi %add3A_372, %add3A_1132 : vector<16xi32>
        %add3A_1134 = arith.addi %add3A_1133, %add3A_1111 : vector<16xi32>
        tpu.vector_store_idx %arg9[%add3A_1134], %gather3A_1130 : memref<8192xf32, #tpu.memory_space<vmem>>[vector<16xi32>], vector<16xf32>,
        %add3A_1135 = arith.constant 384 : i32
        %add3A_1136 = vector.broadcast %add3A_1135 : i32 to vector<16xi32>
        %add3A_1137 = arith.addi %add3A_1136, %add3A_1111 : vector<16xi32>
        %gather3A_1138 = tpu.vector_load_idx %arg7[%add3A_1137, %select_n3A_359] : memref<512x16xf32, #tpu.memory_space<vmem>>[vector<16xi32>, vector<16xi32>], vector<16xf32>,
        %add3A_1139 = arith.constant 3072 : i32
        %add3A_1140 = vector.broadcast %add3A_1139 : i32 to vector<16xi32>
        %add3A_1141 = arith.addi %add3A_372, %add3A_1140 : vector<16xi32>
        %add3A_1142 = arith.addi %add3A_1141, %add3A_1111 : vector<16xi32>
        tpu.vector_store_idx %arg9[%add3A_1142], %gather3A_1138 : memref<8192xf32, #tpu.memory_space<vmem>>[vector<16xi32>], vector<16xf32>,
        %scan3A_1143 = arith.constant 0 : i32
        scf.yield %scan3A_1143 : i32
      }
      %scan3A_379 = arith.constant 8 : i32
      %add3A_380 = arith.constant 10 : i32
      %add3A_381 = vector.broadcast %add3A_380 : i32 to vector<16xi32>
      %add3A_382 = arith.addi %add3A_381, %iota3A : vector<16xi32>
      %ge3A_383 = arith.constant 16 : i32
      %ge3A_384 = vector.broadcast %ge3A_383 : i32 to vector<16xi32>
      %ge3A_385 = arith.cmpi sge, %add3A_382, %ge3A_384 : vector<16xi32>
      %sub3A_386 = arith.constant 16 : i32
      %sub3A_387 = vector.broadcast %sub3A_386 : i32 to vector<16xi32>
      %sub3A_388 = arith.subi %add3A_382, %sub3A_387 : vector<16xi32>
      %select_n3A_389 = arith.select %ge3A_385, %sub3A_388, %add3A_382 : vector<16xi1>, vector<16xi32>
      %shift_right_arithmetic3A_390 = arith.constant 3 : i32
      %shift_right_arithmetic3A_391 = vector.broadcast %shift_right_arithmetic3A_390 : i32 to vector<16xi32>
      %shift_right_arithmetic3A_392 = arith.shrsi %select_n3A_389, %shift_right_arithmetic3A_391 : vector<16xi32>
      %mul3A_393 = arith.constant 4096 : i32
      %mul3A_394 = vector.broadcast %mul3A_393 : i32 to vector<16xi32>
      %mul3A_395 = arith.muli %shift_right_arithmetic3A_392, %mul3A_394 : vector<16xi32>
      %and3A_396 = arith.constant 7 : i32
      %and3A_397 = vector.broadcast %and3A_396 : i32 to vector<16xi32>
      %and3A_398 = arith.andi %select_n3A_389, %and3A_397 : vector<16xi32>
      %mul3A_399 = arith.constant 128 : i32
      %mul3A_400 = vector.broadcast %mul3A_399 : i32 to vector<16xi32>
      %mul3A_401 = arith.muli %and3A_398, %mul3A_400 : vector<16xi32>
      %add3A_402 = arith.addi %mul3A_395, %mul3A_401 : vector<16xi32>
      %scan3A_403 = arith.constant 0 : i32
      %scan3A_404 = arith.constant 0 : i32
      %scan3A_405 = arith.constant 8 : i32
      %scan3A_406 = arith.addi %scan3A_404, %scan3A_405 : i32
      %scan3A_407 = arith.constant 1 : i32
      %scan3A_408 = scf.for %scan3A_1106 = %scan3A_404 to %scan3A_406 step %scan3A_407 iter_args(%scan3A_1107 = %scan3A_403) -> (i32)  : i32 {
        %mul3A_1108 = arith.constant 16 : i32
        %mul3A_1109 = arith.muli %scan3A_1106, %mul3A_1108 : i32
        %add3A_1110 = vector.broadcast %mul3A_1109 : i32 to vector<16xi32>
        %add3A_1111 = arith.addi %add3A_1110, %iota3A : vector<16xi32>
        %add3A_1112 = arith.constant 0 : i32
        %add3A_1113 = vector.broadcast %add3A_1112 : i32 to vector<16xi32>
        %add3A_1114 = arith.addi %add3A_1113, %add3A_1111 : vector<16xi32>
        %gather3A = tpu.vector_load_idx %arg7[%add3A_1114, %select_n3A_389] : memref<512x16xf32, #tpu.memory_space<vmem>>[vector<16xi32>, vector<16xi32>], vector<16xf32>,
        %add3A_1115 = arith.constant 0 : i32
        %add3A_1116 = vector.broadcast %add3A_1115 : i32 to vector<16xi32>
        %add3A_1117 = arith.addi %add3A_402, %add3A_1116 : vector<16xi32>
        %add3A_1118 = arith.addi %add3A_1117, %add3A_1111 : vector<16xi32>
        tpu.vector_store_idx %arg9[%add3A_1118], %gather3A : memref<8192xf32, #tpu.memory_space<vmem>>[vector<16xi32>], vector<16xf32>,
        %add3A_1119 = arith.constant 128 : i32
        %add3A_1120 = vector.broadcast %add3A_1119 : i32 to vector<16xi32>
        %add3A_1121 = arith.addi %add3A_1120, %add3A_1111 : vector<16xi32>
        %gather3A_1122 = tpu.vector_load_idx %arg7[%add3A_1121, %select_n3A_389] : memref<512x16xf32, #tpu.memory_space<vmem>>[vector<16xi32>, vector<16xi32>], vector<16xf32>,
        %add3A_1123 = arith.constant 1024 : i32
        %add3A_1124 = vector.broadcast %add3A_1123 : i32 to vector<16xi32>
        %add3A_1125 = arith.addi %add3A_402, %add3A_1124 : vector<16xi32>
        %add3A_1126 = arith.addi %add3A_1125, %add3A_1111 : vector<16xi32>
        tpu.vector_store_idx %arg9[%add3A_1126], %gather3A_1122 : memref<8192xf32, #tpu.memory_space<vmem>>[vector<16xi32>], vector<16xf32>,
        %add3A_1127 = arith.constant 256 : i32
        %add3A_1128 = vector.broadcast %add3A_1127 : i32 to vector<16xi32>
        %add3A_1129 = arith.addi %add3A_1128, %add3A_1111 : vector<16xi32>
        %gather3A_1130 = tpu.vector_load_idx %arg7[%add3A_1129, %select_n3A_389] : memref<512x16xf32, #tpu.memory_space<vmem>>[vector<16xi32>, vector<16xi32>], vector<16xf32>,
        %add3A_1131 = arith.constant 2048 : i32
        %add3A_1132 = vector.broadcast %add3A_1131 : i32 to vector<16xi32>
        %add3A_1133 = arith.addi %add3A_402, %add3A_1132 : vector<16xi32>
        %add3A_1134 = arith.addi %add3A_1133, %add3A_1111 : vector<16xi32>
        tpu.vector_store_idx %arg9[%add3A_1134], %gather3A_1130 : memref<8192xf32, #tpu.memory_space<vmem>>[vector<16xi32>], vector<16xf32>,
        %add3A_1135 = arith.constant 384 : i32
        %add3A_1136 = vector.broadcast %add3A_1135 : i32 to vector<16xi32>
        %add3A_1137 = arith.addi %add3A_1136, %add3A_1111 : vector<16xi32>
        %gather3A_1138 = tpu.vector_load_idx %arg7[%add3A_1137, %select_n3A_389] : memref<512x16xf32, #tpu.memory_space<vmem>>[vector<16xi32>, vector<16xi32>], vector<16xf32>,
        %add3A_1139 = arith.constant 3072 : i32
        %add3A_1140 = vector.broadcast %add3A_1139 : i32 to vector<16xi32>
        %add3A_1141 = arith.addi %add3A_402, %add3A_1140 : vector<16xi32>
        %add3A_1142 = arith.addi %add3A_1141, %add3A_1111 : vector<16xi32>
        tpu.vector_store_idx %arg9[%add3A_1142], %gather3A_1138 : memref<8192xf32, #tpu.memory_space<vmem>>[vector<16xi32>], vector<16xf32>,
        %scan3A_1143 = arith.constant 0 : i32
        scf.yield %scan3A_1143 : i32
      }
      %scan3A_409 = arith.constant 8 : i32
      %add3A_410 = arith.constant 11 : i32
      %add3A_411 = vector.broadcast %add3A_410 : i32 to vector<16xi32>
      %add3A_412 = arith.addi %add3A_411, %iota3A : vector<16xi32>
      %ge3A_413 = arith.constant 16 : i32
      %ge3A_414 = vector.broadcast %ge3A_413 : i32 to vector<16xi32>
      %ge3A_415 = arith.cmpi sge, %add3A_412, %ge3A_414 : vector<16xi32>
      %sub3A_416 = arith.constant 16 : i32
      %sub3A_417 = vector.broadcast %sub3A_416 : i32 to vector<16xi32>
      %sub3A_418 = arith.subi %add3A_412, %sub3A_417 : vector<16xi32>
      %select_n3A_419 = arith.select %ge3A_415, %sub3A_418, %add3A_412 : vector<16xi1>, vector<16xi32>
      %shift_right_arithmetic3A_420 = arith.constant 3 : i32
      %shift_right_arithmetic3A_421 = vector.broadcast %shift_right_arithmetic3A_420 : i32 to vector<16xi32>
      %shift_right_arithmetic3A_422 = arith.shrsi %select_n3A_419, %shift_right_arithmetic3A_421 : vector<16xi32>
      %mul3A_423 = arith.constant 4096 : i32
      %mul3A_424 = vector.broadcast %mul3A_423 : i32 to vector<16xi32>
      %mul3A_425 = arith.muli %shift_right_arithmetic3A_422, %mul3A_424 : vector<16xi32>
      %and3A_426 = arith.constant 7 : i32
      %and3A_427 = vector.broadcast %and3A_426 : i32 to vector<16xi32>
      %and3A_428 = arith.andi %select_n3A_419, %and3A_427 : vector<16xi32>
      %mul3A_429 = arith.constant 128 : i32
      %mul3A_430 = vector.broadcast %mul3A_429 : i32 to vector<16xi32>
      %mul3A_431 = arith.muli %and3A_428, %mul3A_430 : vector<16xi32>
      %add3A_432 = arith.addi %mul3A_425, %mul3A_431 : vector<16xi32>
      %scan3A_433 = arith.constant 0 : i32
      %scan3A_434 = arith.constant 0 : i32
      %scan3A_435 = arith.constant 8 : i32
      %scan3A_436 = arith.addi %scan3A_434, %scan3A_435 : i32
      %scan3A_437 = arith.constant 1 : i32
      %scan3A_438 = scf.for %scan3A_1106 = %scan3A_434 to %scan3A_436 step %scan3A_437 iter_args(%scan3A_1107 = %scan3A_433) -> (i32)  : i32 {
        %mul3A_1108 = arith.constant 16 : i32
        %mul3A_1109 = arith.muli %scan3A_1106, %mul3A_1108 : i32
        %add3A_1110 = vector.broadcast %mul3A_1109 : i32 to vector<16xi32>
        %add3A_1111 = arith.addi %add3A_1110, %iota3A : vector<16xi32>
        %add3A_1112 = arith.constant 0 : i32
        %add3A_1113 = vector.broadcast %add3A_1112 : i32 to vector<16xi32>
        %add3A_1114 = arith.addi %add3A_1113, %add3A_1111 : vector<16xi32>
        %gather3A = tpu.vector_load_idx %arg7[%add3A_1114, %select_n3A_419] : memref<512x16xf32, #tpu.memory_space<vmem>>[vector<16xi32>, vector<16xi32>], vector<16xf32>,
        %add3A_1115 = arith.constant 0 : i32
        %add3A_1116 = vector.broadcast %add3A_1115 : i32 to vector<16xi32>
        %add3A_1117 = arith.addi %add3A_432, %add3A_1116 : vector<16xi32>
        %add3A_1118 = arith.addi %add3A_1117, %add3A_1111 : vector<16xi32>
        tpu.vector_store_idx %arg9[%add3A_1118], %gather3A : memref<8192xf32, #tpu.memory_space<vmem>>[vector<16xi32>], vector<16xf32>,
        %add3A_1119 = arith.constant 128 : i32
        %add3A_1120 = vector.broadcast %add3A_1119 : i32 to vector<16xi32>
        %add3A_1121 = arith.addi %add3A_1120, %add3A_1111 : vector<16xi32>
        %gather3A_1122 = tpu.vector_load_idx %arg7[%add3A_1121, %select_n3A_419] : memref<512x16xf32, #tpu.memory_space<vmem>>[vector<16xi32>, vector<16xi32>], vector<16xf32>,
        %add3A_1123 = arith.constant 1024 : i32
        %add3A_1124 = vector.broadcast %add3A_1123 : i32 to vector<16xi32>
        %add3A_1125 = arith.addi %add3A_432, %add3A_1124 : vector<16xi32>
        %add3A_1126 = arith.addi %add3A_1125, %add3A_1111 : vector<16xi32>
        tpu.vector_store_idx %arg9[%add3A_1126], %gather3A_1122 : memref<8192xf32, #tpu.memory_space<vmem>>[vector<16xi32>], vector<16xf32>,
        %add3A_1127 = arith.constant 256 : i32
        %add3A_1128 = vector.broadcast %add3A_1127 : i32 to vector<16xi32>
        %add3A_1129 = arith.addi %add3A_1128, %add3A_1111 : vector<16xi32>
        %gather3A_1130 = tpu.vector_load_idx %arg7[%add3A_1129, %select_n3A_419] : memref<512x16xf32, #tpu.memory_space<vmem>>[vector<16xi32>, vector<16xi32>], vector<16xf32>,
        %add3A_1131 = arith.constant 2048 : i32
        %add3A_1132 = vector.broadcast %add3A_1131 : i32 to vector<16xi32>
        %add3A_1133 = arith.addi %add3A_432, %add3A_1132 : vector<16xi32>
        %add3A_1134 = arith.addi %add3A_1133, %add3A_1111 : vector<16xi32>
        tpu.vector_store_idx %arg9[%add3A_1134], %gather3A_1130 : memref<8192xf32, #tpu.memory_space<vmem>>[vector<16xi32>], vector<16xf32>,
        %add3A_1135 = arith.constant 384 : i32
        %add3A_1136 = vector.broadcast %add3A_1135 : i32 to vector<16xi32>
        %add3A_1137 = arith.addi %add3A_1136, %add3A_1111 : vector<16xi32>
        %gather3A_1138 = tpu.vector_load_idx %arg7[%add3A_1137, %select_n3A_419] : memref<512x16xf32, #tpu.memory_space<vmem>>[vector<16xi32>, vector<16xi32>], vector<16xf32>,
        %add3A_1139 = arith.constant 3072 : i32
        %add3A_1140 = vector.broadcast %add3A_1139 : i32 to vector<16xi32>
        %add3A_1141 = arith.addi %add3A_432, %add3A_1140 : vector<16xi32>
        %add3A_1142 = arith.addi %add3A_1141, %add3A_1111 : vector<16xi32>
        tpu.vector_store_idx %arg9[%add3A_1142], %gather3A_1138 : memref<8192xf32, #tpu.memory_space<vmem>>[vector<16xi32>], vector<16xf32>,
        %scan3A_1143 = arith.constant 0 : i32
        scf.yield %scan3A_1143 : i32
      }
      %scan3A_439 = arith.constant 8 : i32
      %add3A_440 = arith.constant 12 : i32
      %add3A_441 = vector.broadcast %add3A_440 : i32 to vector<16xi32>
      %add3A_442 = arith.addi %add3A_441, %iota3A : vector<16xi32>
      %ge3A_443 = arith.constant 16 : i32
      %ge3A_444 = vector.broadcast %ge3A_443 : i32 to vector<16xi32>
      %ge3A_445 = arith.cmpi sge, %add3A_442, %ge3A_444 : vector<16xi32>
      %sub3A_446 = arith.constant 16 : i32
      %sub3A_447 = vector.broadcast %sub3A_446 : i32 to vector<16xi32>
      %sub3A_448 = arith.subi %add3A_442, %sub3A_447 : vector<16xi32>
      %select_n3A_449 = arith.select %ge3A_445, %sub3A_448, %add3A_442 : vector<16xi1>, vector<16xi32>
      %shift_right_arithmetic3A_450 = arith.constant 3 : i32
      %shift_right_arithmetic3A_451 = vector.broadcast %shift_right_arithmetic3A_450 : i32 to vector<16xi32>
      %shift_right_arithmetic3A_452 = arith.shrsi %select_n3A_449, %shift_right_arithmetic3A_451 : vector<16xi32>
      %mul3A_453 = arith.constant 4096 : i32
      %mul3A_454 = vector.broadcast %mul3A_453 : i32 to vector<16xi32>
      %mul3A_455 = arith.muli %shift_right_arithmetic3A_452, %mul3A_454 : vector<16xi32>
      %and3A_456 = arith.constant 7 : i32
      %and3A_457 = vector.broadcast %and3A_456 : i32 to vector<16xi32>
      %and3A_458 = arith.andi %select_n3A_449, %and3A_457 : vector<16xi32>
      %mul3A_459 = arith.constant 128 : i32
      %mul3A_460 = vector.broadcast %mul3A_459 : i32 to vector<16xi32>
      %mul3A_461 = arith.muli %and3A_458, %mul3A_460 : vector<16xi32>
      %add3A_462 = arith.addi %mul3A_455, %mul3A_461 : vector<16xi32>
      %scan3A_463 = arith.constant 0 : i32
      %scan3A_464 = arith.constant 0 : i32
      %scan3A_465 = arith.constant 8 : i32
      %scan3A_466 = arith.addi %scan3A_464, %scan3A_465 : i32
      %scan3A_467 = arith.constant 1 : i32
      %scan3A_468 = scf.for %scan3A_1106 = %scan3A_464 to %scan3A_466 step %scan3A_467 iter_args(%scan3A_1107 = %scan3A_463) -> (i32)  : i32 {
        %mul3A_1108 = arith.constant 16 : i32
        %mul3A_1109 = arith.muli %scan3A_1106, %mul3A_1108 : i32
        %add3A_1110 = vector.broadcast %mul3A_1109 : i32 to vector<16xi32>
        %add3A_1111 = arith.addi %add3A_1110, %iota3A : vector<16xi32>
        %add3A_1112 = arith.constant 0 : i32
        %add3A_1113 = vector.broadcast %add3A_1112 : i32 to vector<16xi32>
        %add3A_1114 = arith.addi %add3A_1113, %add3A_1111 : vector<16xi32>
        %gather3A = tpu.vector_load_idx %arg7[%add3A_1114, %select_n3A_449] : memref<512x16xf32, #tpu.memory_space<vmem>>[vector<16xi32>, vector<16xi32>], vector<16xf32>,
        %add3A_1115 = arith.constant 0 : i32
        %add3A_1116 = vector.broadcast %add3A_1115 : i32 to vector<16xi32>
        %add3A_1117 = arith.addi %add3A_462, %add3A_1116 : vector<16xi32>
        %add3A_1118 = arith.addi %add3A_1117, %add3A_1111 : vector<16xi32>
        tpu.vector_store_idx %arg9[%add3A_1118], %gather3A : memref<8192xf32, #tpu.memory_space<vmem>>[vector<16xi32>], vector<16xf32>,
        %add3A_1119 = arith.constant 128 : i32
        %add3A_1120 = vector.broadcast %add3A_1119 : i32 to vector<16xi32>
        %add3A_1121 = arith.addi %add3A_1120, %add3A_1111 : vector<16xi32>
        %gather3A_1122 = tpu.vector_load_idx %arg7[%add3A_1121, %select_n3A_449] : memref<512x16xf32, #tpu.memory_space<vmem>>[vector<16xi32>, vector<16xi32>], vector<16xf32>,
        %add3A_1123 = arith.constant 1024 : i32
        %add3A_1124 = vector.broadcast %add3A_1123 : i32 to vector<16xi32>
        %add3A_1125 = arith.addi %add3A_462, %add3A_1124 : vector<16xi32>
        %add3A_1126 = arith.addi %add3A_1125, %add3A_1111 : vector<16xi32>
        tpu.vector_store_idx %arg9[%add3A_1126], %gather3A_1122 : memref<8192xf32, #tpu.memory_space<vmem>>[vector<16xi32>], vector<16xf32>,
        %add3A_1127 = arith.constant 256 : i32
        %add3A_1128 = vector.broadcast %add3A_1127 : i32 to vector<16xi32>
        %add3A_1129 = arith.addi %add3A_1128, %add3A_1111 : vector<16xi32>
        %gather3A_1130 = tpu.vector_load_idx %arg7[%add3A_1129, %select_n3A_449] : memref<512x16xf32, #tpu.memory_space<vmem>>[vector<16xi32>, vector<16xi32>], vector<16xf32>,
        %add3A_1131 = arith.constant 2048 : i32
        %add3A_1132 = vector.broadcast %add3A_1131 : i32 to vector<16xi32>
        %add3A_1133 = arith.addi %add3A_462, %add3A_1132 : vector<16xi32>
        %add3A_1134 = arith.addi %add3A_1133, %add3A_1111 : vector<16xi32>
        tpu.vector_store_idx %arg9[%add3A_1134], %gather3A_1130 : memref<8192xf32, #tpu.memory_space<vmem>>[vector<16xi32>], vector<16xf32>,
        %add3A_1135 = arith.constant 384 : i32
        %add3A_1136 = vector.broadcast %add3A_1135 : i32 to vector<16xi32>
        %add3A_1137 = arith.addi %add3A_1136, %add3A_1111 : vector<16xi32>
        %gather3A_1138 = tpu.vector_load_idx %arg7[%add3A_1137, %select_n3A_449] : memref<512x16xf32, #tpu.memory_space<vmem>>[vector<16xi32>, vector<16xi32>], vector<16xf32>,
        %add3A_1139 = arith.constant 3072 : i32
        %add3A_1140 = vector.broadcast %add3A_1139 : i32 to vector<16xi32>
        %add3A_1141 = arith.addi %add3A_462, %add3A_1140 : vector<16xi32>
        %add3A_1142 = arith.addi %add3A_1141, %add3A_1111 : vector<16xi32>
        tpu.vector_store_idx %arg9[%add3A_1142], %gather3A_1138 : memref<8192xf32, #tpu.memory_space<vmem>>[vector<16xi32>], vector<16xf32>,
        %scan3A_1143 = arith.constant 0 : i32
        scf.yield %scan3A_1143 : i32
      }
      %scan3A_469 = arith.constant 8 : i32
      %add3A_470 = arith.constant 13 : i32
      %add3A_471 = vector.broadcast %add3A_470 : i32 to vector<16xi32>
      %add3A_472 = arith.addi %add3A_471, %iota3A : vector<16xi32>
      %ge3A_473 = arith.constant 16 : i32
      %ge3A_474 = vector.broadcast %ge3A_473 : i32 to vector<16xi32>
      %ge3A_475 = arith.cmpi sge, %add3A_472, %ge3A_474 : vector<16xi32>
      %sub3A_476 = arith.constant 16 : i32
      %sub3A_477 = vector.broadcast %sub3A_476 : i32 to vector<16xi32>
      %sub3A_478 = arith.subi %add3A_472, %sub3A_477 : vector<16xi32>
      %select_n3A_479 = arith.select %ge3A_475, %sub3A_478, %add3A_472 : vector<16xi1>, vector<16xi32>
      %shift_right_arithmetic3A_480 = arith.constant 3 : i32
      %shift_right_arithmetic3A_481 = vector.broadcast %shift_right_arithmetic3A_480 : i32 to vector<16xi32>
      %shift_right_arithmetic3A_482 = arith.shrsi %select_n3A_479, %shift_right_arithmetic3A_481 : vector<16xi32>
      %mul3A_483 = arith.constant 4096 : i32
      %mul3A_484 = vector.broadcast %mul3A_483 : i32 to vector<16xi32>
      %mul3A_485 = arith.muli %shift_right_arithmetic3A_482, %mul3A_484 : vector<16xi32>
      %and3A_486 = arith.constant 7 : i32
      %and3A_487 = vector.broadcast %and3A_486 : i32 to vector<16xi32>
      %and3A_488 = arith.andi %select_n3A_479, %and3A_487 : vector<16xi32>
      %mul3A_489 = arith.constant 128 : i32
      %mul3A_490 = vector.broadcast %mul3A_489 : i32 to vector<16xi32>
      %mul3A_491 = arith.muli %and3A_488, %mul3A_490 : vector<16xi32>
      %add3A_492 = arith.addi %mul3A_485, %mul3A_491 : vector<16xi32>
      %scan3A_493 = arith.constant 0 : i32
      %scan3A_494 = arith.constant 0 : i32
      %scan3A_495 = arith.constant 8 : i32
      %scan3A_496 = arith.addi %scan3A_494, %scan3A_495 : i32
      %scan3A_497 = arith.constant 1 : i32
      %scan3A_498 = scf.for %scan3A_1106 = %scan3A_494 to %scan3A_496 step %scan3A_497 iter_args(%scan3A_1107 = %scan3A_493) -> (i32)  : i32 {
        %mul3A_1108 = arith.constant 16 : i32
        %mul3A_1109 = arith.muli %scan3A_1106, %mul3A_1108 : i32
        %add3A_1110 = vector.broadcast %mul3A_1109 : i32 to vector<16xi32>
        %add3A_1111 = arith.addi %add3A_1110, %iota3A : vector<16xi32>
        %add3A_1112 = arith.constant 0 : i32
        %add3A_1113 = vector.broadcast %add3A_1112 : i32 to vector<16xi32>
        %add3A_1114 = arith.addi %add3A_1113, %add3A_1111 : vector<16xi32>
        %gather3A = tpu.vector_load_idx %arg7[%add3A_1114, %select_n3A_479] : memref<512x16xf32, #tpu.memory_space<vmem>>[vector<16xi32>, vector<16xi32>], vector<16xf32>,
        %add3A_1115 = arith.constant 0 : i32
        %add3A_1116 = vector.broadcast %add3A_1115 : i32 to vector<16xi32>
        %add3A_1117 = arith.addi %add3A_492, %add3A_1116 : vector<16xi32>
        %add3A_1118 = arith.addi %add3A_1117, %add3A_1111 : vector<16xi32>
        tpu.vector_store_idx %arg9[%add3A_1118], %gather3A : memref<8192xf32, #tpu.memory_space<vmem>>[vector<16xi32>], vector<16xf32>,
        %add3A_1119 = arith.constant 128 : i32
        %add3A_1120 = vector.broadcast %add3A_1119 : i32 to vector<16xi32>
        %add3A_1121 = arith.addi %add3A_1120, %add3A_1111 : vector<16xi32>
        %gather3A_1122 = tpu.vector_load_idx %arg7[%add3A_1121, %select_n3A_479] : memref<512x16xf32, #tpu.memory_space<vmem>>[vector<16xi32>, vector<16xi32>], vector<16xf32>,
        %add3A_1123 = arith.constant 1024 : i32
        %add3A_1124 = vector.broadcast %add3A_1123 : i32 to vector<16xi32>
        %add3A_1125 = arith.addi %add3A_492, %add3A_1124 : vector<16xi32>
        %add3A_1126 = arith.addi %add3A_1125, %add3A_1111 : vector<16xi32>
        tpu.vector_store_idx %arg9[%add3A_1126], %gather3A_1122 : memref<8192xf32, #tpu.memory_space<vmem>>[vector<16xi32>], vector<16xf32>,
        %add3A_1127 = arith.constant 256 : i32
        %add3A_1128 = vector.broadcast %add3A_1127 : i32 to vector<16xi32>
        %add3A_1129 = arith.addi %add3A_1128, %add3A_1111 : vector<16xi32>
        %gather3A_1130 = tpu.vector_load_idx %arg7[%add3A_1129, %select_n3A_479] : memref<512x16xf32, #tpu.memory_space<vmem>>[vector<16xi32>, vector<16xi32>], vector<16xf32>,
        %add3A_1131 = arith.constant 2048 : i32
        %add3A_1132 = vector.broadcast %add3A_1131 : i32 to vector<16xi32>
        %add3A_1133 = arith.addi %add3A_492, %add3A_1132 : vector<16xi32>
        %add3A_1134 = arith.addi %add3A_1133, %add3A_1111 : vector<16xi32>
        tpu.vector_store_idx %arg9[%add3A_1134], %gather3A_1130 : memref<8192xf32, #tpu.memory_space<vmem>>[vector<16xi32>], vector<16xf32>,
        %add3A_1135 = arith.constant 384 : i32
        %add3A_1136 = vector.broadcast %add3A_1135 : i32 to vector<16xi32>
        %add3A_1137 = arith.addi %add3A_1136, %add3A_1111 : vector<16xi32>
        %gather3A_1138 = tpu.vector_load_idx %arg7[%add3A_1137, %select_n3A_479] : memref<512x16xf32, #tpu.memory_space<vmem>>[vector<16xi32>, vector<16xi32>], vector<16xf32>,
        %add3A_1139 = arith.constant 3072 : i32
        %add3A_1140 = vector.broadcast %add3A_1139 : i32 to vector<16xi32>
        %add3A_1141 = arith.addi %add3A_492, %add3A_1140 : vector<16xi32>
        %add3A_1142 = arith.addi %add3A_1141, %add3A_1111 : vector<16xi32>
        tpu.vector_store_idx %arg9[%add3A_1142], %gather3A_1138 : memref<8192xf32, #tpu.memory_space<vmem>>[vector<16xi32>], vector<16xf32>,
        %scan3A_1143 = arith.constant 0 : i32
        scf.yield %scan3A_1143 : i32
      }
      %scan3A_499 = arith.constant 8 : i32
      %add3A_500 = arith.constant 14 : i32
      %add3A_501 = vector.broadcast %add3A_500 : i32 to vector<16xi32>
      %add3A_502 = arith.addi %add3A_501, %iota3A : vector<16xi32>
      %ge3A_503 = arith.constant 16 : i32
      %ge3A_504 = vector.broadcast %ge3A_503 : i32 to vector<16xi32>
      %ge3A_505 = arith.cmpi sge, %add3A_502, %ge3A_504 : vector<16xi32>
      %sub3A_506 = arith.constant 16 : i32
      %sub3A_507 = vector.broadcast %sub3A_506 : i32 to vector<16xi32>
      %sub3A_508 = arith.subi %add3A_502, %sub3A_507 : vector<16xi32>
      %select_n3A_509 = arith.select %ge3A_505, %sub3A_508, %add3A_502 : vector<16xi1>, vector<16xi32>
      %shift_right_arithmetic3A_510 = arith.constant 3 : i32
      %shift_right_arithmetic3A_511 = vector.broadcast %shift_right_arithmetic3A_510 : i32 to vector<16xi32>
      %shift_right_arithmetic3A_512 = arith.shrsi %select_n3A_509, %shift_right_arithmetic3A_511 : vector<16xi32>
      %mul3A_513 = arith.constant 4096 : i32
      %mul3A_514 = vector.broadcast %mul3A_513 : i32 to vector<16xi32>
      %mul3A_515 = arith.muli %shift_right_arithmetic3A_512, %mul3A_514 : vector<16xi32>
      %and3A_516 = arith.constant 7 : i32
      %and3A_517 = vector.broadcast %and3A_516 : i32 to vector<16xi32>
      %and3A_518 = arith.andi %select_n3A_509, %and3A_517 : vector<16xi32>
      %mul3A_519 = arith.constant 128 : i32
      %mul3A_520 = vector.broadcast %mul3A_519 : i32 to vector<16xi32>
      %mul3A_521 = arith.muli %and3A_518, %mul3A_520 : vector<16xi32>
      %add3A_522 = arith.addi %mul3A_515, %mul3A_521 : vector<16xi32>
      %scan3A_523 = arith.constant 0 : i32
      %scan3A_524 = arith.constant 0 : i32
      %scan3A_525 = arith.constant 8 : i32
      %scan3A_526 = arith.addi %scan3A_524, %scan3A_525 : i32
      %scan3A_527 = arith.constant 1 : i32
      %scan3A_528 = scf.for %scan3A_1106 = %scan3A_524 to %scan3A_526 step %scan3A_527 iter_args(%scan3A_1107 = %scan3A_523) -> (i32)  : i32 {
        %mul3A_1108 = arith.constant 16 : i32
        %mul3A_1109 = arith.muli %scan3A_1106, %mul3A_1108 : i32
        %add3A_1110 = vector.broadcast %mul3A_1109 : i32 to vector<16xi32>
        %add3A_1111 = arith.addi %add3A_1110, %iota3A : vector<16xi32>
        %add3A_1112 = arith.constant 0 : i32
        %add3A_1113 = vector.broadcast %add3A_1112 : i32 to vector<16xi32>
        %add3A_1114 = arith.addi %add3A_1113, %add3A_1111 : vector<16xi32>
        %gather3A = tpu.vector_load_idx %arg7[%add3A_1114, %select_n3A_509] : memref<512x16xf32, #tpu.memory_space<vmem>>[vector<16xi32>, vector<16xi32>], vector<16xf32>,
        %add3A_1115 = arith.constant 0 : i32
        %add3A_1116 = vector.broadcast %add3A_1115 : i32 to vector<16xi32>
        %add3A_1117 = arith.addi %add3A_522, %add3A_1116 : vector<16xi32>
        %add3A_1118 = arith.addi %add3A_1117, %add3A_1111 : vector<16xi32>
        tpu.vector_store_idx %arg9[%add3A_1118], %gather3A : memref<8192xf32, #tpu.memory_space<vmem>>[vector<16xi32>], vector<16xf32>,
        %add3A_1119 = arith.constant 128 : i32
        %add3A_1120 = vector.broadcast %add3A_1119 : i32 to vector<16xi32>
        %add3A_1121 = arith.addi %add3A_1120, %add3A_1111 : vector<16xi32>
        %gather3A_1122 = tpu.vector_load_idx %arg7[%add3A_1121, %select_n3A_509] : memref<512x16xf32, #tpu.memory_space<vmem>>[vector<16xi32>, vector<16xi32>], vector<16xf32>,
        %add3A_1123 = arith.constant 1024 : i32
        %add3A_1124 = vector.broadcast %add3A_1123 : i32 to vector<16xi32>
        %add3A_1125 = arith.addi %add3A_522, %add3A_1124 : vector<16xi32>
        %add3A_1126 = arith.addi %add3A_1125, %add3A_1111 : vector<16xi32>
        tpu.vector_store_idx %arg9[%add3A_1126], %gather3A_1122 : memref<8192xf32, #tpu.memory_space<vmem>>[vector<16xi32>], vector<16xf32>,
        %add3A_1127 = arith.constant 256 : i32
        %add3A_1128 = vector.broadcast %add3A_1127 : i32 to vector<16xi32>
        %add3A_1129 = arith.addi %add3A_1128, %add3A_1111 : vector<16xi32>
        %gather3A_1130 = tpu.vector_load_idx %arg7[%add3A_1129, %select_n3A_509] : memref<512x16xf32, #tpu.memory_space<vmem>>[vector<16xi32>, vector<16xi32>], vector<16xf32>,
        %add3A_1131 = arith.constant 2048 : i32
        %add3A_1132 = vector.broadcast %add3A_1131 : i32 to vector<16xi32>
        %add3A_1133 = arith.addi %add3A_522, %add3A_1132 : vector<16xi32>
        %add3A_1134 = arith.addi %add3A_1133, %add3A_1111 : vector<16xi32>
        tpu.vector_store_idx %arg9[%add3A_1134], %gather3A_1130 : memref<8192xf32, #tpu.memory_space<vmem>>[vector<16xi32>], vector<16xf32>,
        %add3A_1135 = arith.constant 384 : i32
        %add3A_1136 = vector.broadcast %add3A_1135 : i32 to vector<16xi32>
        %add3A_1137 = arith.addi %add3A_1136, %add3A_1111 : vector<16xi32>
        %gather3A_1138 = tpu.vector_load_idx %arg7[%add3A_1137, %select_n3A_509] : memref<512x16xf32, #tpu.memory_space<vmem>>[vector<16xi32>, vector<16xi32>], vector<16xf32>,
        %add3A_1139 = arith.constant 3072 : i32
        %add3A_1140 = vector.broadcast %add3A_1139 : i32 to vector<16xi32>
        %add3A_1141 = arith.addi %add3A_522, %add3A_1140 : vector<16xi32>
        %add3A_1142 = arith.addi %add3A_1141, %add3A_1111 : vector<16xi32>
        tpu.vector_store_idx %arg9[%add3A_1142], %gather3A_1138 : memref<8192xf32, #tpu.memory_space<vmem>>[vector<16xi32>], vector<16xf32>,
        %scan3A_1143 = arith.constant 0 : i32
        scf.yield %scan3A_1143 : i32
      }
      %scan3A_529 = arith.constant 8 : i32
      %add3A_530 = arith.constant 15 : i32
      %add3A_531 = vector.broadcast %add3A_530 : i32 to vector<16xi32>
      %add3A_532 = arith.addi %add3A_531, %iota3A : vector<16xi32>
      %ge3A_533 = arith.constant 16 : i32
      %ge3A_534 = vector.broadcast %ge3A_533 : i32 to vector<16xi32>
      %ge3A_535 = arith.cmpi sge, %add3A_532, %ge3A_534 : vector<16xi32>
      %sub3A_536 = arith.constant 16 : i32
      %sub3A_537 = vector.broadcast %sub3A_536 : i32 to vector<16xi32>
      %sub3A_538 = arith.subi %add3A_532, %sub3A_537 : vector<16xi32>
      %select_n3A_539 = arith.select %ge3A_535, %sub3A_538, %add3A_532 : vector<16xi1>, vector<16xi32>
      %shift_right_arithmetic3A_540 = arith.constant 3 : i32
      %shift_right_arithmetic3A_541 = vector.broadcast %shift_right_arithmetic3A_540 : i32 to vector<16xi32>
      %shift_right_arithmetic3A_542 = arith.shrsi %select_n3A_539, %shift_right_arithmetic3A_541 : vector<16xi32>
      %mul3A_543 = arith.constant 4096 : i32
      %mul3A_544 = vector.broadcast %mul3A_543 : i32 to vector<16xi32>
      %mul3A_545 = arith.muli %shift_right_arithmetic3A_542, %mul3A_544 : vector<16xi32>
      %and3A_546 = arith.constant 7 : i32
      %and3A_547 = vector.broadcast %and3A_546 : i32 to vector<16xi32>
      %and3A_548 = arith.andi %select_n3A_539, %and3A_547 : vector<16xi32>
      %mul3A_549 = arith.constant 128 : i32
      %mul3A_550 = vector.broadcast %mul3A_549 : i32 to vector<16xi32>
      %mul3A_551 = arith.muli %and3A_548, %mul3A_550 : vector<16xi32>
      %add3A_552 = arith.addi %mul3A_545, %mul3A_551 : vector<16xi32>
      %scan3A_553 = arith.constant 0 : i32
      %scan3A_554 = arith.constant 0 : i32
      %scan3A_555 = arith.constant 8 : i32
      %scan3A_556 = arith.addi %scan3A_554, %scan3A_555 : i32
      %scan3A_557 = arith.constant 1 : i32
      %scan3A_558 = scf.for %scan3A_1106 = %scan3A_554 to %scan3A_556 step %scan3A_557 iter_args(%scan3A_1107 = %scan3A_553) -> (i32)  : i32 {
        %mul3A_1108 = arith.constant 16 : i32
        %mul3A_1109 = arith.muli %scan3A_1106, %mul3A_1108 : i32
        %add3A_1110 = vector.broadcast %mul3A_1109 : i32 to vector<16xi32>
        %add3A_1111 = arith.addi %add3A_1110, %iota3A : vector<16xi32>
        %add3A_1112 = arith.constant 0 : i32
        %add3A_1113 = vector.broadcast %add3A_1112 : i32 to vector<16xi32>
        %add3A_1114 = arith.addi %add3A_1113, %add3A_1111 : vector<16xi32>
        %gather3A = tpu.vector_load_idx %arg7[%add3A_1114, %select_n3A_539] : memref<512x16xf32, #tpu.memory_space<vmem>>[vector<16xi32>, vector<16xi32>], vector<16xf32>,
        %add3A_1115 = arith.constant 0 : i32
        %add3A_1116 = vector.broadcast %add3A_1115 : i32 to vector<16xi32>
        %add3A_1117 = arith.addi %add3A_552, %add3A_1116 : vector<16xi32>
        %add3A_1118 = arith.addi %add3A_1117, %add3A_1111 : vector<16xi32>
        tpu.vector_store_idx %arg9[%add3A_1118], %gather3A : memref<8192xf32, #tpu.memory_space<vmem>>[vector<16xi32>], vector<16xf32>,
        %add3A_1119 = arith.constant 128 : i32
        %add3A_1120 = vector.broadcast %add3A_1119 : i32 to vector<16xi32>
        %add3A_1121 = arith.addi %add3A_1120, %add3A_1111 : vector<16xi32>
        %gather3A_1122 = tpu.vector_load_idx %arg7[%add3A_1121, %select_n3A_539] : memref<512x16xf32, #tpu.memory_space<vmem>>[vector<16xi32>, vector<16xi32>], vector<16xf32>,
        %add3A_1123 = arith.constant 1024 : i32
        %add3A_1124 = vector.broadcast %add3A_1123 : i32 to vector<16xi32>
        %add3A_1125 = arith.addi %add3A_552, %add3A_1124 : vector<16xi32>
        %add3A_1126 = arith.addi %add3A_1125, %add3A_1111 : vector<16xi32>
        tpu.vector_store_idx %arg9[%add3A_1126], %gather3A_1122 : memref<8192xf32, #tpu.memory_space<vmem>>[vector<16xi32>], vector<16xf32>,
        %add3A_1127 = arith.constant 256 : i32
        %add3A_1128 = vector.broadcast %add3A_1127 : i32 to vector<16xi32>
        %add3A_1129 = arith.addi %add3A_1128, %add3A_1111 : vector<16xi32>
        %gather3A_1130 = tpu.vector_load_idx %arg7[%add3A_1129, %select_n3A_539] : memref<512x16xf32, #tpu.memory_space<vmem>>[vector<16xi32>, vector<16xi32>], vector<16xf32>,
        %add3A_1131 = arith.constant 2048 : i32
        %add3A_1132 = vector.broadcast %add3A_1131 : i32 to vector<16xi32>
        %add3A_1133 = arith.addi %add3A_552, %add3A_1132 : vector<16xi32>
        %add3A_1134 = arith.addi %add3A_1133, %add3A_1111 : vector<16xi32>
        tpu.vector_store_idx %arg9[%add3A_1134], %gather3A_1130 : memref<8192xf32, #tpu.memory_space<vmem>>[vector<16xi32>], vector<16xf32>,
        %add3A_1135 = arith.constant 384 : i32
        %add3A_1136 = vector.broadcast %add3A_1135 : i32 to vector<16xi32>
        %add3A_1137 = arith.addi %add3A_1136, %add3A_1111 : vector<16xi32>
        %gather3A_1138 = tpu.vector_load_idx %arg7[%add3A_1137, %select_n3A_539] : memref<512x16xf32, #tpu.memory_space<vmem>>[vector<16xi32>, vector<16xi32>], vector<16xf32>,
        %add3A_1139 = arith.constant 3072 : i32
        %add3A_1140 = vector.broadcast %add3A_1139 : i32 to vector<16xi32>
        %add3A_1141 = arith.addi %add3A_552, %add3A_1140 : vector<16xi32>
        %add3A_1142 = arith.addi %add3A_1141, %add3A_1111 : vector<16xi32>
        tpu.vector_store_idx %arg9[%add3A_1142], %gather3A_1138 : memref<8192xf32, #tpu.memory_space<vmem>>[vector<16xi32>], vector<16xf32>,
        %scan3A_1143 = arith.constant 0 : i32
        scf.yield %scan3A_1143 : i32
      }
      %scan3A_559 = arith.constant 8 : i32
      %mul3A_560 = arith.constant 1024 : i32
      %mul3A_561 = arith.muli %mul3A_2, %mul3A_560 : i32
      %dma_start3A_562 = arith.constant 0 : i32
      %dma_start3A_563 = arith.constant 0 : i32
      %dma_start3A_564 = tpu.memref_slice %arg9[%dma_start3A_563] : memref<8192xf32, #tpu.memory_space<vmem>> -> memref<4096xf32, #tpu.memory_space<vmem>>
      %dma_start3A_565 = tpu.memref_slice %arg4[%add3A_70, %dma_start3A_562, %mul3A_561] : memref<50x2x131072xf32, #tpu.memory_space<hbm>> -> memref<1x1x4096xf32, #tpu.memory_space<hbm>>
      %dma_start3A_566 = tpu.memref_squeeze %dma_start3A_565 : memref<1x1x4096xf32, #tpu.memory_space<hbm>> -> memref<4096xf32, #tpu.memory_space<hbm>>
      %dma_start3A_567 = tpu.memref_slice %arg4[%add3A_70, %dma_start3A_562, %mul3A_561] : memref<50x2x131072xf32, #tpu.memory_space<hbm>> -> memref<1x1x4096xf32, #tpu.memory_space<hbm>>
      %dma_start3A_568 = tpu.memref_squeeze %dma_start3A_567 : memref<1x1x4096xf32, #tpu.memory_space<hbm>> -> memref<4096xf32, #tpu.memory_space<hbm>>
      %dma_start3A_569 = arith.constant 0 : i32
      %dma_start3A_570 = tpu.memref_slice %arg9[%dma_start3A_569] : memref<8192xf32, #tpu.memory_space<vmem>> -> memref<4096xf32, #tpu.memory_space<vmem>>
      tpu.enqueue_dma source(%dma_start3A_570 : memref<4096xf32, #tpu.memory_space<vmem>>) target(%dma_start3A_568 : memref<4096xf32, #tpu.memory_space<hbm>>) target_semaphore(%arg14 : memref<!tpu.dma_semaphore, #tpu.memory_space<semaphore_mem>>)
      %mul3A_571 = arith.constant 1024 : i32
      %mul3A_572 = arith.muli %mul3A_2, %mul3A_571 : i32
      %dma_start3A_573 = arith.constant 1 : i32
      %dma_start3A_574 = arith.constant 4096 : i32
      %dma_start3A_575 = tpu.memref_slice %arg9[%dma_start3A_574] : memref<8192xf32, #tpu.memory_space<vmem>> -> memref<4096xf32, #tpu.memory_space<vmem>>
      %dma_start3A_576 = tpu.memref_slice %arg4[%add3A_70, %dma_start3A_573, %mul3A_572] : memref<50x2x131072xf32, #tpu.memory_space<hbm>> -> memref<1x1x4096xf32, #tpu.memory_space<hbm>>
      %dma_start3A_577 = tpu.memref_squeeze %dma_start3A_576 : memref<1x1x4096xf32, #tpu.memory_space<hbm>> -> memref<4096xf32, #tpu.memory_space<hbm>>
      %dma_start3A_578 = tpu.memref_slice %arg4[%add3A_70, %dma_start3A_573, %mul3A_572] : memref<50x2x131072xf32, #tpu.memory_space<hbm>> -> memref<1x1x4096xf32, #tpu.memory_space<hbm>>
      %dma_start3A_579 = tpu.memref_squeeze %dma_start3A_578 : memref<1x1x4096xf32, #tpu.memory_space<hbm>> -> memref<4096xf32, #tpu.memory_space<hbm>>
      %dma_start3A_580 = arith.constant 4096 : i32
      %dma_start3A_581 = tpu.memref_slice %arg9[%dma_start3A_580] : memref<8192xf32, #tpu.memory_space<vmem>> -> memref<4096xf32, #tpu.memory_space<vmem>>
      tpu.enqueue_dma source(%dma_start3A_581 : memref<4096xf32, #tpu.memory_space<vmem>>) target(%dma_start3A_579 : memref<4096xf32, #tpu.memory_space<hbm>>) target_semaphore(%arg14 : memref<!tpu.dma_semaphore, #tpu.memory_space<semaphore_mem>>)
      %mul3A_582 = arith.constant 2 : i32
      %mul3A_583 = arith.muli %mul3A_582, %scan3A_65 : i32
      %add3A_584 = arith.constant 1 : i32
      %add3A_585 = arith.addi %mul3A_583, %add3A_584 : i32
      %add3A_586 = arith.constant 1 : i32
      %add3A_587 = arith.addi %add3A_585, %add3A_586 : i32
      %lt3A_588 = arith.constant 50 : i32
      %lt3A_589 = arith.cmpi slt, %add3A_587, %lt3A_588 : i32
      %convert_element_type3A_590 = arith.extui %lt3A_589 : i1 to i32
      %cond3A_591 = arith.constant 0 : i32
      %cond3A_592 = arith.cmpi ne, %convert_element_type3A_590, %cond3A_591 : i32
      scf.if %cond3A_592 {
        %dma_wait3A_1106 = arith.constant 0 : i32
        %dma_wait3A_1107 = tpu.memref_slice %arg2[%dma_wait3A_1106, %mul3A_4] : memref<50x16384xi32, #tpu.memory_space<hbm>> -> memref<1x512xi32, #tpu.memory_space<hbm>>
        %dma_wait3A_1108 = tpu.memref_squeeze %dma_wait3A_1107 : memref<1x512xi32, #tpu.memory_space<hbm>> -> memref<512xi32, #tpu.memory_space<hbm>>
        %dma_wait3A_1109 = tpu.memref_slice %arg2[%dma_wait3A_1106, %mul3A_4] : memref<50x16384xi32, #tpu.memory_space<hbm>> -> memref<1x512xi32, #tpu.memory_space<hbm>>
        %dma_wait3A_1110 = tpu.memref_squeeze %dma_wait3A_1109 : memref<1x512xi32, #tpu.memory_space<hbm>> -> memref<512xi32, #tpu.memory_space<hbm>>
        tpu.wait_dma2 semaphore(%arg11 : memref<!tpu.dma_semaphore, #tpu.memory_space<semaphore_mem>>) src(%dma_wait3A_1110 : memref<512xi32, #tpu.memory_space<hbm>>) dst(%arg5 : memref<512xi32, #tpu.memory_space<vmem>>)
        %ge3A_1111 = arith.constant 1 : i32
        %ge3A_1112 = arith.cmpi sge, %add3A_585, %ge3A_1111 : i32
        %convert_element_type3A_1113 = arith.extui %ge3A_1112 : i1 to i32
        %cond3A_1114 = arith.constant 0 : i32
        %cond3A_1115 = arith.cmpi ne, %convert_element_type3A_1113, %cond3A_1114 : i32
        scf.if %cond3A_1115 {
          %mul3A_1119 = arith.constant 1024 : i32
          %mul3A_1120 = arith.muli %mul3A_2, %mul3A_1119 : i32
          %dma_wait3A_1121 = arith.constant 0 : i32
          %dma_wait3A_1122 = arith.constant 0 : i32
          %dma_wait3A_1123 = tpu.memref_slice %arg9[%dma_wait3A_1122] : memref<8192xf32, #tpu.memory_space<vmem>> -> memref<4096xf32, #tpu.memory_space<vmem>>
          %dma_wait3A_1124 = tpu.memref_slice %arg4[%add3A_585, %dma_wait3A_1121, %mul3A_1120] : memref<50x2x131072xf32, #tpu.memory_space<hbm>> -> memref<1x1x4096xf32, #tpu.memory_space<hbm>>
          %dma_wait3A_1125 = tpu.memref_squeeze %dma_wait3A_1124 : memref<1x1x4096xf32, #tpu.memory_space<hbm>> -> memref<4096xf32, #tpu.memory_space<hbm>>
          %dma_wait3A_1126 = tpu.memref_slice %arg4[%add3A_585, %dma_wait3A_1121, %mul3A_1120] : memref<50x2x131072xf32, #tpu.memory_space<hbm>> -> memref<1x1x4096xf32, #tpu.memory_space<hbm>>
          %dma_wait3A_1127 = tpu.memref_squeeze %dma_wait3A_1126 : memref<1x1x4096xf32, #tpu.memory_space<hbm>> -> memref<4096xf32, #tpu.memory_space<hbm>>
          %dma_wait3A_1128 = arith.constant 0 : i32
          %dma_wait3A_1129 = tpu.memref_slice %arg9[%dma_wait3A_1128] : memref<8192xf32, #tpu.memory_space<vmem>> -> memref<4096xf32, #tpu.memory_space<vmem>>
          tpu.wait_dma2 semaphore(%arg14 : memref<!tpu.dma_semaphore, #tpu.memory_space<semaphore_mem>>) src(%dma_wait3A_1129 : memref<4096xf32, #tpu.memory_space<vmem>>) dst(%dma_wait3A_1127 : memref<4096xf32, #tpu.memory_space<hbm>>)
          %mul3A_1130 = arith.constant 1024 : i32
          %mul3A_1131 = arith.muli %mul3A_2, %mul3A_1130 : i32
          %dma_wait3A_1132 = arith.constant 1 : i32
          %dma_wait3A_1133 = arith.constant 4096 : i32
          %dma_wait3A_1134 = tpu.memref_slice %arg9[%dma_wait3A_1133] : memref<8192xf32, #tpu.memory_space<vmem>> -> memref<4096xf32, #tpu.memory_space<vmem>>
          %dma_wait3A_1135 = tpu.memref_slice %arg4[%add3A_585, %dma_wait3A_1132, %mul3A_1131] : memref<50x2x131072xf32, #tpu.memory_space<hbm>> -> memref<1x1x4096xf32, #tpu.memory_space<hbm>>
          %dma_wait3A_1136 = tpu.memref_squeeze %dma_wait3A_1135 : memref<1x1x4096xf32, #tpu.memory_space<hbm>> -> memref<4096xf32, #tpu.memory_space<hbm>>
          %dma_wait3A_1137 = tpu.memref_slice %arg4[%add3A_585, %dma_wait3A_1132, %mul3A_1131] : memref<50x2x131072xf32, #tpu.memory_space<hbm>> -> memref<1x1x4096xf32, #tpu.memory_space<hbm>>
          %dma_wait3A_1138 = tpu.memref_squeeze %dma_wait3A_1137 : memref<1x1x4096xf32, #tpu.memory_space<hbm>> -> memref<4096xf32, #tpu.memory_space<hbm>>
          %dma_wait3A_1139 = arith.constant 4096 : i32
          %dma_wait3A_1140 = tpu.memref_slice %arg9[%dma_wait3A_1139] : memref<8192xf32, #tpu.memory_space<vmem>> -> memref<4096xf32, #tpu.memory_space<vmem>>
          tpu.wait_dma2 semaphore(%arg14 : memref<!tpu.dma_semaphore, #tpu.memory_space<semaphore_mem>>) src(%dma_wait3A_1140 : memref<4096xf32, #tpu.memory_space<vmem>>) dst(%dma_wait3A_1138 : memref<4096xf32, #tpu.memory_space<hbm>>)
        } else {
        }
        %dma_start3A_1116 = arith.constant 0 : i32
        %dma_start3A_1117 = arith.constant 0 : i32
        %dma_start3A_1118 = tpu.memref_slice %arg3[%dma_start3A_1116, %dma_start3A_1117] : memref<1000000x16xf32, #tpu.memory_space<hbm>> -> memref<1000000x16xf32, #tpu.memory_space<hbm>>
        tpu.enqueue_indirect_dma source(%dma_start3A_1118 : memref<1000000x16xf32, #tpu.memory_space<hbm>>) target(%arg7 : memref<512x16xf32, #tpu.memory_space<vmem>>) offsets(%arg5 : memref<512xi32, #tpu.memory_space<vmem>>) semaphore(%arg12 : memref<!tpu.dma_semaphore, #tpu.memory_space<semaphore_mem>>)
      } else {
      }
      %dma_wait3A_593 = arith.constant 0 : i32
      %dma_wait3A_594 = arith.constant 0 : i32
      %dma_wait3A_595 = tpu.memref_slice %arg3[%dma_wait3A_593, %dma_wait3A_594] : memref<1000000x16xf32, #tpu.memory_space<hbm>> -> memref<1000000x16xf32, #tpu.memory_space<hbm>>
      tpu.wait_indirect_dma semaphore(%arg13 : memref<!tpu.dma_semaphore, #tpu.memory_space<semaphore_mem>>) src(%dma_wait3A_595 : memref<1000000x16xf32, #tpu.memory_space<hbm>>) dst(%arg8 : memref<512x16xf32, #tpu.memory_space<vmem>>)
      %add3A_596 = arith.constant 2 : i32
      %add3A_597 = arith.addi %add3A_585, %add3A_596 : i32
      %lt3A_598 = arith.constant 50 : i32
      %lt3A_599 = arith.cmpi slt, %add3A_597, %lt3A_598 : i32
      %convert_element_type3A_600 = arith.extui %lt3A_599 : i1 to i32
      %cond3A_601 = arith.constant 0 : i32
      %cond3A_602 = arith.cmpi ne, %convert_element_type3A_600, %cond3A_601 : i32
      scf.if %cond3A_602 {
        %add3A_1106 = arith.constant 2 : i32
        %add3A_1107 = arith.addi %add3A_585, %add3A_1106 : i32
        %dma_start3A_1108 = tpu.memref_slice %arg2[%add3A_1107, %mul3A_4] : memref<50x16384xi32, #tpu.memory_space<hbm>> -> memref<1x512xi32, #tpu.memory_space<hbm>>
        %dma_start3A_1109 = tpu.memref_squeeze %dma_start3A_1108 : memref<1x512xi32, #tpu.memory_space<hbm>> -> memref<512xi32, #tpu.memory_space<hbm>>
        %dma_start3A_1110 = tpu.memref_slice %arg2[%add3A_1107, %mul3A_4] : memref<50x16384xi32, #tpu.memory_space<hbm>> -> memref<1x512xi32, #tpu.memory_space<hbm>>
        %dma_start3A_1111 = tpu.memref_squeeze %dma_start3A_1110 : memref<1x512xi32, #tpu.memory_space<hbm>> -> memref<512xi32, #tpu.memory_space<hbm>>
        tpu.enqueue_dma source(%dma_start3A_1111 : memref<512xi32, #tpu.memory_space<hbm>>) target(%arg6 : memref<512xi32, #tpu.memory_space<vmem>>) target_semaphore(%arg11 : memref<!tpu.dma_semaphore, #tpu.memory_space<semaphore_mem>>)
      } else {
      }
      %add3A_603 = arith.constant 0 : i32
      %add3A_604 = vector.broadcast %add3A_603 : i32 to vector<16xi32>
      %add3A_605 = arith.addi %add3A_604, %iota3A : vector<16xi32>
      %ge3A_606 = arith.constant 16 : i32
      %ge3A_607 = vector.broadcast %ge3A_606 : i32 to vector<16xi32>
      %ge3A_608 = arith.cmpi sge, %add3A_605, %ge3A_607 : vector<16xi32>
      %sub3A_609 = arith.constant 16 : i32
      %sub3A_610 = vector.broadcast %sub3A_609 : i32 to vector<16xi32>
      %sub3A_611 = arith.subi %add3A_605, %sub3A_610 : vector<16xi32>
      %select_n3A_612 = arith.select %ge3A_608, %sub3A_611, %add3A_605 : vector<16xi1>, vector<16xi32>
      %shift_right_arithmetic3A_613 = arith.constant 3 : i32
      %shift_right_arithmetic3A_614 = vector.broadcast %shift_right_arithmetic3A_613 : i32 to vector<16xi32>
      %shift_right_arithmetic3A_615 = arith.shrsi %select_n3A_612, %shift_right_arithmetic3A_614 : vector<16xi32>
      %mul3A_616 = arith.constant 4096 : i32
      %mul3A_617 = vector.broadcast %mul3A_616 : i32 to vector<16xi32>
      %mul3A_618 = arith.muli %shift_right_arithmetic3A_615, %mul3A_617 : vector<16xi32>
      %and3A_619 = arith.constant 7 : i32
      %and3A_620 = vector.broadcast %and3A_619 : i32 to vector<16xi32>
      %and3A_621 = arith.andi %select_n3A_612, %and3A_620 : vector<16xi32>
      %mul3A_622 = arith.constant 128 : i32
      %mul3A_623 = vector.broadcast %mul3A_622 : i32 to vector<16xi32>
      %mul3A_624 = arith.muli %and3A_621, %mul3A_623 : vector<16xi32>
      %add3A_625 = arith.addi %mul3A_618, %mul3A_624 : vector<16xi32>
      %scan3A_626 = arith.constant 0 : i32
      %scan3A_627 = arith.constant 0 : i32
      %scan3A_628 = arith.constant 8 : i32
      %scan3A_629 = arith.addi %scan3A_627, %scan3A_628 : i32
      %scan3A_630 = arith.constant 1 : i32
      %scan3A_631 = scf.for %scan3A_1106 = %scan3A_627 to %scan3A_629 step %scan3A_630 iter_args(%scan3A_1107 = %scan3A_626) -> (i32)  : i32 {
        %mul3A_1108 = arith.constant 16 : i32
        %mul3A_1109 = arith.muli %scan3A_1106, %mul3A_1108 : i32
        %add3A_1110 = vector.broadcast %mul3A_1109 : i32 to vector<16xi32>
        %add3A_1111 = arith.addi %add3A_1110, %iota3A : vector<16xi32>
        %add3A_1112 = arith.constant 0 : i32
        %add3A_1113 = vector.broadcast %add3A_1112 : i32 to vector<16xi32>
        %add3A_1114 = arith.addi %add3A_1113, %add3A_1111 : vector<16xi32>
        %gather3A = tpu.vector_load_idx %arg8[%add3A_1114, %select_n3A_612] : memref<512x16xf32, #tpu.memory_space<vmem>>[vector<16xi32>, vector<16xi32>], vector<16xf32>,
        %add3A_1115 = arith.constant 0 : i32
        %add3A_1116 = vector.broadcast %add3A_1115 : i32 to vector<16xi32>
        %add3A_1117 = arith.addi %add3A_625, %add3A_1116 : vector<16xi32>
        %add3A_1118 = arith.addi %add3A_1117, %add3A_1111 : vector<16xi32>
        tpu.vector_store_idx %arg10[%add3A_1118], %gather3A : memref<8192xf32, #tpu.memory_space<vmem>>[vector<16xi32>], vector<16xf32>,
        %add3A_1119 = arith.constant 128 : i32
        %add3A_1120 = vector.broadcast %add3A_1119 : i32 to vector<16xi32>
        %add3A_1121 = arith.addi %add3A_1120, %add3A_1111 : vector<16xi32>
        %gather3A_1122 = tpu.vector_load_idx %arg8[%add3A_1121, %select_n3A_612] : memref<512x16xf32, #tpu.memory_space<vmem>>[vector<16xi32>, vector<16xi32>], vector<16xf32>,
        %add3A_1123 = arith.constant 1024 : i32
        %add3A_1124 = vector.broadcast %add3A_1123 : i32 to vector<16xi32>
        %add3A_1125 = arith.addi %add3A_625, %add3A_1124 : vector<16xi32>
        %add3A_1126 = arith.addi %add3A_1125, %add3A_1111 : vector<16xi32>
        tpu.vector_store_idx %arg10[%add3A_1126], %gather3A_1122 : memref<8192xf32, #tpu.memory_space<vmem>>[vector<16xi32>], vector<16xf32>,
        %add3A_1127 = arith.constant 256 : i32
        %add3A_1128 = vector.broadcast %add3A_1127 : i32 to vector<16xi32>
        %add3A_1129 = arith.addi %add3A_1128, %add3A_1111 : vector<16xi32>
        %gather3A_1130 = tpu.vector_load_idx %arg8[%add3A_1129, %select_n3A_612] : memref<512x16xf32, #tpu.memory_space<vmem>>[vector<16xi32>, vector<16xi32>], vector<16xf32>,
        %add3A_1131 = arith.constant 2048 : i32
        %add3A_1132 = vector.broadcast %add3A_1131 : i32 to vector<16xi32>
        %add3A_1133 = arith.addi %add3A_625, %add3A_1132 : vector<16xi32>
        %add3A_1134 = arith.addi %add3A_1133, %add3A_1111 : vector<16xi32>
        tpu.vector_store_idx %arg10[%add3A_1134], %gather3A_1130 : memref<8192xf32, #tpu.memory_space<vmem>>[vector<16xi32>], vector<16xf32>,
        %add3A_1135 = arith.constant 384 : i32
        %add3A_1136 = vector.broadcast %add3A_1135 : i32 to vector<16xi32>
        %add3A_1137 = arith.addi %add3A_1136, %add3A_1111 : vector<16xi32>
        %gather3A_1138 = tpu.vector_load_idx %arg8[%add3A_1137, %select_n3A_612] : memref<512x16xf32, #tpu.memory_space<vmem>>[vector<16xi32>, vector<16xi32>], vector<16xf32>,
        %add3A_1139 = arith.constant 3072 : i32
        %add3A_1140 = vector.broadcast %add3A_1139 : i32 to vector<16xi32>
        %add3A_1141 = arith.addi %add3A_625, %add3A_1140 : vector<16xi32>
        %add3A_1142 = arith.addi %add3A_1141, %add3A_1111 : vector<16xi32>
        tpu.vector_store_idx %arg10[%add3A_1142], %gather3A_1138 : memref<8192xf32, #tpu.memory_space<vmem>>[vector<16xi32>], vector<16xf32>,
        %scan3A_1143 = arith.constant 0 : i32
        scf.yield %scan3A_1143 : i32
      }
      %scan3A_632 = arith.constant 8 : i32
      %add3A_633 = arith.constant 1 : i32
      %add3A_634 = vector.broadcast %add3A_633 : i32 to vector<16xi32>
      %add3A_635 = arith.addi %add3A_634, %iota3A : vector<16xi32>
      %ge3A_636 = arith.constant 16 : i32
      %ge3A_637 = vector.broadcast %ge3A_636 : i32 to vector<16xi32>
      %ge3A_638 = arith.cmpi sge, %add3A_635, %ge3A_637 : vector<16xi32>
      %sub3A_639 = arith.constant 16 : i32
      %sub3A_640 = vector.broadcast %sub3A_639 : i32 to vector<16xi32>
      %sub3A_641 = arith.subi %add3A_635, %sub3A_640 : vector<16xi32>
      %select_n3A_642 = arith.select %ge3A_638, %sub3A_641, %add3A_635 : vector<16xi1>, vector<16xi32>
      %shift_right_arithmetic3A_643 = arith.constant 3 : i32
      %shift_right_arithmetic3A_644 = vector.broadcast %shift_right_arithmetic3A_643 : i32 to vector<16xi32>
      %shift_right_arithmetic3A_645 = arith.shrsi %select_n3A_642, %shift_right_arithmetic3A_644 : vector<16xi32>
      %mul3A_646 = arith.constant 4096 : i32
      %mul3A_647 = vector.broadcast %mul3A_646 : i32 to vector<16xi32>
      %mul3A_648 = arith.muli %shift_right_arithmetic3A_645, %mul3A_647 : vector<16xi32>
      %and3A_649 = arith.constant 7 : i32
      %and3A_650 = vector.broadcast %and3A_649 : i32 to vector<16xi32>
      %and3A_651 = arith.andi %select_n3A_642, %and3A_650 : vector<16xi32>
      %mul3A_652 = arith.constant 128 : i32
      %mul3A_653 = vector.broadcast %mul3A_652 : i32 to vector<16xi32>
      %mul3A_654 = arith.muli %and3A_651, %mul3A_653 : vector<16xi32>
      %add3A_655 = arith.addi %mul3A_648, %mul3A_654 : vector<16xi32>
      %scan3A_656 = arith.constant 0 : i32
      %scan3A_657 = arith.constant 0 : i32
      %scan3A_658 = arith.constant 8 : i32
      %scan3A_659 = arith.addi %scan3A_657, %scan3A_658 : i32
      %scan3A_660 = arith.constant 1 : i32
      %scan3A_661 = scf.for %scan3A_1106 = %scan3A_657 to %scan3A_659 step %scan3A_660 iter_args(%scan3A_1107 = %scan3A_656) -> (i32)  : i32 {
        %mul3A_1108 = arith.constant 16 : i32
        %mul3A_1109 = arith.muli %scan3A_1106, %mul3A_1108 : i32
        %add3A_1110 = vector.broadcast %mul3A_1109 : i32 to vector<16xi32>
        %add3A_1111 = arith.addi %add3A_1110, %iota3A : vector<16xi32>
        %add3A_1112 = arith.constant 0 : i32
        %add3A_1113 = vector.broadcast %add3A_1112 : i32 to vector<16xi32>
        %add3A_1114 = arith.addi %add3A_1113, %add3A_1111 : vector<16xi32>
        %gather3A = tpu.vector_load_idx %arg8[%add3A_1114, %select_n3A_642] : memref<512x16xf32, #tpu.memory_space<vmem>>[vector<16xi32>, vector<16xi32>], vector<16xf32>,
        %add3A_1115 = arith.constant 0 : i32
        %add3A_1116 = vector.broadcast %add3A_1115 : i32 to vector<16xi32>
        %add3A_1117 = arith.addi %add3A_655, %add3A_1116 : vector<16xi32>
        %add3A_1118 = arith.addi %add3A_1117, %add3A_1111 : vector<16xi32>
        tpu.vector_store_idx %arg10[%add3A_1118], %gather3A : memref<8192xf32, #tpu.memory_space<vmem>>[vector<16xi32>], vector<16xf32>,
        %add3A_1119 = arith.constant 128 : i32
        %add3A_1120 = vector.broadcast %add3A_1119 : i32 to vector<16xi32>
        %add3A_1121 = arith.addi %add3A_1120, %add3A_1111 : vector<16xi32>
        %gather3A_1122 = tpu.vector_load_idx %arg8[%add3A_1121, %select_n3A_642] : memref<512x16xf32, #tpu.memory_space<vmem>>[vector<16xi32>, vector<16xi32>], vector<16xf32>,
        %add3A_1123 = arith.constant 1024 : i32
        %add3A_1124 = vector.broadcast %add3A_1123 : i32 to vector<16xi32>
        %add3A_1125 = arith.addi %add3A_655, %add3A_1124 : vector<16xi32>
        %add3A_1126 = arith.addi %add3A_1125, %add3A_1111 : vector<16xi32>
        tpu.vector_store_idx %arg10[%add3A_1126], %gather3A_1122 : memref<8192xf32, #tpu.memory_space<vmem>>[vector<16xi32>], vector<16xf32>,
        %add3A_1127 = arith.constant 256 : i32
        %add3A_1128 = vector.broadcast %add3A_1127 : i32 to vector<16xi32>
        %add3A_1129 = arith.addi %add3A_1128, %add3A_1111 : vector<16xi32>
        %gather3A_1130 = tpu.vector_load_idx %arg8[%add3A_1129, %select_n3A_642] : memref<512x16xf32, #tpu.memory_space<vmem>>[vector<16xi32>, vector<16xi32>], vector<16xf32>,
        %add3A_1131 = arith.constant 2048 : i32
        %add3A_1132 = vector.broadcast %add3A_1131 : i32 to vector<16xi32>
        %add3A_1133 = arith.addi %add3A_655, %add3A_1132 : vector<16xi32>
        %add3A_1134 = arith.addi %add3A_1133, %add3A_1111 : vector<16xi32>
        tpu.vector_store_idx %arg10[%add3A_1134], %gather3A_1130 : memref<8192xf32, #tpu.memory_space<vmem>>[vector<16xi32>], vector<16xf32>,
        %add3A_1135 = arith.constant 384 : i32
        %add3A_1136 = vector.broadcast %add3A_1135 : i32 to vector<16xi32>
        %add3A_1137 = arith.addi %add3A_1136, %add3A_1111 : vector<16xi32>
        %gather3A_1138 = tpu.vector_load_idx %arg8[%add3A_1137, %select_n3A_642] : memref<512x16xf32, #tpu.memory_space<vmem>>[vector<16xi32>, vector<16xi32>], vector<16xf32>,
        %add3A_1139 = arith.constant 3072 : i32
        %add3A_1140 = vector.broadcast %add3A_1139 : i32 to vector<16xi32>
        %add3A_1141 = arith.addi %add3A_655, %add3A_1140 : vector<16xi32>
        %add3A_1142 = arith.addi %add3A_1141, %add3A_1111 : vector<16xi32>
        tpu.vector_store_idx %arg10[%add3A_1142], %gather3A_1138 : memref<8192xf32, #tpu.memory_space<vmem>>[vector<16xi32>], vector<16xf32>,
        %scan3A_1143 = arith.constant 0 : i32
        scf.yield %scan3A_1143 : i32
      }
      %scan3A_662 = arith.constant 8 : i32
      %add3A_663 = arith.constant 2 : i32
      %add3A_664 = vector.broadcast %add3A_663 : i32 to vector<16xi32>
      %add3A_665 = arith.addi %add3A_664, %iota3A : vector<16xi32>
      %ge3A_666 = arith.constant 16 : i32
      %ge3A_667 = vector.broadcast %ge3A_666 : i32 to vector<16xi32>
      %ge3A_668 = arith.cmpi sge, %add3A_665, %ge3A_667 : vector<16xi32>
      %sub3A_669 = arith.constant 16 : i32
      %sub3A_670 = vector.broadcast %sub3A_669 : i32 to vector<16xi32>
      %sub3A_671 = arith.subi %add3A_665, %sub3A_670 : vector<16xi32>
      %select_n3A_672 = arith.select %ge3A_668, %sub3A_671, %add3A_665 : vector<16xi1>, vector<16xi32>
      %shift_right_arithmetic3A_673 = arith.constant 3 : i32
      %shift_right_arithmetic3A_674 = vector.broadcast %shift_right_arithmetic3A_673 : i32 to vector<16xi32>
      %shift_right_arithmetic3A_675 = arith.shrsi %select_n3A_672, %shift_right_arithmetic3A_674 : vector<16xi32>
      %mul3A_676 = arith.constant 4096 : i32
      %mul3A_677 = vector.broadcast %mul3A_676 : i32 to vector<16xi32>
      %mul3A_678 = arith.muli %shift_right_arithmetic3A_675, %mul3A_677 : vector<16xi32>
      %and3A_679 = arith.constant 7 : i32
      %and3A_680 = vector.broadcast %and3A_679 : i32 to vector<16xi32>
      %and3A_681 = arith.andi %select_n3A_672, %and3A_680 : vector<16xi32>
      %mul3A_682 = arith.constant 128 : i32
      %mul3A_683 = vector.broadcast %mul3A_682 : i32 to vector<16xi32>
      %mul3A_684 = arith.muli %and3A_681, %mul3A_683 : vector<16xi32>
      %add3A_685 = arith.addi %mul3A_678, %mul3A_684 : vector<16xi32>
      %scan3A_686 = arith.constant 0 : i32
      %scan3A_687 = arith.constant 0 : i32
      %scan3A_688 = arith.constant 8 : i32
      %scan3A_689 = arith.addi %scan3A_687, %scan3A_688 : i32
      %scan3A_690 = arith.constant 1 : i32
      %scan3A_691 = scf.for %scan3A_1106 = %scan3A_687 to %scan3A_689 step %scan3A_690 iter_args(%scan3A_1107 = %scan3A_686) -> (i32)  : i32 {
        %mul3A_1108 = arith.constant 16 : i32
        %mul3A_1109 = arith.muli %scan3A_1106, %mul3A_1108 : i32
        %add3A_1110 = vector.broadcast %mul3A_1109 : i32 to vector<16xi32>
        %add3A_1111 = arith.addi %add3A_1110, %iota3A : vector<16xi32>
        %add3A_1112 = arith.constant 0 : i32
        %add3A_1113 = vector.broadcast %add3A_1112 : i32 to vector<16xi32>
        %add3A_1114 = arith.addi %add3A_1113, %add3A_1111 : vector<16xi32>
        %gather3A = tpu.vector_load_idx %arg8[%add3A_1114, %select_n3A_672] : memref<512x16xf32, #tpu.memory_space<vmem>>[vector<16xi32>, vector<16xi32>], vector<16xf32>,
        %add3A_1115 = arith.constant 0 : i32
        %add3A_1116 = vector.broadcast %add3A_1115 : i32 to vector<16xi32>
        %add3A_1117 = arith.addi %add3A_685, %add3A_1116 : vector<16xi32>
        %add3A_1118 = arith.addi %add3A_1117, %add3A_1111 : vector<16xi32>
        tpu.vector_store_idx %arg10[%add3A_1118], %gather3A : memref<8192xf32, #tpu.memory_space<vmem>>[vector<16xi32>], vector<16xf32>,
        %add3A_1119 = arith.constant 128 : i32
        %add3A_1120 = vector.broadcast %add3A_1119 : i32 to vector<16xi32>
        %add3A_1121 = arith.addi %add3A_1120, %add3A_1111 : vector<16xi32>
        %gather3A_1122 = tpu.vector_load_idx %arg8[%add3A_1121, %select_n3A_672] : memref<512x16xf32, #tpu.memory_space<vmem>>[vector<16xi32>, vector<16xi32>], vector<16xf32>,
        %add3A_1123 = arith.constant 1024 : i32
        %add3A_1124 = vector.broadcast %add3A_1123 : i32 to vector<16xi32>
        %add3A_1125 = arith.addi %add3A_685, %add3A_1124 : vector<16xi32>
        %add3A_1126 = arith.addi %add3A_1125, %add3A_1111 : vector<16xi32>
        tpu.vector_store_idx %arg10[%add3A_1126], %gather3A_1122 : memref<8192xf32, #tpu.memory_space<vmem>>[vector<16xi32>], vector<16xf32>,
        %add3A_1127 = arith.constant 256 : i32
        %add3A_1128 = vector.broadcast %add3A_1127 : i32 to vector<16xi32>
        %add3A_1129 = arith.addi %add3A_1128, %add3A_1111 : vector<16xi32>
        %gather3A_1130 = tpu.vector_load_idx %arg8[%add3A_1129, %select_n3A_672] : memref<512x16xf32, #tpu.memory_space<vmem>>[vector<16xi32>, vector<16xi32>], vector<16xf32>,
        %add3A_1131 = arith.constant 2048 : i32
        %add3A_1132 = vector.broadcast %add3A_1131 : i32 to vector<16xi32>
        %add3A_1133 = arith.addi %add3A_685, %add3A_1132 : vector<16xi32>
        %add3A_1134 = arith.addi %add3A_1133, %add3A_1111 : vector<16xi32>
        tpu.vector_store_idx %arg10[%add3A_1134], %gather3A_1130 : memref<8192xf32, #tpu.memory_space<vmem>>[vector<16xi32>], vector<16xf32>,
        %add3A_1135 = arith.constant 384 : i32
        %add3A_1136 = vector.broadcast %add3A_1135 : i32 to vector<16xi32>
        %add3A_1137 = arith.addi %add3A_1136, %add3A_1111 : vector<16xi32>
        %gather3A_1138 = tpu.vector_load_idx %arg8[%add3A_1137, %select_n3A_672] : memref<512x16xf32, #tpu.memory_space<vmem>>[vector<16xi32>, vector<16xi32>], vector<16xf32>,
        %add3A_1139 = arith.constant 3072 : i32
        %add3A_1140 = vector.broadcast %add3A_1139 : i32 to vector<16xi32>
        %add3A_1141 = arith.addi %add3A_685, %add3A_1140 : vector<16xi32>
        %add3A_1142 = arith.addi %add3A_1141, %add3A_1111 : vector<16xi32>
        tpu.vector_store_idx %arg10[%add3A_1142], %gather3A_1138 : memref<8192xf32, #tpu.memory_space<vmem>>[vector<16xi32>], vector<16xf32>,
        %scan3A_1143 = arith.constant 0 : i32
        scf.yield %scan3A_1143 : i32
      }
      %scan3A_692 = arith.constant 8 : i32
      %add3A_693 = arith.constant 3 : i32
      %add3A_694 = vector.broadcast %add3A_693 : i32 to vector<16xi32>
      %add3A_695 = arith.addi %add3A_694, %iota3A : vector<16xi32>
      %ge3A_696 = arith.constant 16 : i32
      %ge3A_697 = vector.broadcast %ge3A_696 : i32 to vector<16xi32>
      %ge3A_698 = arith.cmpi sge, %add3A_695, %ge3A_697 : vector<16xi32>
      %sub3A_699 = arith.constant 16 : i32
      %sub3A_700 = vector.broadcast %sub3A_699 : i32 to vector<16xi32>
      %sub3A_701 = arith.subi %add3A_695, %sub3A_700 : vector<16xi32>
      %select_n3A_702 = arith.select %ge3A_698, %sub3A_701, %add3A_695 : vector<16xi1>, vector<16xi32>
      %shift_right_arithmetic3A_703 = arith.constant 3 : i32
      %shift_right_arithmetic3A_704 = vector.broadcast %shift_right_arithmetic3A_703 : i32 to vector<16xi32>
      %shift_right_arithmetic3A_705 = arith.shrsi %select_n3A_702, %shift_right_arithmetic3A_704 : vector<16xi32>
      %mul3A_706 = arith.constant 4096 : i32
      %mul3A_707 = vector.broadcast %mul3A_706 : i32 to vector<16xi32>
      %mul3A_708 = arith.muli %shift_right_arithmetic3A_705, %mul3A_707 : vector<16xi32>
      %and3A_709 = arith.constant 7 : i32
      %and3A_710 = vector.broadcast %and3A_709 : i32 to vector<16xi32>
      %and3A_711 = arith.andi %select_n3A_702, %and3A_710 : vector<16xi32>
      %mul3A_712 = arith.constant 128 : i32
      %mul3A_713 = vector.broadcast %mul3A_712 : i32 to vector<16xi32>
      %mul3A_714 = arith.muli %and3A_711, %mul3A_713 : vector<16xi32>
      %add3A_715 = arith.addi %mul3A_708, %mul3A_714 : vector<16xi32>
      %scan3A_716 = arith.constant 0 : i32
      %scan3A_717 = arith.constant 0 : i32
      %scan3A_718 = arith.constant 8 : i32
      %scan3A_719 = arith.addi %scan3A_717, %scan3A_718 : i32
      %scan3A_720 = arith.constant 1 : i32
      %scan3A_721 = scf.for %scan3A_1106 = %scan3A_717 to %scan3A_719 step %scan3A_720 iter_args(%scan3A_1107 = %scan3A_716) -> (i32)  : i32 {
        %mul3A_1108 = arith.constant 16 : i32
        %mul3A_1109 = arith.muli %scan3A_1106, %mul3A_1108 : i32
        %add3A_1110 = vector.broadcast %mul3A_1109 : i32 to vector<16xi32>
        %add3A_1111 = arith.addi %add3A_1110, %iota3A : vector<16xi32>
        %add3A_1112 = arith.constant 0 : i32
        %add3A_1113 = vector.broadcast %add3A_1112 : i32 to vector<16xi32>
        %add3A_1114 = arith.addi %add3A_1113, %add3A_1111 : vector<16xi32>
        %gather3A = tpu.vector_load_idx %arg8[%add3A_1114, %select_n3A_702] : memref<512x16xf32, #tpu.memory_space<vmem>>[vector<16xi32>, vector<16xi32>], vector<16xf32>,
        %add3A_1115 = arith.constant 0 : i32
        %add3A_1116 = vector.broadcast %add3A_1115 : i32 to vector<16xi32>
        %add3A_1117 = arith.addi %add3A_715, %add3A_1116 : vector<16xi32>
        %add3A_1118 = arith.addi %add3A_1117, %add3A_1111 : vector<16xi32>
        tpu.vector_store_idx %arg10[%add3A_1118], %gather3A : memref<8192xf32, #tpu.memory_space<vmem>>[vector<16xi32>], vector<16xf32>,
        %add3A_1119 = arith.constant 128 : i32
        %add3A_1120 = vector.broadcast %add3A_1119 : i32 to vector<16xi32>
        %add3A_1121 = arith.addi %add3A_1120, %add3A_1111 : vector<16xi32>
        %gather3A_1122 = tpu.vector_load_idx %arg8[%add3A_1121, %select_n3A_702] : memref<512x16xf32, #tpu.memory_space<vmem>>[vector<16xi32>, vector<16xi32>], vector<16xf32>,
        %add3A_1123 = arith.constant 1024 : i32
        %add3A_1124 = vector.broadcast %add3A_1123 : i32 to vector<16xi32>
        %add3A_1125 = arith.addi %add3A_715, %add3A_1124 : vector<16xi32>
        %add3A_1126 = arith.addi %add3A_1125, %add3A_1111 : vector<16xi32>
        tpu.vector_store_idx %arg10[%add3A_1126], %gather3A_1122 : memref<8192xf32, #tpu.memory_space<vmem>>[vector<16xi32>], vector<16xf32>,
        %add3A_1127 = arith.constant 256 : i32
        %add3A_1128 = vector.broadcast %add3A_1127 : i32 to vector<16xi32>
        %add3A_1129 = arith.addi %add3A_1128, %add3A_1111 : vector<16xi32>
        %gather3A_1130 = tpu.vector_load_idx %arg8[%add3A_1129, %select_n3A_702] : memref<512x16xf32, #tpu.memory_space<vmem>>[vector<16xi32>, vector<16xi32>], vector<16xf32>,
        %add3A_1131 = arith.constant 2048 : i32
        %add3A_1132 = vector.broadcast %add3A_1131 : i32 to vector<16xi32>
        %add3A_1133 = arith.addi %add3A_715, %add3A_1132 : vector<16xi32>
        %add3A_1134 = arith.addi %add3A_1133, %add3A_1111 : vector<16xi32>
        tpu.vector_store_idx %arg10[%add3A_1134], %gather3A_1130 : memref<8192xf32, #tpu.memory_space<vmem>>[vector<16xi32>], vector<16xf32>,
        %add3A_1135 = arith.constant 384 : i32
        %add3A_1136 = vector.broadcast %add3A_1135 : i32 to vector<16xi32>
        %add3A_1137 = arith.addi %add3A_1136, %add3A_1111 : vector<16xi32>
        %gather3A_1138 = tpu.vector_load_idx %arg8[%add3A_1137, %select_n3A_702] : memref<512x16xf32, #tpu.memory_space<vmem>>[vector<16xi32>, vector<16xi32>], vector<16xf32>,
        %add3A_1139 = arith.constant 3072 : i32
        %add3A_1140 = vector.broadcast %add3A_1139 : i32 to vector<16xi32>
        %add3A_1141 = arith.addi %add3A_715, %add3A_1140 : vector<16xi32>
        %add3A_1142 = arith.addi %add3A_1141, %add3A_1111 : vector<16xi32>
        tpu.vector_store_idx %arg10[%add3A_1142], %gather3A_1138 : memref<8192xf32, #tpu.memory_space<vmem>>[vector<16xi32>], vector<16xf32>,
        %scan3A_1143 = arith.constant 0 : i32
        scf.yield %scan3A_1143 : i32
      }
      %scan3A_722 = arith.constant 8 : i32
      %add3A_723 = arith.constant 4 : i32
      %add3A_724 = vector.broadcast %add3A_723 : i32 to vector<16xi32>
      %add3A_725 = arith.addi %add3A_724, %iota3A : vector<16xi32>
      %ge3A_726 = arith.constant 16 : i32
      %ge3A_727 = vector.broadcast %ge3A_726 : i32 to vector<16xi32>
      %ge3A_728 = arith.cmpi sge, %add3A_725, %ge3A_727 : vector<16xi32>
      %sub3A_729 = arith.constant 16 : i32
      %sub3A_730 = vector.broadcast %sub3A_729 : i32 to vector<16xi32>
      %sub3A_731 = arith.subi %add3A_725, %sub3A_730 : vector<16xi32>
      %select_n3A_732 = arith.select %ge3A_728, %sub3A_731, %add3A_725 : vector<16xi1>, vector<16xi32>
      %shift_right_arithmetic3A_733 = arith.constant 3 : i32
      %shift_right_arithmetic3A_734 = vector.broadcast %shift_right_arithmetic3A_733 : i32 to vector<16xi32>
      %shift_right_arithmetic3A_735 = arith.shrsi %select_n3A_732, %shift_right_arithmetic3A_734 : vector<16xi32>
      %mul3A_736 = arith.constant 4096 : i32
      %mul3A_737 = vector.broadcast %mul3A_736 : i32 to vector<16xi32>
      %mul3A_738 = arith.muli %shift_right_arithmetic3A_735, %mul3A_737 : vector<16xi32>
      %and3A_739 = arith.constant 7 : i32
      %and3A_740 = vector.broadcast %and3A_739 : i32 to vector<16xi32>
      %and3A_741 = arith.andi %select_n3A_732, %and3A_740 : vector<16xi32>
      %mul3A_742 = arith.constant 128 : i32
      %mul3A_743 = vector.broadcast %mul3A_742 : i32 to vector<16xi32>
      %mul3A_744 = arith.muli %and3A_741, %mul3A_743 : vector<16xi32>
      %add3A_745 = arith.addi %mul3A_738, %mul3A_744 : vector<16xi32>
      %scan3A_746 = arith.constant 0 : i32
      %scan3A_747 = arith.constant 0 : i32
      %scan3A_748 = arith.constant 8 : i32
      %scan3A_749 = arith.addi %scan3A_747, %scan3A_748 : i32
      %scan3A_750 = arith.constant 1 : i32
      %scan3A_751 = scf.for %scan3A_1106 = %scan3A_747 to %scan3A_749 step %scan3A_750 iter_args(%scan3A_1107 = %scan3A_746) -> (i32)  : i32 {
        %mul3A_1108 = arith.constant 16 : i32
        %mul3A_1109 = arith.muli %scan3A_1106, %mul3A_1108 : i32
        %add3A_1110 = vector.broadcast %mul3A_1109 : i32 to vector<16xi32>
        %add3A_1111 = arith.addi %add3A_1110, %iota3A : vector<16xi32>
        %add3A_1112 = arith.constant 0 : i32
        %add3A_1113 = vector.broadcast %add3A_1112 : i32 to vector<16xi32>
        %add3A_1114 = arith.addi %add3A_1113, %add3A_1111 : vector<16xi32>
        %gather3A = tpu.vector_load_idx %arg8[%add3A_1114, %select_n3A_732] : memref<512x16xf32, #tpu.memory_space<vmem>>[vector<16xi32>, vector<16xi32>], vector<16xf32>,
        %add3A_1115 = arith.constant 0 : i32
        %add3A_1116 = vector.broadcast %add3A_1115 : i32 to vector<16xi32>
        %add3A_1117 = arith.addi %add3A_745, %add3A_1116 : vector<16xi32>
        %add3A_1118 = arith.addi %add3A_1117, %add3A_1111 : vector<16xi32>
        tpu.vector_store_idx %arg10[%add3A_1118], %gather3A : memref<8192xf32, #tpu.memory_space<vmem>>[vector<16xi32>], vector<16xf32>,
        %add3A_1119 = arith.constant 128 : i32
        %add3A_1120 = vector.broadcast %add3A_1119 : i32 to vector<16xi32>
        %add3A_1121 = arith.addi %add3A_1120, %add3A_1111 : vector<16xi32>
        %gather3A_1122 = tpu.vector_load_idx %arg8[%add3A_1121, %select_n3A_732] : memref<512x16xf32, #tpu.memory_space<vmem>>[vector<16xi32>, vector<16xi32>], vector<16xf32>,
        %add3A_1123 = arith.constant 1024 : i32
        %add3A_1124 = vector.broadcast %add3A_1123 : i32 to vector<16xi32>
        %add3A_1125 = arith.addi %add3A_745, %add3A_1124 : vector<16xi32>
        %add3A_1126 = arith.addi %add3A_1125, %add3A_1111 : vector<16xi32>
        tpu.vector_store_idx %arg10[%add3A_1126], %gather3A_1122 : memref<8192xf32, #tpu.memory_space<vmem>>[vector<16xi32>], vector<16xf32>,
        %add3A_1127 = arith.constant 256 : i32
        %add3A_1128 = vector.broadcast %add3A_1127 : i32 to vector<16xi32>
        %add3A_1129 = arith.addi %add3A_1128, %add3A_1111 : vector<16xi32>
        %gather3A_1130 = tpu.vector_load_idx %arg8[%add3A_1129, %select_n3A_732] : memref<512x16xf32, #tpu.memory_space<vmem>>[vector<16xi32>, vector<16xi32>], vector<16xf32>,
        %add3A_1131 = arith.constant 2048 : i32
        %add3A_1132 = vector.broadcast %add3A_1131 : i32 to vector<16xi32>
        %add3A_1133 = arith.addi %add3A_745, %add3A_1132 : vector<16xi32>
        %add3A_1134 = arith.addi %add3A_1133, %add3A_1111 : vector<16xi32>
        tpu.vector_store_idx %arg10[%add3A_1134], %gather3A_1130 : memref<8192xf32, #tpu.memory_space<vmem>>[vector<16xi32>], vector<16xf32>,
        %add3A_1135 = arith.constant 384 : i32
        %add3A_1136 = vector.broadcast %add3A_1135 : i32 to vector<16xi32>
        %add3A_1137 = arith.addi %add3A_1136, %add3A_1111 : vector<16xi32>
        %gather3A_1138 = tpu.vector_load_idx %arg8[%add3A_1137, %select_n3A_732] : memref<512x16xf32, #tpu.memory_space<vmem>>[vector<16xi32>, vector<16xi32>], vector<16xf32>,
        %add3A_1139 = arith.constant 3072 : i32
        %add3A_1140 = vector.broadcast %add3A_1139 : i32 to vector<16xi32>
        %add3A_1141 = arith.addi %add3A_745, %add3A_1140 : vector<16xi32>
        %add3A_1142 = arith.addi %add3A_1141, %add3A_1111 : vector<16xi32>
        tpu.vector_store_idx %arg10[%add3A_1142], %gather3A_1138 : memref<8192xf32, #tpu.memory_space<vmem>>[vector<16xi32>], vector<16xf32>,
        %scan3A_1143 = arith.constant 0 : i32
        scf.yield %scan3A_1143 : i32
      }
      %scan3A_752 = arith.constant 8 : i32
      %add3A_753 = arith.constant 5 : i32
      %add3A_754 = vector.broadcast %add3A_753 : i32 to vector<16xi32>
      %add3A_755 = arith.addi %add3A_754, %iota3A : vector<16xi32>
      %ge3A_756 = arith.constant 16 : i32
      %ge3A_757 = vector.broadcast %ge3A_756 : i32 to vector<16xi32>
      %ge3A_758 = arith.cmpi sge, %add3A_755, %ge3A_757 : vector<16xi32>
      %sub3A_759 = arith.constant 16 : i32
      %sub3A_760 = vector.broadcast %sub3A_759 : i32 to vector<16xi32>
      %sub3A_761 = arith.subi %add3A_755, %sub3A_760 : vector<16xi32>
      %select_n3A_762 = arith.select %ge3A_758, %sub3A_761, %add3A_755 : vector<16xi1>, vector<16xi32>
      %shift_right_arithmetic3A_763 = arith.constant 3 : i32
      %shift_right_arithmetic3A_764 = vector.broadcast %shift_right_arithmetic3A_763 : i32 to vector<16xi32>
      %shift_right_arithmetic3A_765 = arith.shrsi %select_n3A_762, %shift_right_arithmetic3A_764 : vector<16xi32>
      %mul3A_766 = arith.constant 4096 : i32
      %mul3A_767 = vector.broadcast %mul3A_766 : i32 to vector<16xi32>
      %mul3A_768 = arith.muli %shift_right_arithmetic3A_765, %mul3A_767 : vector<16xi32>
      %and3A_769 = arith.constant 7 : i32
      %and3A_770 = vector.broadcast %and3A_769 : i32 to vector<16xi32>
      %and3A_771 = arith.andi %select_n3A_762, %and3A_770 : vector<16xi32>
      %mul3A_772 = arith.constant 128 : i32
      %mul3A_773 = vector.broadcast %mul3A_772 : i32 to vector<16xi32>
      %mul3A_774 = arith.muli %and3A_771, %mul3A_773 : vector<16xi32>
      %add3A_775 = arith.addi %mul3A_768, %mul3A_774 : vector<16xi32>
      %scan3A_776 = arith.constant 0 : i32
      %scan3A_777 = arith.constant 0 : i32
      %scan3A_778 = arith.constant 8 : i32
      %scan3A_779 = arith.addi %scan3A_777, %scan3A_778 : i32
      %scan3A_780 = arith.constant 1 : i32
      %scan3A_781 = scf.for %scan3A_1106 = %scan3A_777 to %scan3A_779 step %scan3A_780 iter_args(%scan3A_1107 = %scan3A_776) -> (i32)  : i32 {
        %mul3A_1108 = arith.constant 16 : i32
        %mul3A_1109 = arith.muli %scan3A_1106, %mul3A_1108 : i32
        %add3A_1110 = vector.broadcast %mul3A_1109 : i32 to vector<16xi32>
        %add3A_1111 = arith.addi %add3A_1110, %iota3A : vector<16xi32>
        %add3A_1112 = arith.constant 0 : i32
        %add3A_1113 = vector.broadcast %add3A_1112 : i32 to vector<16xi32>
        %add3A_1114 = arith.addi %add3A_1113, %add3A_1111 : vector<16xi32>
        %gather3A = tpu.vector_load_idx %arg8[%add3A_1114, %select_n3A_762] : memref<512x16xf32, #tpu.memory_space<vmem>>[vector<16xi32>, vector<16xi32>], vector<16xf32>,
        %add3A_1115 = arith.constant 0 : i32
        %add3A_1116 = vector.broadcast %add3A_1115 : i32 to vector<16xi32>
        %add3A_1117 = arith.addi %add3A_775, %add3A_1116 : vector<16xi32>
        %add3A_1118 = arith.addi %add3A_1117, %add3A_1111 : vector<16xi32>
        tpu.vector_store_idx %arg10[%add3A_1118], %gather3A : memref<8192xf32, #tpu.memory_space<vmem>>[vector<16xi32>], vector<16xf32>,
        %add3A_1119 = arith.constant 128 : i32
        %add3A_1120 = vector.broadcast %add3A_1119 : i32 to vector<16xi32>
        %add3A_1121 = arith.addi %add3A_1120, %add3A_1111 : vector<16xi32>
        %gather3A_1122 = tpu.vector_load_idx %arg8[%add3A_1121, %select_n3A_762] : memref<512x16xf32, #tpu.memory_space<vmem>>[vector<16xi32>, vector<16xi32>], vector<16xf32>,
        %add3A_1123 = arith.constant 1024 : i32
        %add3A_1124 = vector.broadcast %add3A_1123 : i32 to vector<16xi32>
        %add3A_1125 = arith.addi %add3A_775, %add3A_1124 : vector<16xi32>
        %add3A_1126 = arith.addi %add3A_1125, %add3A_1111 : vector<16xi32>
        tpu.vector_store_idx %arg10[%add3A_1126], %gather3A_1122 : memref<8192xf32, #tpu.memory_space<vmem>>[vector<16xi32>], vector<16xf32>,
        %add3A_1127 = arith.constant 256 : i32
        %add3A_1128 = vector.broadcast %add3A_1127 : i32 to vector<16xi32>
        %add3A_1129 = arith.addi %add3A_1128, %add3A_1111 : vector<16xi32>
        %gather3A_1130 = tpu.vector_load_idx %arg8[%add3A_1129, %select_n3A_762] : memref<512x16xf32, #tpu.memory_space<vmem>>[vector<16xi32>, vector<16xi32>], vector<16xf32>,
        %add3A_1131 = arith.constant 2048 : i32
        %add3A_1132 = vector.broadcast %add3A_1131 : i32 to vector<16xi32>
        %add3A_1133 = arith.addi %add3A_775, %add3A_1132 : vector<16xi32>
        %add3A_1134 = arith.addi %add3A_1133, %add3A_1111 : vector<16xi32>
        tpu.vector_store_idx %arg10[%add3A_1134], %gather3A_1130 : memref<8192xf32, #tpu.memory_space<vmem>>[vector<16xi32>], vector<16xf32>,
        %add3A_1135 = arith.constant 384 : i32
        %add3A_1136 = vector.broadcast %add3A_1135 : i32 to vector<16xi32>
        %add3A_1137 = arith.addi %add3A_1136, %add3A_1111 : vector<16xi32>
        %gather3A_1138 = tpu.vector_load_idx %arg8[%add3A_1137, %select_n3A_762] : memref<512x16xf32, #tpu.memory_space<vmem>>[vector<16xi32>, vector<16xi32>], vector<16xf32>,
        %add3A_1139 = arith.constant 3072 : i32
        %add3A_1140 = vector.broadcast %add3A_1139 : i32 to vector<16xi32>
        %add3A_1141 = arith.addi %add3A_775, %add3A_1140 : vector<16xi32>
        %add3A_1142 = arith.addi %add3A_1141, %add3A_1111 : vector<16xi32>
        tpu.vector_store_idx %arg10[%add3A_1142], %gather3A_1138 : memref<8192xf32, #tpu.memory_space<vmem>>[vector<16xi32>], vector<16xf32>,
        %scan3A_1143 = arith.constant 0 : i32
        scf.yield %scan3A_1143 : i32
      }
      %scan3A_782 = arith.constant 8 : i32
      %add3A_783 = arith.constant 6 : i32
      %add3A_784 = vector.broadcast %add3A_783 : i32 to vector<16xi32>
      %add3A_785 = arith.addi %add3A_784, %iota3A : vector<16xi32>
      %ge3A_786 = arith.constant 16 : i32
      %ge3A_787 = vector.broadcast %ge3A_786 : i32 to vector<16xi32>
      %ge3A_788 = arith.cmpi sge, %add3A_785, %ge3A_787 : vector<16xi32>
      %sub3A_789 = arith.constant 16 : i32
      %sub3A_790 = vector.broadcast %sub3A_789 : i32 to vector<16xi32>
      %sub3A_791 = arith.subi %add3A_785, %sub3A_790 : vector<16xi32>
      %select_n3A_792 = arith.select %ge3A_788, %sub3A_791, %add3A_785 : vector<16xi1>, vector<16xi32>
      %shift_right_arithmetic3A_793 = arith.constant 3 : i32
      %shift_right_arithmetic3A_794 = vector.broadcast %shift_right_arithmetic3A_793 : i32 to vector<16xi32>
      %shift_right_arithmetic3A_795 = arith.shrsi %select_n3A_792, %shift_right_arithmetic3A_794 : vector<16xi32>
      %mul3A_796 = arith.constant 4096 : i32
      %mul3A_797 = vector.broadcast %mul3A_796 : i32 to vector<16xi32>
      %mul3A_798 = arith.muli %shift_right_arithmetic3A_795, %mul3A_797 : vector<16xi32>
      %and3A_799 = arith.constant 7 : i32
      %and3A_800 = vector.broadcast %and3A_799 : i32 to vector<16xi32>
      %and3A_801 = arith.andi %select_n3A_792, %and3A_800 : vector<16xi32>
      %mul3A_802 = arith.constant 128 : i32
      %mul3A_803 = vector.broadcast %mul3A_802 : i32 to vector<16xi32>
      %mul3A_804 = arith.muli %and3A_801, %mul3A_803 : vector<16xi32>
      %add3A_805 = arith.addi %mul3A_798, %mul3A_804 : vector<16xi32>
      %scan3A_806 = arith.constant 0 : i32
      %scan3A_807 = arith.constant 0 : i32
      %scan3A_808 = arith.constant 8 : i32
      %scan3A_809 = arith.addi %scan3A_807, %scan3A_808 : i32
      %scan3A_810 = arith.constant 1 : i32
      %scan3A_811 = scf.for %scan3A_1106 = %scan3A_807 to %scan3A_809 step %scan3A_810 iter_args(%scan3A_1107 = %scan3A_806) -> (i32)  : i32 {
        %mul3A_1108 = arith.constant 16 : i32
        %mul3A_1109 = arith.muli %scan3A_1106, %mul3A_1108 : i32
        %add3A_1110 = vector.broadcast %mul3A_1109 : i32 to vector<16xi32>
        %add3A_1111 = arith.addi %add3A_1110, %iota3A : vector<16xi32>
        %add3A_1112 = arith.constant 0 : i32
        %add3A_1113 = vector.broadcast %add3A_1112 : i32 to vector<16xi32>
        %add3A_1114 = arith.addi %add3A_1113, %add3A_1111 : vector<16xi32>
        %gather3A = tpu.vector_load_idx %arg8[%add3A_1114, %select_n3A_792] : memref<512x16xf32, #tpu.memory_space<vmem>>[vector<16xi32>, vector<16xi32>], vector<16xf32>,
        %add3A_1115 = arith.constant 0 : i32
        %add3A_1116 = vector.broadcast %add3A_1115 : i32 to vector<16xi32>
        %add3A_1117 = arith.addi %add3A_805, %add3A_1116 : vector<16xi32>
        %add3A_1118 = arith.addi %add3A_1117, %add3A_1111 : vector<16xi32>
        tpu.vector_store_idx %arg10[%add3A_1118], %gather3A : memref<8192xf32, #tpu.memory_space<vmem>>[vector<16xi32>], vector<16xf32>,
        %add3A_1119 = arith.constant 128 : i32
        %add3A_1120 = vector.broadcast %add3A_1119 : i32 to vector<16xi32>
        %add3A_1121 = arith.addi %add3A_1120, %add3A_1111 : vector<16xi32>
        %gather3A_1122 = tpu.vector_load_idx %arg8[%add3A_1121, %select_n3A_792] : memref<512x16xf32, #tpu.memory_space<vmem>>[vector<16xi32>, vector<16xi32>], vector<16xf32>,
        %add3A_1123 = arith.constant 1024 : i32
        %add3A_1124 = vector.broadcast %add3A_1123 : i32 to vector<16xi32>
        %add3A_1125 = arith.addi %add3A_805, %add3A_1124 : vector<16xi32>
        %add3A_1126 = arith.addi %add3A_1125, %add3A_1111 : vector<16xi32>
        tpu.vector_store_idx %arg10[%add3A_1126], %gather3A_1122 : memref<8192xf32, #tpu.memory_space<vmem>>[vector<16xi32>], vector<16xf32>,
        %add3A_1127 = arith.constant 256 : i32
        %add3A_1128 = vector.broadcast %add3A_1127 : i32 to vector<16xi32>
        %add3A_1129 = arith.addi %add3A_1128, %add3A_1111 : vector<16xi32>
        %gather3A_1130 = tpu.vector_load_idx %arg8[%add3A_1129, %select_n3A_792] : memref<512x16xf32, #tpu.memory_space<vmem>>[vector<16xi32>, vector<16xi32>], vector<16xf32>,
        %add3A_1131 = arith.constant 2048 : i32
        %add3A_1132 = vector.broadcast %add3A_1131 : i32 to vector<16xi32>
        %add3A_1133 = arith.addi %add3A_805, %add3A_1132 : vector<16xi32>
        %add3A_1134 = arith.addi %add3A_1133, %add3A_1111 : vector<16xi32>
        tpu.vector_store_idx %arg10[%add3A_1134], %gather3A_1130 : memref<8192xf32, #tpu.memory_space<vmem>>[vector<16xi32>], vector<16xf32>,
        %add3A_1135 = arith.constant 384 : i32
        %add3A_1136 = vector.broadcast %add3A_1135 : i32 to vector<16xi32>
        %add3A_1137 = arith.addi %add3A_1136, %add3A_1111 : vector<16xi32>
        %gather3A_1138 = tpu.vector_load_idx %arg8[%add3A_1137, %select_n3A_792] : memref<512x16xf32, #tpu.memory_space<vmem>>[vector<16xi32>, vector<16xi32>], vector<16xf32>,
        %add3A_1139 = arith.constant 3072 : i32
        %add3A_1140 = vector.broadcast %add3A_1139 : i32 to vector<16xi32>
        %add3A_1141 = arith.addi %add3A_805, %add3A_1140 : vector<16xi32>
        %add3A_1142 = arith.addi %add3A_1141, %add3A_1111 : vector<16xi32>
        tpu.vector_store_idx %arg10[%add3A_1142], %gather3A_1138 : memref<8192xf32, #tpu.memory_space<vmem>>[vector<16xi32>], vector<16xf32>,
        %scan3A_1143 = arith.constant 0 : i32
        scf.yield %scan3A_1143 : i32
      }
      %scan3A_812 = arith.constant 8 : i32
      %add3A_813 = arith.constant 7 : i32
      %add3A_814 = vector.broadcast %add3A_813 : i32 to vector<16xi32>
      %add3A_815 = arith.addi %add3A_814, %iota3A : vector<16xi32>
      %ge3A_816 = arith.constant 16 : i32
      %ge3A_817 = vector.broadcast %ge3A_816 : i32 to vector<16xi32>
      %ge3A_818 = arith.cmpi sge, %add3A_815, %ge3A_817 : vector<16xi32>
      %sub3A_819 = arith.constant 16 : i32
      %sub3A_820 = vector.broadcast %sub3A_819 : i32 to vector<16xi32>
      %sub3A_821 = arith.subi %add3A_815, %sub3A_820 : vector<16xi32>
      %select_n3A_822 = arith.select %ge3A_818, %sub3A_821, %add3A_815 : vector<16xi1>, vector<16xi32>
      %shift_right_arithmetic3A_823 = arith.constant 3 : i32
      %shift_right_arithmetic3A_824 = vector.broadcast %shift_right_arithmetic3A_823 : i32 to vector<16xi32>
      %shift_right_arithmetic3A_825 = arith.shrsi %select_n3A_822, %shift_right_arithmetic3A_824 : vector<16xi32>
      %mul3A_826 = arith.constant 4096 : i32
      %mul3A_827 = vector.broadcast %mul3A_826 : i32 to vector<16xi32>
      %mul3A_828 = arith.muli %shift_right_arithmetic3A_825, %mul3A_827 : vector<16xi32>
      %and3A_829 = arith.constant 7 : i32
      %and3A_830 = vector.broadcast %and3A_829 : i32 to vector<16xi32>
      %and3A_831 = arith.andi %select_n3A_822, %and3A_830 : vector<16xi32>
      %mul3A_832 = arith.constant 128 : i32
      %mul3A_833 = vector.broadcast %mul3A_832 : i32 to vector<16xi32>
      %mul3A_834 = arith.muli %and3A_831, %mul3A_833 : vector<16xi32>
      %add3A_835 = arith.addi %mul3A_828, %mul3A_834 : vector<16xi32>
      %scan3A_836 = arith.constant 0 : i32
      %scan3A_837 = arith.constant 0 : i32
      %scan3A_838 = arith.constant 8 : i32
      %scan3A_839 = arith.addi %scan3A_837, %scan3A_838 : i32
      %scan3A_840 = arith.constant 1 : i32
      %scan3A_841 = scf.for %scan3A_1106 = %scan3A_837 to %scan3A_839 step %scan3A_840 iter_args(%scan3A_1107 = %scan3A_836) -> (i32)  : i32 {
        %mul3A_1108 = arith.constant 16 : i32
        %mul3A_1109 = arith.muli %scan3A_1106, %mul3A_1108 : i32
        %add3A_1110 = vector.broadcast %mul3A_1109 : i32 to vector<16xi32>
        %add3A_1111 = arith.addi %add3A_1110, %iota3A : vector<16xi32>
        %add3A_1112 = arith.constant 0 : i32
        %add3A_1113 = vector.broadcast %add3A_1112 : i32 to vector<16xi32>
        %add3A_1114 = arith.addi %add3A_1113, %add3A_1111 : vector<16xi32>
        %gather3A = tpu.vector_load_idx %arg8[%add3A_1114, %select_n3A_822] : memref<512x16xf32, #tpu.memory_space<vmem>>[vector<16xi32>, vector<16xi32>], vector<16xf32>,
        %add3A_1115 = arith.constant 0 : i32
        %add3A_1116 = vector.broadcast %add3A_1115 : i32 to vector<16xi32>
        %add3A_1117 = arith.addi %add3A_835, %add3A_1116 : vector<16xi32>
        %add3A_1118 = arith.addi %add3A_1117, %add3A_1111 : vector<16xi32>
        tpu.vector_store_idx %arg10[%add3A_1118], %gather3A : memref<8192xf32, #tpu.memory_space<vmem>>[vector<16xi32>], vector<16xf32>,
        %add3A_1119 = arith.constant 128 : i32
        %add3A_1120 = vector.broadcast %add3A_1119 : i32 to vector<16xi32>
        %add3A_1121 = arith.addi %add3A_1120, %add3A_1111 : vector<16xi32>
        %gather3A_1122 = tpu.vector_load_idx %arg8[%add3A_1121, %select_n3A_822] : memref<512x16xf32, #tpu.memory_space<vmem>>[vector<16xi32>, vector<16xi32>], vector<16xf32>,
        %add3A_1123 = arith.constant 1024 : i32
        %add3A_1124 = vector.broadcast %add3A_1123 : i32 to vector<16xi32>
        %add3A_1125 = arith.addi %add3A_835, %add3A_1124 : vector<16xi32>
        %add3A_1126 = arith.addi %add3A_1125, %add3A_1111 : vector<16xi32>
        tpu.vector_store_idx %arg10[%add3A_1126], %gather3A_1122 : memref<8192xf32, #tpu.memory_space<vmem>>[vector<16xi32>], vector<16xf32>,
        %add3A_1127 = arith.constant 256 : i32
        %add3A_1128 = vector.broadcast %add3A_1127 : i32 to vector<16xi32>
        %add3A_1129 = arith.addi %add3A_1128, %add3A_1111 : vector<16xi32>
        %gather3A_1130 = tpu.vector_load_idx %arg8[%add3A_1129, %select_n3A_822] : memref<512x16xf32, #tpu.memory_space<vmem>>[vector<16xi32>, vector<16xi32>], vector<16xf32>,
        %add3A_1131 = arith.constant 2048 : i32
        %add3A_1132 = vector.broadcast %add3A_1131 : i32 to vector<16xi32>
        %add3A_1133 = arith.addi %add3A_835, %add3A_1132 : vector<16xi32>
        %add3A_1134 = arith.addi %add3A_1133, %add3A_1111 : vector<16xi32>
        tpu.vector_store_idx %arg10[%add3A_1134], %gather3A_1130 : memref<8192xf32, #tpu.memory_space<vmem>>[vector<16xi32>], vector<16xf32>,
        %add3A_1135 = arith.constant 384 : i32
        %add3A_1136 = vector.broadcast %add3A_1135 : i32 to vector<16xi32>
        %add3A_1137 = arith.addi %add3A_1136, %add3A_1111 : vector<16xi32>
        %gather3A_1138 = tpu.vector_load_idx %arg8[%add3A_1137, %select_n3A_822] : memref<512x16xf32, #tpu.memory_space<vmem>>[vector<16xi32>, vector<16xi32>], vector<16xf32>,
        %add3A_1139 = arith.constant 3072 : i32
        %add3A_1140 = vector.broadcast %add3A_1139 : i32 to vector<16xi32>
        %add3A_1141 = arith.addi %add3A_835, %add3A_1140 : vector<16xi32>
        %add3A_1142 = arith.addi %add3A_1141, %add3A_1111 : vector<16xi32>
        tpu.vector_store_idx %arg10[%add3A_1142], %gather3A_1138 : memref<8192xf32, #tpu.memory_space<vmem>>[vector<16xi32>], vector<16xf32>,
        %scan3A_1143 = arith.constant 0 : i32
        scf.yield %scan3A_1143 : i32
      }
      %scan3A_842 = arith.constant 8 : i32
      %add3A_843 = arith.constant 8 : i32
      %add3A_844 = vector.broadcast %add3A_843 : i32 to vector<16xi32>
      %add3A_845 = arith.addi %add3A_844, %iota3A : vector<16xi32>
      %ge3A_846 = arith.constant 16 : i32
      %ge3A_847 = vector.broadcast %ge3A_846 : i32 to vector<16xi32>
      %ge3A_848 = arith.cmpi sge, %add3A_845, %ge3A_847 : vector<16xi32>
      %sub3A_849 = arith.constant 16 : i32
      %sub3A_850 = vector.broadcast %sub3A_849 : i32 to vector<16xi32>
      %sub3A_851 = arith.subi %add3A_845, %sub3A_850 : vector<16xi32>
      %select_n3A_852 = arith.select %ge3A_848, %sub3A_851, %add3A_845 : vector<16xi1>, vector<16xi32>
      %shift_right_arithmetic3A_853 = arith.constant 3 : i32
      %shift_right_arithmetic3A_854 = vector.broadcast %shift_right_arithmetic3A_853 : i32 to vector<16xi32>
      %shift_right_arithmetic3A_855 = arith.shrsi %select_n3A_852, %shift_right_arithmetic3A_854 : vector<16xi32>
      %mul3A_856 = arith.constant 4096 : i32
      %mul3A_857 = vector.broadcast %mul3A_856 : i32 to vector<16xi32>
      %mul3A_858 = arith.muli %shift_right_arithmetic3A_855, %mul3A_857 : vector<16xi32>
      %and3A_859 = arith.constant 7 : i32
      %and3A_860 = vector.broadcast %and3A_859 : i32 to vector<16xi32>
      %and3A_861 = arith.andi %select_n3A_852, %and3A_860 : vector<16xi32>
      %mul3A_862 = arith.constant 128 : i32
      %mul3A_863 = vector.broadcast %mul3A_862 : i32 to vector<16xi32>
      %mul3A_864 = arith.muli %and3A_861, %mul3A_863 : vector<16xi32>
      %add3A_865 = arith.addi %mul3A_858, %mul3A_864 : vector<16xi32>
      %scan3A_866 = arith.constant 0 : i32
      %scan3A_867 = arith.constant 0 : i32
      %scan3A_868 = arith.constant 8 : i32
      %scan3A_869 = arith.addi %scan3A_867, %scan3A_868 : i32
      %scan3A_870 = arith.constant 1 : i32
      %scan3A_871 = scf.for %scan3A_1106 = %scan3A_867 to %scan3A_869 step %scan3A_870 iter_args(%scan3A_1107 = %scan3A_866) -> (i32)  : i32 {
        %mul3A_1108 = arith.constant 16 : i32
        %mul3A_1109 = arith.muli %scan3A_1106, %mul3A_1108 : i32
        %add3A_1110 = vector.broadcast %mul3A_1109 : i32 to vector<16xi32>
        %add3A_1111 = arith.addi %add3A_1110, %iota3A : vector<16xi32>
        %add3A_1112 = arith.constant 0 : i32
        %add3A_1113 = vector.broadcast %add3A_1112 : i32 to vector<16xi32>
        %add3A_1114 = arith.addi %add3A_1113, %add3A_1111 : vector<16xi32>
        %gather3A = tpu.vector_load_idx %arg8[%add3A_1114, %select_n3A_852] : memref<512x16xf32, #tpu.memory_space<vmem>>[vector<16xi32>, vector<16xi32>], vector<16xf32>,
        %add3A_1115 = arith.constant 0 : i32
        %add3A_1116 = vector.broadcast %add3A_1115 : i32 to vector<16xi32>
        %add3A_1117 = arith.addi %add3A_865, %add3A_1116 : vector<16xi32>
        %add3A_1118 = arith.addi %add3A_1117, %add3A_1111 : vector<16xi32>
        tpu.vector_store_idx %arg10[%add3A_1118], %gather3A : memref<8192xf32, #tpu.memory_space<vmem>>[vector<16xi32>], vector<16xf32>,
        %add3A_1119 = arith.constant 128 : i32
        %add3A_1120 = vector.broadcast %add3A_1119 : i32 to vector<16xi32>
        %add3A_1121 = arith.addi %add3A_1120, %add3A_1111 : vector<16xi32>
        %gather3A_1122 = tpu.vector_load_idx %arg8[%add3A_1121, %select_n3A_852] : memref<512x16xf32, #tpu.memory_space<vmem>>[vector<16xi32>, vector<16xi32>], vector<16xf32>,
        %add3A_1123 = arith.constant 1024 : i32
        %add3A_1124 = vector.broadcast %add3A_1123 : i32 to vector<16xi32>
        %add3A_1125 = arith.addi %add3A_865, %add3A_1124 : vector<16xi32>
        %add3A_1126 = arith.addi %add3A_1125, %add3A_1111 : vector<16xi32>
        tpu.vector_store_idx %arg10[%add3A_1126], %gather3A_1122 : memref<8192xf32, #tpu.memory_space<vmem>>[vector<16xi32>], vector<16xf32>,
        %add3A_1127 = arith.constant 256 : i32
        %add3A_1128 = vector.broadcast %add3A_1127 : i32 to vector<16xi32>
        %add3A_1129 = arith.addi %add3A_1128, %add3A_1111 : vector<16xi32>
        %gather3A_1130 = tpu.vector_load_idx %arg8[%add3A_1129, %select_n3A_852] : memref<512x16xf32, #tpu.memory_space<vmem>>[vector<16xi32>, vector<16xi32>], vector<16xf32>,
        %add3A_1131 = arith.constant 2048 : i32
        %add3A_1132 = vector.broadcast %add3A_1131 : i32 to vector<16xi32>
        %add3A_1133 = arith.addi %add3A_865, %add3A_1132 : vector<16xi32>
        %add3A_1134 = arith.addi %add3A_1133, %add3A_1111 : vector<16xi32>
        tpu.vector_store_idx %arg10[%add3A_1134], %gather3A_1130 : memref<8192xf32, #tpu.memory_space<vmem>>[vector<16xi32>], vector<16xf32>,
        %add3A_1135 = arith.constant 384 : i32
        %add3A_1136 = vector.broadcast %add3A_1135 : i32 to vector<16xi32>
        %add3A_1137 = arith.addi %add3A_1136, %add3A_1111 : vector<16xi32>
        %gather3A_1138 = tpu.vector_load_idx %arg8[%add3A_1137, %select_n3A_852] : memref<512x16xf32, #tpu.memory_space<vmem>>[vector<16xi32>, vector<16xi32>], vector<16xf32>,
        %add3A_1139 = arith.constant 3072 : i32
        %add3A_1140 = vector.broadcast %add3A_1139 : i32 to vector<16xi32>
        %add3A_1141 = arith.addi %add3A_865, %add3A_1140 : vector<16xi32>
        %add3A_1142 = arith.addi %add3A_1141, %add3A_1111 : vector<16xi32>
        tpu.vector_store_idx %arg10[%add3A_1142], %gather3A_1138 : memref<8192xf32, #tpu.memory_space<vmem>>[vector<16xi32>], vector<16xf32>,
        %scan3A_1143 = arith.constant 0 : i32
        scf.yield %scan3A_1143 : i32
      }
      %scan3A_872 = arith.constant 8 : i32
      %add3A_873 = arith.constant 9 : i32
      %add3A_874 = vector.broadcast %add3A_873 : i32 to vector<16xi32>
      %add3A_875 = arith.addi %add3A_874, %iota3A : vector<16xi32>
      %ge3A_876 = arith.constant 16 : i32
      %ge3A_877 = vector.broadcast %ge3A_876 : i32 to vector<16xi32>
      %ge3A_878 = arith.cmpi sge, %add3A_875, %ge3A_877 : vector<16xi32>
      %sub3A_879 = arith.constant 16 : i32
      %sub3A_880 = vector.broadcast %sub3A_879 : i32 to vector<16xi32>
      %sub3A_881 = arith.subi %add3A_875, %sub3A_880 : vector<16xi32>
      %select_n3A_882 = arith.select %ge3A_878, %sub3A_881, %add3A_875 : vector<16xi1>, vector<16xi32>
      %shift_right_arithmetic3A_883 = arith.constant 3 : i32
      %shift_right_arithmetic3A_884 = vector.broadcast %shift_right_arithmetic3A_883 : i32 to vector<16xi32>
      %shift_right_arithmetic3A_885 = arith.shrsi %select_n3A_882, %shift_right_arithmetic3A_884 : vector<16xi32>
      %mul3A_886 = arith.constant 4096 : i32
      %mul3A_887 = vector.broadcast %mul3A_886 : i32 to vector<16xi32>
      %mul3A_888 = arith.muli %shift_right_arithmetic3A_885, %mul3A_887 : vector<16xi32>
      %and3A_889 = arith.constant 7 : i32
      %and3A_890 = vector.broadcast %and3A_889 : i32 to vector<16xi32>
      %and3A_891 = arith.andi %select_n3A_882, %and3A_890 : vector<16xi32>
      %mul3A_892 = arith.constant 128 : i32
      %mul3A_893 = vector.broadcast %mul3A_892 : i32 to vector<16xi32>
      %mul3A_894 = arith.muli %and3A_891, %mul3A_893 : vector<16xi32>
      %add3A_895 = arith.addi %mul3A_888, %mul3A_894 : vector<16xi32>
      %scan3A_896 = arith.constant 0 : i32
      %scan3A_897 = arith.constant 0 : i32
      %scan3A_898 = arith.constant 8 : i32
      %scan3A_899 = arith.addi %scan3A_897, %scan3A_898 : i32
      %scan3A_900 = arith.constant 1 : i32
      %scan3A_901 = scf.for %scan3A_1106 = %scan3A_897 to %scan3A_899 step %scan3A_900 iter_args(%scan3A_1107 = %scan3A_896) -> (i32)  : i32 {
        %mul3A_1108 = arith.constant 16 : i32
        %mul3A_1109 = arith.muli %scan3A_1106, %mul3A_1108 : i32
        %add3A_1110 = vector.broadcast %mul3A_1109 : i32 to vector<16xi32>
        %add3A_1111 = arith.addi %add3A_1110, %iota3A : vector<16xi32>
        %add3A_1112 = arith.constant 0 : i32
        %add3A_1113 = vector.broadcast %add3A_1112 : i32 to vector<16xi32>
        %add3A_1114 = arith.addi %add3A_1113, %add3A_1111 : vector<16xi32>
        %gather3A = tpu.vector_load_idx %arg8[%add3A_1114, %select_n3A_882] : memref<512x16xf32, #tpu.memory_space<vmem>>[vector<16xi32>, vector<16xi32>], vector<16xf32>,
        %add3A_1115 = arith.constant 0 : i32
        %add3A_1116 = vector.broadcast %add3A_1115 : i32 to vector<16xi32>
        %add3A_1117 = arith.addi %add3A_895, %add3A_1116 : vector<16xi32>
        %add3A_1118 = arith.addi %add3A_1117, %add3A_1111 : vector<16xi32>
        tpu.vector_store_idx %arg10[%add3A_1118], %gather3A : memref<8192xf32, #tpu.memory_space<vmem>>[vector<16xi32>], vector<16xf32>,
        %add3A_1119 = arith.constant 128 : i32
        %add3A_1120 = vector.broadcast %add3A_1119 : i32 to vector<16xi32>
        %add3A_1121 = arith.addi %add3A_1120, %add3A_1111 : vector<16xi32>
        %gather3A_1122 = tpu.vector_load_idx %arg8[%add3A_1121, %select_n3A_882] : memref<512x16xf32, #tpu.memory_space<vmem>>[vector<16xi32>, vector<16xi32>], vector<16xf32>,
        %add3A_1123 = arith.constant 1024 : i32
        %add3A_1124 = vector.broadcast %add3A_1123 : i32 to vector<16xi32>
        %add3A_1125 = arith.addi %add3A_895, %add3A_1124 : vector<16xi32>
        %add3A_1126 = arith.addi %add3A_1125, %add3A_1111 : vector<16xi32>
        tpu.vector_store_idx %arg10[%add3A_1126], %gather3A_1122 : memref<8192xf32, #tpu.memory_space<vmem>>[vector<16xi32>], vector<16xf32>,
        %add3A_1127 = arith.constant 256 : i32
        %add3A_1128 = vector.broadcast %add3A_1127 : i32 to vector<16xi32>
        %add3A_1129 = arith.addi %add3A_1128, %add3A_1111 : vector<16xi32>
        %gather3A_1130 = tpu.vector_load_idx %arg8[%add3A_1129, %select_n3A_882] : memref<512x16xf32, #tpu.memory_space<vmem>>[vector<16xi32>, vector<16xi32>], vector<16xf32>,
        %add3A_1131 = arith.constant 2048 : i32
        %add3A_1132 = vector.broadcast %add3A_1131 : i32 to vector<16xi32>
        %add3A_1133 = arith.addi %add3A_895, %add3A_1132 : vector<16xi32>
        %add3A_1134 = arith.addi %add3A_1133, %add3A_1111 : vector<16xi32>
        tpu.vector_store_idx %arg10[%add3A_1134], %gather3A_1130 : memref<8192xf32, #tpu.memory_space<vmem>>[vector<16xi32>], vector<16xf32>,
        %add3A_1135 = arith.constant 384 : i32
        %add3A_1136 = vector.broadcast %add3A_1135 : i32 to vector<16xi32>
        %add3A_1137 = arith.addi %add3A_1136, %add3A_1111 : vector<16xi32>
        %gather3A_1138 = tpu.vector_load_idx %arg8[%add3A_1137, %select_n3A_882] : memref<512x16xf32, #tpu.memory_space<vmem>>[vector<16xi32>, vector<16xi32>], vector<16xf32>,
        %add3A_1139 = arith.constant 3072 : i32
        %add3A_1140 = vector.broadcast %add3A_1139 : i32 to vector<16xi32>
        %add3A_1141 = arith.addi %add3A_895, %add3A_1140 : vector<16xi32>
        %add3A_1142 = arith.addi %add3A_1141, %add3A_1111 : vector<16xi32>
        tpu.vector_store_idx %arg10[%add3A_1142], %gather3A_1138 : memref<8192xf32, #tpu.memory_space<vmem>>[vector<16xi32>], vector<16xf32>,
        %scan3A_1143 = arith.constant 0 : i32
        scf.yield %scan3A_1143 : i32
      }
      %scan3A_902 = arith.constant 8 : i32
      %add3A_903 = arith.constant 10 : i32
      %add3A_904 = vector.broadcast %add3A_903 : i32 to vector<16xi32>
      %add3A_905 = arith.addi %add3A_904, %iota3A : vector<16xi32>
      %ge3A_906 = arith.constant 16 : i32
      %ge3A_907 = vector.broadcast %ge3A_906 : i32 to vector<16xi32>
      %ge3A_908 = arith.cmpi sge, %add3A_905, %ge3A_907 : vector<16xi32>
      %sub3A_909 = arith.constant 16 : i32
      %sub3A_910 = vector.broadcast %sub3A_909 : i32 to vector<16xi32>
      %sub3A_911 = arith.subi %add3A_905, %sub3A_910 : vector<16xi32>
      %select_n3A_912 = arith.select %ge3A_908, %sub3A_911, %add3A_905 : vector<16xi1>, vector<16xi32>
      %shift_right_arithmetic3A_913 = arith.constant 3 : i32
      %shift_right_arithmetic3A_914 = vector.broadcast %shift_right_arithmetic3A_913 : i32 to vector<16xi32>
      %shift_right_arithmetic3A_915 = arith.shrsi %select_n3A_912, %shift_right_arithmetic3A_914 : vector<16xi32>
      %mul3A_916 = arith.constant 4096 : i32
      %mul3A_917 = vector.broadcast %mul3A_916 : i32 to vector<16xi32>
      %mul3A_918 = arith.muli %shift_right_arithmetic3A_915, %mul3A_917 : vector<16xi32>
      %and3A_919 = arith.constant 7 : i32
      %and3A_920 = vector.broadcast %and3A_919 : i32 to vector<16xi32>
      %and3A_921 = arith.andi %select_n3A_912, %and3A_920 : vector<16xi32>
      %mul3A_922 = arith.constant 128 : i32
      %mul3A_923 = vector.broadcast %mul3A_922 : i32 to vector<16xi32>
      %mul3A_924 = arith.muli %and3A_921, %mul3A_923 : vector<16xi32>
      %add3A_925 = arith.addi %mul3A_918, %mul3A_924 : vector<16xi32>
      %scan3A_926 = arith.constant 0 : i32
      %scan3A_927 = arith.constant 0 : i32
      %scan3A_928 = arith.constant 8 : i32
      %scan3A_929 = arith.addi %scan3A_927, %scan3A_928 : i32
      %scan3A_930 = arith.constant 1 : i32
      %scan3A_931 = scf.for %scan3A_1106 = %scan3A_927 to %scan3A_929 step %scan3A_930 iter_args(%scan3A_1107 = %scan3A_926) -> (i32)  : i32 {
        %mul3A_1108 = arith.constant 16 : i32
        %mul3A_1109 = arith.muli %scan3A_1106, %mul3A_1108 : i32
        %add3A_1110 = vector.broadcast %mul3A_1109 : i32 to vector<16xi32>
        %add3A_1111 = arith.addi %add3A_1110, %iota3A : vector<16xi32>
        %add3A_1112 = arith.constant 0 : i32
        %add3A_1113 = vector.broadcast %add3A_1112 : i32 to vector<16xi32>
        %add3A_1114 = arith.addi %add3A_1113, %add3A_1111 : vector<16xi32>
        %gather3A = tpu.vector_load_idx %arg8[%add3A_1114, %select_n3A_912] : memref<512x16xf32, #tpu.memory_space<vmem>>[vector<16xi32>, vector<16xi32>], vector<16xf32>,
        %add3A_1115 = arith.constant 0 : i32
        %add3A_1116 = vector.broadcast %add3A_1115 : i32 to vector<16xi32>
        %add3A_1117 = arith.addi %add3A_925, %add3A_1116 : vector<16xi32>
        %add3A_1118 = arith.addi %add3A_1117, %add3A_1111 : vector<16xi32>
        tpu.vector_store_idx %arg10[%add3A_1118], %gather3A : memref<8192xf32, #tpu.memory_space<vmem>>[vector<16xi32>], vector<16xf32>,
        %add3A_1119 = arith.constant 128 : i32
        %add3A_1120 = vector.broadcast %add3A_1119 : i32 to vector<16xi32>
        %add3A_1121 = arith.addi %add3A_1120, %add3A_1111 : vector<16xi32>
        %gather3A_1122 = tpu.vector_load_idx %arg8[%add3A_1121, %select_n3A_912] : memref<512x16xf32, #tpu.memory_space<vmem>>[vector<16xi32>, vector<16xi32>], vector<16xf32>,
        %add3A_1123 = arith.constant 1024 : i32
        %add3A_1124 = vector.broadcast %add3A_1123 : i32 to vector<16xi32>
        %add3A_1125 = arith.addi %add3A_925, %add3A_1124 : vector<16xi32>
        %add3A_1126 = arith.addi %add3A_1125, %add3A_1111 : vector<16xi32>
        tpu.vector_store_idx %arg10[%add3A_1126], %gather3A_1122 : memref<8192xf32, #tpu.memory_space<vmem>>[vector<16xi32>], vector<16xf32>,
        %add3A_1127 = arith.constant 256 : i32
        %add3A_1128 = vector.broadcast %add3A_1127 : i32 to vector<16xi32>
        %add3A_1129 = arith.addi %add3A_1128, %add3A_1111 : vector<16xi32>
        %gather3A_1130 = tpu.vector_load_idx %arg8[%add3A_1129, %select_n3A_912] : memref<512x16xf32, #tpu.memory_space<vmem>>[vector<16xi32>, vector<16xi32>], vector<16xf32>,
        %add3A_1131 = arith.constant 2048 : i32
        %add3A_1132 = vector.broadcast %add3A_1131 : i32 to vector<16xi32>
        %add3A_1133 = arith.addi %add3A_925, %add3A_1132 : vector<16xi32>
        %add3A_1134 = arith.addi %add3A_1133, %add3A_1111 : vector<16xi32>
        tpu.vector_store_idx %arg10[%add3A_1134], %gather3A_1130 : memref<8192xf32, #tpu.memory_space<vmem>>[vector<16xi32>], vector<16xf32>,
        %add3A_1135 = arith.constant 384 : i32
        %add3A_1136 = vector.broadcast %add3A_1135 : i32 to vector<16xi32>
        %add3A_1137 = arith.addi %add3A_1136, %add3A_1111 : vector<16xi32>
        %gather3A_1138 = tpu.vector_load_idx %arg8[%add3A_1137, %select_n3A_912] : memref<512x16xf32, #tpu.memory_space<vmem>>[vector<16xi32>, vector<16xi32>], vector<16xf32>,
        %add3A_1139 = arith.constant 3072 : i32
        %add3A_1140 = vector.broadcast %add3A_1139 : i32 to vector<16xi32>
        %add3A_1141 = arith.addi %add3A_925, %add3A_1140 : vector<16xi32>
        %add3A_1142 = arith.addi %add3A_1141, %add3A_1111 : vector<16xi32>
        tpu.vector_store_idx %arg10[%add3A_1142], %gather3A_1138 : memref<8192xf32, #tpu.memory_space<vmem>>[vector<16xi32>], vector<16xf32>,
        %scan3A_1143 = arith.constant 0 : i32
        scf.yield %scan3A_1143 : i32
      }
      %scan3A_932 = arith.constant 8 : i32
      %add3A_933 = arith.constant 11 : i32
      %add3A_934 = vector.broadcast %add3A_933 : i32 to vector<16xi32>
      %add3A_935 = arith.addi %add3A_934, %iota3A : vector<16xi32>
      %ge3A_936 = arith.constant 16 : i32
      %ge3A_937 = vector.broadcast %ge3A_936 : i32 to vector<16xi32>
      %ge3A_938 = arith.cmpi sge, %add3A_935, %ge3A_937 : vector<16xi32>
      %sub3A_939 = arith.constant 16 : i32
      %sub3A_940 = vector.broadcast %sub3A_939 : i32 to vector<16xi32>
      %sub3A_941 = arith.subi %add3A_935, %sub3A_940 : vector<16xi32>
      %select_n3A_942 = arith.select %ge3A_938, %sub3A_941, %add3A_935 : vector<16xi1>, vector<16xi32>
      %shift_right_arithmetic3A_943 = arith.constant 3 : i32
      %shift_right_arithmetic3A_944 = vector.broadcast %shift_right_arithmetic3A_943 : i32 to vector<16xi32>
      %shift_right_arithmetic3A_945 = arith.shrsi %select_n3A_942, %shift_right_arithmetic3A_944 : vector<16xi32>
      %mul3A_946 = arith.constant 4096 : i32
      %mul3A_947 = vector.broadcast %mul3A_946 : i32 to vector<16xi32>
      %mul3A_948 = arith.muli %shift_right_arithmetic3A_945, %mul3A_947 : vector<16xi32>
      %and3A_949 = arith.constant 7 : i32
      %and3A_950 = vector.broadcast %and3A_949 : i32 to vector<16xi32>
      %and3A_951 = arith.andi %select_n3A_942, %and3A_950 : vector<16xi32>
      %mul3A_952 = arith.constant 128 : i32
      %mul3A_953 = vector.broadcast %mul3A_952 : i32 to vector<16xi32>
      %mul3A_954 = arith.muli %and3A_951, %mul3A_953 : vector<16xi32>
      %add3A_955 = arith.addi %mul3A_948, %mul3A_954 : vector<16xi32>
      %scan3A_956 = arith.constant 0 : i32
      %scan3A_957 = arith.constant 0 : i32
      %scan3A_958 = arith.constant 8 : i32
      %scan3A_959 = arith.addi %scan3A_957, %scan3A_958 : i32
      %scan3A_960 = arith.constant 1 : i32
      %scan3A_961 = scf.for %scan3A_1106 = %scan3A_957 to %scan3A_959 step %scan3A_960 iter_args(%scan3A_1107 = %scan3A_956) -> (i32)  : i32 {
        %mul3A_1108 = arith.constant 16 : i32
        %mul3A_1109 = arith.muli %scan3A_1106, %mul3A_1108 : i32
        %add3A_1110 = vector.broadcast %mul3A_1109 : i32 to vector<16xi32>
        %add3A_1111 = arith.addi %add3A_1110, %iota3A : vector<16xi32>
        %add3A_1112 = arith.constant 0 : i32
        %add3A_1113 = vector.broadcast %add3A_1112 : i32 to vector<16xi32>
        %add3A_1114 = arith.addi %add3A_1113, %add3A_1111 : vector<16xi32>
        %gather3A = tpu.vector_load_idx %arg8[%add3A_1114, %select_n3A_942] : memref<512x16xf32, #tpu.memory_space<vmem>>[vector<16xi32>, vector<16xi32>], vector<16xf32>,
        %add3A_1115 = arith.constant 0 : i32
        %add3A_1116 = vector.broadcast %add3A_1115 : i32 to vector<16xi32>
        %add3A_1117 = arith.addi %add3A_955, %add3A_1116 : vector<16xi32>
        %add3A_1118 = arith.addi %add3A_1117, %add3A_1111 : vector<16xi32>
        tpu.vector_store_idx %arg10[%add3A_1118], %gather3A : memref<8192xf32, #tpu.memory_space<vmem>>[vector<16xi32>], vector<16xf32>,
        %add3A_1119 = arith.constant 128 : i32
        %add3A_1120 = vector.broadcast %add3A_1119 : i32 to vector<16xi32>
        %add3A_1121 = arith.addi %add3A_1120, %add3A_1111 : vector<16xi32>
        %gather3A_1122 = tpu.vector_load_idx %arg8[%add3A_1121, %select_n3A_942] : memref<512x16xf32, #tpu.memory_space<vmem>>[vector<16xi32>, vector<16xi32>], vector<16xf32>,
        %add3A_1123 = arith.constant 1024 : i32
        %add3A_1124 = vector.broadcast %add3A_1123 : i32 to vector<16xi32>
        %add3A_1125 = arith.addi %add3A_955, %add3A_1124 : vector<16xi32>
        %add3A_1126 = arith.addi %add3A_1125, %add3A_1111 : vector<16xi32>
        tpu.vector_store_idx %arg10[%add3A_1126], %gather3A_1122 : memref<8192xf32, #tpu.memory_space<vmem>>[vector<16xi32>], vector<16xf32>,
        %add3A_1127 = arith.constant 256 : i32
        %add3A_1128 = vector.broadcast %add3A_1127 : i32 to vector<16xi32>
        %add3A_1129 = arith.addi %add3A_1128, %add3A_1111 : vector<16xi32>
        %gather3A_1130 = tpu.vector_load_idx %arg8[%add3A_1129, %select_n3A_942] : memref<512x16xf32, #tpu.memory_space<vmem>>[vector<16xi32>, vector<16xi32>], vector<16xf32>,
        %add3A_1131 = arith.constant 2048 : i32
        %add3A_1132 = vector.broadcast %add3A_1131 : i32 to vector<16xi32>
        %add3A_1133 = arith.addi %add3A_955, %add3A_1132 : vector<16xi32>
        %add3A_1134 = arith.addi %add3A_1133, %add3A_1111 : vector<16xi32>
        tpu.vector_store_idx %arg10[%add3A_1134], %gather3A_1130 : memref<8192xf32, #tpu.memory_space<vmem>>[vector<16xi32>], vector<16xf32>,
        %add3A_1135 = arith.constant 384 : i32
        %add3A_1136 = vector.broadcast %add3A_1135 : i32 to vector<16xi32>
        %add3A_1137 = arith.addi %add3A_1136, %add3A_1111 : vector<16xi32>
        %gather3A_1138 = tpu.vector_load_idx %arg8[%add3A_1137, %select_n3A_942] : memref<512x16xf32, #tpu.memory_space<vmem>>[vector<16xi32>, vector<16xi32>], vector<16xf32>,
        %add3A_1139 = arith.constant 3072 : i32
        %add3A_1140 = vector.broadcast %add3A_1139 : i32 to vector<16xi32>
        %add3A_1141 = arith.addi %add3A_955, %add3A_1140 : vector<16xi32>
        %add3A_1142 = arith.addi %add3A_1141, %add3A_1111 : vector<16xi32>
        tpu.vector_store_idx %arg10[%add3A_1142], %gather3A_1138 : memref<8192xf32, #tpu.memory_space<vmem>>[vector<16xi32>], vector<16xf32>,
        %scan3A_1143 = arith.constant 0 : i32
        scf.yield %scan3A_1143 : i32
      }
      %scan3A_962 = arith.constant 8 : i32
      %add3A_963 = arith.constant 12 : i32
      %add3A_964 = vector.broadcast %add3A_963 : i32 to vector<16xi32>
      %add3A_965 = arith.addi %add3A_964, %iota3A : vector<16xi32>
      %ge3A_966 = arith.constant 16 : i32
      %ge3A_967 = vector.broadcast %ge3A_966 : i32 to vector<16xi32>
      %ge3A_968 = arith.cmpi sge, %add3A_965, %ge3A_967 : vector<16xi32>
      %sub3A_969 = arith.constant 16 : i32
      %sub3A_970 = vector.broadcast %sub3A_969 : i32 to vector<16xi32>
      %sub3A_971 = arith.subi %add3A_965, %sub3A_970 : vector<16xi32>
      %select_n3A_972 = arith.select %ge3A_968, %sub3A_971, %add3A_965 : vector<16xi1>, vector<16xi32>
      %shift_right_arithmetic3A_973 = arith.constant 3 : i32
      %shift_right_arithmetic3A_974 = vector.broadcast %shift_right_arithmetic3A_973 : i32 to vector<16xi32>
      %shift_right_arithmetic3A_975 = arith.shrsi %select_n3A_972, %shift_right_arithmetic3A_974 : vector<16xi32>
      %mul3A_976 = arith.constant 4096 : i32
      %mul3A_977 = vector.broadcast %mul3A_976 : i32 to vector<16xi32>
      %mul3A_978 = arith.muli %shift_right_arithmetic3A_975, %mul3A_977 : vector<16xi32>
      %and3A_979 = arith.constant 7 : i32
      %and3A_980 = vector.broadcast %and3A_979 : i32 to vector<16xi32>
      %and3A_981 = arith.andi %select_n3A_972, %and3A_980 : vector<16xi32>
      %mul3A_982 = arith.constant 128 : i32
      %mul3A_983 = vector.broadcast %mul3A_982 : i32 to vector<16xi32>
      %mul3A_984 = arith.muli %and3A_981, %mul3A_983 : vector<16xi32>
      %add3A_985 = arith.addi %mul3A_978, %mul3A_984 : vector<16xi32>
      %scan3A_986 = arith.constant 0 : i32
      %scan3A_987 = arith.constant 0 : i32
      %scan3A_988 = arith.constant 8 : i32
      %scan3A_989 = arith.addi %scan3A_987, %scan3A_988 : i32
      %scan3A_990 = arith.constant 1 : i32
      %scan3A_991 = scf.for %scan3A_1106 = %scan3A_987 to %scan3A_989 step %scan3A_990 iter_args(%scan3A_1107 = %scan3A_986) -> (i32)  : i32 {
        %mul3A_1108 = arith.constant 16 : i32
        %mul3A_1109 = arith.muli %scan3A_1106, %mul3A_1108 : i32
        %add3A_1110 = vector.broadcast %mul3A_1109 : i32 to vector<16xi32>
        %add3A_1111 = arith.addi %add3A_1110, %iota3A : vector<16xi32>
        %add3A_1112 = arith.constant 0 : i32
        %add3A_1113 = vector.broadcast %add3A_1112 : i32 to vector<16xi32>
        %add3A_1114 = arith.addi %add3A_1113, %add3A_1111 : vector<16xi32>
        %gather3A = tpu.vector_load_idx %arg8[%add3A_1114, %select_n3A_972] : memref<512x16xf32, #tpu.memory_space<vmem>>[vector<16xi32>, vector<16xi32>], vector<16xf32>,
        %add3A_1115 = arith.constant 0 : i32
        %add3A_1116 = vector.broadcast %add3A_1115 : i32 to vector<16xi32>
        %add3A_1117 = arith.addi %add3A_985, %add3A_1116 : vector<16xi32>
        %add3A_1118 = arith.addi %add3A_1117, %add3A_1111 : vector<16xi32>
        tpu.vector_store_idx %arg10[%add3A_1118], %gather3A : memref<8192xf32, #tpu.memory_space<vmem>>[vector<16xi32>], vector<16xf32>,
        %add3A_1119 = arith.constant 128 : i32
        %add3A_1120 = vector.broadcast %add3A_1119 : i32 to vector<16xi32>
        %add3A_1121 = arith.addi %add3A_1120, %add3A_1111 : vector<16xi32>
        %gather3A_1122 = tpu.vector_load_idx %arg8[%add3A_1121, %select_n3A_972] : memref<512x16xf32, #tpu.memory_space<vmem>>[vector<16xi32>, vector<16xi32>], vector<16xf32>,
        %add3A_1123 = arith.constant 1024 : i32
        %add3A_1124 = vector.broadcast %add3A_1123 : i32 to vector<16xi32>
        %add3A_1125 = arith.addi %add3A_985, %add3A_1124 : vector<16xi32>
        %add3A_1126 = arith.addi %add3A_1125, %add3A_1111 : vector<16xi32>
        tpu.vector_store_idx %arg10[%add3A_1126], %gather3A_1122 : memref<8192xf32, #tpu.memory_space<vmem>>[vector<16xi32>], vector<16xf32>,
        %add3A_1127 = arith.constant 256 : i32
        %add3A_1128 = vector.broadcast %add3A_1127 : i32 to vector<16xi32>
        %add3A_1129 = arith.addi %add3A_1128, %add3A_1111 : vector<16xi32>
        %gather3A_1130 = tpu.vector_load_idx %arg8[%add3A_1129, %select_n3A_972] : memref<512x16xf32, #tpu.memory_space<vmem>>[vector<16xi32>, vector<16xi32>], vector<16xf32>,
        %add3A_1131 = arith.constant 2048 : i32
        %add3A_1132 = vector.broadcast %add3A_1131 : i32 to vector<16xi32>
        %add3A_1133 = arith.addi %add3A_985, %add3A_1132 : vector<16xi32>
        %add3A_1134 = arith.addi %add3A_1133, %add3A_1111 : vector<16xi32>
        tpu.vector_store_idx %arg10[%add3A_1134], %gather3A_1130 : memref<8192xf32, #tpu.memory_space<vmem>>[vector<16xi32>], vector<16xf32>,
        %add3A_1135 = arith.constant 384 : i32
        %add3A_1136 = vector.broadcast %add3A_1135 : i32 to vector<16xi32>
        %add3A_1137 = arith.addi %add3A_1136, %add3A_1111 : vector<16xi32>
        %gather3A_1138 = tpu.vector_load_idx %arg8[%add3A_1137, %select_n3A_972] : memref<512x16xf32, #tpu.memory_space<vmem>>[vector<16xi32>, vector<16xi32>], vector<16xf32>,
        %add3A_1139 = arith.constant 3072 : i32
        %add3A_1140 = vector.broadcast %add3A_1139 : i32 to vector<16xi32>
        %add3A_1141 = arith.addi %add3A_985, %add3A_1140 : vector<16xi32>
        %add3A_1142 = arith.addi %add3A_1141, %add3A_1111 : vector<16xi32>
        tpu.vector_store_idx %arg10[%add3A_1142], %gather3A_1138 : memref<8192xf32, #tpu.memory_space<vmem>>[vector<16xi32>], vector<16xf32>,
        %scan3A_1143 = arith.constant 0 : i32
        scf.yield %scan3A_1143 : i32
      }
      %scan3A_992 = arith.constant 8 : i32
      %add3A_993 = arith.constant 13 : i32
      %add3A_994 = vector.broadcast %add3A_993 : i32 to vector<16xi32>
      %add3A_995 = arith.addi %add3A_994, %iota3A : vector<16xi32>
      %ge3A_996 = arith.constant 16 : i32
      %ge3A_997 = vector.broadcast %ge3A_996 : i32 to vector<16xi32>
      %ge3A_998 = arith.cmpi sge, %add3A_995, %ge3A_997 : vector<16xi32>
      %sub3A_999 = arith.constant 16 : i32
      %sub3A_1000 = vector.broadcast %sub3A_999 : i32 to vector<16xi32>
      %sub3A_1001 = arith.subi %add3A_995, %sub3A_1000 : vector<16xi32>
      %select_n3A_1002 = arith.select %ge3A_998, %sub3A_1001, %add3A_995 : vector<16xi1>, vector<16xi32>
      %shift_right_arithmetic3A_1003 = arith.constant 3 : i32
      %shift_right_arithmetic3A_1004 = vector.broadcast %shift_right_arithmetic3A_1003 : i32 to vector<16xi32>
      %shift_right_arithmetic3A_1005 = arith.shrsi %select_n3A_1002, %shift_right_arithmetic3A_1004 : vector<16xi32>
      %mul3A_1006 = arith.constant 4096 : i32
      %mul3A_1007 = vector.broadcast %mul3A_1006 : i32 to vector<16xi32>
      %mul3A_1008 = arith.muli %shift_right_arithmetic3A_1005, %mul3A_1007 : vector<16xi32>
      %and3A_1009 = arith.constant 7 : i32
      %and3A_1010 = vector.broadcast %and3A_1009 : i32 to vector<16xi32>
      %and3A_1011 = arith.andi %select_n3A_1002, %and3A_1010 : vector<16xi32>
      %mul3A_1012 = arith.constant 128 : i32
      %mul3A_1013 = vector.broadcast %mul3A_1012 : i32 to vector<16xi32>
      %mul3A_1014 = arith.muli %and3A_1011, %mul3A_1013 : vector<16xi32>
      %add3A_1015 = arith.addi %mul3A_1008, %mul3A_1014 : vector<16xi32>
      %scan3A_1016 = arith.constant 0 : i32
      %scan3A_1017 = arith.constant 0 : i32
      %scan3A_1018 = arith.constant 8 : i32
      %scan3A_1019 = arith.addi %scan3A_1017, %scan3A_1018 : i32
      %scan3A_1020 = arith.constant 1 : i32
      %scan3A_1021 = scf.for %scan3A_1106 = %scan3A_1017 to %scan3A_1019 step %scan3A_1020 iter_args(%scan3A_1107 = %scan3A_1016) -> (i32)  : i32 {
        %mul3A_1108 = arith.constant 16 : i32
        %mul3A_1109 = arith.muli %scan3A_1106, %mul3A_1108 : i32
        %add3A_1110 = vector.broadcast %mul3A_1109 : i32 to vector<16xi32>
        %add3A_1111 = arith.addi %add3A_1110, %iota3A : vector<16xi32>
        %add3A_1112 = arith.constant 0 : i32
        %add3A_1113 = vector.broadcast %add3A_1112 : i32 to vector<16xi32>
        %add3A_1114 = arith.addi %add3A_1113, %add3A_1111 : vector<16xi32>
        %gather3A = tpu.vector_load_idx %arg8[%add3A_1114, %select_n3A_1002] : memref<512x16xf32, #tpu.memory_space<vmem>>[vector<16xi32>, vector<16xi32>], vector<16xf32>,
        %add3A_1115 = arith.constant 0 : i32
        %add3A_1116 = vector.broadcast %add3A_1115 : i32 to vector<16xi32>
        %add3A_1117 = arith.addi %add3A_1015, %add3A_1116 : vector<16xi32>
        %add3A_1118 = arith.addi %add3A_1117, %add3A_1111 : vector<16xi32>
        tpu.vector_store_idx %arg10[%add3A_1118], %gather3A : memref<8192xf32, #tpu.memory_space<vmem>>[vector<16xi32>], vector<16xf32>,
        %add3A_1119 = arith.constant 128 : i32
        %add3A_1120 = vector.broadcast %add3A_1119 : i32 to vector<16xi32>
        %add3A_1121 = arith.addi %add3A_1120, %add3A_1111 : vector<16xi32>
        %gather3A_1122 = tpu.vector_load_idx %arg8[%add3A_1121, %select_n3A_1002] : memref<512x16xf32, #tpu.memory_space<vmem>>[vector<16xi32>, vector<16xi32>], vector<16xf32>,
        %add3A_1123 = arith.constant 1024 : i32
        %add3A_1124 = vector.broadcast %add3A_1123 : i32 to vector<16xi32>
        %add3A_1125 = arith.addi %add3A_1015, %add3A_1124 : vector<16xi32>
        %add3A_1126 = arith.addi %add3A_1125, %add3A_1111 : vector<16xi32>
        tpu.vector_store_idx %arg10[%add3A_1126], %gather3A_1122 : memref<8192xf32, #tpu.memory_space<vmem>>[vector<16xi32>], vector<16xf32>,
        %add3A_1127 = arith.constant 256 : i32
        %add3A_1128 = vector.broadcast %add3A_1127 : i32 to vector<16xi32>
        %add3A_1129 = arith.addi %add3A_1128, %add3A_1111 : vector<16xi32>
        %gather3A_1130 = tpu.vector_load_idx %arg8[%add3A_1129, %select_n3A_1002] : memref<512x16xf32, #tpu.memory_space<vmem>>[vector<16xi32>, vector<16xi32>], vector<16xf32>,
        %add3A_1131 = arith.constant 2048 : i32
        %add3A_1132 = vector.broadcast %add3A_1131 : i32 to vector<16xi32>
        %add3A_1133 = arith.addi %add3A_1015, %add3A_1132 : vector<16xi32>
        %add3A_1134 = arith.addi %add3A_1133, %add3A_1111 : vector<16xi32>
        tpu.vector_store_idx %arg10[%add3A_1134], %gather3A_1130 : memref<8192xf32, #tpu.memory_space<vmem>>[vector<16xi32>], vector<16xf32>,
        %add3A_1135 = arith.constant 384 : i32
        %add3A_1136 = vector.broadcast %add3A_1135 : i32 to vector<16xi32>
        %add3A_1137 = arith.addi %add3A_1136, %add3A_1111 : vector<16xi32>
        %gather3A_1138 = tpu.vector_load_idx %arg8[%add3A_1137, %select_n3A_1002] : memref<512x16xf32, #tpu.memory_space<vmem>>[vector<16xi32>, vector<16xi32>], vector<16xf32>,
        %add3A_1139 = arith.constant 3072 : i32
        %add3A_1140 = vector.broadcast %add3A_1139 : i32 to vector<16xi32>
        %add3A_1141 = arith.addi %add3A_1015, %add3A_1140 : vector<16xi32>
        %add3A_1142 = arith.addi %add3A_1141, %add3A_1111 : vector<16xi32>
        tpu.vector_store_idx %arg10[%add3A_1142], %gather3A_1138 : memref<8192xf32, #tpu.memory_space<vmem>>[vector<16xi32>], vector<16xf32>,
        %scan3A_1143 = arith.constant 0 : i32
        scf.yield %scan3A_1143 : i32
      }
      %scan3A_1022 = arith.constant 8 : i32
      %add3A_1023 = arith.constant 14 : i32
      %add3A_1024 = vector.broadcast %add3A_1023 : i32 to vector<16xi32>
      %add3A_1025 = arith.addi %add3A_1024, %iota3A : vector<16xi32>
      %ge3A_1026 = arith.constant 16 : i32
      %ge3A_1027 = vector.broadcast %ge3A_1026 : i32 to vector<16xi32>
      %ge3A_1028 = arith.cmpi sge, %add3A_1025, %ge3A_1027 : vector<16xi32>
      %sub3A_1029 = arith.constant 16 : i32
      %sub3A_1030 = vector.broadcast %sub3A_1029 : i32 to vector<16xi32>
      %sub3A_1031 = arith.subi %add3A_1025, %sub3A_1030 : vector<16xi32>
      %select_n3A_1032 = arith.select %ge3A_1028, %sub3A_1031, %add3A_1025 : vector<16xi1>, vector<16xi32>
      %shift_right_arithmetic3A_1033 = arith.constant 3 : i32
      %shift_right_arithmetic3A_1034 = vector.broadcast %shift_right_arithmetic3A_1033 : i32 to vector<16xi32>
      %shift_right_arithmetic3A_1035 = arith.shrsi %select_n3A_1032, %shift_right_arithmetic3A_1034 : vector<16xi32>
      %mul3A_1036 = arith.constant 4096 : i32
      %mul3A_1037 = vector.broadcast %mul3A_1036 : i32 to vector<16xi32>
      %mul3A_1038 = arith.muli %shift_right_arithmetic3A_1035, %mul3A_1037 : vector<16xi32>
      %and3A_1039 = arith.constant 7 : i32
      %and3A_1040 = vector.broadcast %and3A_1039 : i32 to vector<16xi32>
      %and3A_1041 = arith.andi %select_n3A_1032, %and3A_1040 : vector<16xi32>
      %mul3A_1042 = arith.constant 128 : i32
      %mul3A_1043 = vector.broadcast %mul3A_1042 : i32 to vector<16xi32>
      %mul3A_1044 = arith.muli %and3A_1041, %mul3A_1043 : vector<16xi32>
      %add3A_1045 = arith.addi %mul3A_1038, %mul3A_1044 : vector<16xi32>
      %scan3A_1046 = arith.constant 0 : i32
      %scan3A_1047 = arith.constant 0 : i32
      %scan3A_1048 = arith.constant 8 : i32
      %scan3A_1049 = arith.addi %scan3A_1047, %scan3A_1048 : i32
      %scan3A_1050 = arith.constant 1 : i32
      %scan3A_1051 = scf.for %scan3A_1106 = %scan3A_1047 to %scan3A_1049 step %scan3A_1050 iter_args(%scan3A_1107 = %scan3A_1046) -> (i32)  : i32 {
        %mul3A_1108 = arith.constant 16 : i32
        %mul3A_1109 = arith.muli %scan3A_1106, %mul3A_1108 : i32
        %add3A_1110 = vector.broadcast %mul3A_1109 : i32 to vector<16xi32>
        %add3A_1111 = arith.addi %add3A_1110, %iota3A : vector<16xi32>
        %add3A_1112 = arith.constant 0 : i32
        %add3A_1113 = vector.broadcast %add3A_1112 : i32 to vector<16xi32>
        %add3A_1114 = arith.addi %add3A_1113, %add3A_1111 : vector<16xi32>
        %gather3A = tpu.vector_load_idx %arg8[%add3A_1114, %select_n3A_1032] : memref<512x16xf32, #tpu.memory_space<vmem>>[vector<16xi32>, vector<16xi32>], vector<16xf32>,
        %add3A_1115 = arith.constant 0 : i32
        %add3A_1116 = vector.broadcast %add3A_1115 : i32 to vector<16xi32>
        %add3A_1117 = arith.addi %add3A_1045, %add3A_1116 : vector<16xi32>
        %add3A_1118 = arith.addi %add3A_1117, %add3A_1111 : vector<16xi32>
        tpu.vector_store_idx %arg10[%add3A_1118], %gather3A : memref<8192xf32, #tpu.memory_space<vmem>>[vector<16xi32>], vector<16xf32>,
        %add3A_1119 = arith.constant 128 : i32
        %add3A_1120 = vector.broadcast %add3A_1119 : i32 to vector<16xi32>
        %add3A_1121 = arith.addi %add3A_1120, %add3A_1111 : vector<16xi32>
        %gather3A_1122 = tpu.vector_load_idx %arg8[%add3A_1121, %select_n3A_1032] : memref<512x16xf32, #tpu.memory_space<vmem>>[vector<16xi32>, vector<16xi32>], vector<16xf32>,
        %add3A_1123 = arith.constant 1024 : i32
        %add3A_1124 = vector.broadcast %add3A_1123 : i32 to vector<16xi32>
        %add3A_1125 = arith.addi %add3A_1045, %add3A_1124 : vector<16xi32>
        %add3A_1126 = arith.addi %add3A_1125, %add3A_1111 : vector<16xi32>
        tpu.vector_store_idx %arg10[%add3A_1126], %gather3A_1122 : memref<8192xf32, #tpu.memory_space<vmem>>[vector<16xi32>], vector<16xf32>,
        %add3A_1127 = arith.constant 256 : i32
        %add3A_1128 = vector.broadcast %add3A_1127 : i32 to vector<16xi32>
        %add3A_1129 = arith.addi %add3A_1128, %add3A_1111 : vector<16xi32>
        %gather3A_1130 = tpu.vector_load_idx %arg8[%add3A_1129, %select_n3A_1032] : memref<512x16xf32, #tpu.memory_space<vmem>>[vector<16xi32>, vector<16xi32>], vector<16xf32>,
        %add3A_1131 = arith.constant 2048 : i32
        %add3A_1132 = vector.broadcast %add3A_1131 : i32 to vector<16xi32>
        %add3A_1133 = arith.addi %add3A_1045, %add3A_1132 : vector<16xi32>
        %add3A_1134 = arith.addi %add3A_1133, %add3A_1111 : vector<16xi32>
        tpu.vector_store_idx %arg10[%add3A_1134], %gather3A_1130 : memref<8192xf32, #tpu.memory_space<vmem>>[vector<16xi32>], vector<16xf32>,
        %add3A_1135 = arith.constant 384 : i32
        %add3A_1136 = vector.broadcast %add3A_1135 : i32 to vector<16xi32>
        %add3A_1137 = arith.addi %add3A_1136, %add3A_1111 : vector<16xi32>
        %gather3A_1138 = tpu.vector_load_idx %arg8[%add3A_1137, %select_n3A_1032] : memref<512x16xf32, #tpu.memory_space<vmem>>[vector<16xi32>, vector<16xi32>], vector<16xf32>,
        %add3A_1139 = arith.constant 3072 : i32
        %add3A_1140 = vector.broadcast %add3A_1139 : i32 to vector<16xi32>
        %add3A_1141 = arith.addi %add3A_1045, %add3A_1140 : vector<16xi32>
        %add3A_1142 = arith.addi %add3A_1141, %add3A_1111 : vector<16xi32>
        tpu.vector_store_idx %arg10[%add3A_1142], %gather3A_1138 : memref<8192xf32, #tpu.memory_space<vmem>>[vector<16xi32>], vector<16xf32>,
        %scan3A_1143 = arith.constant 0 : i32
        scf.yield %scan3A_1143 : i32
      }
      %scan3A_1052 = arith.constant 8 : i32
      %add3A_1053 = arith.constant 15 : i32
      %add3A_1054 = vector.broadcast %add3A_1053 : i32 to vector<16xi32>
      %add3A_1055 = arith.addi %add3A_1054, %iota3A : vector<16xi32>
      %ge3A_1056 = arith.constant 16 : i32
      %ge3A_1057 = vector.broadcast %ge3A_1056 : i32 to vector<16xi32>
      %ge3A_1058 = arith.cmpi sge, %add3A_1055, %ge3A_1057 : vector<16xi32>
      %sub3A_1059 = arith.constant 16 : i32
      %sub3A_1060 = vector.broadcast %sub3A_1059 : i32 to vector<16xi32>
      %sub3A_1061 = arith.subi %add3A_1055, %sub3A_1060 : vector<16xi32>
      %select_n3A_1062 = arith.select %ge3A_1058, %sub3A_1061, %add3A_1055 : vector<16xi1>, vector<16xi32>
      %shift_right_arithmetic3A_1063 = arith.constant 3 : i32
      %shift_right_arithmetic3A_1064 = vector.broadcast %shift_right_arithmetic3A_1063 : i32 to vector<16xi32>
      %shift_right_arithmetic3A_1065 = arith.shrsi %select_n3A_1062, %shift_right_arithmetic3A_1064 : vector<16xi32>
      %mul3A_1066 = arith.constant 4096 : i32
      %mul3A_1067 = vector.broadcast %mul3A_1066 : i32 to vector<16xi32>
      %mul3A_1068 = arith.muli %shift_right_arithmetic3A_1065, %mul3A_1067 : vector<16xi32>
      %and3A_1069 = arith.constant 7 : i32
      %and3A_1070 = vector.broadcast %and3A_1069 : i32 to vector<16xi32>
      %and3A_1071 = arith.andi %select_n3A_1062, %and3A_1070 : vector<16xi32>
      %mul3A_1072 = arith.constant 128 : i32
      %mul3A_1073 = vector.broadcast %mul3A_1072 : i32 to vector<16xi32>
      %mul3A_1074 = arith.muli %and3A_1071, %mul3A_1073 : vector<16xi32>
      %add3A_1075 = arith.addi %mul3A_1068, %mul3A_1074 : vector<16xi32>
      %scan3A_1076 = arith.constant 0 : i32
      %scan3A_1077 = arith.constant 0 : i32
      %scan3A_1078 = arith.constant 8 : i32
      %scan3A_1079 = arith.addi %scan3A_1077, %scan3A_1078 : i32
      %scan3A_1080 = arith.constant 1 : i32
      %scan3A_1081 = scf.for %scan3A_1106 = %scan3A_1077 to %scan3A_1079 step %scan3A_1080 iter_args(%scan3A_1107 = %scan3A_1076) -> (i32)  : i32 {
        %mul3A_1108 = arith.constant 16 : i32
        %mul3A_1109 = arith.muli %scan3A_1106, %mul3A_1108 : i32
        %add3A_1110 = vector.broadcast %mul3A_1109 : i32 to vector<16xi32>
        %add3A_1111 = arith.addi %add3A_1110, %iota3A : vector<16xi32>
        %add3A_1112 = arith.constant 0 : i32
        %add3A_1113 = vector.broadcast %add3A_1112 : i32 to vector<16xi32>
        %add3A_1114 = arith.addi %add3A_1113, %add3A_1111 : vector<16xi32>
        %gather3A = tpu.vector_load_idx %arg8[%add3A_1114, %select_n3A_1062] : memref<512x16xf32, #tpu.memory_space<vmem>>[vector<16xi32>, vector<16xi32>], vector<16xf32>,
        %add3A_1115 = arith.constant 0 : i32
        %add3A_1116 = vector.broadcast %add3A_1115 : i32 to vector<16xi32>
        %add3A_1117 = arith.addi %add3A_1075, %add3A_1116 : vector<16xi32>
        %add3A_1118 = arith.addi %add3A_1117, %add3A_1111 : vector<16xi32>
        tpu.vector_store_idx %arg10[%add3A_1118], %gather3A : memref<8192xf32, #tpu.memory_space<vmem>>[vector<16xi32>], vector<16xf32>,
        %add3A_1119 = arith.constant 128 : i32
        %add3A_1120 = vector.broadcast %add3A_1119 : i32 to vector<16xi32>
        %add3A_1121 = arith.addi %add3A_1120, %add3A_1111 : vector<16xi32>
        %gather3A_1122 = tpu.vector_load_idx %arg8[%add3A_1121, %select_n3A_1062] : memref<512x16xf32, #tpu.memory_space<vmem>>[vector<16xi32>, vector<16xi32>], vector<16xf32>,
        %add3A_1123 = arith.constant 1024 : i32
        %add3A_1124 = vector.broadcast %add3A_1123 : i32 to vector<16xi32>
        %add3A_1125 = arith.addi %add3A_1075, %add3A_1124 : vector<16xi32>
        %add3A_1126 = arith.addi %add3A_1125, %add3A_1111 : vector<16xi32>
        tpu.vector_store_idx %arg10[%add3A_1126], %gather3A_1122 : memref<8192xf32, #tpu.memory_space<vmem>>[vector<16xi32>], vector<16xf32>,
        %add3A_1127 = arith.constant 256 : i32
        %add3A_1128 = vector.broadcast %add3A_1127 : i32 to vector<16xi32>
        %add3A_1129 = arith.addi %add3A_1128, %add3A_1111 : vector<16xi32>
        %gather3A_1130 = tpu.vector_load_idx %arg8[%add3A_1129, %select_n3A_1062] : memref<512x16xf32, #tpu.memory_space<vmem>>[vector<16xi32>, vector<16xi32>], vector<16xf32>,
        %add3A_1131 = arith.constant 2048 : i32
        %add3A_1132 = vector.broadcast %add3A_1131 : i32 to vector<16xi32>
        %add3A_1133 = arith.addi %add3A_1075, %add3A_1132 : vector<16xi32>
        %add3A_1134 = arith.addi %add3A_1133, %add3A_1111 : vector<16xi32>
        tpu.vector_store_idx %arg10[%add3A_1134], %gather3A_1130 : memref<8192xf32, #tpu.memory_space<vmem>>[vector<16xi32>], vector<16xf32>,
        %add3A_1135 = arith.constant 384 : i32
        %add3A_1136 = vector.broadcast %add3A_1135 : i32 to vector<16xi32>
        %add3A_1137 = arith.addi %add3A_1136, %add3A_1111 : vector<16xi32>
        %gather3A_1138 = tpu.vector_load_idx %arg8[%add3A_1137, %select_n3A_1062] : memref<512x16xf32, #tpu.memory_space<vmem>>[vector<16xi32>, vector<16xi32>], vector<16xf32>,
        %add3A_1139 = arith.constant 3072 : i32
        %add3A_1140 = vector.broadcast %add3A_1139 : i32 to vector<16xi32>
        %add3A_1141 = arith.addi %add3A_1075, %add3A_1140 : vector<16xi32>
        %add3A_1142 = arith.addi %add3A_1141, %add3A_1111 : vector<16xi32>
        tpu.vector_store_idx %arg10[%add3A_1142], %gather3A_1138 : memref<8192xf32, #tpu.memory_space<vmem>>[vector<16xi32>], vector<16xf32>,
        %scan3A_1143 = arith.constant 0 : i32
        scf.yield %scan3A_1143 : i32
      }
      %scan3A_1082 = arith.constant 8 : i32
      %mul3A_1083 = arith.constant 1024 : i32
      %mul3A_1084 = arith.muli %mul3A_2, %mul3A_1083 : i32
      %dma_start3A_1085 = arith.constant 0 : i32
      %dma_start3A_1086 = arith.constant 0 : i32
      %dma_start3A_1087 = tpu.memref_slice %arg10[%dma_start3A_1086] : memref<8192xf32, #tpu.memory_space<vmem>> -> memref<4096xf32, #tpu.memory_space<vmem>>
      %dma_start3A_1088 = tpu.memref_slice %arg4[%add3A_585, %dma_start3A_1085, %mul3A_1084] : memref<50x2x131072xf32, #tpu.memory_space<hbm>> -> memref<1x1x4096xf32, #tpu.memory_space<hbm>>
      %dma_start3A_1089 = tpu.memref_squeeze %dma_start3A_1088 : memref<1x1x4096xf32, #tpu.memory_space<hbm>> -> memref<4096xf32, #tpu.memory_space<hbm>>
      %dma_start3A_1090 = tpu.memref_slice %arg4[%add3A_585, %dma_start3A_1085, %mul3A_1084] : memref<50x2x131072xf32, #tpu.memory_space<hbm>> -> memref<1x1x4096xf32, #tpu.memory_space<hbm>>
      %dma_start3A_1091 = tpu.memref_squeeze %dma_start3A_1090 : memref<1x1x4096xf32, #tpu.memory_space<hbm>> -> memref<4096xf32, #tpu.memory_space<hbm>>
      %dma_start3A_1092 = arith.constant 0 : i32
      %dma_start3A_1093 = tpu.memref_slice %arg10[%dma_start3A_1092] : memref<8192xf32, #tpu.memory_space<vmem>> -> memref<4096xf32, #tpu.memory_space<vmem>>
      tpu.enqueue_dma source(%dma_start3A_1093 : memref<4096xf32, #tpu.memory_space<vmem>>) target(%dma_start3A_1091 : memref<4096xf32, #tpu.memory_space<hbm>>) target_semaphore(%arg15 : memref<!tpu.dma_semaphore, #tpu.memory_space<semaphore_mem>>)
      %mul3A_1094 = arith.constant 1024 : i32
      %mul3A_1095 = arith.muli %mul3A_2, %mul3A_1094 : i32
      %dma_start3A_1096 = arith.constant 1 : i32
      %dma_start3A_1097 = arith.constant 4096 : i32
      %dma_start3A_1098 = tpu.memref_slice %arg10[%dma_start3A_1097] : memref<8192xf32, #tpu.memory_space<vmem>> -> memref<4096xf32, #tpu.memory_space<vmem>>
      %dma_start3A_1099 = tpu.memref_slice %arg4[%add3A_585, %dma_start3A_1096, %mul3A_1095] : memref<50x2x131072xf32, #tpu.memory_space<hbm>> -> memref<1x1x4096xf32, #tpu.memory_space<hbm>>
      %dma_start3A_1100 = tpu.memref_squeeze %dma_start3A_1099 : memref<1x1x4096xf32, #tpu.memory_space<hbm>> -> memref<4096xf32, #tpu.memory_space<hbm>>
      %dma_start3A_1101 = tpu.memref_slice %arg4[%add3A_585, %dma_start3A_1096, %mul3A_1095] : memref<50x2x131072xf32, #tpu.memory_space<hbm>> -> memref<1x1x4096xf32, #tpu.memory_space<hbm>>
      %dma_start3A_1102 = tpu.memref_squeeze %dma_start3A_1101 : memref<1x1x4096xf32, #tpu.memory_space<hbm>> -> memref<4096xf32, #tpu.memory_space<hbm>>
      %dma_start3A_1103 = arith.constant 4096 : i32
      %dma_start3A_1104 = tpu.memref_slice %arg10[%dma_start3A_1103] : memref<8192xf32, #tpu.memory_space<vmem>> -> memref<4096xf32, #tpu.memory_space<vmem>>
      tpu.enqueue_dma source(%dma_start3A_1104 : memref<4096xf32, #tpu.memory_space<vmem>>) target(%dma_start3A_1102 : memref<4096xf32, #tpu.memory_space<hbm>>) target_semaphore(%arg15 : memref<!tpu.dma_semaphore, #tpu.memory_space<semaphore_mem>>)
      %scan3A_1105 = arith.constant 0 : i32
      scf.yield %scan3A_1105 : i32
    }
    %scan3A_17 = arith.constant 25 : i32
    %mul3A_18 = arith.constant 1024 : i32
    %mul3A_19 = arith.muli %mul3A_2, %mul3A_18 : i32
    %dma_wait3A = arith.constant 48 : i32
    %dma_wait3A_20 = arith.constant 0 : i32
    %dma_wait3A_21 = arith.constant 0 : i32
    %dma_wait3A_22 = tpu.memref_slice %arg9[%dma_wait3A_21] : memref<8192xf32, #tpu.memory_space<vmem>> -> memref<4096xf32, #tpu.memory_space<vmem>>
    %dma_wait3A_23 = tpu.memref_slice %arg4[%dma_wait3A, %dma_wait3A_20, %mul3A_19] : memref<50x2x131072xf32, #tpu.memory_space<hbm>> -> memref<1x1x4096xf32, #tpu.memory_space<hbm>>
    %dma_wait3A_24 = tpu.memref_squeeze %dma_wait3A_23 : memref<1x1x4096xf32, #tpu.memory_space<hbm>> -> memref<4096xf32, #tpu.memory_space<hbm>>
    %dma_wait3A_25 = tpu.memref_slice %arg4[%dma_wait3A, %dma_wait3A_20, %mul3A_19] : memref<50x2x131072xf32, #tpu.memory_space<hbm>> -> memref<1x1x4096xf32, #tpu.memory_space<hbm>>
    %dma_wait3A_26 = tpu.memref_squeeze %dma_wait3A_25 : memref<1x1x4096xf32, #tpu.memory_space<hbm>> -> memref<4096xf32, #tpu.memory_space<hbm>>
    %dma_wait3A_27 = arith.constant 0 : i32
    %dma_wait3A_28 = tpu.memref_slice %arg9[%dma_wait3A_27] : memref<8192xf32, #tpu.memory_space<vmem>> -> memref<4096xf32, #tpu.memory_space<vmem>>
    tpu.wait_dma2 semaphore(%arg14 : memref<!tpu.dma_semaphore, #tpu.memory_space<semaphore_mem>>) src(%dma_wait3A_28 : memref<4096xf32, #tpu.memory_space<vmem>>) dst(%dma_wait3A_26 : memref<4096xf32, #tpu.memory_space<hbm>>)
    %mul3A_29 = arith.constant 1024 : i32
    %mul3A_30 = arith.muli %mul3A_2, %mul3A_29 : i32
    %dma_wait3A_31 = arith.constant 48 : i32
    %dma_wait3A_32 = arith.constant 1 : i32
    %dma_wait3A_33 = arith.constant 4096 : i32
    %dma_wait3A_34 = tpu.memref_slice %arg9[%dma_wait3A_33] : memref<8192xf32, #tpu.memory_space<vmem>> -> memref<4096xf32, #tpu.memory_space<vmem>>
    %dma_wait3A_35 = tpu.memref_slice %arg4[%dma_wait3A_31, %dma_wait3A_32, %mul3A_30] : memref<50x2x131072xf32, #tpu.memory_space<hbm>> -> memref<1x1x4096xf32, #tpu.memory_space<hbm>>
    %dma_wait3A_36 = tpu.memref_squeeze %dma_wait3A_35 : memref<1x1x4096xf32, #tpu.memory_space<hbm>> -> memref<4096xf32, #tpu.memory_space<hbm>>
    %dma_wait3A_37 = tpu.memref_slice %arg4[%dma_wait3A_31, %dma_wait3A_32, %mul3A_30] : memref<50x2x131072xf32, #tpu.memory_space<hbm>> -> memref<1x1x4096xf32, #tpu.memory_space<hbm>>
    %dma_wait3A_38 = tpu.memref_squeeze %dma_wait3A_37 : memref<1x1x4096xf32, #tpu.memory_space<hbm>> -> memref<4096xf32, #tpu.memory_space<hbm>>
    %dma_wait3A_39 = arith.constant 4096 : i32
    %dma_wait3A_40 = tpu.memref_slice %arg9[%dma_wait3A_39] : memref<8192xf32, #tpu.memory_space<vmem>> -> memref<4096xf32, #tpu.memory_space<vmem>>
    tpu.wait_dma2 semaphore(%arg14 : memref<!tpu.dma_semaphore, #tpu.memory_space<semaphore_mem>>) src(%dma_wait3A_40 : memref<4096xf32, #tpu.memory_space<vmem>>) dst(%dma_wait3A_38 : memref<4096xf32, #tpu.memory_space<hbm>>)
    %mul3A_41 = arith.constant 1024 : i32
    %mul3A_42 = arith.muli %mul3A_2, %mul3A_41 : i32
    %dma_wait3A_43 = arith.constant 49 : i32
    %dma_wait3A_44 = arith.constant 0 : i32
    %dma_wait3A_45 = arith.constant 0 : i32
    %dma_wait3A_46 = tpu.memref_slice %arg10[%dma_wait3A_45] : memref<8192xf32, #tpu.memory_space<vmem>> -> memref<4096xf32, #tpu.memory_space<vmem>>
    %dma_wait3A_47 = tpu.memref_slice %arg4[%dma_wait3A_43, %dma_wait3A_44, %mul3A_42] : memref<50x2x131072xf32, #tpu.memory_space<hbm>> -> memref<1x1x4096xf32, #tpu.memory_space<hbm>>
    %dma_wait3A_48 = tpu.memref_squeeze %dma_wait3A_47 : memref<1x1x4096xf32, #tpu.memory_space<hbm>> -> memref<4096xf32, #tpu.memory_space<hbm>>
    %dma_wait3A_49 = tpu.memref_slice %arg4[%dma_wait3A_43, %dma_wait3A_44, %mul3A_42] : memref<50x2x131072xf32, #tpu.memory_space<hbm>> -> memref<1x1x4096xf32, #tpu.memory_space<hbm>>
    %dma_wait3A_50 = tpu.memref_squeeze %dma_wait3A_49 : memref<1x1x4096xf32, #tpu.memory_space<hbm>> -> memref<4096xf32, #tpu.memory_space<hbm>>
    %dma_wait3A_51 = arith.constant 0 : i32
    %dma_wait3A_52 = tpu.memref_slice %arg10[%dma_wait3A_51] : memref<8192xf32, #tpu.memory_space<vmem>> -> memref<4096xf32, #tpu.memory_space<vmem>>
    tpu.wait_dma2 semaphore(%arg15 : memref<!tpu.dma_semaphore, #tpu.memory_space<semaphore_mem>>) src(%dma_wait3A_52 : memref<4096xf32, #tpu.memory_space<vmem>>) dst(%dma_wait3A_50 : memref<4096xf32, #tpu.memory_space<hbm>>)
    %mul3A_53 = arith.constant 1024 : i32
    %mul3A_54 = arith.muli %mul3A_2, %mul3A_53 : i32
    %dma_wait3A_55 = arith.constant 49 : i32
    %dma_wait3A_56 = arith.constant 1 : i32
    %dma_wait3A_57 = arith.constant 4096 : i32
    %dma_wait3A_58 = tpu.memref_slice %arg10[%dma_wait3A_57] : memref<8192xf32, #tpu.memory_space<vmem>> -> memref<4096xf32, #tpu.memory_space<vmem>>
    %dma_wait3A_59 = tpu.memref_slice %arg4[%dma_wait3A_55, %dma_wait3A_56, %mul3A_54] : memref<50x2x131072xf32, #tpu.memory_space<hbm>> -> memref<1x1x4096xf32, #tpu.memory_space<hbm>>
    %dma_wait3A_60 = tpu.memref_squeeze %dma_wait3A_59 : memref<1x1x4096xf32, #tpu.memory_space<hbm>> -> memref<4096xf32, #tpu.memory_space<hbm>>
    %dma_wait3A_61 = tpu.memref_slice %arg4[%dma_wait3A_55, %dma_wait3A_56, %mul3A_54] : memref<50x2x131072xf32, #tpu.memory_space<hbm>> -> memref<1x1x4096xf32, #tpu.memory_space<hbm>>
    %dma_wait3A_62 = tpu.memref_squeeze %dma_wait3A_61 : memref<1x1x4096xf32, #tpu.memory_space<hbm>> -> memref<4096xf32, #tpu.memory_space<hbm>>
    %dma_wait3A_63 = arith.constant 4096 : i32
    %dma_wait3A_64 = tpu.memref_slice %arg10[%dma_wait3A_63] : memref<8192xf32, #tpu.memory_space<vmem>> -> memref<4096xf32, #tpu.memory_space<vmem>>
    tpu.wait_dma2 semaphore(%arg15 : memref<!tpu.dma_semaphore, #tpu.memory_space<semaphore_mem>>) src(%dma_wait3A_64 : memref<4096xf32, #tpu.memory_space<vmem>>) dst(%dma_wait3A_62 : memref<4096xf32, #tpu.memory_space<hbm>>)
    return
  }
}

</mosaic_0001>

<sc_bundles>
// kernel: kernel.3.cloned.1.call-start
scs
__scs_entry_jumppad:
0x0: {  	(pc) =	sbr.rel $0x88, $3  }
0x1: {  	(tag) =	ssettag $0x0;
	lr =	simm.s32 $0x1  }
0x2: {  	[smem:$0x3F9F] =	sst lr;
	_ =	strace $0xD0000000  }
0x3: {  	_ = 	snop  }
0x4: {  	_ = 	snop  }
0x5: {  	_ = 	snop  }
0x6: {  	_ = 	snop  }
0x7: {  	_ = 	snop  }
__scs_overlays_trampoline_lowered:
0x8: {  	[smem:$0x3FAE] =	sst s0  }
0x9: {  	[smem:$0x3FAF] =	sst s1  }
0xa: {  	[smem:$0x3FB0] =	sst s2  }
0xb: {  	[smem:$0x3FB1] =	sst s3  }
0xc: {  	[smem:$0x3FB2] =	sst s4  }
0xd: {  	[smem:$0x3FB3] =	sst s5  }
0xe: {  	[smem:$0x3FB4] =	sst s6  }
0xf: {  	[smem:$0x3FB5] =	sst s7  }
0x10: {  	[smem:$0x3FB6] =	sst s8  }
0x11: {  	[smem:$0x3FB7] =	sst s9;
	s0 =	simm.s32 @!p0 $0x0  }
0x12: {  	s1 =	sld [smem:$0x3F9D];
	s0 =	simm.s32 @p0 $0x1  }
0x13: {  	[smem:$0x3FB8] =	sst s0;
	s0 =	simm.s32 @!p1 $0x0  }
0x14: {  	s2 =	sld [smem:$0x3F9C];
	s0 =	simm.s32 @p1 $0x1  }
0x15: {  	[smem:$0x3FB9] =	sst s0;
	s0 =	simm.s32 @!p2 $0x0  }
0x16: {  	s3 =	sld [smem:$0x3FDB];
	s0 =	simm.s32 @p2 $0x1  }
0x17: {  	s4 =	simm.s32 $0x1BF5;
	[smem:$0x3FBB] =	sst s0  }
0x18: {  	s0 =	sld [smem:$0x3F9E];
	_ =	swait.ge [sflag:s4], $0x0  }
0x19: {  	s7 =	sld [smem:$0x3F9F]  }
0x1a: {  	s8 =	sadd.s32 $0xFFFFE003, lr  }
0x1b: {  	s9 =	sadd.s32 $0xFFFFFEF7, lr;
	s5 =	simm.s32 $0xFFFFFFFF;
	p2 =	slt.u32 s8, $0xFFFFF086  }
0x1c: {  	p1 =	slt.u32 s9, $0xF7A;
	s5 =	simm.s32 @!p2 $0x0  }
0x1d: {  	s5 =	simm.s32 @p1 $0x1;
	p0 =	seq.s32 s7, s2  }
0x1e: {  	s7 =	smul.u32 @!p0 $0xF7A, s2;
	p2 =	seq.s32 @!p0 s5, $0x0  }
0x1f: {  	s9 =	smul.u32 $0xF7A, s1;
	s8 =	simm.s32 @!p0 $0x1BF5;
	p2 =	por !p2, p0  }
0x20: {  	[sflag:s8] =	ssyncset.s32 @!p0 $0xFFFFF086;
	s6 =	sadd.s32 @!p0 s3, s7;
	s7 =	simm.s32 @!p0 $0x108  }
0x21: {  	s3 =	sadd.s32 s3, s9;
	s6 =	sadd.s32 @!p0 $0x88, s6;
	s7 =	simm.s32 @p2 $0x1082  }
0x22: {  	[simem:s7], [sflag:s8] =	dma.local @!p0 [hbm:s6], $0xF7A  }
0x23: {  	s9 =	sor.u32 $0xD0000000, s2;
	s6 =	simm.s32 $0x108;
	_ =	swait.ge @!p0 [sflag:s8], $0x0  }
0x24: {  	s3 =	sadd.s32 $0x88, s3;
	s6 =	simm.s32 @!p1 $0x1082;
	[sflag:s4] =	ssyncset.s32 $0xFFFFF086  }
0x25: {  	[simem:s6], [sflag:s4] =	dma.local [hbm:s3], $0xF7A  }
0x26: {  	[smem:$0x3F9F] =	sst s1;
	(tag) =	ssettag s2;
	_ =	strace s9  }
0x27: {  	s1 =	sld [smem:$0x3FAF]  }
0x28: {  	s2 =	sld [smem:$0x3FB0]  }
0x29: {  	s4 =	sld [smem:$0x3FB2]  }
0x2a: {  	p0 =	seq.s32 s5, $0x0;
	s5 =	sld [smem:$0x3FB3]  }
0x2b: {  	s6 =	sld [smem:$0x3FB4]  }
0x2c: {  	s7 =	sld [smem:$0x3FB5]  }
0x2d: {  	s3 =	simm.s32 $0x108;
	s8 =	sld [smem:$0x3FB6]  }
0x2e: {  	s3 =	simm.s32 @!p0 $0x1082;
	s9 =	sld [smem:$0x3FB7]  }
0x2f: {  	lr =	sadd.s32 s0, s3;
	s0 =	sld [smem:$0x3FAE]  }
0x30: {  	s3 =	sld [smem:$0x3FB1]  }
0x31: {  	[smem:$0x3FBA] =	sst s10  }
0x32: {  	s10 =	sld [smem:$0x3FB8];
	_ =	sdelay $0x3  }
0x33: {  	p0 =	seq.s32 s10, $0x1;
	s10 =	sld [smem:$0x3FBA];
	_ =	sdelay $0x3  }
0x34: {  	[smem:$0x3FBA] =	sst s10  }
0x35: {  	s10 =	sld [smem:$0x3FB9];
	_ =	sdelay $0x3  }
0x36: {  	p1 =	seq.s32 s10, $0x1;
	s10 =	sld [smem:$0x3FBA];
	_ =	sdelay $0x3  }
0x37: {  	[smem:$0x3FBA] =	sst s10  }
0x38: {  	s10 =	sld [smem:$0x3FBB]  }
0x39: {  	_ = 	snop;
	(pc) =	sbr.ind lr, $3  }
0x3a: {  	_ = 	snop  }
0x3b: {  	_ = 	snop  }
0x3c: {  	p2 =	seq.s32 s10, $0x1;
	s10 =	sld [smem:$0x3FBA]  }
0x3d: {  	_ =	shalt  }
0x3e: {  	_ =	shalt  }
0x3f: {  	_ =	shalt  }
0x40: {  	_ =	shalt  }
0x41: {  	_ =	shalt  }
0x42: {  	_ =	shalt  }
0x43: {  	_ =	shalt  }
0x44: {  	_ =	shalt  }
0x45: {  	_ =	shalt  }
0x46: {  	_ =	shalt  }
0x47: {  	_ =	shalt  }
0x48: {  	_ =	shalt  }
0x49: {  	_ =	shalt  }
0x4a: {  	_ =	shalt  }
0x4b: {  	_ =	shalt  }
0x4c: {  	_ =	shalt  }
0x4d: {  	_ =	shalt  }
0x4e: {  	_ =	shalt  }
0x4f: {  	_ =	shalt  }
0x50: {  	_ =	shalt  }
0x51: {  	_ =	shalt  }
0x52: {  	_ =	shalt  }
0x53: {  	_ =	shalt  }
0x54: {  	_ =	shalt  }
0x55: {  	_ =	shalt  }
0x56: {  	_ =	shalt  }
0x57: {  	_ =	shalt  }
0x58: {  	_ =	shalt  }
0x59: {  	_ =	shalt  }
0x5a: {  	_ =	shalt  }
0x5b: {  	_ =	shalt  }
0x5c: {  	_ =	shalt  }
0x5d: {  	_ =	shalt  }
0x5e: {  	_ =	shalt  }
0x5f: {  	_ =	shalt  }
0x60: {  	_ =	shalt  }
0x61: {  	_ =	shalt  }
0x62: {  	_ =	shalt  }
0x63: {  	_ =	shalt  }
0x64: {  	_ =	shalt  }
0x65: {  	_ =	shalt  }
0x66: {  	_ =	shalt  }
0x67: {  	_ =	shalt  }
0x68: {  	_ =	shalt  }
0x69: {  	_ =	shalt  }
0x6a: {  	_ =	shalt  }
0x6b: {  	_ =	shalt  }
0x6c: {  	_ =	shalt  }
0x6d: {  	_ =	shalt  }
0x6e: {  	_ =	shalt  }
0x6f: {  	_ =	shalt  }
0x70: {  	_ =	shalt  }
0x71: {  	_ =	shalt  }
0x72: {  	_ =	shalt  }
0x73: {  	_ =	shalt  }
0x74: {  	_ =	shalt  }
0x75: {  	_ =	shalt  }
0x76: {  	_ =	shalt  }
0x77: {  	_ =	shalt  }
0x78: {  	_ =	shalt  }
0x79: {  	_ =	shalt  }
0x7a: {  	_ =	shalt  }
0x7b: {  	_ =	shalt  }
0x7c: {  	_ =	shalt  }
0x7d: {  	_ =	shalt  }
0x7e: {  	_ =	shalt  }
0x7f: {  	_ =	shalt  }
0x80: {  	_ =	shalt  }
0x81: {  	_ =	shalt  }
0x82: {  	_ =	shalt  }
0x83: {  	_ =	shalt  }
0x84: {  	_ =	shalt  }
0x85: {  	_ =	shalt  }
0x86: {  	_ =	shalt  }
0x87: {  	_ =	shalt  }
.Lfunc_end0:
.L_simem_size_0:
called_computation_lowered:
.L_overlay_start_0:
0x88: {  	s2 =	sld [smem:$0x3FD9]  }
0x89: {  	s3 =	sld [smem:$0x3FFE];
	_ =	sdelay $0x1  }
0x8a: {  	s1 =	srdreg.scid  }
0x8b: {  	s0 =	sand.u32 $0x1, s1  }
0x8c: {  	s17 =	sshll.u32 s0, $0xA;
	s2 =	sadd.s32 s3, s2  }
0x8d: {  	s2 =	sadd.s32 s2, s17  }
0x8e: {  	[smem:$0x3FC6] =	sst s2  }
0x8f: {  	_ = 	snop  }
0x90: {  	s2 =	sld [smem:$0x3FD0];
	(tm) =	ssettm $0x1  }
0x91: {  	s18 =	sld [smem:$0x3FFB];
	_ =	sdelay $0x3  }
0x92: {  	_ =	strace s18  }
0x93: {  	s3 =	sld [smem:$0x3FFC];
	_ =	sdelay $0x3  }
0x94: {  	_ =	strace s3  }
0x95: {  	s3 =	sld [smem:$0x3FFD];
	_ =	sdelay $0x3  }
0x96: {  	_ =	strace s3  }
0x97: {  	_ =	strace $0x8FFFFFFF  }
0x98: {  	s19 =	sld [smem:$0x3FDB];
	_ =	sdelay $0x1  }
0x99: {  	s4 =	simm.s32 $_scs_section_size  }
0x9a: {  	s5 =	simm.s32 $_size__tile_overlayer_lowered;
	s6 =	simm.s32 $_tile_overlayer_lowered  }
0x9b: {  	s22 =	simm.s32 $0x1BFF;
	s21 =	sshll.u32 s6, $0x1;
	s3 =	sadd.s32 s4, s19  }
0x9c: {  	s7 =	simm.s32 $0x0;
	s20 =	sshll.u32 s5, $0x1;
	s5 =	sadd.s32 s21, s3  }
0x9d: {  	[timem:s7], [sflag:s22] =	dma.local [hbm:s5], s20  }
0x9e: {  	_ =	swait.ge [sflag:s22], s20  }
0x9f: {  	s4 =	ssub.s32 $0x0, s20;
	[sflag:s22] =	ssyncset.done $0x0  }
0xa0: {  	[sflag:s22] =	ssyncadd.s32 s4;
	_ =	sdelay $0x1  }
0xa1: {  	s23 =	simm.s32 $0x1B8B  }
0xa2: {  	_ =	swait.ge [sflag:s23], $0x1  }
0xa3: {  	[sflag:s23] =	ssyncset.done $0x0  }
0xa4: {  	s25 =	simm.s32 $0x1B8E;
	s24 =	sld [smem:$0x3FFE];
	[sflag:s23] =	ssyncadd.s32 $0xFFFFFFFF  }
0xa5: {  	s26 =	simm.s32 $execute0_lowered;
	[smem:$0x3FD2] =	sst s25  }
0xa6: {  	s5 =	sshll.u32 s26, $0x1;
	_ =	strace $0x80000046;
	[dreg:$0x1] =	wrdreg $0xFFFFFFFF  }
0xa7: {  	s28 =	simm.s32 $_size_execute0_lowered;
	s3 =	sadd.s32 s3, s5;
	[dreg:$0x0] =	wrdreg $0x0  }
0xa8: {  	s5 =	sshll.u32 s28, $0x1;
	[dreg:$0x2] =	wrdreg s3  }
0xa9: {  	[dreg:$0x3] =	wrdreg s5  }
0xaa: {  	[dreg:$0x4] =	wrdreg $0xC0  }
0xab: {  	_ =	task [dreg:s7], $0x5FFFF  }
0xac: {  	[dreg:$0x1] =	wrdreg $0xFFFFFFFF  }
0xad: {  	[dreg:$0x0] =	wrdreg $0x60  }
0xae: {  	[dreg:$0x2] =	wrdreg s24  }
0xaf: {  	[dreg:$0x3] =	wrdreg s2  }
0xb0: {  	[dreg:$0x4] =	wrdreg $0x9  }
0xb1: {  	_ =	task.clear_ibuf [dreg:s7], $0x5FFFF;
	_ =	strace $0x90000046  }
0xb2: {  	s29 =	simm.s32 $0x9;
	_ =	strace $0x80000048  }
0xb3: {  	_ =	swait.ge [sflag:s29], $0x1  }
0xb4: {  	[sflag:s29] =	ssyncadd.s32 $0xFFFFFFFF  }
0xb5: {  	_ =	strace $0x90000048  }
0xb6: {  	_ =	sfence  }
0xb7: {  	s30 =	sld [smem:$0x0];
	_ =	sdelay $0x2  }
0xb8: {  	s31 =	sshll.u32 s1, $0xD;
	s1 =	sshrl.u32 s1, $0x2  }
0xb9: {  	s3 =	sand.u32 $0x4000, s31;
	s1 =	sadd.s32 s1, s30  }
0xba: {  	s0 =	sor.u32 s3, s0;
	s1 =	sshll.u32 s1, $0x11  }
0xbb: {  	s0 =	sor.u32 s1, s0  }
0xbc: {  	s0 =	sadd.s32 $0x8F2B, s0  }
0xbd: {  	[sflag:s0] =	ssyncadd.remote.s32 $0x1  }
0xbe: {  	_ =	sfence.sel $0xFFFF  }
0xbf: {  	[dreg:$0x0] =	wrdreg $0xFFFFFFFF;
	(pc) =	sbr.abs _section_cstart, $3  }
0xc0: {  	[dreg:$0x1] =	wrdreg $0xFFFFFFFF  }
0xc1: {  	_ =	task.clear_ibuf [dreg:s7], $0x2FFFF;
	_ =	strace $0x9FFFFFFF  }
0xc2: {  	(tm) =	ssettm $0x7FFFFFFF  }
0xc3: {  	_ =	shalt  }
tec
execute0_lowered:
.L_overlay_start_1:
0x0: {  	(tag) =	ssettag $0x1  }
0x1: {  	v0 =	vimm.s32 $0x138F  }
0x2: {  	vm14 =	vcmask $0x300;
	vm12 =	vcmask $0x704;
	vm13 =	vcmask $0xB08  }
0x3: {  	vm11 =	vcmask $0xF0C;
	vm10 =	vcmask $0x1310;
	vm9 =	vcmask $0x1714  }
0x4: {  	vm8 =	vcmask $0x1B18;
	vm6 =	vcmask $0x1F1C;
	vm7 =	vcmask $0x2320  }
0x5: {  	v1 =	vimm.s32 $0x178F;
	vm5 =	vcmask $0x2724;
	vm4 =	vcmask $0x2B28  }
0x6: {  	vm3 =	vcmask $0x2F2C;
	vm1 =	vcmask $0x3330;
	v2 =	vimm.s32 $0x1B8F  }
0x7: {  	vm0 =	vcmask $0x3734;
	vm2 =	vcmask $0x3B38;
	v3 =	vimm.s32 $0x87654321  }
0x8: {  	v6 =	vimm.s32 $0x10FEDCBA;
	v7 =	vimm.s32 $0x98765432;
	v11 =	vimm.s32 $0x50F  }
0x9: {  	v16 =	vimm.s32 $0xFEDCBA98;
	v18 =	vimm.s32 $0x30F;
	v19 =	vimm.s32 $0x76543210  }
0xa: {  	v21 =	vimm.s32 $0xB0F;
	v23 =	vimm.s32 $0x38F;
	v24 =	vimm.s32 $0xB8F  }
0xb: {  	v25 =	vimm.s32 $0xF8F;
	v32 =	vimm.s32 $0x108F;
	v48 =	vimm.s32 $0x1C8F  }
0xc: {  	v49 =	vimm.s32 $0x1D0F;
	v34 =	vimm.s32 $0x118F;
	v50 =	vimm.s32 $0x158F  }
0xd: {  	v35 =	vimm.s32 $0x198F;
	v36 =	vimm.s32 $0x1D8F;
	v51 =	vimm.s32 $0x120F  }
0xe: {  	v37 =	vimm.s32 $0x160F;
	v38 =	vimm.s32 $0x1A0F;
	v56 =	vimm.s32 $0x1E0F  }
0xf: {  	v39 =	vimm.s32 $0x128F;
	v40 =	vimm.s32 $0x168F;
	v61 =	vimm.s32 $0x1A8F  }
0x10: {  	v41 =	vimm.s32 $0x1E8F;
	v42 =	vimm.s32 $0x130F;
	v62 =	vimm.s32 $0x170F  }
0x11: {  	v43 =	vimm.s32 $0x1B0F;
	v0 =	vsel vm14, $0x0, v0;
	v1 =	vsel vm14, $0x400, v1  }
0x12: {  	v2 =	vsel vm14, $0x800, v2;
	v3 =	vunpack.c.l.s4.s8 v3;
	v6 =	vunpack.c.l.s4.s8 v6  }
0x13: {  	v7 =	vunpack.c.l.s4.s8 v7;
	v20 =	vunpack.c.l.s4.s8 v16;
	v16 =	vsel vm14, $0x380, v18  }
0x14: {  	v18 =	vimm.s32 $0x70F;
	v23 =	vsel vm14, $0x1000, v23;
	v24 =	vsel vm14, $0x1800, v24  }
0x15: {  	v25 =	vsel vm14, $0x1C00, v25;
	v46 =	vsel vm14, $0x1D80, v49;
	v47 =	vsel vm14, $0x1A00, v35  }
0x16: {  	v35 =	vsel vm14, $0x1E00, v36;
	v36 =	vsel vm14, $0x1280, v51;
	v49 =	vsel vm14, $0x1300, v39  }
0x17: {  	v39 =	vsel vm14, $0x1700, v40;
	v40 =	vsel vm14, $0x1B00, v61;
	v51 =	vsel vm14, $0x1B80, v43  }
0x18: {  	v0 =	vsel vm12, $0x81, v0;
	v1 =	vsel vm12, $0x481, v1;
	v2 =	vsel vm12, $0x881, v2  }
0x19: {  	v16 =	vsel vm12, $0x1001, v16;
	v23 =	vsel vm12, $0x1081, v23;
	v24 =	vsel vm12, $0x1881, v24  }
0x1a: {  	v25 =	vsel vm12, $0x1C81, v25;
	v46 =	vsel vm12, $0x1E01, v46;
	v47 =	vsel vm12, $0x1A81, v47  }
0x1b: {  	v35 =	vsel vm12, $0x1E81, v35;
	v36 =	vsel vm12, $0x1301, v36;
	v49 =	vsel vm12, $0x1381, v49  }
0x1c: {  	v39 =	vsel vm12, $0x1781, v39;
	v40 =	vsel vm12, $0x1B81, v40;
	v51 =	vsel vm12, $0x801, v51  }
0x1d: {  	v0 =	vsel vm13, $0x102, v0;
	v1 =	vsel vm13, $0x502, v1;
	v2 =	vsel vm13, $0x902, v2  }
0x1e: {  	v33 =	vunpack.c.0.s8.s32 v6;
	v20 =	vunpack.c.0.s8.s32 v20;
	v16 =	vsel vm13, $0x1082, v16  }
0x1f: {  	v23 =	vsel vm13, $0x1102, v23;
	v24 =	vsel vm13, $0x1902, v24;
	v25 =	vsel vm13, $0x1D02, v25  }
0x20: {  	v46 =	vsel vm13, $0x1E82, v46;
	v47 =	vsel vm13, $0x1B02, v47;
	v35 =	vsel vm13, $0x1F02, v35  }
0x21: {  	v36 =	vsel vm13, $0x1382, v36;
	v49 =	vsel vm13, $0x2, v49;
	v39 =	vsel vm13, $0x402, v39  }
0x22: {  	v40 =	vsel vm13, $0x802, v40;
	v51 =	vsel vm13, $0x882, v51;
	v0 =	vsel vm11, $0x183, v0  }
0x23: {  	v1 =	vsel vm11, $0x583, v1;
	v16 =	vsel vm11, $0x1103, v16;
	v23 =	vsel vm11, $0x1183, v23  }
0x24: {  	v24 =	vsel vm11, $0x1983, v24;
	v25 =	vsel vm11, $0x1D83, v25;
	v46 =	vsel vm11, $0x1F03, v46  }
0x25: {  	v47 =	vsel vm11, $0x1B83, v47;
	v35 =	vsel vm11, $0x1F83, v35;
	v0 =	vsel vm10, $0x204, v0  }
0x26: {  	v36 =	vsel vm11, $0x3, v36;
	v49 =	vsel vm11, $0x83, v49;
	v0 =	vsel vm9, $0x285, v0  }
0x27: {  	v39 =	vsel vm11, $0x483, v39;
	v40 =	vsel vm11, $0x883, v40;
	v0 =	vsel vm8, $0x306, v0  }
0x28: {  	v51 =	vsel vm11, $0x903, v51;
	v1 =	vsel vm10, $0x604, v1;
	v0 =	vsel vm6, $0x387, v0  }
0x29: {  	v20 =	vand.u32 $0xF, v20;
	v35 =	vsel vm10, $0xC04, v35;
	v0 =	vsel vm7, $0x1008, v0  }
0x2a: {  	v36 =	vsel vm10, $0x84, v36;
	v39 =	vsel vm10, $0x504, v39;
	v0 =	vsel vm5, $0x1089, v0  }
0x2b: {  	v40 =	vsel vm10, $0x904, v40;
	v1 =	vsel vm9, $0x685, v1;
	v0 =	vsel vm4, $0x110A, v0  }
0x2c: {  	v35 =	vsel vm9, $0xC85, v35;
	v36 =	vsel vm9, $0x105, v36;
	v0 =	vsel vm3, $0x118B, v0  }
0x2d: {  	v39 =	vsel vm9, $0x585, v39;
	v1 =	vsel vm8, $0x706, v1;
	v0 =	vsel vm1, $0x120C, v0  }
0x2e: {  	v40 =	vsel vm9, $0x985, v40;
	v1 =	vsel vm6, $0x787, v1;
	v0 =	vsel vm0, $0x128D, v0  }
0x2f: {  	v58 =	vsel vm2, $0x130E, v0;
	v0 =	vsel vm7, $0x1408, v1;
	v1 =	vsel vm11, $0x983, v2  }
0x30: {  	v39 =	vsel vm8, $0x606, v39;
	v0 =	vsel vm5, $0x1489, v0;
	v1 =	vsel vm10, $0xA04, v1  }
0x31: {  	v2 =	vimm.s32 $0x1F8F;
	v0 =	vsel vm4, $0x150A, v0;
	v1 =	vsel vm9, $0xA85, v1  }
0x32: {  	v2 =	vsel vm14, $0xC00, v2;
	v0 =	vsel vm3, $0x158B, v0;
	v1 =	vsel vm8, $0xB06, v1  }
0x33: {  	v2 =	vsel vm12, $0xC81, v2;
	v0 =	vsel vm1, $0x160C, v0;
	v1 =	vsel vm6, $0xB87, v1  }
0x34: {  	v2 =	vsel vm13, $0xD02, v2;
	v0 =	vsel vm0, $0x168D, v0;
	v1 =	vsel vm7, $0x1808, v1  }
0x35: {  	v2 =	vsel vm11, $0xD83, v2;
	v60 =	vsel vm2, $0x170E, v0;
	v0 =	vsel vm5, $0x1889, v1  }
0x36: {  	v40 =	vsel vm8, $0xA06, v40;
	v1 =	vsel vm10, $0xE04, v2;
	v0 =	vsel vm4, $0x190A, v0  }
0x37: {  	v2 =	vimm.s32 $0xF;
	v1 =	vsel vm9, $0xE85, v1;
	v0 =	vsel vm3, $0x198B, v0  }
0x38: {  	v2 =	vsel vm14, $0x80, v2;
	v1 =	vsel vm8, $0xF06, v1;
	v0 =	vsel vm1, $0x1A0C, v0  }
0x39: {  	v2 =	vsel vm12, $0x101, v2;
	v1 =	vsel vm6, $0xF87, v1;
	v0 =	vsel vm0, $0x1A8D, v0  }
0x3a: {  	v2 =	vsel vm13, $0x182, v2;
	v1 =	vsel vm7, $0x1C08, v1;
	v59 =	vsel vm2, $0x1B0E, v0  }
0x3b: {  	v0 =	vsel vm5, $0x1C89, v1;
	v1 =	vsel vm11, $0x203, v2;
	v2 =	vimm.s32 $0xFEDCBA9  }
0x3c: {  	v0 =	vsel vm4, $0x1D0A, v0;
	v1 =	vsel vm10, $0x284, v1;
	v2 =	vunpack.c.l.s4.s8 v2  }
0x3d: {  	v39 =	vsel vm6, $0x687, v39;
	v1 =	vsel vm9, $0x305, v1;
	v0 =	vsel vm3, $0x1D8B, v0  }
0x3e: {  	v1 =	vsel vm8, $0x386, v1;
	v4 =	vsel vm1, $0x1E0C, v0;
	v0 =	vunpack.c.0.s8.s32 v2  }
0x3f: {  	v2 =	vsel vm6, $0x1007, v1;
	v1 =	vunpack.c.0.s8.s32 v3;
	v3 =	vimm.s32 $0x40F  }
0x40: {  	v4 =	vsel vm0, $0x1E8D, v4;
	v2 =	vsel vm7, $0x1088, v2;
	v3 =	vsel vm14, $0x480, v3  }
0x41: {  	v4 =	vsel vm2, $0x1F0E, v4;
	v2 =	vsel vm5, $0x1109, v2;
	v5 =	vcombine.low v1, v0  }
0x42: {  	v3 =	vsel vm12, $0x501, v3;
	v0 =	vcombine.low v0, v1;
	v1 =	vimm.s32 $0x140F  }
0x43: {  	v2 =	vsel vm4, $0x118A, v2;
	v3 =	vsel vm13, $0x582, v3;
	v26 =	vsel vm14, $0x1480, v1  }
0x44: {  	[tilespmem:$0x1FCC0] =	vst v4;
	v1 =	vsel vm14, $0x1100, v32;
	v2 =	vsel vm3, $0x120B, v2;
	v4 =	vand.u32 $0xF, v5  }
0x45: {  	v3 =	vsel vm11, $0x603, v3;
	v5 =	vimm.s32 $0x80F;
	[tilespmem:$0x1FEF0] =	vst v0;
	v0 =	vimm.s32 $0x100F  }
0x46: {  	v26 =	vsel vm12, $0x1501, v26;
	v2 =	vsel vm1, $0x128C, v2;
	v3 =	vsel vm10, $0x684, v3  }
0x47: {  	v29 =	vsel vm14, $0x1080, v0;
	v0 =	vimm.s32 $0x180F;
	v26 =	vsel vm13, $0x1582, v26  }
0x48: {  	v2 =	vsel vm0, $0x130D, v2;
	v30 =	vsel vm14, $0x1880, v0;
	v0 =	vimm.s32 $0x1C0F  }
0x49: {  	v29 =	vsel vm12, $0x1101, v29;
	v26 =	vsel vm11, $0x1603, v26;
	v2 =	vsel vm2, $0x138E, v2  }
0x4a: {  	v31 =	vsel vm14, $0x1C80, v0;
	v29 =	vsel vm13, $0x1182, v29;
	v30 =	vsel vm12, $0x1901, v30  }
0x4b: {  	v26 =	vsel vm10, $0x1684, v26;
	[tilespmem:$0x1FE20] =	vst v2;
	v2 =	vsel vm9, $0x705, v3;
	v3 =	vsel vm14, $0x880, v5  }
0x4c: {  	v5 =	vimm.s32 $0xC0F;
	v30 =	vsel vm13, $0x1982, v30;
	v31 =	vsel vm12, $0x1D01, v31  }
0x4d: {  	v26 =	vsel vm9, $0x1705, v26;
	v2 =	vsel vm8, $0x786, v2;
	v3 =	vsel vm12, $0x901, v3  }
0x4e: {  	v5 =	vsel vm14, $0xC80, v5;
	v31 =	vsel vm13, $0x1D82, v31;
	v2 =	vsel vm6, $0x1407, v2  }
0x4f: {  	v30 =	vsel vm11, $0x1A03, v30;
	v3 =	vsel vm13, $0x982, v3;
	v2 =	vsel vm7, $0x1488, v2  }
0x50: {  	v5 =	vsel vm12, $0xD01, v5;
	v3 =	vsel vm11, $0xA03, v3;
	v2 =	vsel vm5, $0x1509, v2  }
0x51: {  	v5 =	vsel vm13, $0xD82, v5;
	v3 =	vsel vm10, $0xA84, v3;
	v2 =	vsel vm4, $0x158A, v2  }
0x52: {  	v5 =	vsel vm11, $0xE03, v5;
	v3 =	vsel vm9, $0xB05, v3;
	v2 =	vsel vm3, $0x160B, v2  }
0x53: {  	v5 =	vsel vm10, $0xE84, v5;
	v3 =	vsel vm8, $0xB86, v3;
	v2 =	vsel vm1, $0x168C, v2  }
0x54: {  	v5 =	vsel vm9, $0xF05, v5;
	v3 =	vsel vm6, $0x1807, v3;
	v2 =	vsel vm0, $0x170D, v2  }
0x55: {  	v5 =	vsel vm8, $0xF86, v5;
	v3 =	vsel vm7, $0x1888, v3;
	v2 =	vsel vm2, $0x178E, v2  }
0x56: {  	[tilespmem:$0x1FCD0] =	vst v2;
	v2 =	vsel vm5, $0x1909, v3;
	v3 =	vsel vm6, $0x1C07, v5;
	v5 =	vimm.s32 $0x8F  }
0x57: {  	v26 =	vsel vm8, $0x1786, v26;
	v2 =	vsel vm4, $0x198A, v2;
	v5 =	vsel vm14, $0x100, v5  }
0x58: {  	v3 =	vsel vm7, $0x1C88, v3;
	v2 =	vsel vm3, $0x1A0B, v2;
	v5 =	vsel vm12, $0x181, v5  }
0x59: {  	v3 =	vsel vm5, $0x1D09, v3;
	v2 =	vsel vm1, $0x1A8C, v2;
	v5 =	vsel vm13, $0x202, v5  }
0x5a: {  	v3 =	vsel vm4, $0x1D8A, v3;
	v2 =	vsel vm0, $0x1B0D, v2;
	v5 =	vsel vm11, $0x283, v5  }
0x5b: {  	v3 =	vsel vm3, $0x1E0B, v3;
	v5 =	vsel vm10, $0x304, v5;
	v2 =	vsel vm2, $0x1B8E, v2  }
0x5c: {  	v31 =	vsel vm11, $0x1E03, v31;
	[tilespmem:$0x1FCE0] =	vst v2;
	v2 =	vsel vm1, $0x1E8C, v3;
	v8 =	vsel vm9, $0x385, v5  }
0x5d: {  	v5 =	vunpack.c.0.s8.s32 v7;
	v7 =	vimm.s32 $0x48F;
	v6 =	vsel vm8, $0x1006, v8  }
0x5e: {  	v2 =	vsel vm0, $0x1F0D, v2;
	v7 =	vsel vm14, $0x500, v7;
	v6 =	vsel vm6, $0x1087, v6  }
0x5f: {  	v8 =	vcombine.low v5, v33;
	v2 =	vsel vm2, $0x1F8E, v2;
	v0 =	vcombine.low v33, v5  }
0x60: {  	v5 =	vimm.s32 $0x188F;
	v33 =	vsel vm14, $0x1200, v34;
	v34 =	vsel vm14, $0x1600, v50  }
0x61: {  	v50 =	vsel vm14, $0x1F00, v41;
	v41 =	vsel vm14, $0x1380, v42;
	v42 =	vsel vm14, $0x1780, v62  }
0x62: {  	v6 =	vsel vm7, $0x1108, v6;
	v32 =	vsel vm14, $0x1900, v5;
	v5 =	vsel vm14, $0x1D00, v48  }
0x63: {  	v48 =	vsel vm14, $0x1680, v37;
	v37 =	vsel vm14, $0x1A80, v38;
	v38 =	vsel vm14, $0x1E80, v56  }
0x64: {  	v56 =	vimm.s32 $0x1F0F;
	v33 =	vsel vm12, $0x1281, v33;
	v34 =	vsel vm12, $0x1681, v34  }
0x65: {  	v50 =	vsel vm12, $0x1F81, v50;
	v41 =	vsel vm12, $0x1, v41;
	v42 =	vsel vm12, $0x401, v42  }
0x66: {  	[tilespmem:$0x1FCF0] =	vst v2;
	v2 =	vsel vm5, $0x1189, v6;
	v6 =	vsel vm12, $0x581, v7;
	v9 =	vand.u32 $0xF, v8  }
0x67: {  	v7 =	vimm.s32 $0x88F;
	v8 =	vimm.s32 $0xA9876543;
	[tilespmem:$0x1FF20] =	vst v0;
	v0 =	vimm.s32 $0x148F  }
0x68: {  	v43 =	vsel vm14, $0x1F80, v56;
	v32 =	vsel vm12, $0x1981, v32;
	v5 =	vsel vm12, $0x1D81, v5  }
0x69: {  	v33 =	vsel vm13, $0x1302, v33;
	v34 =	vsel vm13, $0x1702, v34;
	v48 =	vsel vm12, $0x1701, v48  }
0x6a: {  	v37 =	vsel vm12, $0x1B01, v37;
	v38 =	vsel vm12, $0x1F01, v38;
	v50 =	vsel vm13, $0xC02, v50  }
0x6b: {  	v41 =	vsel vm13, $0x82, v41;
	v42 =	vsel vm13, $0x482, v42;
	v2 =	vsel vm4, $0x120A, v2  }
0x6c: {  	v6 =	vsel vm13, $0x602, v6;
	v7 =	vsel vm14, $0x900, v7;
	v8 =	vunpack.c.l.s4.s8 v8  }
0x6d: {  	v44 =	vsel vm14, $0x1500, v0;
	v32 =	vsel vm13, $0x1A02, v32;
	v5 =	vsel vm13, $0x1E02, v5  }
0x6e: {  	v48 =	vsel vm13, $0x1782, v48;
	v37 =	vsel vm13, $0x1B82, v37;
	v38 =	vsel vm13, $0x1F82, v38  }
0x6f: {  	v43 =	vsel vm12, $0xC01, v43;
	v33 =	vsel vm11, $0x1383, v33;
	v34 =	vsel vm11, $0x1783, v34  }
0x70: {  	v50 =	vsel vm11, $0xC83, v50;
	v41 =	vsel vm11, $0x103, v41;
	v42 =	vsel vm11, $0x503, v42  }
0x71: {  	v2 =	vsel vm3, $0x128B, v2;
	v6 =	vsel vm11, $0x683, v6;
	v7 =	vsel vm12, $0x981, v7  }
0x72: {  	v44 =	vsel vm12, $0x1581, v44;
	v43 =	vsel vm13, $0xC82, v43;
	v32 =	vsel vm11, $0x1A83, v32  }
0x73: {  	v5 =	vsel vm11, $0x1E83, v5;
	v48 =	vsel vm11, $0x403, v48;
	v37 =	vsel vm11, $0x803, v37  }
0x74: {  	v38 =	vsel vm11, $0xC03, v38;
	v33 =	vsel vm10, $0x4, v33;
	v34 =	vsel vm10, $0x404, v34  }
0x75: {  	v41 =	vsel vm10, $0x184, v41;
	v42 =	vsel vm10, $0x584, v42;
	v2 =	vsel vm1, $0x130C, v2  }
0x76: {  	v6 =	vsel vm10, $0x704, v6;
	v44 =	vsel vm13, $0x1602, v44;
	v43 =	vsel vm11, $0xD03, v43  }
0x77: {  	v32 =	vsel vm10, $0x1B04, v32;
	v5 =	vsel vm10, $0x1F04, v5;
	v37 =	vsel vm10, $0x884, v37  }
0x78: {  	v38 =	vsel vm10, $0xC84, v38;
	v33 =	vsel vm9, $0x85, v33;
	v34 =	vsel vm9, $0x485, v34  }
0x79: {  	v41 =	vsel vm9, $0x205, v41;
	v42 =	vsel vm9, $0x605, v42;
	v2 =	vsel vm0, $0x138D, v2  }
0x7a: {  	v6 =	vsel vm9, $0x785, v6;
	v44 =	vsel vm11, $0x1683, v44;
	v43 =	vsel vm10, $0xD84, v43  }
0x7b: {  	v32 =	vsel vm9, $0x1B85, v32;
	v5 =	vsel vm9, $0x1F85, v5;
	v37 =	vsel vm9, $0x905, v37  }
0x7c: {  	v38 =	vsel vm9, $0xD05, v38;
	v33 =	vsel vm8, $0x106, v33;
	v2 =	vsel vm2, $0xE, v2  }
0x7d: {  	v34 =	vsel vm8, $0x506, v34;
	v41 =	vsel vm8, $0x286, v41;
	[tilespmem:$0x1FE60] =	vst v2;
	v2 =	vsel vm8, $0x1406, v6  }
0x7e: {  	v42 =	vsel vm8, $0x686, v42;
	v6 =	vsel vm13, $0xA02, v7;
	v2 =	vsel vm6, $0x1487, v2  }
0x7f: {  	v43 =	vsel vm9, $0xE05, v43;
	v6 =	vsel vm11, $0xA83, v6;
	v2 =	vsel vm7, $0x1508, v2  }
0x80: {  	v7 =	vimm.s32 $0xC8F;
	v6 =	vsel vm10, $0xB04, v6;
	v2 =	vsel vm5, $0x1589, v2  }
0x81: {  	v7 =	vsel vm14, $0xD00, v7;
	v6 =	vsel vm9, $0xB85, v6;
	v2 =	vsel vm4, $0x160A, v2  }
0x82: {  	v7 =	vsel vm12, $0xD81, v7;
	v6 =	vsel vm8, $0x1806, v6;
	v2 =	vsel vm3, $0x168B, v2  }
0x83: {  	v7 =	vsel vm13, $0xE02, v7;
	v6 =	vsel vm6, $0x1887, v6;
	v2 =	vsel vm1, $0x170C, v2  }
0x84: {  	v7 =	vsel vm11, $0xE83, v7;
	v6 =	vsel vm7, $0x1908, v6;
	v2 =	vsel vm0, $0x178D, v2  }
0x85: {  	v7 =	vsel vm10, $0xF04, v7;
	v6 =	vsel vm5, $0x1989, v6;
	v2 =	vsel vm2, $0x40E, v2  }
0x86: {  	v32 =	vsel vm8, $0x806, v32;
	v7 =	vsel vm9, $0xF85, v7;
	[tilespmem:$0x1FE50] =	vst v2;
	v2 =	vsel vm4, $0x1A0A, v6  }
0x87: {  	v5 =	vsel vm8, $0xC06, v5;
	v6 =	vsel vm8, $0x1C06, v7;
	v2 =	vsel vm3, $0x1A8B, v2  }
0x88: {  	v7 =	vimm.s32 $0x10F;
	v6 =	vsel vm6, $0x1C87, v6;
	v2 =	vsel vm1, $0x1B0C, v2  }
0x89: {  	v7 =	vsel vm14, $0x180, v7;
	v6 =	vsel vm7, $0x1D08, v6;
	v2 =	vsel vm0, $0x1B8D, v2  }
0x8a: {  	v7 =	vsel vm12, $0x201, v7;
	v6 =	vsel vm5, $0x1D89, v6;
	v2 =	vsel vm2, $0x80E, v2  }
0x8b: {  	[tilespmem:$0x1FD00] =	vst v2;
	v2 =	vsel vm4, $0x1E0A, v6;
	v6 =	vsel vm13, $0x282, v7;
	v7 =	vimm.s32 $0x210FEDCB  }
0x8c: {  	v43 =	vsel vm8, $0xE86, v43;
	v6 =	vsel vm11, $0x303, v6;
	v7 =	vunpack.c.l.s4.s8 v7  }
0x8d: {  	v5 =	vsel vm6, $0xC87, v5;
	v2 =	vsel vm3, $0x1E8B, v2;
	v6 =	vsel vm10, $0x384, v6  }
0x8e: {  	v2 =	vsel vm1, $0x1F0C, v2;
	v10 =	vsel vm9, $0x1005, v6;
	v6 =	vunpack.c.0.s8.s32 v7  }
0x8f: {  	v7 =	vunpack.c.0.s8.s32 v8;
	v2 =	vsel vm0, $0x1F8D, v2;
	v10 =	vsel vm8, $0x1086, v10  }
0x90: {  	v5 =	vsel vm7, $0xD08, v5;
	v2 =	vsel vm2, $0xC0E, v2;
	v8 =	vsel vm6, $0x1107, v10  }
0x91: {  	v10 =	vsel vm14, $0x580, v11;
	v11 =	vcombine.low v7, v6;
	v0 =	vcombine.low v6, v7  }
0x92: {  	v6 =	vimm.s32 $0x110F;
	v7 =	vimm.s32 $0x150F;
	v8 =	vsel vm7, $0x1188, v8  }
0x93: {  	v10 =	vsel vm12, $0x601, v10;
	v45 =	vsel vm14, $0x1180, v6;
	v6 =	vsel vm14, $0x1580, v7  }
0x94: {  	v7 =	vimm.s32 $0x190F;
	v8 =	vsel vm5, $0x1209, v8;
	v10 =	vsel vm13, $0x682, v10  }
0x95: {  	v14 =	vand.u32 $0xF, v11;
	v11 =	vimm.s32 $0x58F;
	v7 =	vsel vm14, $0x1980, v7  }
0x96: {  	[tilespmem:$0x1FD10] =	vst v2;
	v45 =	vsel vm12, $0x1201, v45;
	v6 =	vsel vm12, $0x1601, v6;
	v2 =	vsel vm4, $0x128A, v8  }
0x97: {  	v8 =	vsel vm11, $0x703, v10;
	v10 =	vimm.s32 $0x90F;
	v11 =	vsel vm14, $0x600, v11  }
0x98: {  	v45 =	vsel vm13, $0x1282, v45;
	v6 =	vsel vm13, $0x1682, v6;
	v7 =	vsel vm12, $0x1A01, v7  }
0x99: {  	v2 =	vsel vm3, $0x130B, v2;
	v8 =	vsel vm10, $0x784, v8;
	v10 =	vsel vm14, $0x980, v10  }
0x9a: {  	v7 =	vsel vm13, $0x1A82, v7;
	v45 =	vsel vm11, $0x1303, v45;
	v2 =	vsel vm1, $0x138C, v2  }
0x9b: {  	v6 =	vsel vm11, $0x1703, v6;
	v8 =	vsel vm9, $0x1405, v8;
	v2 =	vsel vm0, $0xD, v2  }
0x9c: {  	v7 =	vsel vm11, $0x1B03, v7;
	v8 =	vsel vm8, $0x1486, v8;
	v2 =	vsel vm2, $0x8E, v2  }
0x9d: {  	v6 =	vsel vm10, $0x1784, v6;
	v7 =	vsel vm10, $0x1B84, v7;
	[tilespmem:$0x1FE10] =	vst v2;
	v2 =	vsel vm6, $0x1507, v8  }
0x9e: {  	v6 =	vsel vm9, $0x405, v6;
	v8 =	vsel vm12, $0xA01, v10;
	v2 =	vsel vm7, $0x1588, v2  }
0x9f: {  	v7 =	vsel vm9, $0x805, v7;
	v8 =	vsel vm13, $0xA82, v8;
	v2 =	vsel vm5, $0x1609, v2  }
0xa0: {  	v10 =	vimm.s32 $0xD0F;
	v8 =	vsel vm11, $0xB03, v8;
	v2 =	vsel vm4, $0x168A, v2  }
0xa1: {  	v10 =	vsel vm14, $0xD80, v10;
	v8 =	vsel vm10, $0xB84, v8;
	v2 =	vsel vm3, $0x170B, v2  }
0xa2: {  	v10 =	vsel vm12, $0xE01, v10;
	v8 =	vsel vm9, $0x1805, v8;
	v2 =	vsel vm1, $0x178C, v2  }
0xa3: {  	v10 =	vsel vm13, $0xE82, v10;
	v8 =	vsel vm8, $0x1886, v8;
	v2 =	vsel vm0, $0x40D, v2  }
0xa4: {  	v10 =	vsel vm11, $0xF03, v10;
	v8 =	vsel vm6, $0x1907, v8;
	v2 =	vsel vm2, $0x48E, v2  }
0xa5: {  	v6 =	vsel vm8, $0x486, v6;
	v10 =	vsel vm10, $0xF84, v10;
	[tilespmem:$0x1FD20] =	vst v2;
	v2 =	vsel vm7, $0x1988, v8  }
0xa6: {  	v7 =	vsel vm8, $0x886, v7;
	v8 =	vsel vm9, $0x1C05, v10;
	v2 =	vsel vm5, $0x1A09, v2  }
0xa7: {  	v10 =	vimm.s32 $0x18F;
	v8 =	vsel vm8, $0x1C86, v8;
	v2 =	vsel vm4, $0x1A8A, v2  }
0xa8: {  	v10 =	vsel vm14, $0x200, v10;
	v8 =	vsel vm6, $0x1D07, v8;
	v2 =	vsel vm3, $0x1B0B, v2  }
0xa9: {  	v10 =	vsel vm12, $0x281, v10;
	v8 =	vsel vm7, $0x1D88, v8;
	v2 =	vsel vm1, $0x1B8C, v2  }
0xaa: {  	v10 =	vsel vm13, $0x302, v10;
	v8 =	vsel vm5, $0x1E09, v8;
	v2 =	vsel vm0, $0x80D, v2  }
0xab: {  	v10 =	vsel vm11, $0x383, v10;
	v8 =	vsel vm4, $0x1E8A, v8;
	v2 =	vsel vm2, $0x88E, v2  }
0xac: {  	v6 =	vsel vm6, $0x507, v6;
	[tilespmem:$0x1FD30] =	vst v2;
	v2 =	vsel vm3, $0x1F0B, v8;
	v8 =	vsel vm10, $0x1004, v10  }
0xad: {  	v6 =	vsel vm7, $0x588, v6;
	v2 =	vsel vm1, $0x1F8C, v2;
	v8 =	vsel vm9, $0x1085, v8  }
0xae: {  	v10 =	vimm.s32 $0x3210FEDC;
	v22 =	vsel vm0, $0xC0D, v2;
	v8 =	vsel vm8, $0x1106, v8  }
0xaf: {  	v2 =	vunpack.c.l.s4.s8 v10;
	v10 =	vimm.s32 $0xBA987654;
	v8 =	vsel vm6, $0x1187, v8  }
0xb0: {  	v7 =	vsel vm6, $0x907, v7;
	v10 =	vunpack.c.l.s4.s8 v10;
	v8 =	vsel vm7, $0x1208, v8  }
0xb1: {  	v7 =	vsel vm7, $0x988, v7;
	v12 =	vunpack.c.0.s8.s32 v2;
	v2 =	vsel vm5, $0x1289, v8  }
0xb2: {  	v8 =	vsel vm12, $0x681, v11;
	v3 =	vunpack.c.0.s8.s32 v10;
	v10 =	vimm.s32 $0x68F  }
0xb3: {  	v52 =	vsel vm4, $0x130A, v2;
	v2 =	vsel vm13, $0x702, v8;
	v8 =	vimm.s32 $0xD8F  }
0xb4: {  	v10 =	vsel vm14, $0x700, v10;
	v53 =	vsel vm11, $0x783, v2;
	v2 =	vimm.s32 $0x98F  }
0xb5: {  	v55 =	vsel vm14, $0xE00, v8;
	v8 =	vimm.s32 $0xA0F;
	v63 =	vcombine.low v3, v12  }
0xb6: {  	[tilespmem:$0x1FD50] =	vst v3;
	v3 =	vsel vm2, $0xC8E, v22;
	v52 =	vsel vm3, $0x138B, v52;
	v10 =	vsel vm12, $0x781, v10  }
0xb7: {  	v54 =	vsel vm14, $0xA00, v2;
	v2 =	vimm.s32 $0x20F;
	v8 =	vsel vm14, $0xA80, v8  }
0xb8: {  	v53 =	vsel vm10, $0x1404, v53;
	v52 =	vsel vm1, $0xC, v52;
	v62 =	vsel vm12, $0xE81, v55  }
0xb9: {  	[tilespmem:$0x1FD60] =	vst v3;
	v10 =	vsel vm13, $0x1402, v10;
	v3 =	vsel vm12, $0x1181, v1;
	v27 =	vsel vm14, $0x280, v2  }
0xba: {  	v2 =	vimm.s32 $0x60F;
	v22 =	vand.u32 $0xF, v63;
	v53 =	vsel vm9, $0x1485, v53  }
0xbb: {  	v52 =	vsel vm0, $0x8D, v52;
	v54 =	vsel vm12, $0xA81, v54;
	v8 =	vsel vm12, $0xB01, v8  }
0xbc: {  	v3 =	vsel vm13, $0x1202, v3;
	v10 =	vsel vm11, $0x1483, v10;
	v11 =	vsel vm14, $0x680, v2  }
0xbd: {  	[tilespmem:$0x1FF30] =	vst v0;
	v2 =	vimm.s32 $0xE0F;
	v53 =	vsel vm8, $0x1506, v53;
	v0 =	vsel vm2, $0x10E, v52  }
0xbe: {  	v61 =	vsel vm13, $0xB02, v54;
	v54 =	vsel vm13, $0xF02, v62;
	v27 =	vsel vm12, $0x301, v27  }
0xbf: {  	v8 =	vsel vm13, $0xB82, v8;
	v62 =	vimm.s32 $0xCBA98765;
	v10 =	vsel vm10, $0x1504, v10  }
0xc0: {  	v57 =	vsel vm14, $0xE80, v2;
	v2 =	vimm.s32 $0x28F;
	v56 =	vsel vm6, $0x1587, v53  }
0xc1: {  	v53 =	vsel vm11, $0xB83, v61;
	v54 =	vsel vm11, $0xF83, v54;
	v27 =	vsel vm13, $0x382, v27  }
0xc2: {  	v11 =	vsel vm12, $0x701, v11;
	v61 =	vimm.s32 $0x43210FED;
	v55 =	vunpack.c.l.s4.s8 v62  }
0xc3: {  	v8 =	vsel vm11, $0x1803, v8;
	v10 =	vsel vm9, $0x1585, v10;
	v13 =	vsel vm14, $0x300, v2  }
0xc4: {  	v2 =	vimm.s32 $0xA8F;
	v52 =	vsel vm7, $0x1608, v56;
	v53 =	vsel vm10, $0x1804, v53  }
0xc5: {  	v54 =	vsel vm10, $0x1C04, v54;
	v27 =	vsel vm11, $0x1003, v27;
	v11 =	vsel vm13, $0x782, v11  }
0xc6: {  	[tilespmem:$0x1FD40] =	vst v12;
	v12 =	vsel vm12, $0xF01, v57;
	v57 =	vsel vm11, $0x1283, v3;
	v8 =	vsel vm10, $0x1884, v8  }
0xc7: {  	v10 =	vsel vm8, $0x1606, v10;
	v15 =	vsel vm14, $0xB00, v2;
	v2 =	vimm.s32 $0xE8F  }
0xc8: {  	v52 =	vsel vm5, $0x1689, v52;
	v53 =	vsel vm9, $0x1885, v53;
	v54 =	vsel vm9, $0x1C85, v54  }
0xc9: {  	v27 =	vsel vm10, $0x1084, v27;
	v12 =	vsel vm13, $0xF82, v12;
	v13 =	vsel vm12, $0x381, v13  }
0xca: {  	v55 =	vunpack.c.0.s8.s32 v55;
	v11 =	vsel vm11, $0x1403, v11;
	v8 =	vsel vm9, $0x1905, v8  }
0xcb: {  	v17 =	vsel vm14, $0xF00, v2;
	v2 =	vunpack.c.l.s4.s8 v19;
	v19 =	vsel vm14, $0x780, v18  }
0xcc: {  	v18 =	vsel vm14, $0xB80, v21;
	v21 =	vimm.s32 $0xF0F;
	v52 =	vsel vm4, $0x170A, v52  }
0xcd: {  	v53 =	vsel vm8, $0x1906, v53;
	v54 =	vsel vm8, $0x1D06, v54;
	v27 =	vsel vm9, $0x1105, v27  }
0xce: {  	v13 =	vsel vm13, $0x1002, v13;
	v15 =	vsel vm12, $0xB81, v15;
	v12 =	vsel vm11, $0x1C03, v12  }
0xcf: {  	v11 =	vsel vm10, $0x1484, v11;
	v8 =	vsel vm8, $0x1986, v8;
	v21 =	vsel vm14, $0xF80, v21  }
0xd0: {  	v52 =	vsel vm3, $0x178B, v52;
	v53 =	vsel vm6, $0x1987, v53;
	v56 =	vsel vm6, $0x1D87, v54  }
0xd1: {  	v15 =	vsel vm13, $0x1802, v15;
	v17 =	vsel vm12, $0xF81, v17;
	v19 =	vsel vm12, $0x1401, v19  }
0xd2: {  	v18 =	vsel vm12, $0x1801, v18;
	v54 =	vunpack.c.l.s4.s8 v61;
	v27 =	vsel vm8, $0x1186, v27  }
0xd3: {  	v13 =	vsel vm11, $0x1083, v13;
	v11 =	vsel vm9, $0x1505, v11;
	v8 =	vsel vm6, $0x1A07, v8  }
0xd4: {  	v61 =	vsel vm10, $0x804, v47;
	v2 =	vunpack.c.0.s8.s32 v2;
	v52 =	vsel vm1, $0x40C, v52  }
0xd5: {  	v53 =	vsel vm7, $0x1A08, v53;
	v17 =	vsel vm13, $0x1C02, v17;
	v19 =	vsel vm13, $0x1482, v19  }
0xd6: {  	v18 =	vsel vm13, $0x1882, v18;
	v21 =	vsel vm12, $0x1C01, v21;
	v27 =	vsel vm6, $0x1207, v27  }
0xd7: {  	v15 =	vsel vm11, $0x1883, v15;
	v11 =	vsel vm8, $0x1586, v11;
	v8 =	vsel vm7, $0x1A88, v8  }
0xd8: {  	v52 =	vsel vm0, $0x48D, v52;
	v63 =	vsel vm5, $0x1A89, v53;
	v53 =	vsel vm7, $0x1E08, v56  }
0xd9: {  	v21 =	vsel vm13, $0x1C82, v21;
	v27 =	vsel vm7, $0x1288, v27;
	v17 =	vsel vm11, $0x1C83, v17  }
0xda: {  	v19 =	vsel vm11, $0x1503, v19;
	v18 =	vsel vm11, $0x1903, v18;
	v11 =	vsel vm6, $0x1607, v11  }
0xdb: {  	v8 =	vsel vm5, $0x1B09, v8;
	v56 =	vsel vm10, $0x984, v51;
	v20 =	vcombine.low v20, v2  }
0xdc: {  	[tilespmem:$0x1FEB0] =	vst v0;
	v2 =	vimm.s32 $0x78F;
	v0 =	vsel vm2, $0x50E, v52;
	v52 =	vsel vm4, $0x1B0A, v63  }
0xdd: {  	v53 =	vsel vm5, $0x1E89, v53;
	v27 =	vsel vm5, $0x1309, v27;
	v21 =	vsel vm11, $0x1D03, v21  }
0xde: {  	v8 =	vsel vm4, $0x1B8A, v8;
	v28 =	vsel vm14, $0x1400, v2;
	v52 =	vsel vm3, $0x1B8B, v52  }
0xdf: {  	v53 =	vsel vm4, $0x1F0A, v53;
	v27 =	vsel vm4, $0x138A, v27;
	v8 =	vsel vm3, $0x80B, v8  }
0xe0: {  	v52 =	vsel vm1, $0x80C, v52;
	v53 =	vsel vm3, $0x1F8B, v53;
	v28 =	vsel vm12, $0x1481, v28  }
0xe1: {  	v52 =	vsel vm0, $0x88D, v52;
	v53 =	vsel vm1, $0xC0C, v53;
	v28 =	vsel vm13, $0x1502, v28  }
0xe2: {  	[tilespmem:$0x1FE90] =	vst v0;
	v1 =	vsel vm2, $0x90E, v52;
	v63 =	vsel vm0, $0xC8D, v53;
	v28 =	vsel vm11, $0x1583, v28  }
0xe3: {  	[tilespmem:$0x1FD70] =	vst v1;
	v1 =	vunpack.c.0.s8.s32 v54;
	v0 =	vsel vm2, $0xD0E, v63;
	v63 =	vsel vm10, $0x484, v48  }
0xe4: {  	v53 =	vsel vm11, $0x1203, v29;
	v54 =	vsel vm10, $0x104, v49;
	v47 =	vsel vm9, $0x505, v63  }
0xe5: {  	[tilespmem:$0x1FD90] =	vst v55;
	v48 =	vsel vm9, $0x185, v54;
	v3 =	vcombine.low v55, v1;
	v55 =	vsel vm10, $0xD04, v50  }
0xe6: {  	v50 =	vsel vm9, $0xA05, v56;
	v47 =	vsel vm8, $0x586, v47;
	v48 =	vsel vm8, $0x206, v48  }
0xe7: {  	v49 =	vsel vm9, $0xD85, v55;
	v50 =	vsel vm8, $0xA86, v50;
	v48 =	vsel vm6, $0x287, v48  }
0xe8: {  	v29 =	vand.u32 $0xF, v3;
	v3 =	vsel vm3, $0xB, v27;
	v27 =	vsel vm10, $0x1A84, v30  }
0xe9: {  	v30 =	vsel vm10, $0x1304, v57;
	v57 =	vimm.s32 $0x543210FE;
	v49 =	vsel vm8, $0xE06, v49  }
0xea: {  	v48 =	vsel vm7, $0x308, v48;
	v3 =	vsel vm1, $0x8C, v3;
	v51 =	vunpack.c.l.s4.s8 v57  }
0xeb: {  	v27 =	vsel vm9, $0x1B05, v27;
	v30 =	vsel vm9, $0x1385, v30;
	v57 =	vsel vm8, $0x186, v36  }
0xec: {  	v56 =	vsel vm6, $0xE87, v49;
	v3 =	vsel vm0, $0x10D, v3;
	v27 =	vsel vm8, $0x1B86, v27  }
0xed: {  	v30 =	vsel vm8, $0x6, v30;
	v62 =	vsel vm2, $0x18E, v3;
	v3 =	vsel vm7, $0x1688, v11  }
0xee: {  	v11 =	vsel vm10, $0x1C84, v12;
	v12 =	vsel vm10, $0x1904, v15;
	v15 =	vsel vm10, $0x1184, v16  }
0xef: {  	v16 =	vsel vm10, $0x1584, v19;
	v19 =	vsel vm10, $0x1204, v23;
	v23 =	vsel vm10, $0x1A04, v24  }
0xf0: {  	v24 =	vsel vm10, $0x1E04, v25;
	v25 =	vsel vm10, $0x1284, v53;
	v55 =	vunpack.c.0.s8.s32 v51  }
0xf1: {  	v51 =	vsel vm8, $0xD06, v35;
	v35 =	vmovc v59;
	v59 =	vsel vm8, $0x986, v37;
	v37 =	vmovc v58;
	v58 =	vsel vm6, $0x707, v42  }
0xf2: {  	v3 =	vsel vm5, $0x1709, v3;
	v11 =	vsel vm9, $0x1D05, v11;
	v12 =	vsel vm9, $0x1985, v12  }
0xf3: {  	v15 =	vsel vm9, $0x1205, v15;
	v16 =	vsel vm9, $0x1605, v16;
	v19 =	vsel vm9, $0x1285, v19  }
0xf4: {  	v23 =	vsel vm9, $0x1A85, v23;
	v24 =	vsel vm9, $0x1E85, v24;
	v25 =	vsel vm9, $0x1305, v25  }
0xf5: {  	v53 =	vsel vm6, $0xA07, v59;
	v59 =	vsel vm6, $0xB07, v50;
	v50 =	vsel vm7, $0x788, v58  }
0xf6: {  	v3 =	vsel vm4, $0x178A, v3;
	v11 =	vsel vm8, $0x1D86, v11;
	v12 =	vsel vm8, $0x1A06, v12  }
0xf7: {  	v15 =	vsel vm8, $0x1286, v15;
	v16 =	vsel vm8, $0x1686, v16;
	v3 =	vsel vm3, $0x40B, v3  }
0xf8: {  	v19 =	vsel vm8, $0x1306, v19;
	v23 =	vsel vm8, $0x1B06, v23;
	v3 =	vsel vm1, $0x48C, v3  }
0xf9: {  	v24 =	vsel vm8, $0x1F06, v24;
	v11 =	vsel vm6, $0x1E07, v11;
	v3 =	vsel vm0, $0x50D, v3  }
0xfa: {  	v25 =	vsel vm8, $0x1386, v25;
	v11 =	vsel vm7, $0x1E88, v11;
	v3 =	vsel vm2, $0x58E, v3  }
0xfb: {  	v42 =	vsel vm7, $0xB88, v59;
	[tilespmem:$0x1FDB0] =	vst v3;
	v3 =	vsel vm1, $0x88C, v8;
	v8 =	vsel vm5, $0x1F09, v11  }
0xfc: {  	v11 =	vsel vm10, $0x1104, v13;
	v13 =	vsel vm10, $0x1D04, v17;
	v17 =	vsel vm10, $0x1984, v18  }
0xfd: {  	v18 =	vsel vm10, $0x1D84, v21;
	v21 =	vsel vm10, $0x1604, v28;
	v28 =	vsel vm10, $0x1E84, v31  }
0xfe: {  	v31 =	vsel vm10, $0x1704, v44;
	v44 =	vsel vm10, $0x1384, v45;
	v45 =	vsel vm10, $0x1F84, v46  }
0xff: {  	v46 =	vsel vm9, $0x885, v61;
	v61 =	vimm.s32 $0xDCBA9876;
	v3 =	vsel vm0, $0x90D, v3  }
0x100: {  	v8 =	vsel vm4, $0x1F8A, v8;
	v11 =	vsel vm9, $0x1185, v11;
	v13 =	vsel vm9, $0x1D85, v13  }
0x101: {  	v17 =	vsel vm9, $0x1A05, v17;
	v18 =	vsel vm9, $0x1E05, v18;
	v21 =	vsel vm9, $0x1685, v21  }
0x102: {  	v28 =	vsel vm9, $0x1F05, v28;
	v31 =	vsel vm9, $0x1785, v31;
	v44 =	vsel vm9, $0x5, v44  }
0x103: {  	v45 =	vsel vm9, $0xC05, v45;
	v52 =	vunpack.c.l.s4.s8 v61;
	v46 =	vsel vm8, $0x906, v46  }
0x104: {  	v61 =	vsel vm8, $0xD86, v38;
	v38 =	vmovc v60;
	v60 =	vsel vm6, $0xF07, v43;
	v8 =	vsel vm3, $0xC0B, v8  }
0x105: {  	v11 =	vsel vm8, $0x1206, v11;
	v13 =	vsel vm8, $0x1E06, v13;
	v17 =	vsel vm8, $0x1A86, v17  }
0x106: {  	v18 =	vsel vm8, $0x1E86, v18;
	v21 =	vsel vm8, $0x1706, v21;
	v28 =	vsel vm8, $0x1F86, v28  }
0x107: {  	v31 =	vsel vm8, $0x406, v31;
	v44 =	vsel vm8, $0x86, v44;
	v45 =	vsel vm8, $0xC86, v45  }
0x108: {  	[tilespmem:$0x1FDA0] =	vst v0;
	v0 =	vsel vm2, $0x98E, v3;
	v54 =	vsel vm6, $0xE07, v61;
	v43 =	vsel vm7, $0xF88, v60  }
0x109: {  	v61 =	vimm.s32 $0x6543210F;
	v60 =	vsel vm5, $0xD89, v5;
	v5 =	vsel vm5, $0x389, v48  }
0x10a: {  	v8 =	vsel vm1, $0xC8C, v8;
	v11 =	vsel vm6, $0x1287, v11;
	v63 =	vunpack.c.0.s8.s32 v52  }
0x10b: {  	v52 =	vsel vm6, $0x607, v47;
	v47 =	vsel vm7, $0xE88, v54;
	v5 =	vsel vm4, $0x100A, v5  }
0x10c: {  	v8 =	vsel vm0, $0xD0D, v8;
	v11 =	vsel vm7, $0x1308, v11;
	v5 =	vsel vm3, $0x108B, v5  }
0x10d: {  	v11 =	vsel vm5, $0x1389, v11;
	[tilespmem:$0x1FDD0] =	vst v63;
	v63 =	vcombine.low v63, v55;
	v3 =	vsel vm2, $0xD8E, v8  }
0x10e: {  	v8 =	vsel vm6, $0x1687, v10;
	v10 =	vsel vm6, $0x1A87, v12;
	v12 =	vsel vm6, $0x1B07, v17  }
0x10f: {  	v17 =	vsel vm6, $0x1B87, v23;
	v23 =	vsel vm6, $0x807, v27;
	v27 =	vsel vm6, $0x887, v32  }
0x110: {  	[tilespmem:$0x1FDC0] =	vst v55;
	v55 =	vsel vm6, $0xA87, v40;
	v40 =	vsel vm7, $0xF08, v56;
	v5 =	vsel vm1, $0x110C, v5  }
0x111: {  	[tilespmem:$0x1FDF0] =	vst v3;
	v3 =	vsel vm4, $0xA, v11;
	v8 =	vsel vm7, $0x1708, v8;
	v10 =	vsel vm7, $0x1B08, v10  }
0x112: {  	v11 =	vsel vm6, $0x1707, v16;
	v12 =	vsel vm7, $0x1B88, v12;
	v16 =	vsel vm6, $0x1787, v21  }
0x113: {  	v17 =	vsel vm7, $0x808, v17;
	v21 =	vsel vm6, $0x407, v26;
	v23 =	vsel vm7, $0x888, v23  }
0x114: {  	v26 =	vsel vm6, $0x487, v31;
	v27 =	vsel vm7, $0x908, v27;
	v31 =	vsel vm6, $0x187, v33  }
0x115: {  	v49 =	vsel vm7, $0xB08, v55;
	v5 =	vsel vm0, $0x118D, v5;
	v36 =	vand.u32 $0xF, v63  }
0x116: {  	v3 =	vsel vm3, $0x8B, v3;
	v8 =	vsel vm5, $0x1789, v8;
	v11 =	vsel vm7, $0x1788, v11  }
0x117: {  	v16 =	vsel vm7, $0x408, v16;
	v21 =	vsel vm7, $0x488, v21;
	v26 =	vsel vm7, $0x508, v26  }
0x118: {  	v31 =	vsel vm7, $0x208, v31;
	v63 =	vimm.s32 $0xEDCBA987;
	v55 =	vsel vm5, $0x809, v12  }
0x119: {  	v59 =	vsel vm5, $0x889, v17;
	v23 =	vsel vm5, $0x909, v23;
	v27 =	vsel vm5, $0x989, v27  }
0x11a: {  	v3 =	vsel vm1, $0x10C, v3;
	v58 =	vsel vm5, $0x489, v16;
	v21 =	vsel vm5, $0x509, v21  }
0x11b: {  	v26 =	vsel vm5, $0x589, v26;
	v31 =	vsel vm5, $0x289, v31;
	v3 =	vsel vm0, $0x18D, v3  }
0x11c: {  	v59 =	vsel vm4, $0x90A, v59;
	v2 =	vsel vm2, $0x20E, v3;
	v3 =	vsel vm4, $0x40A, v8  }
0x11d: {  	v8 =	vsel vm5, $0x1B89, v10;
	v10 =	vsel vm6, $0x1E87, v13;
	v13 =	vsel vm6, $0x1F07, v18  }
0x11e: {  	v18 =	vsel vm6, $0x1F87, v24;
	v24 =	vsel vm6, $0xC07, v28;
	v28 =	vsel vm6, $0x107, v44  }
0x11f: {  	v44 =	vsel vm6, $0x587, v34;
	v3 =	vsel vm3, $0x48B, v3;
	v8 =	vsel vm4, $0x80A, v8  }
0x120: {  	v10 =	vsel vm7, $0x1F08, v10;
	v13 =	vsel vm7, $0x1F88, v13;
	v18 =	vsel vm7, $0xC08, v18  }
0x121: {  	v24 =	vsel vm7, $0xC88, v24;
	v28 =	vsel vm7, $0x188, v28;
	v32 =	vsel vm7, $0x608, v44  }
0x122: {  	v3 =	vsel vm1, $0x50C, v3;
	v8 =	vsel vm3, $0x88B, v8;
	v10 =	vsel vm5, $0x1F89, v10  }
0x123: {  	v56 =	vsel vm5, $0xC09, v13;
	v18 =	vsel vm5, $0xC89, v18;
	v24 =	vsel vm5, $0xD09, v24  }
0x124: {  	v28 =	vsel vm5, $0x209, v28;
	v32 =	vsel vm5, $0x689, v32;
	v13 =	vsel vm5, $0xF09, v47  }
0x125: {  	v3 =	vsel vm0, $0x58D, v3;
	v8 =	vsel vm1, $0x90C, v8;
	v47 =	vsel vm4, $0xC8A, v56  }
0x126: {  	[tilespmem:$0x1FD80] =	vst v1;
	v18 =	vsel vm4, $0xD0A, v18;
	v1 =	vsel vm2, $0x60E, v3;
	v3 =	vsel vm0, $0x98D, v8  }
0x127: {  	v8 =	vsel vm4, $0xC0A, v10;
	v10 =	vsel vm6, $0x1307, v15;
	v15 =	vsel vm6, $0x1387, v19  }
0x128: {  	v19 =	vsel vm6, $0x7, v25;
	v25 =	vsel vm6, $0x87, v30;
	v30 =	vsel vm6, $0xD07, v45  }
0x129: {  	v45 =	vsel vm6, $0x987, v46;
	v46 =	vsel vm6, $0xD87, v51;
	v51 =	vsel vm6, $0x207, v57  }
0x12a: {  	v57 =	vsel vm6, $0x307, v41;
	v18 =	vsel vm3, $0xD8B, v18;
	v8 =	vsel vm3, $0xC8B, v8  }
0x12b: {  	v10 =	vsel vm7, $0x1388, v10;
	v15 =	vsel vm7, $0x8, v15;
	v19 =	vsel vm7, $0x88, v19  }
0x12c: {  	v25 =	vsel vm7, $0x108, v25;
	v30 =	vsel vm7, $0xD88, v30;
	v33 =	vsel vm7, $0xA08, v45  }
0x12d: {  	v34 =	vsel vm7, $0xE08, v46;
	v44 =	vsel vm7, $0x288, v51;
	v45 =	vsel vm7, $0x688, v52  }
0x12e: {  	v46 =	vsel vm7, $0xA88, v53;
	v51 =	vsel vm7, $0x708, v39;
	v41 =	vsel vm7, $0x388, v57  }
0x12f: {  	v39 =	vunpack.c.l.s4.s8 v61;
	v52 =	vunpack.c.l.s4.s8 v63;
	v3 =	vsel vm2, $0xA0E, v3  }
0x130: {  	v53 =	vsel vm5, $0x409, v11;
	v61 =	vsel vm5, $0x609, v6;
	v63 =	vsel vm5, $0xA09, v7  }
0x131: {  	v6 =	vsel vm5, $0xF89, v40;
	v7 =	vsel vm5, $0x1409, v50;
	v11 =	vsel vm5, $0x1C09, v43  }
0x132: {  	v18 =	vsel vm1, $0xE0C, v18;
	v8 =	vsel vm1, $0xD0C, v8;
	[tilespmem:$0x1FE00] =	vst v3;
	v3 =	vsel vm5, $0x9, v10  }
0x133: {  	v57 =	vsel vm5, $0x89, v15;
	v19 =	vsel vm5, $0x109, v19;
	v25 =	vsel vm5, $0x189, v25  }
0x134: {  	v30 =	vsel vm5, $0xE09, v30;
	v33 =	vsel vm5, $0xA89, v33;
	v34 =	vsel vm5, $0xE89, v34  }
0x135: {  	v17 =	vsel vm5, $0x309, v44;
	v15 =	vsel vm5, $0x709, v45;
	v16 =	vsel vm5, $0xB09, v46  }
0x136: {  	v12 =	vsel vm5, $0x789, v51;
	v10 =	vsel vm5, $0x1809, v42;
	v53 =	vsel vm4, $0x48A, v53  }
0x137: {  	v18 =	vsel vm0, $0xE8D, v18;
	v6 =	vsel vm4, $0x1C0A, v6;
	v11 =	vsel vm4, $0x1C8A, v11  }
0x138: {  	[tilespmem:$0x1FDE0] =	vst v0;
	v54 =	vsel vm0, $0xD8D, v8;
	v39 =	vunpack.c.0.s8.s32 v39;
	v0 =	vunpack.c.0.s8.s32 v52  }
0x139: {  	v52 =	vsel vm4, $0x8A, v3;
	v3 =	vsel vm5, $0xB89, v49;
	v49 =	vmovc v62;
	v62 =	vsel vm3, $0x50B, v53  }
0x13a: {  	v8 =	vsel vm5, $0x1009, v41;
	v52 =	vsel vm3, $0x10B, v52;
	v41 =	vsel vm1, $0x58C, v62  }
0x13b: {  	[tilespmem:$0x1FE30] =	vst v39;
	v48 =	vcombine.low v0, v39;
	v39 =	vsel vm2, $0xE0E, v54;
	v54 =	vsel vm1, $0x18C, v52  }
0x13c: {  	v40 =	vsel vm0, $0x20D, v54;
	v54 =	vsel vm0, $0x60D, v41;
	v41 =	vsel vm3, $0xD0B, v47  }
0x13d: {  	v43 =	vand.u32 $0xF, v48;
	v48 =	vsel vm4, $0x88A, v55;
	v53 =	vsel vm2, $0x28E, v40  }
0x13e: {  	[tilespmem:$0x1FE40] =	vst v0;
	v0 =	vsel vm2, $0x68E, v54;
	v55 =	vsel vm3, $0x90B, v48;
	v48 =	vsel vm4, $0x10A, v57  }
0x13f: {  	v52 =	vsel vm1, $0xD8C, v41;
	v62 =	vsel vm1, $0x98C, v55;
	v54 =	vsel vm3, $0x18B, v48  }
0x140: {  	v55 =	vsel vm4, $0x50A, v58;
	v40 =	vsel vm0, $0xA0D, v62;
	v41 =	vsel vm1, $0x20C, v54  }
0x141: {  	[tilespmem:$0x1FE70] =	vst v0;
	v57 =	vsel vm3, $0x58B, v55;
	v0 =	vsel vm2, $0xA8E, v40;
	v40 =	vsel vm0, $0xE0D, v52  }
0x142: {  	v56 =	vsel vm0, $0x28D, v41;
	v58 =	vsel vm1, $0x60C, v57;
	v41 =	vsel vm3, $0x98B, v59  }
0x143: {  	[tilespmem:$0x1FE80] =	vst v0;
	v0 =	vsel vm2, $0xE8E, v40;
	v40 =	vsel vm0, $0x68D, v58;
	v62 =	vsel vm1, $0xA0C, v41  }
0x144: {  	v19 =	vsel vm4, $0x18A, v19;
	[tilespmem:$0x1FEA0] =	vst v0;
	v0 =	vsel vm2, $0x70E, v40;
	v40 =	vsel vm0, $0xA8D, v62  }
0x145: {  	v12 =	vsel vm4, $0x140A, v12;
	v10 =	vsel vm4, $0x188A, v10;
	[tilespmem:$0x1FEC0] =	vst v0;
	v0 =	vsel vm2, $0xB0E, v40  }
0x146: {  	v11 =	vsel vm3, $0x1D0B, v11;
	v19 =	vsel vm3, $0x20B, v19;
	[tilespmem:$0x1FED0] =	vst v0;
	v0 =	vsel vm2, $0xF0E, v18  }
0x147: {  	v12 =	vsel vm3, $0x148B, v12;
	v8 =	vsel vm4, $0x108A, v8;
	v10 =	vsel vm3, $0x190B, v10;
	[tilespmem:$0x1FEE0] =	vst v0;
	v0 =	vld [tilespmem:$0x1FEF0]  }
0x148: {  	v11 =	vsel vm1, $0x1D8C, v11;
	v18 =	vsel vm1, $0x28C, v19;
	v19 =	vsel vm4, $0x58A, v21  }
0x149: {  	v51 =	vmovc v2;
	v55 =	vsel vm2, $0x30E, v56;
	v2 =	vsel vm0, $0x30D, v18;
	v18 =	vsel vm3, $0x60B, v19  }
0x14a: {  	v56 =	vsel vm2, $0x38E, v2;
	v2 =	vsel vm1, $0x68C, v18;
	v18 =	vsel vm4, $0x98A, v23  }
0x14b: {  	v19 =	vsel vm4, $0xD8A, v24;
	v2 =	vsel vm0, $0x70D, v2;
	v18 =	vsel vm3, $0xA0B, v18  }
0x14c: {  	v52 =	vand.u32 $0xF, v0;
	v0 =	vsel vm2, $0x78E, v2;
	v2 =	vsel vm1, $0xA8C, v18  }
0x14d: {  	v12 =	vsel vm1, $0x150C, v12;
	v18 =	vsel vm3, $0xE0B, v19;
	v2 =	vsel vm0, $0xB0D, v2  }
0x14e: {  	v19 =	vsel vm4, $0x20A, v25;
	[tilespmem:$0x1FF00] =	vst v0;
	v18 =	vsel vm1, $0xE8C, v18;
	v0 =	vsel vm2, $0xB8E, v2  }
0x14f: {  	v8 =	vsel vm3, $0x110B, v8;
	v2 =	vsel vm0, $0xF0D, v18;
	v18 =	vsel vm3, $0x28B, v19;
	[tilespmem:$0x1FF10] =	vst v0;
	v0 =	vld [tilespmem:$0x1FF20]  }
0x150: {  	v50 =	vmovc v1;
	v12 =	vsel vm0, $0x158D, v12;
	v8 =	vsel vm1, $0x118C, v8;
	v1 =	vsel vm1, $0x30C, v18  }
0x151: {  	v8 =	vsel vm0, $0x120D, v8;
	v54 =	vsel vm2, $0xF8E, v2;
	v1 =	vsel vm0, $0x38D, v1  }
0x152: {  	v2 =	vsel vm4, $0x60A, v26;
	v18 =	vsel vm4, $0xA0A, v27;
	v58 =	vsel vm2, $0x100E, v1  }
0x153: {  	v1 =	vsel vm3, $0x68B, v2;
	v2 =	vsel vm3, $0xA8B, v18;
	v18 =	vsel vm4, $0xE0A, v60  }
0x154: {  	v1 =	vsel vm1, $0x70C, v1;
	v2 =	vsel vm1, $0xB0C, v2;
	v57 =	vand.u32 $0xF, v0;
	v0 =	vld [tilespmem:$0x1FF30]  }
0x155: {  	v18 =	vsel vm3, $0xE8B, v18;
	v1 =	vsel vm0, $0x78D, v1;
	v2 =	vsel vm0, $0xB8D, v2  }
0x156: {  	v59 =	vsel vm2, $0x140E, v1;
	v60 =	vsel vm2, $0x180E, v2;
	v1 =	vsel vm1, $0xF0C, v18  }
0x157: {  	v2 =	vsel vm4, $0x28A, v28;
	v18 =	vsel vm4, $0x68A, v61;
	v1 =	vsel vm0, $0xF8D, v1  }
0x158: {  	v61 =	vsel vm2, $0x1C0E, v1;
	v1 =	vsel vm3, $0x30B, v2;
	v2 =	vsel vm3, $0x70B, v18  }
0x159: {  	v62 =	vand.u32 $0xF, v0;
	v0 =	vsel vm1, $0x38C, v1;
	v1 =	vsel vm1, $0x78C, v2  }
0x15a: {  	v2 =	vsel vm4, $0xA8A, v63;
	v0 =	vsel vm0, $0x100D, v0;
	v1 =	vsel vm0, $0x140D, v1  }
0x15b: {  	v63 =	vsel vm2, $0x108E, v0;
	v18 =	vsel vm2, $0x148E, v1;
	v0 =	vsel vm3, $0xB0B, v2  }
0x15c: {  	v1 =	vsel vm4, $0xE8A, v30;
	v2 =	vsel vm4, $0x30A, v31;
	v0 =	vsel vm1, $0xB8C, v0  }
0x15d: {  	v1 =	vsel vm3, $0xF0B, v1;
	v2 =	vsel vm3, $0x38B, v2;
	v0 =	vsel vm0, $0x180D, v0  }
0x15e: {  	v19 =	vsel vm2, $0x188E, v0;
	v0 =	vsel vm1, $0xF8C, v1;
	v1 =	vsel vm1, $0x100C, v2  }
0x15f: {  	v2 =	vsel vm4, $0x70A, v32;
	v0 =	vsel vm0, $0x1C0D, v0;
	v1 =	vsel vm0, $0x108D, v1  }
0x160: {  	v26 =	vsel vm2, $0x1C8E, v0;
	v27 =	vsel vm2, $0x110E, v1;
	v0 =	vsel vm3, $0x78B, v2  }
0x161: {  	v1 =	vsel vm4, $0xB0A, v33;
	v2 =	vsel vm4, $0xF0A, v34;
	v0 =	vsel vm1, $0x140C, v0  }
0x162: {  	v1 =	vsel vm3, $0xB8B, v1;
	v2 =	vsel vm3, $0xF8B, v2;
	v0 =	vsel vm0, $0x148D, v0  }
0x163: {  	v46 =	vld [tilespmem:$0x1FE10];
	v32 =	vsel vm2, $0x150E, v0;
	v0 =	vsel vm1, $0x180C, v1;
	v1 =	vsel vm1, $0x1C0C, v2  }
0x164: {  	v42 =	vld [tilespmem:$0x1FE20];
	v8 =	vsel vm2, $0x128E, v8;
	v0 =	vsel vm0, $0x188D, v0;
	v1 =	vsel vm0, $0x1C8D, v1  }
0x165: {  	v44 =	vld [tilespmem:$0x1FE50];
	v2 =	vsel vm4, $0x38A, v17;
	v33 =	vsel vm2, $0x190E, v0;
	v40 =	vsel vm2, $0x1D0E, v1  }
0x166: {  	s0 =	rddreg [dreg:$0x0];
	v45 =	vld [tilespmem:$0x1FE60];
	v0 =	vsel vm3, $0x100B, v2;
	v1 =	vsel vm4, $0x78A, v15;
	v2 =	vsel vm4, $0xB8A, v16  }
0x167: {  	s1 =	rddreg [dreg:$0x1];
	s3 =	simm.s32 $0x0;
	v47 =	vld [tilespmem:$0x1FE90];
	v15 =	vsel vm0, $0x1E0D, v11;
	v0 =	vsel vm1, $0x108C, v0;
	v1 =	vsel vm3, $0x140B, v1  }
0x168: {  	[smem:$0x7FF] =	sst s3;
	v48 =	vld [tilespmem:$0x1FEB0];
	v2 =	vsel vm3, $0x180B, v2;
	v15 =	vsel vm2, $0x1E8E, v15;
	v0 =	vsel vm0, $0x110D, v0  }
0x169: {  	s2 =	srdreg.scid;
	s4 =	stileid.u32;
	_ =	strace $0x80000047;
	[tilespmem:$0x1FF40] =	vst v37;
	v41 =	vsel vm2, $0x118E, v0;
	v0 =	vsel vm1, $0x148C, v1;
	v1 =	vsel vm1, $0x188C, v2  }
0x16a: {  	s15 =	simm.s32 $0x6;
	s16 =	simm.s32 $0x200;
	s17 =	simm.s32 $0x400;
	[tilespmem:$0x1FF50] =	vst v38;
	v2 =	vsel vm4, $0xF8A, v13;
	v13 =	vsel vm4, $0x180A, v3;
	v3 =	vsel vm2, $0x120E, v5  }
0x16b: {  	s18 =	simm.s32 $0x1;
	s19 =	simm.s32 $0x2400;
	s21 =	simm.s32 $0x4400;
	[tilespmem:$0x1FF60] =	vst v35;
	v5 =	vsel vm2, $0x160E, v12;
	v0 =	vsel vm0, $0x150D, v0;
	v12 =	vsel vm3, $0x188B, v13  }
0x16c: {  	s20 =	simm.s32 $0x2;
	s22 =	simm.s32 $0x5400;
	s23 =	simm.s32 $0x6400;
	[tilespmem:$0x1FF70] =	vst v49;
	v1 =	vsel vm0, $0x190D, v1;
	v2 =	vsel vm3, $0x1C0B, v2;
	v12 =	vsel vm1, $0x190C, v12  }
0x16d: {  	s24 =	simm.s32 $0x7400;
	s25 =	simm.s32 $0x4;
	s26 =	simm.s32 $0x5;
	[tilespmem:$0x1FF80] =	vst v51;
	v13 =	vsel vm3, $0x1C8B, v6;
	v0 =	vsel vm2, $0x158E, v0;
	v12 =	vsel vm0, $0x198D, v12  }
0x16e: {  	s28 =	simm.s32 $0x0;
	s2 =	sand.u32 $0x1, s2;
	s5 =	sshll.u32 s4, $0x1;
	[tilespmem:$0x1FF90] =	vst v50;
	v1 =	vsel vm2, $0x198E, v1;
	v6 =	vsel vm2, $0x1A0E, v12;
	v12 =	vsel vm1, $0x1D0C, v13  }
0x16f: {  	s4 =	sadd.s32 $0x600, s0;
	s11 =	sadd.s32 $0x4000, s1;
	s6 =	sor.u32 s2, s5;
	[tilespmem:$0x1FFA0] =	vst v39;
	v2 =	vsel vm1, $0x1C8C, v2;
	v13 =	vsel vm4, $0x148A, v7;
	v12 =	vsel vm0, $0x1D8D, v12  }
0x170: {  	s12 =	sadd.s32 $0x8000, s1;
	s30 =	ssub.s32 $0x2, s2;
	s31 =	sshll.u32 s6, $0x6;
	[tilespmem:$0x1FFB0] =	vst v53;
	v2 =	vsel vm0, $0x1D0D, v2;
	v7 =	vsel vm2, $0x1E0E, v12;
	v12 =	vsel vm3, $0x150B, v13  }
0x171: {  	s5 =	sadd.s32 $0xF42A00, s0;
	s8 =	sshrl.u32 s30, $0x1;
	s7 =	sadd.s32 s4, s31;
	[tilespmem:$0x1FFC0] =	vst v55;
	v13 =	vsel vm1, $0x198C, v10;
	v10 =	vlaneseq.u32;
	v12 =	vsel vm1, $0x158C, v12  }
0x172: {  	s13 =	sadd.s32 $0xC000, s1;
	s0 =	ssub.s32 s30, s8;
	s2 =	sadd.s32 $0x800, s7;
	[tilespmem:$0x1FFD0] =	vst v56;
	v13 =	vsel vm0, $0x1A0D, v13;
	v11 =	vmul.u32 $0x10, v10;
	v12 =	vsel vm0, $0x160D, v12  }
0x173: {  	s6 =	sshll.u32 s6, $0x9;
	s0 =	smax.u32 s0, $0x1;
	[dreg:$0x3] =	wrdreg s2;
	[tilespmem:$0x1FFE0] =	vst v54;
	v2 =	vsel vm2, $0x1D8E, v2;
	v13 =	vsel vm2, $0x1A8E, v13;
	v12 =	vsel vm2, $0x168E, v12  }
0x174: {  	s9 =	sor.u32 $0x8000, s6;
	s10 =	sor.u32 $0xC000, s6;
	[dreg:$0x4] =	wrdreg s0;
	[tilespmem:$0x1FFF0] =	vst v58;
	v16 =	vor.u32 $0x1800, v11;
	v17 =	vor.u32 $0x1000, v11;
	v21 =	vor.u32 $0x800, v11  }
.LBB2_1:
0x175: {  	[tilespmem:s3], [sflag:$0x6] =	stream.linear.gather [hbm4b:s7+s3], $0x200, $0x38;
	[tilespmem:$0x8400] =	vst v63  }
0x176: {  	_ =	swait.ge [sflag:s15], $0x200  }
0x177: {  	[sflag:s15] =	ssyncset.done $0x0  }
0x178: {  	[sflag:s15] =	ssyncadd.s32 $0xFFFFFE00  }
0x179: {  	[tilespmem:s17], [sflag:$0x2] =	stream.indirect.gather [hbm4b:s5+s16], $0x10, s3, s16, $0xb8;
	[tilespmem:$0x8400] =	vst v63  }
0x17a: {  	s29 =	simm.s32 $0x0;
	s0 =	rddreg [dreg:$0x3]  }
0x17b: {  	[tilespmem:s16], [sflag:$0x1] =	stream.linear.gather [hbm4b:s0+s3], $0x200, $0x38;
	[tilespmem:$0x8400] =	vst v63  }
.LBB2_2:
0x17c: {  	_ =	swait.ge [sflag:s18], $0x200  }
0x17d: {  	p0 =	seq.s32 s29, $0x0;
	[sflag:s18] =	ssyncset.done $0x0  }
0x17e: {  	s0 =	simm.s32 @!p0 $0x5;
	[sflag:s18] =	ssyncadd.s32 $0xFFFFFE00  }
0x17f: {  	_ =	swait.ge @!p0 [sflag:s0], $0x1000  }
0x180: {  	[sflag:s0] =	ssyncset.done @!p0 $0x0  }
0x181: {  	[sflag:s0] =	ssyncadd.s32 @!p0 $0xFFFFF000  }
0x182: {  	s31 =	simm.s32 $0x0;
	_ =	swait.ge @!p0 [sflag:s0], $0x1000  }
0x183: {  	v23 =	vmov s31;
	[sflag:s0] =	ssyncset.done @!p0 $0x0  }
0x184: {  	v28 =	vshll.u32 v23, $0x4;
	[sflag:s0] =	ssyncadd.s32 @!p0 $0xFFFFF000;
	p0 =	seq.s32 s29, $0x18  }
0x185: {  	v23 =	vor.u32 v11, v28;
	[tilespmem:s19], [sflag:$0x3] =	stream.indirect.gather [hbm4b:s5+s16], $0x10, s16, s16, $0xb8;
	[tilespmem:$0x8400] =	vst v63  }
0x186: {  	v24 =	vor.u32 v10, v23;
	[tilespmem:$0x1FCA0] =	vst v23;
	s0 =	sshll.u32 @!p0 s29, $0xF  }
0x187: {  	_ =	swait.ge [sflag:s20], $0x2000;
	s0 =	sadd.s32 @!p0 s9, s0  }
0x188: {  	[sflag:s20] =	ssyncset.done $0x0;
	s0 =	sshrl.u32 @!p0 s0, $0x3  }
0x189: {  	s2 =	simm.s32 @!p0 $0x0;
	[sflag:s20] =	ssyncadd.s32 $0xFFFFE000;
	s0 =	sadd.s32 @!p0 s4, s0  }
0x18a: {  	[tilespmem:s2], [sflag:$0x1] =	stream.linear.gather @!p0 [hbm4b:s0+s2], $0x200, $0x38;
	[tilespmem:$0x8400] =	vst v63  }
0x18b: {  	v30 =	vor.u32 s31, v37;
	v23 =	vadd.s32 v21, v28;
	v25 =	vld.idx.msk [tilespmem:v24+s17+$0x0], $0xffff  }
0x18c: {  	v31 =	vor.u32 v10, v23;
	_ =	sdelay $0x3  }
0x18d: {  	[tilespmem:v30+s21+$0x0] =	vst.idx.msk $0xffff, v25  }
0x18e: {  	v25 =	vadd.s32 v17, v28;
	v30 =	vld.idx.msk [tilespmem:v31+s17+$0x0], $0xffff;
	v31 =	vor.u32 s31, v38  }
0x18f: {  	v34 =	vor.u32 v10, v25;
	_ =	sdelay $0x3  }
0x190: {  	[tilespmem:v31+s21+$0x0] =	vst.idx.msk $0xffff, v30  }
0x191: {  	[tilespmem:$0x1FCB0] =	vst v23;
	v23 =	vor.u32 s31, v35;
	v28 =	vadd.s32 v16, v28;
	v34 =	vld.idx.msk [tilespmem:v34+s17+$0x0], $0xffff  }
0x192: {  	v30 =	vor.u32 v10, v28  }
0x193: {  	v39 =	vld [tilespmem:$0x1FCC0];
	_ =	sdelay $0x1  }
0x194: {  	s30 =	sshll.u32 s29, $0x10;
	s0 =	simm.s32 $0x10  }
0x195: {  	s14 =	simm.s32 $0x20;
	s8 =	simm.s32 $0x0;
	s2 =	simm.s32 $0x10;
	v31 =	vmov s0;
	[tilespmem:v23+s21+$0x0] =	vst.idx.msk $0xffff, v34  }
.LBB2_3:
0x196: {  	p0 =	sne.s32 s14, $0x70;
	v23 =	vshll.u32 v31, $0x4;
	v30 =	vld.idx.msk [tilespmem:v30+s17+$0x0], $0xffff  }
0x197: {  	v34 =	vor.u32 s8, v39;
	s8 =	smov.u32 s2;
	s2 =	smov.u32 s14;
	v31 =	vor.u32 v11, v23  }
0x198: {  	v31 =	vor.u32 v10, v31;
	_ =	sdelay $0x3  }
0x199: {  	[tilespmem:v34+s21+$0x0] =	vst.idx.msk $0xffff, v30  }
0x19a: {  	v30 =	vld.idx.msk [tilespmem:v31+s17+$0x0], $0xffff  }
0x19b: {  	v34 =	vadd.s32 v21, v23;
	v31 =	vor.u32 s8, v37  }
0x19c: {  	v34 =	vor.u32 v10, v34;
	_ =	sdelay $0x3  }
0x19d: {  	[tilespmem:v31+s21+$0x0] =	vst.idx.msk $0xffff, v30  }
0x19e: {  	v30 =	vld.idx.msk [tilespmem:v34+s17+$0x0], $0xffff  }
0x19f: {  	v31 =	vor.u32 s8, v38;
	v34 =	vadd.s32 v17, v23  }
0x1a0: {  	v34 =	vor.u32 v10, v34;
	_ =	sdelay $0x3  }
0x1a1: {  	[tilespmem:v31+s21+$0x0] =	vst.idx.msk $0xffff, v30  }
0x1a2: {  	v34 =	vld.idx.msk [tilespmem:v34+s17+$0x0], $0xffff  }
0x1a3: {  	v24 =	vor.u32 s8, v35;
	v23 =	vadd.s32 v16, v23  }
.Ltmp0:
0x1a4: {  	v30 =	vor.u32 v10, v23;
	(pc) =	sbr.rel @p0 .LBB2_3-.Ltmp0, $2  }
0x1a5: {  	_ =	sdelay $0x2  }
0x1a6: {  	s14 =	sadd.s32 $0x10, s14;
	v31 =	vmov s2;
	[tilespmem:v24+s21+$0x0] =	vst.idx.msk $0xffff, v34  }
0x1a7: {  	_ =	sdelay $0x2  }
0x1a8: {  	v23 =	vshll.u32 v31, $0x4  }
0x1a9: {  	v24 =	vld.idx.msk [tilespmem:v30+s17+$0x0], $0xffff;
	v31 =	vor.u32 s8, v39;
	v30 =	vor.u32 v11, v23  }
0x1aa: {  	v30 =	vor.u32 v10, v30;
	_ =	sdelay $0x3  }
0x1ab: {  	[tilespmem:v31+s21+$0x0] =	vst.idx.msk $0xffff, v24  }
0x1ac: {  	v31 =	vadd.s32 v21, v23;
	v24 =	vld.idx.msk [tilespmem:v30+s17+$0x0], $0xffff;
	v30 =	vor.u32 s2, v37  }
0x1ad: {  	v31 =	vor.u32 v10, v31;
	_ =	sdelay $0x3  }
0x1ae: {  	[tilespmem:v30+s21+$0x0] =	vst.idx.msk $0xffff, v24  }
0x1af: {  	v30 =	vor.u32 s2, v38;
	v24 =	vld.idx.msk [tilespmem:v31+s17+$0x0], $0xffff;
	v31 =	vadd.s32 v17, v23  }
0x1b0: {  	v31 =	vor.u32 v10, v31;
	_ =	sdelay $0x3  }
0x1b1: {  	[tilespmem:v30+s21+$0x0] =	vst.idx.msk $0xffff, v24  }
0x1b2: {  	v30 =	vor.u32 s2, v35;
	v24 =	vld.idx.msk [tilespmem:v31+s17+$0x0], $0xffff;
	_ =	sdelay $0x2  }
0x1b3: {  	v23 =	vadd.s32 v16, v23  }
0x1b4: {  	v23 =	vor.u32 v10, v23  }
0x1b5: {  	[tilespmem:v30+s21+$0x0] =	vst.idx.msk $0xffff, v24;
	v30 =	vld [tilespmem:$0x1FCA0];
	_ =	sdelay $0x3  }
0x1b6: {  	v24 =	vor.u32 s2, v39;
	v23 =	vld.idx.msk [tilespmem:v23+s17+$0x0], $0xffff  }
0x1b7: {  	v30 =	vor.u32 v4, v30;
	_ =	sdelay $0x3  }
0x1b8: {  	[tilespmem:v24+s21+$0x0] =	vst.idx.msk $0xffff, v23  }
0x1b9: {  	v23 =	vld.idx.msk [tilespmem:v30+s17+$0x0], $0xffff  }
0x1ba: {  	v30 =	vld [tilespmem:$0x1FCB0];
	_ =	sdelay $0x3  }
0x1bb: {  	v24 =	vor.u32 s31, v42  }
0x1bc: {  	v31 =	vld [tilespmem:$0x1FCD0];
	v30 =	vor.u32 v4, v30;
	_ =	sdelay $0x3  }
0x1bd: {  	[tilespmem:v24+s21+$0x0] =	vst.idx.msk $0xffff, v23  }
0x1be: {  	v24 =	vor.u32 s31, v31;
	v23 =	vld.idx.msk [tilespmem:v30+s17+$0x0], $0xffff  }
0x1bf: {  	v25 =	vor.u32 v4, v25;
	v34 =	vld [tilespmem:$0x1FCE0];
	_ =	sdelay $0x3  }
0x1c0: {  	[tilespmem:v24+s21+$0x0] =	vst.idx.msk $0xffff, v23  }
0x1c1: {  	v30 =	vor.u32 s31, v34;
	v25 =	vld.idx.msk [tilespmem:v25+s17+$0x0], $0xffff;
	_ =	sdelay $0x3  }
0x1c2: {  	v23 =	vor.u32 v4, v28  }
0x1c3: {  	[tilespmem:v30+s21+$0x0] =	vst.idx.msk $0xffff, v25;
	v30 =	vld [tilespmem:$0x1FCF0];
	_ =	sdelay $0x2  }
0x1c4: {  	s2 =	simm.s32 $0x20;
	v24 =	vmov s0  }
.LBB2_5:
0x1c5: {  	p0 =	sne.s32 s2, $0x70;
	v24 =	vshll.u32 v24, $0x4;
	v23 =	vld.idx.msk [tilespmem:v23+s17+$0x0], $0xffff  }
0x1c6: {  	v28 =	vor.u32 s31, v30;
	s31 =	smov.u32 s0;
	s0 =	smov.u32 s2;
	v25 =	vor.u32 v11, v24  }
0x1c7: {  	v25 =	vor.u32 v4, v25;
	_ =	sdelay $0x3  }
0x1c8: {  	[tilespmem:v28+s21+$0x0] =	vst.idx.msk $0xffff, v23  }
0x1c9: {  	v23 =	vld.idx.msk [tilespmem:v25+s17+$0x0], $0xffff  }
0x1ca: {  	v28 =	vadd.s32 v21, v24;
	v25 =	vor.u32 s31, v42  }
0x1cb: {  	v28 =	vor.u32 v4, v28;
	_ =	sdelay $0x3  }
0x1cc: {  	[tilespmem:v25+s21+$0x0] =	vst.idx.msk $0xffff, v23  }
0x1cd: {  	v23 =	vld.idx.msk [tilespmem:v28+s17+$0x0], $0xffff  }
0x1ce: {  	v25 =	vor.u32 s31, v31;
	v28 =	vadd.s32 v17, v24  }
0x1cf: {  	v28 =	vor.u32 v4, v28;
	_ =	sdelay $0x3  }
0x1d0: {  	[tilespmem:v25+s21+$0x0] =	vst.idx.msk $0xffff, v23  }
0x1d1: {  	v25 =	vld.idx.msk [tilespmem:v28+s17+$0x0], $0xffff  }
0x1d2: {  	v23 =	vadd.s32 v16, v24;
	v28 =	vor.u32 s31, v34  }
.Ltmp1:
0x1d3: {  	v23 =	vor.u32 v4, v23;
	(pc) =	sbr.rel @p0 .LBB2_5-.Ltmp1, $2  }
0x1d4: {  	_ =	sdelay $0x2  }
0x1d5: {  	s2 =	sadd.s32 $0x10, s2;
	v24 =	vmov s0;
	[tilespmem:v28+s21+$0x0] =	vst.idx.msk $0xffff, v25  }
0x1d6: {  	_ =	sdelay $0x2  }
0x1d7: {  	v24 =	vshll.u32 v24, $0x4  }
0x1d8: {  	v23 =	vld.idx.msk [tilespmem:v23+s17+$0x0], $0xffff;
	v28 =	vor.u32 s31, v30;
	v25 =	vor.u32 v11, v24  }
0x1d9: {  	v25 =	vor.u32 v4, v25;
	_ =	sdelay $0x3  }
0x1da: {  	[tilespmem:v28+s21+$0x0] =	vst.idx.msk $0xffff, v23  }
0x1db: {  	v28 =	vadd.s32 v21, v24;
	v23 =	vld.idx.msk [tilespmem:v25+s17+$0x0], $0xffff;
	v25 =	vor.u32 s0, v42  }
0x1dc: {  	v28 =	vor.u32 v4, v28;
	_ =	sdelay $0x3  }
0x1dd: {  	[tilespmem:v25+s21+$0x0] =	vst.idx.msk $0xffff, v23  }
0x1de: {  	v25 =	vor.u32 s0, v31;
	v23 =	vld.idx.msk [tilespmem:v28+s17+$0x0], $0xffff;
	v28 =	vadd.s32 v17, v24  }
0x1df: {  	v28 =	vor.u32 v4, v28;
	_ =	sdelay $0x3  }
0x1e0: {  	[tilespmem:v25+s21+$0x0] =	vst.idx.msk $0xffff, v23  }
0x1e1: {  	v24 =	vadd.s32 v16, v24;
	v25 =	vor.u32 s0, v34;
	v23 =	vld.idx.msk [tilespmem:v28+s17+$0x0], $0xffff  }
0x1e2: {  	v24 =	vor.u32 v4, v24;
	_ =	sdelay $0x1  }
0x1e3: {  	s31 =	simm.s32 $0x0  }
0x1e4: {  	v28 =	vmov s31  }
0x1e5: {  	v28 =	vshll.u32 v28, $0x4;
	[tilespmem:v25+s21+$0x0] =	vst.idx.msk $0xffff, v23  }
0x1e6: {  	v25 =	vor.u32 s0, v30;
	v23 =	vor.u32 v11, v28;
	v24 =	vld.idx.msk [tilespmem:v24+s17+$0x0], $0xffff  }
0x1e7: {  	v30 =	vor.u32 v9, v23;
	_ =	sdelay $0x3  }
0x1e8: {  	[tilespmem:v25+s21+$0x0] =	vst.idx.msk $0xffff, v24  }
0x1e9: {  	[tilespmem:$0x1FC70] =	vst v23;
	v23 =	vadd.s32 v21, v28;
	v25 =	vld.idx.msk [tilespmem:v30+s17+$0x0], $0xffff;
	v30 =	vor.u32 s31, v45  }
0x1ea: {  	v31 =	vor.u32 v9, v23;
	_ =	sdelay $0x3  }
0x1eb: {  	[tilespmem:v30+s21+$0x0] =	vst.idx.msk $0xffff, v25  }
0x1ec: {  	[tilespmem:$0x1FC80] =	vst v23;
	v23 =	vadd.s32 v17, v28;
	v30 =	vld.idx.msk [tilespmem:v31+s17+$0x0], $0xffff;
	v31 =	vor.u32 s31, v44  }
0x1ed: {  	v42 =	vor.u32 v9, v23;
	v25 =	vld [tilespmem:$0x1FD00];
	_ =	sdelay $0x3  }
0x1ee: {  	[tilespmem:v31+s21+$0x0] =	vst.idx.msk $0xffff, v30  }
0x1ef: {  	v28 =	vadd.s32 v16, v28;
	[tilespmem:$0x1FC90] =	vst v23;
	v23 =	vor.u32 s31, v25;
	v34 =	vld.idx.msk [tilespmem:v42+s17+$0x0], $0xffff  }
0x1f0: {  	v30 =	vor.u32 v9, v28  }
0x1f1: {  	v39 =	vld [tilespmem:$0x1FD10];
	_ =	sdelay $0x1  }
0x1f2: {  	s0 =	simm.s32 $0x10  }
0x1f3: {  	s14 =	simm.s32 $0x20;
	s8 =	simm.s32 $0x0;
	s2 =	simm.s32 $0x10;
	v31 =	vmov s0;
	[tilespmem:v23+s21+$0x0] =	vst.idx.msk $0xffff, v34  }
.LBB2_7:
0x1f4: {  	p0 =	sne.s32 s14, $0x70;
	v23 =	vshll.u32 v31, $0x4;
	v30 =	vld.idx.msk [tilespmem:v30+s17+$0x0], $0xffff  }
0x1f5: {  	v34 =	vor.u32 s8, v39;
	s8 =	smov.u32 s2;
	s2 =	smov.u32 s14;
	v31 =	vor.u32 v11, v23  }
0x1f6: {  	v31 =	vor.u32 v9, v31;
	_ =	sdelay $0x3  }
0x1f7: {  	[tilespmem:v34+s21+$0x0] =	vst.idx.msk $0xffff, v30  }
0x1f8: {  	v30 =	vld.idx.msk [tilespmem:v31+s17+$0x0], $0xffff  }
0x1f9: {  	v34 =	vadd.s32 v21, v23;
	v31 =	vor.u32 s8, v45  }
0x1fa: {  	v34 =	vor.u32 v9, v34;
	_ =	sdelay $0x3  }
0x1fb: {  	[tilespmem:v31+s21+$0x0] =	vst.idx.msk $0xffff, v30  }
0x1fc: {  	v30 =	vld.idx.msk [tilespmem:v34+s17+$0x0], $0xffff  }
0x1fd: {  	v31 =	vor.u32 s8, v44;
	v34 =	vadd.s32 v17, v23  }
0x1fe: {  	v34 =	vor.u32 v9, v34;
	_ =	sdelay $0x3  }
0x1ff: {  	[tilespmem:v31+s21+$0x0] =	vst.idx.msk $0xffff, v30  }
0x200: {  	v34 =	vld.idx.msk [tilespmem:v34+s17+$0x0], $0xffff  }
0x201: {  	v24 =	vor.u32 s8, v25;
	v23 =	vadd.s32 v16, v23  }
.Ltmp2:
0x202: {  	v30 =	vor.u32 v9, v23;
	(pc) =	sbr.rel @p0 .LBB2_7-.Ltmp2, $2  }
0x203: {  	_ =	sdelay $0x2  }
0x204: {  	s14 =	sadd.s32 $0x10, s14;
	v31 =	vmov s2;
	[tilespmem:v24+s21+$0x0] =	vst.idx.msk $0xffff, v34  }
0x205: {  	_ =	sdelay $0x2  }
0x206: {  	v23 =	vshll.u32 v31, $0x4  }
0x207: {  	v24 =	vld.idx.msk [tilespmem:v30+s17+$0x0], $0xffff;
	v31 =	vor.u32 s8, v39;
	v30 =	vor.u32 v11, v23  }
0x208: {  	v30 =	vor.u32 v9, v30;
	_ =	sdelay $0x3  }
0x209: {  	[tilespmem:v31+s21+$0x0] =	vst.idx.msk $0xffff, v24  }
0x20a: {  	v31 =	vadd.s32 v21, v23;
	v24 =	vld.idx.msk [tilespmem:v30+s17+$0x0], $0xffff;
	v30 =	vor.u32 s2, v45  }
0x20b: {  	v31 =	vor.u32 v9, v31;
	_ =	sdelay $0x3  }
0x20c: {  	[tilespmem:v30+s21+$0x0] =	vst.idx.msk $0xffff, v24  }
0x20d: {  	v30 =	vor.u32 s2, v44;
	v24 =	vld.idx.msk [tilespmem:v31+s17+$0x0], $0xffff;
	v31 =	vadd.s32 v17, v23  }
0x20e: {  	v31 =	vor.u32 v9, v31;
	_ =	sdelay $0x3  }
0x20f: {  	[tilespmem:v30+s21+$0x0] =	vst.idx.msk $0xffff, v24  }
0x210: {  	v23 =	vadd.s32 v16, v23;
	v30 =	vor.u32 s2, v25;
	v24 =	vld.idx.msk [tilespmem:v31+s17+$0x0], $0xffff  }
0x211: {  	v23 =	vor.u32 v9, v23  }
0x212: {  	v25 =	vld [tilespmem:$0x1FC70];
	_ =	sdelay $0x2  }
0x213: {  	[tilespmem:v30+s21+$0x0] =	vst.idx.msk $0xffff, v24  }
0x214: {  	v24 =	vor.u32 s2, v39;
	v23 =	vld.idx.msk [tilespmem:v23+s17+$0x0], $0xffff  }
0x215: {  	v30 =	vor.u32 v14, v25  }
0x216: {  	v25 =	vld [tilespmem:$0x1FC80];
	_ =	sdelay $0x2  }
0x217: {  	[tilespmem:v24+s21+$0x0] =	vst.idx.msk $0xffff, v23  }
0x218: {  	v24 =	vor.u32 s31, v46;
	v23 =	vld.idx.msk [tilespmem:v30+s17+$0x0], $0xffff  }
0x219: {  	v31 =	vld [tilespmem:$0x1FD20];
	v30 =	vor.u32 v14, v25  }
0x21a: {  	v25 =	vld [tilespmem:$0x1FC90];
	_ =	sdelay $0x2  }
0x21b: {  	[tilespmem:v24+s21+$0x0] =	vst.idx.msk $0xffff, v23  }
0x21c: {  	v24 =	vor.u32 s31, v31;
	v23 =	vld.idx.msk [tilespmem:v30+s17+$0x0], $0xffff  }
0x21d: {  	v34 =	vld [tilespmem:$0x1FD30];
	v25 =	vor.u32 v14, v25;
	_ =	sdelay $0x3  }
0x21e: {  	[tilespmem:v24+s21+$0x0] =	vst.idx.msk $0xffff, v23  }
0x21f: {  	v30 =	vor.u32 s31, v34;
	v25 =	vld.idx.msk [tilespmem:v25+s17+$0x0], $0xffff;
	_ =	sdelay $0x3  }
0x220: {  	v23 =	vor.u32 v14, v28  }
0x221: {  	[tilespmem:v30+s21+$0x0] =	vst.idx.msk $0xffff, v25;
	v30 =	vld [tilespmem:$0x1FD60];
	_ =	sdelay $0x2  }
0x222: {  	s2 =	simm.s32 $0x20;
	v24 =	vmov s0  }
.LBB2_9:
0x223: {  	p0 =	sne.s32 s2, $0x70;
	v24 =	vshll.u32 v24, $0x4;
	v23 =	vld.idx.msk [tilespmem:v23+s17+$0x0], $0xffff  }
0x224: {  	v28 =	vor.u32 s31, v30;
	s31 =	smov.u32 s0;
	s0 =	smov.u32 s2;
	v25 =	vor.u32 v11, v24  }
0x225: {  	v25 =	vor.u32 v14, v25;
	_ =	sdelay $0x3  }
0x226: {  	[tilespmem:v28+s21+$0x0] =	vst.idx.msk $0xffff, v23  }
0x227: {  	v23 =	vld.idx.msk [tilespmem:v25+s17+$0x0], $0xffff  }
0x228: {  	v28 =	vadd.s32 v21, v24;
	v25 =	vor.u32 s31, v46  }
0x229: {  	v28 =	vor.u32 v14, v28;
	_ =	sdelay $0x3  }
0x22a: {  	[tilespmem:v25+s21+$0x0] =	vst.idx.msk $0xffff, v23  }
0x22b: {  	v23 =	vld.idx.msk [tilespmem:v28+s17+$0x0], $0xffff  }
0x22c: {  	v25 =	vor.u32 s31, v31;
	v28 =	vadd.s32 v17, v24  }
0x22d: {  	v28 =	vor.u32 v14, v28;
	_ =	sdelay $0x3  }
0x22e: {  	[tilespmem:v25+s21+$0x0] =	vst.idx.msk $0xffff, v23  }
0x22f: {  	v25 =	vld.idx.msk [tilespmem:v28+s17+$0x0], $0xffff  }
0x230: {  	v23 =	vadd.s32 v16, v24;
	v28 =	vor.u32 s31, v34  }
.Ltmp3:
0x231: {  	v23 =	vor.u32 v14, v23;
	(pc) =	sbr.rel @p0 .LBB2_9-.Ltmp3, $2  }
0x232: {  	_ =	sdelay $0x2  }
0x233: {  	s2 =	sadd.s32 $0x10, s2;
	v24 =	vmov s0;
	[tilespmem:v28+s21+$0x0] =	vst.idx.msk $0xffff, v25  }
0x234: {  	_ =	sdelay $0x2  }
0x235: {  	v24 =	vshll.u32 v24, $0x4  }
0x236: {  	v23 =	vld.idx.msk [tilespmem:v23+s17+$0x0], $0xffff;
	v28 =	vor.u32 s31, v30;
	v25 =	vor.u32 v11, v24  }
0x237: {  	v25 =	vor.u32 v14, v25;
	_ =	sdelay $0x3  }
0x238: {  	[tilespmem:v28+s21+$0x0] =	vst.idx.msk $0xffff, v23  }
0x239: {  	v28 =	vadd.s32 v21, v24;
	v23 =	vld.idx.msk [tilespmem:v25+s17+$0x0], $0xffff;
	v25 =	vor.u32 s0, v46  }
0x23a: {  	v28 =	vor.u32 v14, v28;
	_ =	sdelay $0x3  }
0x23b: {  	[tilespmem:v25+s21+$0x0] =	vst.idx.msk $0xffff, v23  }
0x23c: {  	v25 =	vor.u32 s0, v31;
	v23 =	vld.idx.msk [tilespmem:v28+s17+$0x0], $0xffff;
	v28 =	vadd.s32 v17, v24  }
0x23d: {  	v28 =	vor.u32 v14, v28;
	_ =	sdelay $0x3  }
0x23e: {  	[tilespmem:v25+s21+$0x0] =	vst.idx.msk $0xffff, v23  }
0x23f: {  	v24 =	vadd.s32 v16, v24;
	v25 =	vor.u32 s0, v34;
	v23 =	vld.idx.msk [tilespmem:v28+s17+$0x0], $0xffff  }
0x240: {  	v24 =	vor.u32 v14, v24;
	_ =	sdelay $0x1  }
0x241: {  	s31 =	simm.s32 $0x0  }
0x242: {  	v28 =	vmov s31  }
0x243: {  	v28 =	vshll.u32 v28, $0x4;
	[tilespmem:v25+s21+$0x0] =	vst.idx.msk $0xffff, v23  }
0x244: {  	v25 =	vor.u32 s0, v30;
	v23 =	vor.u32 v11, v28;
	v24 =	vld.idx.msk [tilespmem:v24+s17+$0x0], $0xffff  }
0x245: {  	v30 =	vor.u32 v22, v23;
	_ =	sdelay $0x3  }
0x246: {  	[tilespmem:v25+s21+$0x0] =	vst.idx.msk $0xffff, v24  }
0x247: {  	[tilespmem:$0x1FC40] =	vst v23;
	v23 =	vadd.s32 v21, v28;
	v25 =	vld.idx.msk [tilespmem:v30+s17+$0x0], $0xffff;
	v30 =	vor.u32 s31, v48  }
0x248: {  	v31 =	vor.u32 v22, v23;
	_ =	sdelay $0x3  }
0x249: {  	[tilespmem:v30+s21+$0x0] =	vst.idx.msk $0xffff, v25  }
0x24a: {  	[tilespmem:$0x1FC50] =	vst v23;
	v23 =	vadd.s32 v17, v28;
	v30 =	vld.idx.msk [tilespmem:v31+s17+$0x0], $0xffff;
	v31 =	vor.u32 s31, v47  }
0x24b: {  	v46 =	vor.u32 v22, v23;
	v25 =	vld [tilespmem:$0x1FD70];
	_ =	sdelay $0x3  }
0x24c: {  	[tilespmem:v31+s21+$0x0] =	vst.idx.msk $0xffff, v30  }
0x24d: {  	v28 =	vadd.s32 v16, v28;
	[tilespmem:$0x1FC60] =	vst v23;
	v23 =	vor.u32 s31, v25;
	v34 =	vld.idx.msk [tilespmem:v46+s17+$0x0], $0xffff  }
0x24e: {  	v30 =	vor.u32 v22, v28  }
0x24f: {  	v39 =	vld [tilespmem:$0x1FDA0];
	_ =	sdelay $0x1  }
0x250: {  	s0 =	simm.s32 $0x10  }
0x251: {  	s14 =	simm.s32 $0x20;
	s8 =	simm.s32 $0x0;
	s2 =	simm.s32 $0x10;
	v31 =	vmov s0;
	[tilespmem:v23+s21+$0x0] =	vst.idx.msk $0xffff, v34  }
.LBB2_11:
0x252: {  	p0 =	sne.s32 s14, $0x70;
	v23 =	vshll.u32 v31, $0x4;
	v30 =	vld.idx.msk [tilespmem:v30+s17+$0x0], $0xffff  }
0x253: {  	v34 =	vor.u32 s8, v39;
	s8 =	smov.u32 s2;
	s2 =	smov.u32 s14;
	v31 =	vor.u32 v11, v23  }
0x254: {  	v31 =	vor.u32 v22, v31;
	_ =	sdelay $0x3  }
0x255: {  	[tilespmem:v34+s21+$0x0] =	vst.idx.msk $0xffff, v30  }
0x256: {  	v30 =	vld.idx.msk [tilespmem:v31+s17+$0x0], $0xffff  }
0x257: {  	v34 =	vadd.s32 v21, v23;
	v31 =	vor.u32 s8, v48  }
0x258: {  	v34 =	vor.u32 v22, v34;
	_ =	sdelay $0x3  }
0x259: {  	[tilespmem:v31+s21+$0x0] =	vst.idx.msk $0xffff, v30  }
0x25a: {  	v30 =	vld.idx.msk [tilespmem:v34+s17+$0x0], $0xffff  }
0x25b: {  	v31 =	vor.u32 s8, v47;
	v34 =	vadd.s32 v17, v23  }
0x25c: {  	v34 =	vor.u32 v22, v34;
	_ =	sdelay $0x3  }
0x25d: {  	[tilespmem:v31+s21+$0x0] =	vst.idx.msk $0xffff, v30  }
0x25e: {  	v34 =	vld.idx.msk [tilespmem:v34+s17+$0x0], $0xffff  }
0x25f: {  	v24 =	vor.u32 s8, v25;
	v23 =	vadd.s32 v16, v23  }
.Ltmp4:
0x260: {  	v30 =	vor.u32 v22, v23;
	(pc) =	sbr.rel @p0 .LBB2_11-.Ltmp4, $2  }
0x261: {  	_ =	sdelay $0x2  }
0x262: {  	s14 =	sadd.s32 $0x10, s14;
	v31 =	vmov s2;
	[tilespmem:v24+s21+$0x0] =	vst.idx.msk $0xffff, v34  }
0x263: {  	_ =	sdelay $0x2  }
0x264: {  	v23 =	vshll.u32 v31, $0x4  }
0x265: {  	v24 =	vld.idx.msk [tilespmem:v30+s17+$0x0], $0xffff;
	v31 =	vor.u32 s8, v39;
	v30 =	vor.u32 v11, v23  }
0x266: {  	v30 =	vor.u32 v22, v30;
	_ =	sdelay $0x3  }
0x267: {  	[tilespmem:v31+s21+$0x0] =	vst.idx.msk $0xffff, v24  }
0x268: {  	v31 =	vadd.s32 v21, v23;
	v24 =	vld.idx.msk [tilespmem:v30+s17+$0x0], $0xffff;
	v30 =	vor.u32 s2, v48  }
0x269: {  	v31 =	vor.u32 v22, v31;
	_ =	sdelay $0x3  }
0x26a: {  	[tilespmem:v30+s21+$0x0] =	vst.idx.msk $0xffff, v24  }
0x26b: {  	v30 =	vor.u32 s2, v47;
	v24 =	vld.idx.msk [tilespmem:v31+s17+$0x0], $0xffff;
	v31 =	vadd.s32 v17, v23  }
0x26c: {  	v31 =	vor.u32 v22, v31;
	_ =	sdelay $0x3  }
0x26d: {  	[tilespmem:v30+s21+$0x0] =	vst.idx.msk $0xffff, v24  }
0x26e: {  	v23 =	vadd.s32 v16, v23;
	v30 =	vor.u32 s2, v25;
	v24 =	vld.idx.msk [tilespmem:v31+s17+$0x0], $0xffff  }
0x26f: {  	v23 =	vor.u32 v22, v23  }
0x270: {  	v25 =	vld [tilespmem:$0x1FC40];
	_ =	sdelay $0x2  }
0x271: {  	[tilespmem:v30+s21+$0x0] =	vst.idx.msk $0xffff, v24  }
0x272: {  	v24 =	vor.u32 s2, v39;
	v23 =	vld.idx.msk [tilespmem:v23+s17+$0x0], $0xffff  }
0x273: {  	v30 =	vor.u32 v29, v25  }
0x274: {  	v25 =	vld [tilespmem:$0x1FC50];
	_ =	sdelay $0x2  }
0x275: {  	[tilespmem:v24+s21+$0x0] =	vst.idx.msk $0xffff, v23  }
0x276: {  	v24 =	vor.u32 s31, v49;
	v23 =	vld.idx.msk [tilespmem:v30+s17+$0x0], $0xffff  }
0x277: {  	v31 =	vld [tilespmem:$0x1FDB0];
	v30 =	vor.u32 v29, v25  }
0x278: {  	v25 =	vld [tilespmem:$0x1FC60];
	_ =	sdelay $0x2  }
0x279: {  	[tilespmem:v24+s21+$0x0] =	vst.idx.msk $0xffff, v23  }
0x27a: {  	v24 =	vor.u32 s31, v31;
	v23 =	vld.idx.msk [tilespmem:v30+s17+$0x0], $0xffff  }
0x27b: {  	v34 =	vld [tilespmem:$0x1FDE0];
	v25 =	vor.u32 v29, v25;
	_ =	sdelay $0x3  }
0x27c: {  	[tilespmem:v24+s21+$0x0] =	vst.idx.msk $0xffff, v23  }
0x27d: {  	v30 =	vor.u32 s31, v34;
	v25 =	vld.idx.msk [tilespmem:v25+s17+$0x0], $0xffff;
	_ =	sdelay $0x3  }
0x27e: {  	v23 =	vor.u32 v29, v28  }
0x27f: {  	[tilespmem:v30+s21+$0x0] =	vst.idx.msk $0xffff, v25;
	v30 =	vld [tilespmem:$0x1FDF0];
	_ =	sdelay $0x2  }
0x280: {  	s2 =	simm.s32 $0x20;
	v24 =	vmov s0  }
.LBB2_13:
0x281: {  	p0 =	sne.s32 s2, $0x70;
	v24 =	vshll.u32 v24, $0x4;
	v23 =	vld.idx.msk [tilespmem:v23+s17+$0x0], $0xffff  }
0x282: {  	v28 =	vor.u32 s31, v30;
	s31 =	smov.u32 s0;
	s0 =	smov.u32 s2;
	v25 =	vor.u32 v11, v24  }
0x283: {  	v25 =	vor.u32 v29, v25;
	_ =	sdelay $0x3  }
0x284: {  	[tilespmem:v28+s21+$0x0] =	vst.idx.msk $0xffff, v23  }
0x285: {  	v23 =	vld.idx.msk [tilespmem:v25+s17+$0x0], $0xffff  }
0x286: {  	v28 =	vadd.s32 v21, v24;
	v25 =	vor.u32 s31, v49  }
0x287: {  	v28 =	vor.u32 v29, v28;
	_ =	sdelay $0x3  }
0x288: {  	[tilespmem:v25+s21+$0x0] =	vst.idx.msk $0xffff, v23  }
0x289: {  	v23 =	vld.idx.msk [tilespmem:v28+s17+$0x0], $0xffff  }
0x28a: {  	v25 =	vor.u32 s31, v31;
	v28 =	vadd.s32 v17, v24  }
0x28b: {  	v28 =	vor.u32 v29, v28;
	_ =	sdelay $0x3  }
0x28c: {  	[tilespmem:v25+s21+$0x0] =	vst.idx.msk $0xffff, v23  }
0x28d: {  	v25 =	vld.idx.msk [tilespmem:v28+s17+$0x0], $0xffff  }
0x28e: {  	v23 =	vadd.s32 v16, v24;
	v28 =	vor.u32 s31, v34  }
.Ltmp5:
0x28f: {  	v23 =	vor.u32 v29, v23;
	(pc) =	sbr.rel @p0 .LBB2_13-.Ltmp5, $2  }
0x290: {  	_ =	sdelay $0x2  }
0x291: {  	s2 =	sadd.s32 $0x10, s2;
	v24 =	vmov s0;
	[tilespmem:v28+s21+$0x0] =	vst.idx.msk $0xffff, v25  }
0x292: {  	_ =	sdelay $0x2  }
0x293: {  	v24 =	vshll.u32 v24, $0x4  }
0x294: {  	v23 =	vld.idx.msk [tilespmem:v23+s17+$0x0], $0xffff;
	v28 =	vor.u32 s31, v30;
	v25 =	vor.u32 v11, v24  }
0x295: {  	v25 =	vor.u32 v29, v25;
	_ =	sdelay $0x3  }
0x296: {  	[tilespmem:v28+s21+$0x0] =	vst.idx.msk $0xffff, v23  }
0x297: {  	v28 =	vadd.s32 v21, v24;
	v23 =	vld.idx.msk [tilespmem:v25+s17+$0x0], $0xffff;
	v25 =	vor.u32 s0, v49  }
0x298: {  	v28 =	vor.u32 v29, v28;
	_ =	sdelay $0x3  }
0x299: {  	[tilespmem:v25+s21+$0x0] =	vst.idx.msk $0xffff, v23  }
0x29a: {  	v25 =	vor.u32 s0, v31;
	v23 =	vld.idx.msk [tilespmem:v28+s17+$0x0], $0xffff;
	v28 =	vadd.s32 v17, v24  }
0x29b: {  	v28 =	vor.u32 v29, v28;
	_ =	sdelay $0x3  }
0x29c: {  	[tilespmem:v25+s21+$0x0] =	vst.idx.msk $0xffff, v23  }
0x29d: {  	v24 =	vadd.s32 v16, v24;
	v25 =	vor.u32 s0, v34;
	v23 =	vld.idx.msk [tilespmem:v28+s17+$0x0], $0xffff  }
0x29e: {  	v24 =	vor.u32 v29, v24;
	_ =	sdelay $0x1  }
0x29f: {  	s31 =	simm.s32 $0x0  }
0x2a0: {  	v28 =	vmov s31  }
0x2a1: {  	v28 =	vshll.u32 v28, $0x4;
	[tilespmem:v25+s21+$0x0] =	vst.idx.msk $0xffff, v23  }
0x2a2: {  	v25 =	vor.u32 s0, v30;
	v23 =	vor.u32 v11, v28;
	v24 =	vld.idx.msk [tilespmem:v24+s17+$0x0], $0xffff  }
0x2a3: {  	v30 =	vor.u32 v36, v23;
	_ =	sdelay $0x3  }
0x2a4: {  	[tilespmem:v25+s21+$0x0] =	vst.idx.msk $0xffff, v24  }
0x2a5: {  	[tilespmem:$0x1FC10] =	vst v23;
	v23 =	vadd.s32 v21, v28;
	v25 =	vld.idx.msk [tilespmem:v30+s17+$0x0], $0xffff;
	v30 =	vor.u32 s31, v51  }
0x2a6: {  	v31 =	vor.u32 v36, v23;
	_ =	sdelay $0x3  }
0x2a7: {  	[tilespmem:v30+s21+$0x0] =	vst.idx.msk $0xffff, v25  }
0x2a8: {  	[tilespmem:$0x1FC20] =	vst v23;
	v23 =	vadd.s32 v17, v28;
	v30 =	vld.idx.msk [tilespmem:v31+s17+$0x0], $0xffff;
	v31 =	vor.u32 s31, v50  }
0x2a9: {  	v49 =	vor.u32 v36, v23;
	v25 =	vld [tilespmem:$0x1FE00];
	_ =	sdelay $0x3  }
0x2aa: {  	[tilespmem:v31+s21+$0x0] =	vst.idx.msk $0xffff, v30  }
0x2ab: {  	v28 =	vadd.s32 v16, v28;
	[tilespmem:$0x1FC30] =	vst v23;
	v23 =	vor.u32 s31, v25;
	v34 =	vld.idx.msk [tilespmem:v49+s17+$0x0], $0xffff  }
0x2ac: {  	v30 =	vor.u32 v36, v28  }
0x2ad: {  	v39 =	vld [tilespmem:$0x1FFA0];
	_ =	sdelay $0x1  }
0x2ae: {  	s0 =	simm.s32 $0x10  }
0x2af: {  	s14 =	simm.s32 $0x20;
	s8 =	simm.s32 $0x0;
	s2 =	simm.s32 $0x10;
	v31 =	vmov s0;
	[tilespmem:v23+s21+$0x0] =	vst.idx.msk $0xffff, v34  }
.LBB2_15:
0x2b0: {  	p0 =	sne.s32 s14, $0x70;
	v23 =	vshll.u32 v31, $0x4;
	v30 =	vld.idx.msk [tilespmem:v30+s17+$0x0], $0xffff  }
0x2b1: {  	v34 =	vor.u32 s8, v39;
	s8 =	smov.u32 s2;
	s2 =	smov.u32 s14;
	v31 =	vor.u32 v11, v23  }
0x2b2: {  	v31 =	vor.u32 v36, v31;
	_ =	sdelay $0x3  }
0x2b3: {  	[tilespmem:v34+s21+$0x0] =	vst.idx.msk $0xffff, v30  }
0x2b4: {  	v30 =	vld.idx.msk [tilespmem:v31+s17+$0x0], $0xffff  }
0x2b5: {  	v34 =	vadd.s32 v21, v23;
	v31 =	vor.u32 s8, v51  }
0x2b6: {  	v34 =	vor.u32 v36, v34;
	_ =	sdelay $0x3  }
0x2b7: {  	[tilespmem:v31+s21+$0x0] =	vst.idx.msk $0xffff, v30  }
0x2b8: {  	v30 =	vld.idx.msk [tilespmem:v34+s17+$0x0], $0xffff  }
0x2b9: {  	v31 =	vor.u32 s8, v50;
	v34 =	vadd.s32 v17, v23  }
0x2ba: {  	v34 =	vor.u32 v36, v34;
	_ =	sdelay $0x3  }
0x2bb: {  	[tilespmem:v31+s21+$0x0] =	vst.idx.msk $0xffff, v30  }
0x2bc: {  	v34 =	vld.idx.msk [tilespmem:v34+s17+$0x0], $0xffff  }
0x2bd: {  	v24 =	vor.u32 s8, v25;
	v23 =	vadd.s32 v16, v23  }
.Ltmp6:
0x2be: {  	v30 =	vor.u32 v36, v23;
	(pc) =	sbr.rel @p0 .LBB2_15-.Ltmp6, $2  }
0x2bf: {  	_ =	sdelay $0x2  }
0x2c0: {  	s14 =	sadd.s32 $0x10, s14;
	v31 =	vmov s2;
	[tilespmem:v24+s21+$0x0] =	vst.idx.msk $0xffff, v34  }
0x2c1: {  	_ =	sdelay $0x2  }
0x2c2: {  	v23 =	vshll.u32 v31, $0x4  }
0x2c3: {  	v24 =	vld.idx.msk [tilespmem:v30+s17+$0x0], $0xffff;
	v31 =	vor.u32 s8, v39;
	v30 =	vor.u32 v11, v23  }
0x2c4: {  	v30 =	vor.u32 v36, v30;
	_ =	sdelay $0x3  }
0x2c5: {  	[tilespmem:v31+s21+$0x0] =	vst.idx.msk $0xffff, v24  }
0x2c6: {  	v31 =	vadd.s32 v21, v23;
	v24 =	vld.idx.msk [tilespmem:v30+s17+$0x0], $0xffff;
	v30 =	vor.u32 s2, v51  }
0x2c7: {  	v31 =	vor.u32 v36, v31;
	_ =	sdelay $0x3  }
0x2c8: {  	[tilespmem:v30+s21+$0x0] =	vst.idx.msk $0xffff, v24  }
0x2c9: {  	v30 =	vor.u32 s2, v50;
	v24 =	vld.idx.msk [tilespmem:v31+s17+$0x0], $0xffff;
	v31 =	vadd.s32 v17, v23  }
0x2ca: {  	v31 =	vor.u32 v36, v31;
	_ =	sdelay $0x3  }
0x2cb: {  	[tilespmem:v30+s21+$0x0] =	vst.idx.msk $0xffff, v24  }
0x2cc: {  	v23 =	vadd.s32 v16, v23;
	v30 =	vor.u32 s2, v25;
	v24 =	vld.idx.msk [tilespmem:v31+s17+$0x0], $0xffff  }
0x2cd: {  	v23 =	vor.u32 v36, v23  }
0x2ce: {  	v25 =	vld [tilespmem:$0x1FC10];
	_ =	sdelay $0x2  }
0x2cf: {  	[tilespmem:v30+s21+$0x0] =	vst.idx.msk $0xffff, v24  }
0x2d0: {  	v24 =	vor.u32 s2, v39;
	v23 =	vld.idx.msk [tilespmem:v23+s17+$0x0], $0xffff  }
0x2d1: {  	v30 =	vor.u32 v43, v25  }
0x2d2: {  	v25 =	vld [tilespmem:$0x1FC20];
	_ =	sdelay $0x2  }
0x2d3: {  	[tilespmem:v24+s21+$0x0] =	vst.idx.msk $0xffff, v23  }
0x2d4: {  	v24 =	vor.u32 s31, v53;
	v23 =	vld.idx.msk [tilespmem:v30+s17+$0x0], $0xffff  }
0x2d5: {  	v31 =	vld [tilespmem:$0x1FE70];
	v30 =	vor.u32 v43, v25  }
0x2d6: {  	v25 =	vld [tilespmem:$0x1FC30];
	_ =	sdelay $0x2  }
0x2d7: {  	[tilespmem:v24+s21+$0x0] =	vst.idx.msk $0xffff, v23  }
0x2d8: {  	v24 =	vor.u32 s31, v31;
	v23 =	vld.idx.msk [tilespmem:v30+s17+$0x0], $0xffff  }
0x2d9: {  	v34 =	vld [tilespmem:$0x1FE80];
	v25 =	vor.u32 v43, v25;
	_ =	sdelay $0x3  }
0x2da: {  	[tilespmem:v24+s21+$0x0] =	vst.idx.msk $0xffff, v23  }
0x2db: {  	v30 =	vor.u32 s31, v34;
	v25 =	vld.idx.msk [tilespmem:v25+s17+$0x0], $0xffff;
	_ =	sdelay $0x3  }
0x2dc: {  	v23 =	vor.u32 v43, v28  }
0x2dd: {  	[tilespmem:v30+s21+$0x0] =	vst.idx.msk $0xffff, v25;
	v30 =	vld [tilespmem:$0x1FEA0];
	_ =	sdelay $0x2  }
0x2de: {  	s2 =	simm.s32 $0x20;
	v24 =	vmov s0  }
.LBB2_17:
0x2df: {  	p0 =	sne.s32 s2, $0x70;
	v24 =	vshll.u32 v24, $0x4;
	v23 =	vld.idx.msk [tilespmem:v23+s17+$0x0], $0xffff  }
0x2e0: {  	v28 =	vor.u32 s31, v30;
	s31 =	smov.u32 s0;
	s0 =	smov.u32 s2;
	v25 =	vor.u32 v11, v24  }
0x2e1: {  	v25 =	vor.u32 v43, v25;
	_ =	sdelay $0x3  }
0x2e2: {  	[tilespmem:v28+s21+$0x0] =	vst.idx.msk $0xffff, v23  }
0x2e3: {  	v23 =	vld.idx.msk [tilespmem:v25+s17+$0x0], $0xffff  }
0x2e4: {  	v28 =	vadd.s32 v21, v24;
	v25 =	vor.u32 s31, v53  }
0x2e5: {  	v28 =	vor.u32 v43, v28;
	_ =	sdelay $0x3  }
0x2e6: {  	[tilespmem:v25+s21+$0x0] =	vst.idx.msk $0xffff, v23  }
0x2e7: {  	v23 =	vld.idx.msk [tilespmem:v28+s17+$0x0], $0xffff  }
0x2e8: {  	v25 =	vor.u32 s31, v31;
	v28 =	vadd.s32 v17, v24  }
0x2e9: {  	v28 =	vor.u32 v43, v28;
	_ =	sdelay $0x3  }
0x2ea: {  	[tilespmem:v25+s21+$0x0] =	vst.idx.msk $0xffff, v23  }
0x2eb: {  	v25 =	vld.idx.msk [tilespmem:v28+s17+$0x0], $0xffff  }
0x2ec: {  	v23 =	vadd.s32 v16, v24;
	v28 =	vor.u32 s31, v34  }
.Ltmp7:
0x2ed: {  	v23 =	vor.u32 v43, v23;
	(pc) =	sbr.rel @p0 .LBB2_17-.Ltmp7, $2  }
0x2ee: {  	_ =	sdelay $0x2  }
0x2ef: {  	s2 =	sadd.s32 $0x10, s2;
	v24 =	vmov s0;
	[tilespmem:v28+s21+$0x0] =	vst.idx.msk $0xffff, v25  }
0x2f0: {  	_ =	sdelay $0x2  }
0x2f1: {  	v24 =	vshll.u32 v24, $0x4  }
0x2f2: {  	v23 =	vld.idx.msk [tilespmem:v23+s17+$0x0], $0xffff;
	v28 =	vor.u32 s31, v30;
	v25 =	vor.u32 v11, v24  }
0x2f3: {  	v25 =	vor.u32 v43, v25;
	_ =	sdelay $0x3  }
0x2f4: {  	[tilespmem:v28+s21+$0x0] =	vst.idx.msk $0xffff, v23  }
0x2f5: {  	v28 =	vadd.s32 v21, v24;
	v23 =	vld.idx.msk [tilespmem:v25+s17+$0x0], $0xffff;
	v25 =	vor.u32 s0, v53  }
0x2f6: {  	v28 =	vor.u32 v43, v28;
	_ =	sdelay $0x3  }
0x2f7: {  	[tilespmem:v25+s21+$0x0] =	vst.idx.msk $0xffff, v23  }
0x2f8: {  	v25 =	vor.u32 s0, v31;
	v23 =	vld.idx.msk [tilespmem:v28+s17+$0x0], $0xffff;
	v28 =	vadd.s32 v17, v24  }
0x2f9: {  	v28 =	vor.u32 v43, v28;
	_ =	sdelay $0x3  }
0x2fa: {  	[tilespmem:v25+s21+$0x0] =	vst.idx.msk $0xffff, v23  }
0x2fb: {  	v24 =	vadd.s32 v16, v24;
	v25 =	vor.u32 s0, v34;
	v23 =	vld.idx.msk [tilespmem:v28+s17+$0x0], $0xffff  }
0x2fc: {  	v24 =	vor.u32 v43, v24;
	_ =	sdelay $0x1  }
0x2fd: {  	s31 =	simm.s32 $0x0  }
0x2fe: {  	v28 =	vmov s31  }
0x2ff: {  	v39 =	vshll.u32 v28, $0x4;
	[tilespmem:v25+s21+$0x0] =	vst.idx.msk $0xffff, v23  }
0x300: {  	v25 =	vor.u32 s0, v30;
	v23 =	vor.u32 v11, v39;
	v24 =	vld.idx.msk [tilespmem:v24+s17+$0x0], $0xffff  }
0x301: {  	v30 =	vor.u32 v20, v23;
	_ =	sdelay $0x3  }
0x302: {  	[tilespmem:v25+s21+$0x0] =	vst.idx.msk $0xffff, v24  }
0x303: {  	v25 =	vld.idx.msk [tilespmem:v30+s17+$0x0], $0xffff;
	v30 =	vor.u32 s31, v55;
	_ =	sdelay $0x3  }
0x304: {  	[tilespmem:$0x1FBD0] =	vst v23;
	v23 =	vadd.s32 v21, v39  }
0x305: {  	v31 =	vor.u32 v20, v23;
	[tilespmem:v30+s21+$0x0] =	vst.idx.msk $0xffff, v25;
	v25 =	vld [tilespmem:$0x1FEC0];
	_ =	sdelay $0x4  }
0x306: {  	[tilespmem:$0x1FBE0] =	vst v23;
	v23 =	vadd.s32 v17, v39;
	v30 =	vld.idx.msk [tilespmem:v31+s17+$0x0], $0xffff;
	v31 =	vor.u32 s31, v25  }
0x307: {  	v28 =	vld [tilespmem:$0x1FED0];
	v53 =	vor.u32 v20, v23;
	_ =	sdelay $0x3  }
0x308: {  	[tilespmem:v31+s21+$0x0] =	vst.idx.msk $0xffff, v30  }
0x309: {  	[tilespmem:$0x1FBF0] =	vst v23;
	v23 =	vor.u32 s31, v28;
	v24 =	vadd.s32 v16, v39;
	v34 =	vld.idx.msk [tilespmem:v53+s17+$0x0], $0xffff  }
0x30a: {  	v30 =	vor.u32 v20, v24  }
0x30b: {  	v39 =	vld [tilespmem:$0x1FEE0];
	_ =	sdelay $0x1  }
0x30c: {  	s0 =	simm.s32 $0x10;
	[tilespmem:$0x1FC00] =	vst v24  }
0x30d: {  	s14 =	simm.s32 $0x20;
	s8 =	simm.s32 $0x0;
	s2 =	simm.s32 $0x10;
	v31 =	vmov s0;
	[tilespmem:v23+s21+$0x0] =	vst.idx.msk $0xffff, v34  }
.LBB2_19:
0x30e: {  	p0 =	sne.s32 s14, $0x70;
	v23 =	vshll.u32 v31, $0x4;
	v30 =	vld.idx.msk [tilespmem:v30+s17+$0x0], $0xffff  }
0x30f: {  	v34 =	vor.u32 s8, v39;
	s8 =	smov.u32 s2;
	s2 =	smov.u32 s14;
	v31 =	vor.u32 v11, v23  }
0x310: {  	v31 =	vor.u32 v20, v31;
	_ =	sdelay $0x3  }
0x311: {  	[tilespmem:v34+s21+$0x0] =	vst.idx.msk $0xffff, v30  }
0x312: {  	v30 =	vld.idx.msk [tilespmem:v31+s17+$0x0], $0xffff  }
0x313: {  	v34 =	vadd.s32 v21, v23;
	v31 =	vor.u32 s8, v55  }
0x314: {  	v34 =	vor.u32 v20, v34;
	_ =	sdelay $0x3  }
0x315: {  	[tilespmem:v31+s21+$0x0] =	vst.idx.msk $0xffff, v30  }
0x316: {  	v30 =	vld.idx.msk [tilespmem:v34+s17+$0x0], $0xffff  }
0x317: {  	v31 =	vor.u32 s8, v25;
	v34 =	vadd.s32 v17, v23  }
0x318: {  	v34 =	vor.u32 v20, v34;
	_ =	sdelay $0x3  }
0x319: {  	[tilespmem:v31+s21+$0x0] =	vst.idx.msk $0xffff, v30  }
0x31a: {  	v34 =	vld.idx.msk [tilespmem:v34+s17+$0x0], $0xffff  }
0x31b: {  	v24 =	vor.u32 s8, v28;
	v23 =	vadd.s32 v16, v23  }
.Ltmp8:
0x31c: {  	v30 =	vor.u32 v20, v23;
	(pc) =	sbr.rel @p0 .LBB2_19-.Ltmp8, $2  }
0x31d: {  	_ =	sdelay $0x2  }
0x31e: {  	s14 =	sadd.s32 $0x10, s14;
	v31 =	vmov s2;
	[tilespmem:v24+s21+$0x0] =	vst.idx.msk $0xffff, v34  }
0x31f: {  	_ =	sdelay $0x2  }
0x320: {  	v23 =	vshll.u32 v31, $0x4  }
0x321: {  	v24 =	vld.idx.msk [tilespmem:v30+s17+$0x0], $0xffff;
	v31 =	vor.u32 s8, v39;
	v30 =	vor.u32 v11, v23  }
0x322: {  	v30 =	vor.u32 v20, v30;
	_ =	sdelay $0x3  }
0x323: {  	[tilespmem:v31+s21+$0x0] =	vst.idx.msk $0xffff, v24  }
0x324: {  	v31 =	vadd.s32 v21, v23;
	v24 =	vld.idx.msk [tilespmem:v30+s17+$0x0], $0xffff;
	v30 =	vor.u32 s2, v55  }
0x325: {  	v31 =	vor.u32 v20, v31;
	_ =	sdelay $0x3  }
0x326: {  	[tilespmem:v30+s21+$0x0] =	vst.idx.msk $0xffff, v24  }
0x327: {  	v30 =	vor.u32 s2, v25;
	v24 =	vld.idx.msk [tilespmem:v31+s17+$0x0], $0xffff;
	v31 =	vadd.s32 v17, v23  }
0x328: {  	v31 =	vor.u32 v20, v31;
	_ =	sdelay $0x3  }
0x329: {  	[tilespmem:v30+s21+$0x0] =	vst.idx.msk $0xffff, v24  }
0x32a: {  	v23 =	vadd.s32 v16, v23;
	v30 =	vor.u32 s2, v28;
	v24 =	vld.idx.msk [tilespmem:v31+s17+$0x0], $0xffff  }
0x32b: {  	v23 =	vor.u32 v20, v23  }
0x32c: {  	v25 =	vld [tilespmem:$0x1FBD0];
	_ =	sdelay $0x2  }
0x32d: {  	[tilespmem:v30+s21+$0x0] =	vst.idx.msk $0xffff, v24  }
0x32e: {  	v24 =	vor.u32 s2, v39;
	v23 =	vld.idx.msk [tilespmem:v23+s17+$0x0], $0xffff  }
0x32f: {  	v30 =	vor.u32 v52, v25  }
0x330: {  	v25 =	vld [tilespmem:$0x1FBE0];
	_ =	sdelay $0x2  }
0x331: {  	[tilespmem:v24+s21+$0x0] =	vst.idx.msk $0xffff, v23  }
0x332: {  	v24 =	vor.u32 s31, v56;
	v23 =	vld.idx.msk [tilespmem:v30+s17+$0x0], $0xffff  }
0x333: {  	v31 =	vld [tilespmem:$0x1FF00];
	v30 =	vor.u32 v52, v25;
	_ =	sdelay $0x3  }
0x334: {  	v25 =	vld [tilespmem:$0x1FBF0];
	[tilespmem:v24+s21+$0x0] =	vst.idx.msk $0xffff, v23  }
0x335: {  	v24 =	vor.u32 s31, v31;
	v23 =	vld.idx.msk [tilespmem:v30+s17+$0x0], $0xffff;
	_ =	sdelay $0x3  }
0x336: {  	v34 =	vld [tilespmem:$0x1FF10];
	v25 =	vor.u32 v52, v25  }
0x337: {  	[tilespmem:v24+s21+$0x0] =	vst.idx.msk $0xffff, v23;
	v23 =	vld [tilespmem:$0x1FC00];
	_ =	sdelay $0x3  }
0x338: {  	v30 =	vor.u32 s31, v34;
	v25 =	vld.idx.msk [tilespmem:v25+s17+$0x0], $0xffff  }
0x339: {  	v23 =	vor.u32 v52, v23;
	_ =	sdelay $0x3  }
0x33a: {  	s2 =	simm.s32 $0x20;
	v24 =	vmov s0;
	[tilespmem:v30+s21+$0x0] =	vst.idx.msk $0xffff, v25  }
.LBB2_21:
0x33b: {  	p0 =	sne.s32 s2, $0x70;
	v24 =	vshll.u32 v24, $0x4;
	v23 =	vld.idx.msk [tilespmem:v23+s17+$0x0], $0xffff  }
0x33c: {  	v28 =	vor.u32 s31, v54;
	s31 =	smov.u32 s0;
	s0 =	smov.u32 s2;
	v25 =	vor.u32 v11, v24  }
0x33d: {  	v25 =	vor.u32 v52, v25;
	_ =	sdelay $0x3  }
0x33e: {  	[tilespmem:v28+s21+$0x0] =	vst.idx.msk $0xffff, v23  }
0x33f: {  	v23 =	vld.idx.msk [tilespmem:v25+s17+$0x0], $0xffff  }
0x340: {  	v28 =	vadd.s32 v21, v24;
	v25 =	vor.u32 s31, v56  }
0x341: {  	v28 =	vor.u32 v52, v28;
	_ =	sdelay $0x3  }
0x342: {  	[tilespmem:v25+s21+$0x0] =	vst.idx.msk $0xffff, v23  }
0x343: {  	v23 =	vld.idx.msk [tilespmem:v28+s17+$0x0], $0xffff  }
0x344: {  	v25 =	vor.u32 s31, v31;
	v28 =	vadd.s32 v17, v24  }
0x345: {  	v28 =	vor.u32 v52, v28;
	_ =	sdelay $0x3  }
0x346: {  	[tilespmem:v25+s21+$0x0] =	vst.idx.msk $0xffff, v23  }
0x347: {  	v25 =	vld.idx.msk [tilespmem:v28+s17+$0x0], $0xffff  }
0x348: {  	v23 =	vadd.s32 v16, v24;
	v28 =	vor.u32 s31, v34  }
.Ltmp9:
0x349: {  	v23 =	vor.u32 v52, v23;
	(pc) =	sbr.rel @p0 .LBB2_21-.Ltmp9, $2  }
0x34a: {  	_ =	sdelay $0x2  }
0x34b: {  	s2 =	sadd.s32 $0x10, s2;
	v24 =	vmov s0;
	[tilespmem:v28+s21+$0x0] =	vst.idx.msk $0xffff, v25  }
0x34c: {  	_ =	sdelay $0x2  }
0x34d: {  	v24 =	vshll.u32 v24, $0x4  }
0x34e: {  	v23 =	vld.idx.msk [tilespmem:v23+s17+$0x0], $0xffff;
	v28 =	vor.u32 s31, v54;
	v25 =	vor.u32 v11, v24  }
0x34f: {  	v25 =	vor.u32 v52, v25;
	_ =	sdelay $0x3  }
0x350: {  	[tilespmem:v28+s21+$0x0] =	vst.idx.msk $0xffff, v23  }
0x351: {  	v28 =	vadd.s32 v21, v24;
	v23 =	vld.idx.msk [tilespmem:v25+s17+$0x0], $0xffff;
	v25 =	vor.u32 s0, v56  }
0x352: {  	v28 =	vor.u32 v52, v28;
	_ =	sdelay $0x3  }
0x353: {  	[tilespmem:v25+s21+$0x0] =	vst.idx.msk $0xffff, v23  }
0x354: {  	v25 =	vor.u32 s0, v31;
	v23 =	vld.idx.msk [tilespmem:v28+s17+$0x0], $0xffff;
	v28 =	vadd.s32 v17, v24  }
0x355: {  	v28 =	vor.u32 v52, v28;
	_ =	sdelay $0x3  }
0x356: {  	[tilespmem:v25+s21+$0x0] =	vst.idx.msk $0xffff, v23  }
0x357: {  	v24 =	vadd.s32 v16, v24;
	v25 =	vor.u32 s0, v34;
	v23 =	vld.idx.msk [tilespmem:v28+s17+$0x0], $0xffff  }
0x358: {  	v24 =	vor.u32 v52, v24;
	_ =	sdelay $0x1  }
0x359: {  	s31 =	simm.s32 $0x0  }
0x35a: {  	v28 =	vmov s31  }
0x35b: {  	v28 =	vshll.u32 v28, $0x4;
	[tilespmem:v25+s21+$0x0] =	vst.idx.msk $0xffff, v23  }
0x35c: {  	v39 =	vor.u32 v11, v28;
	v25 =	vor.u32 s0, v54;
	v24 =	vld.idx.msk [tilespmem:v24+s17+$0x0], $0xffff  }
0x35d: {  	v30 =	vor.u32 v57, v39;
	_ =	sdelay $0x3  }
0x35e: {  	[tilespmem:v25+s21+$0x0] =	vst.idx.msk $0xffff, v24  }
0x35f: {  	v23 =	vadd.s32 v21, v28;
	v25 =	vld.idx.msk [tilespmem:v30+s17+$0x0], $0xffff;
	v30 =	vor.u32 s31, v58  }
0x360: {  	v31 =	vor.u32 v57, v23;
	_ =	sdelay $0x3  }
0x361: {  	[tilespmem:v30+s21+$0x0] =	vst.idx.msk $0xffff, v25  }
0x362: {  	v25 =	vadd.s32 v17, v28;
	v30 =	vld.idx.msk [tilespmem:v31+s17+$0x0], $0xffff;
	v31 =	vor.u32 s31, v59  }
0x363: {  	v56 =	vor.u32 v57, v25;
	_ =	sdelay $0x3  }
0x364: {  	[tilespmem:v31+s21+$0x0] =	vst.idx.msk $0xffff, v30  }
0x365: {  	[tilespmem:$0x1FBC0] =	vst v23;
	v23 =	vor.u32 s31, v60;
	v28 =	vadd.s32 v16, v28;
	v34 =	vld.idx.msk [tilespmem:v56+s17+$0x0], $0xffff  }
0x366: {  	v30 =	vor.u32 v57, v28;
	_ =	sdelay $0x2  }
0x367: {  	s0 =	simm.s32 $0x10  }
0x368: {  	s14 =	simm.s32 $0x20;
	s8 =	simm.s32 $0x0;
	s2 =	simm.s32 $0x10;
	v31 =	vmov s0;
	[tilespmem:v23+s21+$0x0] =	vst.idx.msk $0xffff, v34  }
.LBB2_23:
0x369: {  	p0 =	sne.s32 s14, $0x70;
	v23 =	vshll.u32 v31, $0x4;
	v30 =	vld.idx.msk [tilespmem:v30+s17+$0x0], $0xffff  }
0x36a: {  	v34 =	vor.u32 s8, v61;
	s8 =	smov.u32 s2;
	s2 =	smov.u32 s14;
	v31 =	vor.u32 v11, v23  }
0x36b: {  	v31 =	vor.u32 v57, v31;
	_ =	sdelay $0x3  }
0x36c: {  	[tilespmem:v34+s21+$0x0] =	vst.idx.msk $0xffff, v30  }
0x36d: {  	v30 =	vld.idx.msk [tilespmem:v31+s17+$0x0], $0xffff  }
0x36e: {  	v34 =	vadd.s32 v21, v23;
	v31 =	vor.u32 s8, v58  }
0x36f: {  	v34 =	vor.u32 v57, v34;
	_ =	sdelay $0x3  }
0x370: {  	[tilespmem:v31+s21+$0x0] =	vst.idx.msk $0xffff, v30  }
0x371: {  	v30 =	vld.idx.msk [tilespmem:v34+s17+$0x0], $0xffff  }
0x372: {  	v31 =	vor.u32 s8, v59;
	v34 =	vadd.s32 v17, v23  }
0x373: {  	v34 =	vor.u32 v57, v34;
	_ =	sdelay $0x3  }
0x374: {  	[tilespmem:v31+s21+$0x0] =	vst.idx.msk $0xffff, v30  }
0x375: {  	v34 =	vld.idx.msk [tilespmem:v34+s17+$0x0], $0xffff  }
0x376: {  	v24 =	vor.u32 s8, v60;
	v23 =	vadd.s32 v16, v23  }
.Ltmp10:
0x377: {  	v30 =	vor.u32 v57, v23;
	(pc) =	sbr.rel @p0 .LBB2_23-.Ltmp10, $2  }
0x378: {  	_ =	sdelay $0x2  }
0x379: {  	s14 =	sadd.s32 $0x10, s14;
	v31 =	vmov s2;
	[tilespmem:v24+s21+$0x0] =	vst.idx.msk $0xffff, v34  }
0x37a: {  	_ =	sdelay $0x2  }
0x37b: {  	v23 =	vshll.u32 v31, $0x4  }
0x37c: {  	v24 =	vld.idx.msk [tilespmem:v30+s17+$0x0], $0xffff;
	v31 =	vor.u32 s8, v61;
	v30 =	vor.u32 v11, v23  }
0x37d: {  	v30 =	vor.u32 v57, v30;
	_ =	sdelay $0x3  }
0x37e: {  	[tilespmem:v31+s21+$0x0] =	vst.idx.msk $0xffff, v24  }
0x37f: {  	v31 =	vadd.s32 v21, v23;
	v24 =	vld.idx.msk [tilespmem:v30+s17+$0x0], $0xffff;
	v30 =	vor.u32 s2, v58  }
0x380: {  	v31 =	vor.u32 v57, v31;
	_ =	sdelay $0x3  }
0x381: {  	[tilespmem:v30+s21+$0x0] =	vst.idx.msk $0xffff, v24  }
0x382: {  	v30 =	vor.u32 s2, v59;
	v24 =	vld.idx.msk [tilespmem:v31+s17+$0x0], $0xffff;
	v31 =	vadd.s32 v17, v23  }
0x383: {  	v31 =	vor.u32 v57, v31;
	_ =	sdelay $0x3  }
0x384: {  	[tilespmem:v30+s21+$0x0] =	vst.idx.msk $0xffff, v24  }
0x385: {  	v23 =	vadd.s32 v16, v23;
	v30 =	vor.u32 s2, v60;
	v24 =	vld.idx.msk [tilespmem:v31+s17+$0x0], $0xffff  }
0x386: {  	v23 =	vor.u32 v57, v23;
	_ =	sdelay $0x3  }
0x387: {  	[tilespmem:v30+s21+$0x0] =	vst.idx.msk $0xffff, v24  }
0x388: {  	v24 =	vor.u32 s2, v61;
	v23 =	vld.idx.msk [tilespmem:v23+s17+$0x0], $0xffff  }
0x389: {  	v30 =	vor.u32 v62, v39;
	_ =	sdelay $0x3  }
0x38a: {  	[tilespmem:v24+s21+$0x0] =	vst.idx.msk $0xffff, v23  }
0x38b: {  	v23 =	vld.idx.msk [tilespmem:v30+s17+$0x0], $0xffff  }
0x38c: {  	v30 =	vld [tilespmem:$0x1FBC0];
	_ =	sdelay $0x3  }
0x38d: {  	v24 =	vor.u32 s31, v63  }
0x38e: {  	v30 =	vor.u32 v62, v30;
	_ =	sdelay $0x3  }
0x38f: {  	[tilespmem:v24+s21+$0x0] =	vst.idx.msk $0xffff, v23  }
0x390: {  	v24 =	vor.u32 s31, v18;
	v23 =	vld.idx.msk [tilespmem:v30+s17+$0x0], $0xffff  }
0x391: {  	v25 =	vor.u32 v62, v25;
	_ =	sdelay $0x3  }
0x392: {  	[tilespmem:v24+s21+$0x0] =	vst.idx.msk $0xffff, v23  }
0x393: {  	v30 =	vor.u32 s31, v19;
	v25 =	vld.idx.msk [tilespmem:v25+s17+$0x0], $0xffff  }
0x394: {  	v23 =	vor.u32 v62, v28;
	_ =	sdelay $0x3  }
0x395: {  	s2 =	simm.s32 $0x20;
	v24 =	vmov s0;
	[tilespmem:v30+s21+$0x0] =	vst.idx.msk $0xffff, v25  }
.LBB2_25:
0x396: {  	p0 =	sne.s32 s2, $0x70;
	v24 =	vshll.u32 v24, $0x4;
	v23 =	vld.idx.msk [tilespmem:v23+s17+$0x0], $0xffff  }
0x397: {  	v28 =	vor.u32 s31, v26;
	s31 =	smov.u32 s0;
	s0 =	smov.u32 s2;
	v25 =	vor.u32 v11, v24  }
0x398: {  	v25 =	vor.u32 v62, v25;
	_ =	sdelay $0x3  }
0x399: {  	[tilespmem:v28+s21+$0x0] =	vst.idx.msk $0xffff, v23  }
0x39a: {  	v23 =	vld.idx.msk [tilespmem:v25+s17+$0x0], $0xffff  }
0x39b: {  	v28 =	vadd.s32 v21, v24;
	v25 =	vor.u32 s31, v63  }
0x39c: {  	v28 =	vor.u32 v62, v28;
	_ =	sdelay $0x3  }
0x39d: {  	[tilespmem:v25+s21+$0x0] =	vst.idx.msk $0xffff, v23  }
0x39e: {  	v23 =	vld.idx.msk [tilespmem:v28+s17+$0x0], $0xffff  }
0x39f: {  	v25 =	vor.u32 s31, v18;
	v28 =	vadd.s32 v17, v24  }
0x3a0: {  	v28 =	vor.u32 v62, v28;
	_ =	sdelay $0x3  }
0x3a1: {  	[tilespmem:v25+s21+$0x0] =	vst.idx.msk $0xffff, v23  }
0x3a2: {  	v25 =	vld.idx.msk [tilespmem:v28+s17+$0x0], $0xffff  }
0x3a3: {  	v23 =	vadd.s32 v16, v24;
	v28 =	vor.u32 s31, v19  }
.Ltmp11:
0x3a4: {  	v23 =	vor.u32 v62, v23;
	(pc) =	sbr.rel @p0 .LBB2_25-.Ltmp11, $2  }
0x3a5: {  	_ =	sdelay $0x2  }
0x3a6: {  	s2 =	sadd.s32 $0x10, s2;
	v24 =	vmov s0;
	[tilespmem:v28+s21+$0x0] =	vst.idx.msk $0xffff, v25  }
0x3a7: {  	_ =	sdelay $0x2  }
0x3a8: {  	v24 =	vshll.u32 v24, $0x4  }
0x3a9: {  	v23 =	vld.idx.msk [tilespmem:v23+s17+$0x0], $0xffff;
	v28 =	vor.u32 s31, v26;
	v25 =	vor.u32 v11, v24  }
0x3aa: {  	v25 =	vor.u32 v62, v25;
	_ =	sdelay $0x3  }
0x3ab: {  	[tilespmem:v28+s21+$0x0] =	vst.idx.msk $0xffff, v23  }
0x3ac: {  	v28 =	vadd.s32 v21, v24;
	v23 =	vld.idx.msk [tilespmem:v25+s17+$0x0], $0xffff;
	v25 =	vor.u32 s0, v63  }
0x3ad: {  	v28 =	vor.u32 v62, v28;
	_ =	sdelay $0x3  }
0x3ae: {  	[tilespmem:v25+s21+$0x0] =	vst.idx.msk $0xffff, v23  }
0x3af: {  	v25 =	vor.u32 s0, v18;
	v23 =	vld.idx.msk [tilespmem:v28+s17+$0x0], $0xffff;
	v28 =	vadd.s32 v17, v24  }
0x3b0: {  	v28 =	vor.u32 v62, v28;
	_ =	sdelay $0x2  }
0x3b1: {  	v31 =	vld [tilespmem:$0x1FD50]  }
0x3b2: {  	[tilespmem:v25+s21+$0x0] =	vst.idx.msk $0xffff, v23;
	v25 =	vld [tilespmem:$0x1FD40]  }
0x3b3: {  	v24 =	vadd.s32 v16, v24;
	v23 =	vld.idx.msk [tilespmem:v28+s17+$0x0], $0xffff;
	v28 =	vor.u32 s0, v19  }
0x3b4: {  	v24 =	vor.u32 v62, v24;
	_ =	sdelay $0x1  }
0x3b5: {  	s31 =	simm.s32 $0x0  }
0x3b6: {  	v30 =	vmov s31;
	v25 =	vcombine.low v25, v31  }
0x3b7: {  	[tilespmem:v28+s21+$0x0] =	vst.idx.msk $0xffff, v23;
	v28 =	vshll.u32 v30, $0x4  }
0x3b8: {  	v30 =	vor.u32 s0, v26;
	v24 =	vld.idx.msk [tilespmem:v24+s17+$0x0], $0xffff;
	v35 =	vor.u32 v11, v28;
	v23 =	vand.u32 $0xF, v25  }
0x3b9: {  	v31 =	vor.u32 v23, v35;
	_ =	sdelay $0x3  }
0x3ba: {  	[tilespmem:v30+s21+$0x0] =	vst.idx.msk $0xffff, v24  }
0x3bb: {  	v39 =	vadd.s32 v21, v28;
	v30 =	vor.u32 s31, v27;
	v24 =	vld.idx.msk [tilespmem:v31+s17+$0x0], $0xffff  }
0x3bc: {  	v31 =	vor.u32 v23, v39;
	_ =	sdelay $0x3  }
0x3bd: {  	[tilespmem:v30+s21+$0x0] =	vst.idx.msk $0xffff, v24  }
0x3be: {  	v30 =	vor.u32 s31, v32;
	v24 =	vld.idx.msk [tilespmem:v31+s17+$0x0], $0xffff;
	v31 =	vadd.s32 v17, v28  }
0x3bf: {  	[tilespmem:$0x1FBA0] =	vst v31;
	v31 =	vor.u32 v23, v31;
	_ =	sdelay $0x3  }
0x3c0: {  	[tilespmem:v30+s21+$0x0] =	vst.idx.msk $0xffff, v24  }
0x3c1: {  	v34 =	vor.u32 s31, v33;
	v24 =	vadd.s32 v16, v28;
	v31 =	vld.idx.msk [tilespmem:v31+s17+$0x0], $0xffff  }
0x3c2: {  	[tilespmem:$0x1FBB0] =	vst v24;
	v24 =	vor.u32 v23, v24;
	_ =	sdelay $0x2  }
0x3c3: {  	s0 =	simm.s32 $0x10  }
0x3c4: {  	s14 =	simm.s32 $0x20;
	s8 =	simm.s32 $0x0;
	s2 =	simm.s32 $0x10;
	v30 =	vmov s0;
	[tilespmem:v34+s21+$0x0] =	vst.idx.msk $0xffff, v31  }
.LBB2_27:
0x3c5: {  	p0 =	sne.s32 s14, $0x70;
	v30 =	vshll.u32 v30, $0x4;
	v24 =	vld.idx.msk [tilespmem:v24+s17+$0x0], $0xffff  }
0x3c6: {  	v34 =	vand.u32 $0xF, v25;
	v28 =	vor.u32 s8, v40;
	s8 =	smov.u32 s2;
	s2 =	smov.u32 s14;
	v31 =	vor.u32 v11, v30  }
0x3c7: {  	v31 =	vor.u32 v34, v31;
	_ =	sdelay $0x3  }
0x3c8: {  	[tilespmem:v28+s21+$0x0] =	vst.idx.msk $0xffff, v24  }
0x3c9: {  	v24 =	vld.idx.msk [tilespmem:v31+s17+$0x0], $0xffff  }
0x3ca: {  	v28 =	vor.u32 s8, v27;
	v31 =	vadd.s32 v21, v30  }
0x3cb: {  	v31 =	vor.u32 v34, v31;
	_ =	sdelay $0x3  }
0x3cc: {  	[tilespmem:v28+s21+$0x0] =	vst.idx.msk $0xffff, v24  }
0x3cd: {  	v24 =	vld.idx.msk [tilespmem:v31+s17+$0x0], $0xffff  }
0x3ce: {  	v28 =	vor.u32 s8, v32;
	v31 =	vadd.s32 v17, v30  }
0x3cf: {  	v31 =	vor.u32 v34, v31;
	_ =	sdelay $0x3  }
0x3d0: {  	[tilespmem:v28+s21+$0x0] =	vst.idx.msk $0xffff, v24  }
0x3d1: {  	v28 =	vld.idx.msk [tilespmem:v31+s17+$0x0], $0xffff  }
0x3d2: {  	v24 =	vadd.s32 v16, v30;
	v31 =	vor.u32 s8, v33  }
.Ltmp12:
0x3d3: {  	v24 =	vor.u32 v34, v24;
	(pc) =	sbr.rel @p0 .LBB2_27-.Ltmp12, $2  }
0x3d4: {  	_ =	sdelay $0x2  }
0x3d5: {  	s14 =	sadd.s32 $0x10, s14;
	v30 =	vmov s2;
	[tilespmem:v31+s21+$0x0] =	vst.idx.msk $0xffff, v28  }
0x3d6: {  	_ =	sdelay $0x2  }
0x3d7: {  	v25 =	vshll.u32 v30, $0x4  }
0x3d8: {  	v24 =	vld.idx.msk [tilespmem:v24+s17+$0x0], $0xffff;
	v30 =	vor.u32 s8, v40;
	v28 =	vor.u32 v11, v25  }
0x3d9: {  	v28 =	vor.u32 v23, v28;
	_ =	sdelay $0x3  }
0x3da: {  	[tilespmem:v30+s21+$0x0] =	vst.idx.msk $0xffff, v24  }
0x3db: {  	v30 =	vadd.s32 v21, v25;
	v24 =	vld.idx.msk [tilespmem:v28+s17+$0x0], $0xffff;
	v28 =	vor.u32 s2, v27  }
0x3dc: {  	v30 =	vor.u32 v23, v30;
	_ =	sdelay $0x3  }
0x3dd: {  	[tilespmem:v28+s21+$0x0] =	vst.idx.msk $0xffff, v24  }
0x3de: {  	v28 =	vor.u32 s2, v32;
	v24 =	vld.idx.msk [tilespmem:v30+s17+$0x0], $0xffff  }
0x3df: {  	v30 =	vadd.s32 v17, v25  }
0x3e0: {  	v30 =	vor.u32 v23, v30;
	_ =	sdelay $0x2  }
0x3e1: {  	v31 =	vld [tilespmem:$0x1FD90];
	[tilespmem:v28+s21+$0x0] =	vst.idx.msk $0xffff, v24;
	v24 =	vadd.s32 v16, v25  }
0x3e2: {  	v25 =	vor.u32 v23, v24;
	v24 =	vld [tilespmem:$0x1FD80]  }
0x3e3: {  	v28 =	vld.idx.msk [tilespmem:v30+s17+$0x0], $0xffff;
	v30 =	vor.u32 s2, v33;
	_ =	sdelay $0x3  }
0x3e4: {  	v24 =	vcombine.low v24, v31  }
0x3e5: {  	[tilespmem:v30+s21+$0x0] =	vst.idx.msk $0xffff, v28  }
0x3e6: {  	v30 =	vor.u32 s2, v40;
	v28 =	vld.idx.msk [tilespmem:v25+s17+$0x0], $0xffff;
	v25 =	vand.u32 $0xF, v24  }
0x3e7: {  	v31 =	vor.u32 v25, v35;
	_ =	sdelay $0x3  }
0x3e8: {  	[tilespmem:v30+s21+$0x0] =	vst.idx.msk $0xffff, v28  }
0x3e9: {  	v30 =	vor.u32 s31, v41;
	v28 =	vld.idx.msk [tilespmem:v31+s17+$0x0], $0xffff  }
0x3ea: {  	v31 =	vor.u32 v25, v39;
	_ =	sdelay $0x3  }
0x3eb: {  	[tilespmem:v30+s21+$0x0] =	vst.idx.msk $0xffff, v28  }
0x3ec: {  	v28 =	vld.idx.msk [tilespmem:v31+s17+$0x0], $0xffff  }
0x3ed: {  	v31 =	vld [tilespmem:$0x1FBA0]  }
0x3ee: {  	v30 =	vor.u32 s31, v0;
	_ =	sdelay $0x3  }
0x3ef: {  	v31 =	vor.u32 v25, v31  }
0x3f0: {  	[tilespmem:v30+s21+$0x0] =	vst.idx.msk $0xffff, v28;
	v28 =	vld [tilespmem:$0x1FBB0];
	_ =	sdelay $0x3  }
0x3f1: {  	v34 =	vor.u32 s31, v1;
	v31 =	vld.idx.msk [tilespmem:v31+s17+$0x0], $0xffff  }
0x3f2: {  	v28 =	vor.u32 v25, v28;
	_ =	sdelay $0x3  }
0x3f3: {  	s2 =	simm.s32 $0x20;
	v30 =	vmov s0;
	[tilespmem:v34+s21+$0x0] =	vst.idx.msk $0xffff, v31  }
.LBB2_29:
0x3f4: {  	p0 =	sne.s32 s2, $0x70;
	v30 =	vshll.u32 v30, $0x4;
	v28 =	vld.idx.msk [tilespmem:v28+s17+$0x0], $0xffff  }
0x3f5: {  	v34 =	vand.u32 $0xF, v24;
	v35 =	vor.u32 s31, v2;
	s31 =	smov.u32 s0;
	s0 =	smov.u32 s2;
	v31 =	vor.u32 v11, v30  }
0x3f6: {  	v31 =	vor.u32 v34, v31;
	_ =	sdelay $0x3  }
0x3f7: {  	[tilespmem:v35+s21+$0x0] =	vst.idx.msk $0xffff, v28  }
0x3f8: {  	v28 =	vld.idx.msk [tilespmem:v31+s17+$0x0], $0xffff  }
0x3f9: {  	v35 =	vadd.s32 v21, v30;
	v31 =	vor.u32 s31, v41  }
0x3fa: {  	v35 =	vor.u32 v34, v35;
	_ =	sdelay $0x3  }
0x3fb: {  	[tilespmem:v31+s21+$0x0] =	vst.idx.msk $0xffff, v28  }
0x3fc: {  	v28 =	vld.idx.msk [tilespmem:v35+s17+$0x0], $0xffff  }
0x3fd: {  	v31 =	vor.u32 s31, v0;
	v35 =	vadd.s32 v17, v30  }
0x3fe: {  	v35 =	vor.u32 v34, v35;
	_ =	sdelay $0x3  }
0x3ff: {  	[tilespmem:v31+s21+$0x0] =	vst.idx.msk $0xffff, v28  }
0x400: {  	v31 =	vld.idx.msk [tilespmem:v35+s17+$0x0], $0xffff  }
0x401: {  	v28 =	vadd.s32 v16, v30;
	v35 =	vor.u32 s31, v1  }
.Ltmp13:
0x402: {  	v28 =	vor.u32 v34, v28;
	(pc) =	sbr.rel @p0 .LBB2_29-.Ltmp13, $2  }
0x403: {  	_ =	sdelay $0x2  }
0x404: {  	s2 =	sadd.s32 $0x10, s2;
	v30 =	vmov s0;
	[tilespmem:v35+s21+$0x0] =	vst.idx.msk $0xffff, v31  }
0x405: {  	_ =	sdelay $0x2  }
0x406: {  	v24 =	vshll.u32 v30, $0x4  }
0x407: {  	v28 =	vld.idx.msk [tilespmem:v28+s17+$0x0], $0xffff;
	v31 =	vor.u32 s31, v2;
	v30 =	vor.u32 v11, v24  }
0x408: {  	v30 =	vor.u32 v25, v30;
	_ =	sdelay $0x3  }
0x409: {  	[tilespmem:v31+s21+$0x0] =	vst.idx.msk $0xffff, v28  }
0x40a: {  	v31 =	vadd.s32 v21, v24;
	v28 =	vld.idx.msk [tilespmem:v30+s17+$0x0], $0xffff;
	v30 =	vor.u32 s0, v41  }
0x40b: {  	v31 =	vor.u32 v25, v31;
	_ =	sdelay $0x3  }
0x40c: {  	[tilespmem:v30+s21+$0x0] =	vst.idx.msk $0xffff, v28  }
0x40d: {  	v30 =	vor.u32 s0, v0;
	v28 =	vld.idx.msk [tilespmem:v31+s17+$0x0], $0xffff;
	v31 =	vadd.s32 v17, v24  }
0x40e: {  	v31 =	vor.u32 v25, v31;
	_ =	sdelay $0x2  }
0x40f: {  	v35 =	vld [tilespmem:$0x1FDD0]  }
0x410: {  	[tilespmem:v30+s21+$0x0] =	vst.idx.msk $0xffff, v28;
	v28 =	vld [tilespmem:$0x1FDC0]  }
0x411: {  	v24 =	vadd.s32 v16, v24;
	v30 =	vld.idx.msk [tilespmem:v31+s17+$0x0], $0xffff;
	v31 =	vor.u32 s0, v1  }
0x412: {  	v24 =	vor.u32 v25, v24;
	_ =	sdelay $0x1  }
0x413: {  	s31 =	simm.s32 $0x0  }
0x414: {  	v34 =	vmov s31;
	v28 =	vcombine.low v28, v35  }
0x415: {  	[tilespmem:v31+s21+$0x0] =	vst.idx.msk $0xffff, v30;
	v30 =	vshll.u32 v34, $0x4  }
0x416: {  	v50 =	vor.u32 s0, v2;
	v31 =	vld.idx.msk [tilespmem:v24+s17+$0x0], $0xffff;
	v51 =	vor.u32 v11, v30;
	v24 =	vand.u32 $0xF, v28  }
0x417: {  	v35 =	vor.u32 v24, v51;
	_ =	sdelay $0x3  }
0x418: {  	[tilespmem:v50+s21+$0x0] =	vst.idx.msk $0xffff, v31  }
0x419: {  	v53 =	vor.u32 s31, v3;
	v54 =	vadd.s32 v21, v30;
	v31 =	vld.idx.msk [tilespmem:v35+s17+$0x0], $0xffff  }
0x41a: {  	v35 =	vor.u32 v24, v54;
	_ =	sdelay $0x3  }
0x41b: {  	[tilespmem:v53+s21+$0x0] =	vst.idx.msk $0xffff, v31  }
0x41c: {  	v55 =	vor.u32 s31, v5;
	v56 =	vadd.s32 v17, v30;
	v31 =	vld.idx.msk [tilespmem:v35+s17+$0x0], $0xffff  }
0x41d: {  	v35 =	vor.u32 v24, v56;
	_ =	sdelay $0x3  }
0x41e: {  	[tilespmem:v55+s21+$0x0] =	vst.idx.msk $0xffff, v31  }
0x41f: {  	v58 =	vor.u32 s31, v6;
	v30 =	vadd.s32 v16, v30;
	v34 =	vld.idx.msk [tilespmem:v35+s17+$0x0], $0xffff  }
0x420: {  	v39 =	vmov v30;
	v30 =	vor.u32 v24, v30  }
0x421: {  	[tilespmem:$0x1FB70] =	vst v51  }
0x422: {  	[tilespmem:$0x1FB80] =	vst v54  }
0x423: {  	s0 =	simm.s32 $0x10;
	[tilespmem:$0x1FB90] =	vst v56  }
0x424: {  	s14 =	simm.s32 $0x20;
	s8 =	simm.s32 $0x0;
	s2 =	simm.s32 $0x10;
	v31 =	vmov s0;
	[tilespmem:v58+s21+$0x0] =	vst.idx.msk $0xffff, v34  }
.LBB2_31:
0x425: {  	p0 =	sne.s32 s14, $0x70;
	v31 =	vshll.u32 v31, $0x4;
	v30 =	vld.idx.msk [tilespmem:v30+s17+$0x0], $0xffff  }
0x426: {  	v35 =	vand.u32 $0xF, v28;
	v37 =	vor.u32 s8, v7;
	s8 =	smov.u32 s2;
	s2 =	smov.u32 s14;
	v34 =	vor.u32 v11, v31  }
0x427: {  	v34 =	vor.u32 v35, v34;
	_ =	sdelay $0x3  }
0x428: {  	[tilespmem:v37+s21+$0x0] =	vst.idx.msk $0xffff, v30  }
0x429: {  	v30 =	vld.idx.msk [tilespmem:v34+s17+$0x0], $0xffff  }
0x42a: {  	v37 =	vadd.s32 v21, v31;
	v34 =	vor.u32 s8, v3  }
0x42b: {  	v37 =	vor.u32 v35, v37;
	_ =	sdelay $0x3  }
0x42c: {  	[tilespmem:v34+s21+$0x0] =	vst.idx.msk $0xffff, v30  }
0x42d: {  	v30 =	vld.idx.msk [tilespmem:v37+s17+$0x0], $0xffff  }
0x42e: {  	v34 =	vor.u32 s8, v5;
	v37 =	vadd.s32 v17, v31  }
0x42f: {  	v37 =	vor.u32 v35, v37;
	_ =	sdelay $0x3  }
0x430: {  	[tilespmem:v34+s21+$0x0] =	vst.idx.msk $0xffff, v30  }
0x431: {  	v34 =	vld.idx.msk [tilespmem:v37+s17+$0x0], $0xffff  }
0x432: {  	v30 =	vadd.s32 v16, v31;
	v37 =	vor.u32 s8, v6  }
.Ltmp14:
0x433: {  	v30 =	vor.u32 v35, v30;
	(pc) =	sbr.rel @p0 .LBB2_31-.Ltmp14, $2  }
0x434: {  	_ =	sdelay $0x2  }
0x435: {  	s14 =	sadd.s32 $0x10, s14;
	v31 =	vmov s2;
	[tilespmem:v37+s21+$0x0] =	vst.idx.msk $0xffff, v34  }
0x436: {  	_ =	sdelay $0x2  }
0x437: {  	v28 =	vshll.u32 v31, $0x4  }
0x438: {  	v30 =	vld.idx.msk [tilespmem:v30+s17+$0x0], $0xffff;
	v34 =	vor.u32 s8, v7;
	v31 =	vor.u32 v11, v28  }
0x439: {  	v31 =	vor.u32 v24, v31;
	_ =	sdelay $0x3  }
0x43a: {  	[tilespmem:v34+s21+$0x0] =	vst.idx.msk $0xffff, v30  }
0x43b: {  	v48 =	vadd.s32 v21, v28;
	v30 =	vld.idx.msk [tilespmem:v31+s17+$0x0], $0xffff;
	v31 =	vor.u32 s2, v3  }
0x43c: {  	v34 =	vor.u32 v24, v48;
	_ =	sdelay $0x3  }
0x43d: {  	[tilespmem:v31+s21+$0x0] =	vst.idx.msk $0xffff, v30  }
0x43e: {  	v49 =	vadd.s32 v17, v28;
	v31 =	vor.u32 s2, v5;
	v30 =	vld.idx.msk [tilespmem:v34+s17+$0x0], $0xffff  }
0x43f: {  	v34 =	vor.u32 v24, v49;
	_ =	sdelay $0x2  }
0x440: {  	v35 =	vld [tilespmem:$0x1FE40]  }
0x441: {  	[tilespmem:v31+s21+$0x0] =	vst.idx.msk $0xffff, v30;
	v30 =	vld [tilespmem:$0x1FE30]  }
0x442: {  	v50 =	vor.u32 s2, v6;
	v28 =	vadd.s32 v16, v28;
	v31 =	vld.idx.msk [tilespmem:v34+s17+$0x0], $0xffff  }
0x443: {  	v28 =	vor.u32 v24, v28  }
0x444: {  	v53 =	vld [tilespmem:$0x1FB70];
	_ =	sdelay $0x1  }
0x445: {  	v30 =	vcombine.low v30, v35  }
0x446: {  	[tilespmem:v50+s21+$0x0] =	vst.idx.msk $0xffff, v31  }
0x447: {  	v51 =	vor.u32 s2, v7;
	v31 =	vld.idx.msk [tilespmem:v28+s17+$0x0], $0xffff;
	v28 =	vand.u32 $0xF, v30  }
0x448: {  	v35 =	vor.u32 v28, v53  }
0x449: {  	v55 =	vld [tilespmem:$0x1FB80];
	_ =	sdelay $0x2  }
0x44a: {  	[tilespmem:v51+s21+$0x0] =	vst.idx.msk $0xffff, v31  }
0x44b: {  	v54 =	vor.u32 s31, v8;
	v31 =	vld.idx.msk [tilespmem:v35+s17+$0x0], $0xffff  }
0x44c: {  	v35 =	vor.u32 v28, v55  }
0x44d: {  	v58 =	vld [tilespmem:$0x1FB90];
	_ =	sdelay $0x2  }
0x44e: {  	[tilespmem:v54+s21+$0x0] =	vst.idx.msk $0xffff, v31  }
0x44f: {  	v56 =	vor.u32 s31, v12;
	v31 =	vld.idx.msk [tilespmem:v35+s17+$0x0], $0xffff  }
0x450: {  	v35 =	vor.u32 v28, v58;
	_ =	sdelay $0x3  }
0x451: {  	[tilespmem:v56+s21+$0x0] =	vst.idx.msk $0xffff, v31  }
0x452: {  	v37 =	vor.u32 s31, v13;
	v35 =	vld.idx.msk [tilespmem:v35+s17+$0x0], $0xffff  }
0x453: {  	v31 =	vor.u32 v28, v39;
	_ =	sdelay $0x3  }
0x454: {  	s2 =	simm.s32 $0x20;
	v34 =	vmov s0;
	[tilespmem:v37+s21+$0x0] =	vst.idx.msk $0xffff, v35  }
.LBB2_33:
0x455: {  	p0 =	sne.s32 s2, $0x70;
	v34 =	vshll.u32 v34, $0x4;
	v31 =	vld.idx.msk [tilespmem:v31+s17+$0x0], $0xffff  }
0x456: {  	v37 =	vand.u32 $0xF, v30;
	v38 =	vor.u32 s31, v15;
	s31 =	smov.u32 s0;
	s0 =	smov.u32 s2;
	v35 =	vor.u32 v11, v34  }
0x457: {  	v35 =	vor.u32 v37, v35;
	_ =	sdelay $0x3  }
0x458: {  	[tilespmem:v38+s21+$0x0] =	vst.idx.msk $0xffff, v31  }
0x459: {  	v31 =	vld.idx.msk [tilespmem:v35+s17+$0x0], $0xffff  }
0x45a: {  	v38 =	vadd.s32 v21, v34;
	v35 =	vor.u32 s31, v8  }
0x45b: {  	v38 =	vor.u32 v37, v38;
	_ =	sdelay $0x3  }
0x45c: {  	[tilespmem:v35+s21+$0x0] =	vst.idx.msk $0xffff, v31  }
0x45d: {  	v31 =	vld.idx.msk [tilespmem:v38+s17+$0x0], $0xffff  }
0x45e: {  	v35 =	vor.u32 s31, v12;
	v38 =	vadd.s32 v17, v34  }
0x45f: {  	v38 =	vor.u32 v37, v38;
	_ =	sdelay $0x3  }
0x460: {  	[tilespmem:v35+s21+$0x0] =	vst.idx.msk $0xffff, v31  }
0x461: {  	v35 =	vld.idx.msk [tilespmem:v38+s17+$0x0], $0xffff  }
0x462: {  	v31 =	vadd.s32 v16, v34;
	v38 =	vor.u32 s31, v13  }
.Ltmp15:
0x463: {  	v31 =	vor.u32 v37, v31;
	(pc) =	sbr.rel @p0 .LBB2_33-.Ltmp15, $2  }
0x464: {  	_ =	sdelay $0x2  }
0x465: {  	s2 =	sadd.s32 $0x10, s2;
	v34 =	vmov s0;
	[tilespmem:v38+s21+$0x0] =	vst.idx.msk $0xffff, v35  }
0x466: {  	_ =	sdelay $0x2  }
0x467: {  	v30 =	vshll.u32 v34, $0x4  }
0x468: {  	v31 =	vld.idx.msk [tilespmem:v31+s17+$0x0], $0xffff;
	v35 =	vor.u32 s31, v15;
	v34 =	vor.u32 v11, v30  }
0x469: {  	v34 =	vor.u32 v28, v34;
	_ =	sdelay $0x3  }
0x46a: {  	[tilespmem:v35+s21+$0x0] =	vst.idx.msk $0xffff, v31  }
0x46b: {  	v47 =	vor.u32 s0, v8;
	v48 =	vadd.s32 v21, v30;
	v31 =	vld.idx.msk [tilespmem:v34+s17+$0x0], $0xffff  }
0x46c: {  	v35 =	vor.u32 v28, v48;
	_ =	sdelay $0x3  }
0x46d: {  	[tilespmem:v47+s21+$0x0] =	vst.idx.msk $0xffff, v31  }
0x46e: {  	v49 =	vor.u32 s0, v12;
	v50 =	vadd.s32 v17, v30;
	v31 =	vld.idx.msk [tilespmem:v35+s17+$0x0], $0xffff  }
0x46f: {  	v35 =	vor.u32 v28, v50;
	_ =	sdelay $0x3  }
0x470: {  	[tilespmem:v49+s21+$0x0] =	vst.idx.msk $0xffff, v31  }
0x471: {  	v51 =	vor.u32 s0, v13;
	v30 =	vadd.s32 v16, v30;
	v31 =	vld.idx.msk [tilespmem:v35+s17+$0x0], $0xffff  }
0x472: {  	v30 =	vor.u32 v28, v30;
	_ =	sdelay $0x3  }
0x473: {  	[tilespmem:v51+s21+$0x0] =	vst.idx.msk $0xffff, v31  }
0x474: {  	v31 =	vor.u32 s0, v15;
	v30 =	vld.idx.msk [tilespmem:v30+s17+$0x0], $0xffff;
	_ =	sdelay $0x3  }
0x475: {  	s30 =	sor.u32 s6, s30  }
0x476: {  	p0 =	sne.s32 s29, $0x18;
	s8 =	sadd.s32 s1, s30;
	[tilespmem:v31+s21+$0x0] =	vst.idx.msk $0xffff, v30  }
0x477: {  	[hbm4b:s8+s3] =	stream.linear.scatter [tilespmem:s21], [sflag:$0x4], $0x1000, $0x38;
	[tilespmem:$0x8400] =	vst v63  }
0x478: {  	s14 =	sadd.s32 s30, s11;
	s0 =	simm.s32 @p0 $0x1  }
0x479: {  	[hbm4b:s14+s3] =	stream.linear.scatter [tilespmem:s22], [sflag:$0x4], $0x1000, $0x38;
	[tilespmem:$0x8400] =	vst v63  }
0x47a: {  	_ =	swait.ge @p0 [sflag:s0], $0x200  }
0x47b: {  	[sflag:s0] =	ssyncset.done @p0 $0x0  }
0x47c: {  	[sflag:s0] =	ssyncadd.s32 @p0 $0xFFFFFE00;
	s0 =	simm.s32 @p0 $0x4  }
0x47d: {  	_ =	swait.ge @p0 [sflag:s0], $0x1000  }
0x47e: {  	[sflag:s0] =	ssyncset.done @p0 $0x0  }
0x47f: {  	[sflag:s0] =	ssyncadd.s32 @p0 $0xFFFFF000  }
0x480: {  	_ =	swait.ge @p0 [sflag:s0], $0x1000  }
0x481: {  	s2 =	simm.s32 @p0 $0x0;
	[sflag:s0] =	ssyncset.done @p0 $0x0  }
0x482: {  	s8 =	simm.s32 @p0 $0x400;
	[sflag:s0] =	ssyncadd.s32 @p0 $0xFFFFF000;
	s0 =	simm.s32 @p0 $0x200  }
0x483: {  	[tilespmem:s8], [sflag:$0x2] =	stream.indirect.gather @p0 [hbm4b:s5+s0], $0x10, s2, s0, $0xb8;
	[tilespmem:$0x8400] =	vst v63  }
0x484: {  	s14 =	sshll.u32 @p0 s29, $0xF;
	s8 =	simm.s32 @p0 $0x3  }
0x485: {  	s14 =	sadd.s32 @p0 s10, s14;
	_ =	swait.ge @p0 [sflag:s8], $0x2000  }
0x486: {  	s14 =	sshrl.u32 @p0 s14, $0x3;
	[sflag:s8] =	ssyncset.done @p0 $0x0  }
0x487: {  	s31 =	simm.s32 $0x0;
	[sflag:s8] =	ssyncadd.s32 @p0 $0xFFFFE000;
	s8 =	sadd.s32 @p0 s4, s14  }
0x488: {  	v30 =	vmov s31;
	[tilespmem:s0], [sflag:$0x1] =	stream.linear.gather @p0 [hbm4b:s8+s2], $0x200, $0x38;
	[tilespmem:$0x8400] =	vst v63  }
0x489: {  	v30 =	vshll.u32 v30, $0x4;
	s0 =	simm.s32 @!p0 $0x3  }
0x48a: {  	v44 =	vor.u32 v11, v30;
	_ =	swait.ge @!p0 [sflag:s0], $0x2000  }
0x48b: {  	v31 =	vor.u32 v10, v44;
	v37 =	vld [tilespmem:$0x1FF40];
	_ =	sdelay $0x2  }
0x48c: {  	[sflag:s0] =	ssyncset.done @!p0 $0x0  }
0x48d: {  	[sflag:s0] =	ssyncadd.s32 @!p0 $0xFFFFE000  }
0x48e: {  	v45 =	vadd.s32 v21, v30;
	v31 =	vld.idx.msk [tilespmem:v31+s19+$0x0], $0xffff;
	v53 =	vor.u32 s31, v37  }
0x48f: {  	v54 =	vor.u32 v10, v45;
	v38 =	vld [tilespmem:$0x1FF50];
	_ =	sdelay $0x3  }
0x490: {  	[tilespmem:v53+s23+$0x0] =	vst.idx.msk $0xffff, v31  }
0x491: {  	v56 =	vadd.s32 v17, v30;
	v55 =	vor.u32 s31, v38;
	v31 =	vld.idx.msk [tilespmem:v54+s19+$0x0], $0xffff  }
0x492: {  	v35 =	vor.u32 v10, v56;
	v39 =	vld [tilespmem:$0x1FF60];
	_ =	sdelay $0x3  }
0x493: {  	[tilespmem:v55+s23+$0x0] =	vst.idx.msk $0xffff, v31  }
0x494: {  	v30 =	vadd.s32 v16, v30;
	v58 =	vor.u32 s31, v39;
	v34 =	vld.idx.msk [tilespmem:v35+s19+$0x0], $0xffff  }
0x495: {  	[tilespmem:$0x1FB60] =	vst v30;
	v30 =	vor.u32 v10, v30  }
0x496: {  	v42 =	vld [tilespmem:$0x1FCC0];
	_ =	sdelay $0x1  }
0x497: {  	[tilespmem:$0x1FB50] =	vst v56;
	s0 =	simm.s32 $0x10  }
0x498: {  	s14 =	simm.s32 $0x20;
	s8 =	simm.s32 $0x0;
	s2 =	simm.s32 $0x10;
	v31 =	vmov s0;
	[tilespmem:v58+s23+$0x0] =	vst.idx.msk $0xffff, v34  }
.LBB2_35:
0x499: {  	p0 =	sne.s32 s14, $0x70;
	v31 =	vshll.u32 v31, $0x4;
	v30 =	vld.idx.msk [tilespmem:v30+s19+$0x0], $0xffff  }
0x49a: {  	v35 =	vor.u32 s8, v42;
	s8 =	smov.u32 s2;
	s2 =	smov.u32 s14;
	v34 =	vor.u32 v11, v31  }
0x49b: {  	v34 =	vor.u32 v10, v34;
	_ =	sdelay $0x3  }
0x49c: {  	[tilespmem:v35+s23+$0x0] =	vst.idx.msk $0xffff, v30  }
0x49d: {  	v30 =	vld.idx.msk [tilespmem:v34+s19+$0x0], $0xffff  }
0x49e: {  	v35 =	vadd.s32 v21, v31;
	v34 =	vor.u32 s8, v37  }
0x49f: {  	v35 =	vor.u32 v10, v35;
	_ =	sdelay $0x3  }
0x4a0: {  	[tilespmem:v34+s23+$0x0] =	vst.idx.msk $0xffff, v30  }
0x4a1: {  	v30 =	vld.idx.msk [tilespmem:v35+s19+$0x0], $0xffff  }
0x4a2: {  	v34 =	vor.u32 s8, v38;
	v35 =	vadd.s32 v17, v31  }
0x4a3: {  	v35 =	vor.u32 v10, v35;
	_ =	sdelay $0x3  }
0x4a4: {  	[tilespmem:v34+s23+$0x0] =	vst.idx.msk $0xffff, v30  }
0x4a5: {  	v34 =	vld.idx.msk [tilespmem:v35+s19+$0x0], $0xffff  }
0x4a6: {  	v30 =	vadd.s32 v16, v31;
	v35 =	vor.u32 s8, v39  }
.Ltmp16:
0x4a7: {  	v30 =	vor.u32 v10, v30;
	(pc) =	sbr.rel @p0 .LBB2_35-.Ltmp16, $2  }
0x4a8: {  	_ =	sdelay $0x2  }
0x4a9: {  	s14 =	sadd.s32 $0x10, s14;
	v31 =	vmov s2;
	[tilespmem:v35+s23+$0x0] =	vst.idx.msk $0xffff, v34  }
0x4aa: {  	_ =	sdelay $0x2  }
0x4ab: {  	v31 =	vshll.u32 v31, $0x4  }
0x4ac: {  	v30 =	vld.idx.msk [tilespmem:v30+s19+$0x0], $0xffff;
	v35 =	vor.u32 s8, v42;
	v34 =	vor.u32 v11, v31  }
0x4ad: {  	v34 =	vor.u32 v10, v34;
	_ =	sdelay $0x3  }
0x4ae: {  	[tilespmem:v35+s23+$0x0] =	vst.idx.msk $0xffff, v30  }
0x4af: {  	v47 =	vor.u32 s2, v37;
	v48 =	vadd.s32 v21, v31;
	v30 =	vld.idx.msk [tilespmem:v34+s19+$0x0], $0xffff  }
0x4b0: {  	v35 =	vor.u32 v10, v48;
	_ =	sdelay $0x3  }
0x4b1: {  	[tilespmem:v47+s23+$0x0] =	vst.idx.msk $0xffff, v30  }
0x4b2: {  	v49 =	vor.u32 s2, v38;
	v50 =	vadd.s32 v17, v31;
	v30 =	vld.idx.msk [tilespmem:v35+s19+$0x0], $0xffff  }
0x4b3: {  	v35 =	vor.u32 v10, v50;
	_ =	sdelay $0x3  }
0x4b4: {  	[tilespmem:v49+s23+$0x0] =	vst.idx.msk $0xffff, v30  }
0x4b5: {  	v51 =	vor.u32 s2, v39;
	v31 =	vadd.s32 v16, v31;
	v30 =	vld.idx.msk [tilespmem:v35+s19+$0x0], $0xffff  }
0x4b6: {  	v31 =	vor.u32 v10, v31;
	_ =	sdelay $0x3  }
0x4b7: {  	[tilespmem:v51+s23+$0x0] =	vst.idx.msk $0xffff, v30  }
0x4b8: {  	v30 =	vld.idx.msk [tilespmem:v31+s19+$0x0], $0xffff;
	v31 =	vor.u32 s2, v42  }
0x4b9: {  	v53 =	vor.u32 v4, v44;
	v42 =	vld [tilespmem:$0x1FE20];
	_ =	sdelay $0x3  }
0x4ba: {  	[tilespmem:v31+s23+$0x0] =	vst.idx.msk $0xffff, v30  }
0x4bb: {  	v31 =	vor.u32 s31, v42;
	v30 =	vld.idx.msk [tilespmem:v53+s19+$0x0], $0xffff  }
0x4bc: {  	v54 =	vor.u32 v4, v45;
	v39 =	vld [tilespmem:$0x1FCD0];
	_ =	sdelay $0x3  }
0x4bd: {  	v55 =	vld [tilespmem:$0x1FB50];
	[tilespmem:v31+s23+$0x0] =	vst.idx.msk $0xffff, v30  }
0x4be: {  	v31 =	vor.u32 s31, v39;
	v30 =	vld.idx.msk [tilespmem:v54+s19+$0x0], $0xffff;
	_ =	sdelay $0x3  }
0x4bf: {  	v44 =	vld [tilespmem:$0x1FCE0];
	v34 =	vor.u32 v4, v55  }
0x4c0: {  	[tilespmem:v31+s23+$0x0] =	vst.idx.msk $0xffff, v30;
	v30 =	vld [tilespmem:$0x1FB60];
	_ =	sdelay $0x3  }
0x4c1: {  	v58 =	vor.u32 s31, v44;
	v56 =	vld.idx.msk [tilespmem:v34+s19+$0x0], $0xffff  }
0x4c2: {  	v30 =	vor.u32 v4, v30  }
0x4c3: {  	v45 =	vld [tilespmem:$0x1FCF0];
	_ =	sdelay $0x2  }
0x4c4: {  	s2 =	simm.s32 $0x20;
	v31 =	vmov s0;
	[tilespmem:v58+s23+$0x0] =	vst.idx.msk $0xffff, v56  }
.LBB2_37:
0x4c5: {  	p0 =	sne.s32 s2, $0x70;
	v31 =	vshll.u32 v31, $0x4;
	v30 =	vld.idx.msk [tilespmem:v30+s19+$0x0], $0xffff  }
0x4c6: {  	v35 =	vor.u32 s31, v45;
	s31 =	smov.u32 s0;
	s0 =	smov.u32 s2;
	v34 =	vor.u32 v11, v31  }
0x4c7: {  	v34 =	vor.u32 v4, v34;
	_ =	sdelay $0x3  }
0x4c8: {  	[tilespmem:v35+s23+$0x0] =	vst.idx.msk $0xffff, v30  }
0x4c9: {  	v30 =	vld.idx.msk [tilespmem:v34+s19+$0x0], $0xffff  }
0x4ca: {  	v35 =	vadd.s32 v21, v31;
	v34 =	vor.u32 s31, v42  }
0x4cb: {  	v35 =	vor.u32 v4, v35;
	_ =	sdelay $0x3  }
0x4cc: {  	[tilespmem:v34+s23+$0x0] =	vst.idx.msk $0xffff, v30  }
0x4cd: {  	v30 =	vld.idx.msk [tilespmem:v35+s19+$0x0], $0xffff  }
0x4ce: {  	v34 =	vor.u32 s31, v39;
	v35 =	vadd.s32 v17, v31  }
0x4cf: {  	v35 =	vor.u32 v4, v35;
	_ =	sdelay $0x3  }
0x4d0: {  	[tilespmem:v34+s23+$0x0] =	vst.idx.msk $0xffff, v30  }
0x4d1: {  	v34 =	vld.idx.msk [tilespmem:v35+s19+$0x0], $0xffff  }
0x4d2: {  	v30 =	vadd.s32 v16, v31;
	v35 =	vor.u32 s31, v44  }
.Ltmp17:
0x4d3: {  	v30 =	vor.u32 v4, v30;
	(pc) =	sbr.rel @p0 .LBB2_37-.Ltmp17, $2  }
0x4d4: {  	_ =	sdelay $0x2  }
0x4d5: {  	s2 =	sadd.s32 $0x10, s2;
	v31 =	vmov s0;
	[tilespmem:v35+s23+$0x0] =	vst.idx.msk $0xffff, v34  }
0x4d6: {  	_ =	sdelay $0x2  }
0x4d7: {  	v31 =	vshll.u32 v31, $0x4  }
0x4d8: {  	v30 =	vld.idx.msk [tilespmem:v30+s19+$0x0], $0xffff;
	v35 =	vor.u32 s31, v45;
	v34 =	vor.u32 v11, v31  }
0x4d9: {  	v34 =	vor.u32 v4, v34;
	_ =	sdelay $0x3  }
0x4da: {  	[tilespmem:v35+s23+$0x0] =	vst.idx.msk $0xffff, v30  }
0x4db: {  	v56 =	vor.u32 s0, v42;
	v58 =	vadd.s32 v21, v31;
	v30 =	vld.idx.msk [tilespmem:v34+s19+$0x0], $0xffff  }
0x4dc: {  	v35 =	vor.u32 v4, v58;
	_ =	sdelay $0x3  }
0x4dd: {  	[tilespmem:v56+s23+$0x0] =	vst.idx.msk $0xffff, v30  }
0x4de: {  	v46 =	vor.u32 s0, v39;
	v47 =	vadd.s32 v17, v31;
	v30 =	vld.idx.msk [tilespmem:v35+s19+$0x0], $0xffff  }
0x4df: {  	v35 =	vor.u32 v4, v47;
	_ =	sdelay $0x3  }
0x4e0: {  	[tilespmem:v46+s23+$0x0] =	vst.idx.msk $0xffff, v30  }
0x4e1: {  	v48 =	vor.u32 s0, v44;
	v31 =	vadd.s32 v16, v31;
	v30 =	vld.idx.msk [tilespmem:v35+s19+$0x0], $0xffff  }
0x4e2: {  	v31 =	vor.u32 v4, v31;
	_ =	sdelay $0x1  }
0x4e3: {  	s31 =	simm.s32 $0x0  }
0x4e4: {  	v49 =	vmov s31  }
0x4e5: {  	[tilespmem:v48+s23+$0x0] =	vst.idx.msk $0xffff, v30;
	v30 =	vshll.u32 v49, $0x4  }
0x4e6: {  	v50 =	vor.u32 s0, v45;
	v31 =	vld.idx.msk [tilespmem:v31+s19+$0x0], $0xffff;
	v47 =	vor.u32 v11, v30  }
0x4e7: {  	v45 =	vld [tilespmem:$0x1FE60];
	v51 =	vor.u32 v9, v47;
	_ =	sdelay $0x3  }
0x4e8: {  	[tilespmem:v50+s23+$0x0] =	vst.idx.msk $0xffff, v31  }
0x4e9: {  	v53 =	vor.u32 s31, v45;
	v48 =	vadd.s32 v21, v30;
	v31 =	vld.idx.msk [tilespmem:v51+s19+$0x0], $0xffff  }
0x4ea: {  	v44 =	vld [tilespmem:$0x1FE50];
	v54 =	vor.u32 v9, v48;
	_ =	sdelay $0x3  }
0x4eb: {  	[tilespmem:v53+s23+$0x0] =	vst.idx.msk $0xffff, v31  }
0x4ec: {  	v55 =	vor.u32 s31, v44;
	v56 =	vadd.s32 v17, v30;
	v31 =	vld.idx.msk [tilespmem:v54+s19+$0x0], $0xffff  }
0x4ed: {  	v39 =	vld [tilespmem:$0x1FD00];
	v35 =	vor.u32 v9, v56;
	_ =	sdelay $0x3  }
0x4ee: {  	[tilespmem:v55+s23+$0x0] =	vst.idx.msk $0xffff, v31  }
0x4ef: {  	v58 =	vor.u32 s31, v39;
	v46 =	vld.idx.msk [tilespmem:v35+s19+$0x0], $0xffff;
	_ =	sdelay $0x2  }
0x4f0: {  	v30 =	vadd.s32 v16, v30  }
0x4f1: {  	[tilespmem:$0x1FB40] =	vst v30;
	v30 =	vor.u32 v9, v30  }
0x4f2: {  	[tilespmem:v58+s23+$0x0] =	vst.idx.msk $0xffff, v46;
	v46 =	vld [tilespmem:$0x1FD10];
	_ =	sdelay $0x1  }
0x4f3: {  	s0 =	simm.s32 $0x10  }
0x4f4: {  	s14 =	simm.s32 $0x20;
	s8 =	simm.s32 $0x0;
	s2 =	simm.s32 $0x10;
	[tilespmem:$0x1FB30] =	vst v56;
	v31 =	vmov s0  }
.LBB2_39:
0x4f5: {  	p0 =	sne.s32 s14, $0x70;
	v31 =	vshll.u32 v31, $0x4;
	v30 =	vld.idx.msk [tilespmem:v30+s19+$0x0], $0xffff  }
0x4f6: {  	v35 =	vor.u32 s8, v46;
	s8 =	smov.u32 s2;
	s2 =	smov.u32 s14;
	v34 =	vor.u32 v11, v31  }
0x4f7: {  	v34 =	vor.u32 v9, v34;
	_ =	sdelay $0x3  }
0x4f8: {  	[tilespmem:v35+s23+$0x0] =	vst.idx.msk $0xffff, v30  }
0x4f9: {  	v30 =	vld.idx.msk [tilespmem:v34+s19+$0x0], $0xffff  }
0x4fa: {  	v35 =	vadd.s32 v21, v31;
	v34 =	vor.u32 s8, v45  }
0x4fb: {  	v35 =	vor.u32 v9, v35;
	_ =	sdelay $0x3  }
0x4fc: {  	[tilespmem:v34+s23+$0x0] =	vst.idx.msk $0xffff, v30  }
0x4fd: {  	v30 =	vld.idx.msk [tilespmem:v35+s19+$0x0], $0xffff  }
0x4fe: {  	v34 =	vor.u32 s8, v44;
	v35 =	vadd.s32 v17, v31  }
0x4ff: {  	v35 =	vor.u32 v9, v35;
	_ =	sdelay $0x3  }
0x500: {  	[tilespmem:v34+s23+$0x0] =	vst.idx.msk $0xffff, v30  }
0x501: {  	v34 =	vld.idx.msk [tilespmem:v35+s19+$0x0], $0xffff  }
0x502: {  	v30 =	vadd.s32 v16, v31;
	v35 =	vor.u32 s8, v39  }
.Ltmp18:
0x503: {  	v30 =	vor.u32 v9, v30;
	(pc) =	sbr.rel @p0 .LBB2_39-.Ltmp18, $2  }
0x504: {  	_ =	sdelay $0x2  }
0x505: {  	s14 =	sadd.s32 $0x10, s14;
	v31 =	vmov s2;
	[tilespmem:v35+s23+$0x0] =	vst.idx.msk $0xffff, v34  }
0x506: {  	_ =	sdelay $0x2  }
0x507: {  	v31 =	vshll.u32 v31, $0x4  }
0x508: {  	v30 =	vld.idx.msk [tilespmem:v30+s19+$0x0], $0xffff;
	v35 =	vor.u32 s8, v46;
	v34 =	vor.u32 v11, v31  }
0x509: {  	v34 =	vor.u32 v9, v34;
	_ =	sdelay $0x3  }
0x50a: {  	[tilespmem:v35+s23+$0x0] =	vst.idx.msk $0xffff, v30  }
0x50b: {  	v56 =	vor.u32 s2, v45;
	v58 =	vadd.s32 v21, v31;
	v30 =	vld.idx.msk [tilespmem:v34+s19+$0x0], $0xffff  }
0x50c: {  	v35 =	vor.u32 v9, v58;
	_ =	sdelay $0x3  }
0x50d: {  	[tilespmem:v56+s23+$0x0] =	vst.idx.msk $0xffff, v30  }
0x50e: {  	v49 =	vor.u32 s2, v44;
	v50 =	vadd.s32 v17, v31;
	v30 =	vld.idx.msk [tilespmem:v35+s19+$0x0], $0xffff  }
0x50f: {  	v35 =	vor.u32 v9, v50;
	_ =	sdelay $0x3  }
0x510: {  	[tilespmem:v49+s23+$0x0] =	vst.idx.msk $0xffff, v30  }
0x511: {  	v51 =	vor.u32 s2, v39;
	v31 =	vadd.s32 v16, v31;
	v30 =	vld.idx.msk [tilespmem:v35+s19+$0x0], $0xffff  }
0x512: {  	v31 =	vor.u32 v9, v31;
	_ =	sdelay $0x3  }
0x513: {  	[tilespmem:v51+s23+$0x0] =	vst.idx.msk $0xffff, v30  }
0x514: {  	v30 =	vld.idx.msk [tilespmem:v31+s19+$0x0], $0xffff;
	v31 =	vor.u32 s2, v46  }
0x515: {  	v53 =	vor.u32 v14, v47;
	v46 =	vld [tilespmem:$0x1FE10];
	_ =	sdelay $0x3  }
0x516: {  	[tilespmem:v31+s23+$0x0] =	vst.idx.msk $0xffff, v30  }
0x517: {  	v31 =	vor.u32 s31, v46;
	v30 =	vld.idx.msk [tilespmem:v53+s19+$0x0], $0xffff  }
0x518: {  	v54 =	vor.u32 v14, v48;
	v39 =	vld [tilespmem:$0x1FD20];
	_ =	sdelay $0x3  }
0x519: {  	v55 =	vld [tilespmem:$0x1FB30];
	[tilespmem:v31+s23+$0x0] =	vst.idx.msk $0xffff, v30  }
0x51a: {  	v31 =	vor.u32 s31, v39;
	v30 =	vld.idx.msk [tilespmem:v54+s19+$0x0], $0xffff;
	_ =	sdelay $0x3  }
0x51b: {  	v47 =	vld [tilespmem:$0x1FD30];
	v34 =	vor.u32 v14, v55  }
0x51c: {  	[tilespmem:v31+s23+$0x0] =	vst.idx.msk $0xffff, v30;
	v30 =	vld [tilespmem:$0x1FB40];
	_ =	sdelay $0x3  }
0x51d: {  	v58 =	vor.u32 s31, v47;
	v56 =	vld.idx.msk [tilespmem:v34+s19+$0x0], $0xffff  }
0x51e: {  	v30 =	vor.u32 v14, v30  }
0x51f: {  	v48 =	vld [tilespmem:$0x1FD60];
	_ =	sdelay $0x2  }
0x520: {  	s2 =	simm.s32 $0x20;
	v31 =	vmov s0;
	[tilespmem:v58+s23+$0x0] =	vst.idx.msk $0xffff, v56  }
.LBB2_41:
0x521: {  	p0 =	sne.s32 s2, $0x70;
	v31 =	vshll.u32 v31, $0x4;
	v30 =	vld.idx.msk [tilespmem:v30+s19+$0x0], $0xffff  }
0x522: {  	v35 =	vor.u32 s31, v48;
	s31 =	smov.u32 s0;
	s0 =	smov.u32 s2;
	v34 =	vor.u32 v11, v31  }
0x523: {  	v34 =	vor.u32 v14, v34;
	_ =	sdelay $0x3  }
0x524: {  	[tilespmem:v35+s23+$0x0] =	vst.idx.msk $0xffff, v30  }
0x525: {  	v30 =	vld.idx.msk [tilespmem:v34+s19+$0x0], $0xffff  }
0x526: {  	v35 =	vadd.s32 v21, v31;
	v34 =	vor.u32 s31, v46  }
0x527: {  	v35 =	vor.u32 v14, v35;
	_ =	sdelay $0x3  }
0x528: {  	[tilespmem:v34+s23+$0x0] =	vst.idx.msk $0xffff, v30  }
0x529: {  	v30 =	vld.idx.msk [tilespmem:v35+s19+$0x0], $0xffff  }
0x52a: {  	v34 =	vor.u32 s31, v39;
	v35 =	vadd.s32 v17, v31  }
0x52b: {  	v35 =	vor.u32 v14, v35;
	_ =	sdelay $0x3  }
0x52c: {  	[tilespmem:v34+s23+$0x0] =	vst.idx.msk $0xffff, v30  }
0x52d: {  	v34 =	vld.idx.msk [tilespmem:v35+s19+$0x0], $0xffff  }
0x52e: {  	v30 =	vadd.s32 v16, v31;
	v35 =	vor.u32 s31, v47  }
.Ltmp19:
0x52f: {  	v30 =	vor.u32 v14, v30;
	(pc) =	sbr.rel @p0 .LBB2_41-.Ltmp19, $2  }
0x530: {  	_ =	sdelay $0x2  }
0x531: {  	s2 =	sadd.s32 $0x10, s2;
	v31 =	vmov s0;
	[tilespmem:v35+s23+$0x0] =	vst.idx.msk $0xffff, v34  }
0x532: {  	_ =	sdelay $0x2  }
0x533: {  	v31 =	vshll.u32 v31, $0x4  }
0x534: {  	v30 =	vld.idx.msk [tilespmem:v30+s19+$0x0], $0xffff;
	v35 =	vor.u32 s31, v48;
	v34 =	vor.u32 v11, v31  }
0x535: {  	v34 =	vor.u32 v14, v34;
	_ =	sdelay $0x3  }
0x536: {  	[tilespmem:v35+s23+$0x0] =	vst.idx.msk $0xffff, v30  }
0x537: {  	v50 =	vor.u32 s0, v46;
	v51 =	vadd.s32 v21, v31;
	v30 =	vld.idx.msk [tilespmem:v34+s19+$0x0], $0xffff  }
0x538: {  	v35 =	vor.u32 v14, v51;
	_ =	sdelay $0x3  }
0x539: {  	[tilespmem:v50+s23+$0x0] =	vst.idx.msk $0xffff, v30  }
0x53a: {  	v53 =	vor.u32 s0, v39;
	v54 =	vadd.s32 v17, v31;
	v30 =	vld.idx.msk [tilespmem:v35+s19+$0x0], $0xffff  }
0x53b: {  	v35 =	vor.u32 v14, v54;
	_ =	sdelay $0x3  }
0x53c: {  	[tilespmem:v53+s23+$0x0] =	vst.idx.msk $0xffff, v30  }
0x53d: {  	v55 =	vor.u32 s0, v47;
	v31 =	vadd.s32 v16, v31;
	v30 =	vld.idx.msk [tilespmem:v35+s19+$0x0], $0xffff  }
0x53e: {  	v31 =	vor.u32 v14, v31;
	_ =	sdelay $0x1  }
0x53f: {  	s31 =	simm.s32 $0x0  }
0x540: {  	v56 =	vmov s31  }
0x541: {  	[tilespmem:v55+s23+$0x0] =	vst.idx.msk $0xffff, v30;
	v30 =	vshll.u32 v56, $0x4  }
0x542: {  	v58 =	vor.u32 s0, v48;
	v31 =	vld.idx.msk [tilespmem:v31+s19+$0x0], $0xffff;
	v50 =	vor.u32 v11, v30  }
0x543: {  	v48 =	vld [tilespmem:$0x1FEB0];
	v39 =	vor.u32 v22, v50;
	_ =	sdelay $0x3  }
0x544: {  	[tilespmem:v58+s23+$0x0] =	vst.idx.msk $0xffff, v31  }
0x545: {  	v47 =	vor.u32 s31, v48;
	v31 =	vld.idx.msk [tilespmem:v39+s19+$0x0], $0xffff;
	_ =	sdelay $0x3  }
0x546: {  	v51 =	vadd.s32 v21, v30  }
0x547: {  	v54 =	vor.u32 v22, v51;
	[tilespmem:v47+s23+$0x0] =	vst.idx.msk $0xffff, v31;
	v47 =	vld [tilespmem:$0x1FE90];
	_ =	sdelay $0x4  }
0x548: {  	v56 =	vadd.s32 v17, v30;
	v31 =	vld.idx.msk [tilespmem:v54+s19+$0x0], $0xffff;
	v55 =	vor.u32 s31, v47  }
0x549: {  	v35 =	vor.u32 v22, v56;
	v39 =	vld [tilespmem:$0x1FD70];
	_ =	sdelay $0x3  }
0x54a: {  	[tilespmem:v55+s23+$0x0] =	vst.idx.msk $0xffff, v31  }
0x54b: {  	v58 =	vor.u32 s31, v39;
	v49 =	vld.idx.msk [tilespmem:v35+s19+$0x0], $0xffff;
	_ =	sdelay $0x2  }
0x54c: {  	v30 =	vadd.s32 v16, v30  }
0x54d: {  	[tilespmem:$0x1FB20] =	vst v30;
	v30 =	vor.u32 v22, v30  }
0x54e: {  	[tilespmem:v58+s23+$0x0] =	vst.idx.msk $0xffff, v49;
	v49 =	vld [tilespmem:$0x1FDA0];
	_ =	sdelay $0x1  }
0x54f: {  	s0 =	simm.s32 $0x10  }
0x550: {  	s14 =	simm.s32 $0x20;
	s8 =	simm.s32 $0x0;
	s2 =	simm.s32 $0x10;
	[tilespmem:$0x1FB10] =	vst v56;
	v31 =	vmov s0  }
.LBB2_43:
0x551: {  	p0 =	sne.s32 s14, $0x70;
	v31 =	vshll.u32 v31, $0x4;
	v30 =	vld.idx.msk [tilespmem:v30+s19+$0x0], $0xffff  }
0x552: {  	v35 =	vor.u32 s8, v49;
	s8 =	smov.u32 s2;
	s2 =	smov.u32 s14;
	v34 =	vor.u32 v11, v31  }
0x553: {  	v34 =	vor.u32 v22, v34;
	_ =	sdelay $0x3  }
0x554: {  	[tilespmem:v35+s23+$0x0] =	vst.idx.msk $0xffff, v30  }
0x555: {  	v30 =	vld.idx.msk [tilespmem:v34+s19+$0x0], $0xffff  }
0x556: {  	v35 =	vadd.s32 v21, v31;
	v34 =	vor.u32 s8, v48  }
0x557: {  	v35 =	vor.u32 v22, v35;
	_ =	sdelay $0x3  }
0x558: {  	[tilespmem:v34+s23+$0x0] =	vst.idx.msk $0xffff, v30  }
0x559: {  	v30 =	vld.idx.msk [tilespmem:v35+s19+$0x0], $0xffff  }
0x55a: {  	v34 =	vor.u32 s8, v47;
	v35 =	vadd.s32 v17, v31  }
0x55b: {  	v35 =	vor.u32 v22, v35;
	_ =	sdelay $0x3  }
0x55c: {  	[tilespmem:v34+s23+$0x0] =	vst.idx.msk $0xffff, v30  }
0x55d: {  	v34 =	vld.idx.msk [tilespmem:v35+s19+$0x0], $0xffff  }
0x55e: {  	v30 =	vadd.s32 v16, v31;
	v35 =	vor.u32 s8, v39  }
.Ltmp20:
0x55f: {  	v30 =	vor.u32 v22, v30;
	(pc) =	sbr.rel @p0 .LBB2_43-.Ltmp20, $2  }
0x560: {  	_ =	sdelay $0x2  }
0x561: {  	s14 =	sadd.s32 $0x10, s14;
	v31 =	vmov s2;
	[tilespmem:v35+s23+$0x0] =	vst.idx.msk $0xffff, v34  }
0x562: {  	_ =	sdelay $0x2  }
0x563: {  	v31 =	vshll.u32 v31, $0x4  }
0x564: {  	v30 =	vld.idx.msk [tilespmem:v30+s19+$0x0], $0xffff;
	v35 =	vor.u32 s8, v49;
	v34 =	vor.u32 v11, v31  }
0x565: {  	v34 =	vor.u32 v22, v34;
	_ =	sdelay $0x3  }
0x566: {  	[tilespmem:v35+s23+$0x0] =	vst.idx.msk $0xffff, v30  }
0x567: {  	v54 =	vor.u32 s2, v48;
	v55 =	vadd.s32 v21, v31;
	v30 =	vld.idx.msk [tilespmem:v34+s19+$0x0], $0xffff  }
0x568: {  	v35 =	vor.u32 v22, v55;
	_ =	sdelay $0x3  }
0x569: {  	[tilespmem:v54+s23+$0x0] =	vst.idx.msk $0xffff, v30  }
0x56a: {  	v56 =	vor.u32 s2, v47;
	v58 =	vadd.s32 v17, v31;
	v30 =	vld.idx.msk [tilespmem:v35+s19+$0x0], $0xffff  }
0x56b: {  	v35 =	vor.u32 v22, v58;
	_ =	sdelay $0x3  }
0x56c: {  	[tilespmem:v56+s23+$0x0] =	vst.idx.msk $0xffff, v30  }
0x56d: {  	v39 =	vor.u32 s2, v39;
	v31 =	vadd.s32 v16, v31;
	v30 =	vld.idx.msk [tilespmem:v35+s19+$0x0], $0xffff  }
0x56e: {  	v31 =	vor.u32 v22, v31;
	_ =	sdelay $0x3  }
0x56f: {  	[tilespmem:v39+s23+$0x0] =	vst.idx.msk $0xffff, v30  }
0x570: {  	v30 =	vld.idx.msk [tilespmem:v31+s19+$0x0], $0xffff;
	v31 =	vor.u32 s2, v49  }
0x571: {  	v53 =	vor.u32 v29, v50;
	v49 =	vld [tilespmem:$0x1FF70];
	_ =	sdelay $0x3  }
0x572: {  	[tilespmem:v31+s23+$0x0] =	vst.idx.msk $0xffff, v30  }
0x573: {  	v31 =	vor.u32 s31, v49;
	v30 =	vld.idx.msk [tilespmem:v53+s19+$0x0], $0xffff  }
0x574: {  	v54 =	vor.u32 v29, v51;
	v39 =	vld [tilespmem:$0x1FDB0];
	_ =	sdelay $0x3  }
0x575: {  	v55 =	vld [tilespmem:$0x1FB10];
	[tilespmem:v31+s23+$0x0] =	vst.idx.msk $0xffff, v30  }
0x576: {  	v31 =	vor.u32 s31, v39;
	v30 =	vld.idx.msk [tilespmem:v54+s19+$0x0], $0xffff;
	_ =	sdelay $0x3  }
0x577: {  	v50 =	vld [tilespmem:$0x1FDE0];
	v34 =	vor.u32 v29, v55  }
0x578: {  	[tilespmem:v31+s23+$0x0] =	vst.idx.msk $0xffff, v30;
	v30 =	vld [tilespmem:$0x1FB20];
	_ =	sdelay $0x3  }
0x579: {  	v58 =	vor.u32 s31, v50;
	v56 =	vld.idx.msk [tilespmem:v34+s19+$0x0], $0xffff  }
0x57a: {  	v30 =	vor.u32 v29, v30  }
0x57b: {  	v51 =	vld [tilespmem:$0x1FDF0];
	_ =	sdelay $0x2  }
0x57c: {  	s2 =	simm.s32 $0x20;
	v31 =	vmov s0;
	[tilespmem:v58+s23+$0x0] =	vst.idx.msk $0xffff, v56  }
.LBB2_45:
0x57d: {  	p0 =	sne.s32 s2, $0x70;
	v31 =	vshll.u32 v31, $0x4;
	v30 =	vld.idx.msk [tilespmem:v30+s19+$0x0], $0xffff  }
0x57e: {  	v35 =	vor.u32 s31, v51;
	s31 =	smov.u32 s0;
	s0 =	smov.u32 s2;
	v34 =	vor.u32 v11, v31  }
0x57f: {  	v34 =	vor.u32 v29, v34;
	_ =	sdelay $0x3  }
0x580: {  	[tilespmem:v35+s23+$0x0] =	vst.idx.msk $0xffff, v30  }
0x581: {  	v30 =	vld.idx.msk [tilespmem:v34+s19+$0x0], $0xffff  }
0x582: {  	v35 =	vadd.s32 v21, v31;
	v34 =	vor.u32 s31, v49  }
0x583: {  	v35 =	vor.u32 v29, v35;
	_ =	sdelay $0x3  }
0x584: {  	[tilespmem:v34+s23+$0x0] =	vst.idx.msk $0xffff, v30  }
0x585: {  	v30 =	vld.idx.msk [tilespmem:v35+s19+$0x0], $0xffff  }
0x586: {  	v34 =	vor.u32 s31, v39;
	v35 =	vadd.s32 v17, v31  }
0x587: {  	v35 =	vor.u32 v29, v35;
	_ =	sdelay $0x3  }
0x588: {  	[tilespmem:v34+s23+$0x0] =	vst.idx.msk $0xffff, v30  }
0x589: {  	v34 =	vld.idx.msk [tilespmem:v35+s19+$0x0], $0xffff  }
0x58a: {  	v30 =	vadd.s32 v16, v31;
	v35 =	vor.u32 s31, v50  }
.Ltmp21:
0x58b: {  	v30 =	vor.u32 v29, v30;
	(pc) =	sbr.rel @p0 .LBB2_45-.Ltmp21, $2  }
0x58c: {  	_ =	sdelay $0x2  }
0x58d: {  	s2 =	sadd.s32 $0x10, s2;
	v31 =	vmov s0;
	[tilespmem:v35+s23+$0x0] =	vst.idx.msk $0xffff, v34  }
0x58e: {  	_ =	sdelay $0x2  }
0x58f: {  	v31 =	vshll.u32 v31, $0x4  }
0x590: {  	v30 =	vld.idx.msk [tilespmem:v30+s19+$0x0], $0xffff;
	v35 =	vor.u32 s31, v51;
	v34 =	vor.u32 v11, v31  }
0x591: {  	v34 =	vor.u32 v29, v34;
	_ =	sdelay $0x3  }
0x592: {  	[tilespmem:v35+s23+$0x0] =	vst.idx.msk $0xffff, v30  }
0x593: {  	v54 =	vor.u32 s0, v49;
	v55 =	vadd.s32 v21, v31;
	v30 =	vld.idx.msk [tilespmem:v34+s19+$0x0], $0xffff  }
0x594: {  	v35 =	vor.u32 v29, v55;
	_ =	sdelay $0x3  }
0x595: {  	[tilespmem:v54+s23+$0x0] =	vst.idx.msk $0xffff, v30  }
0x596: {  	v56 =	vor.u32 s0, v39;
	v58 =	vadd.s32 v17, v31;
	v30 =	vld.idx.msk [tilespmem:v35+s19+$0x0], $0xffff  }
0x597: {  	v35 =	vor.u32 v29, v58;
	_ =	sdelay $0x3  }
0x598: {  	[tilespmem:v56+s23+$0x0] =	vst.idx.msk $0xffff, v30  }
0x599: {  	v39 =	vor.u32 s0, v50;
	v31 =	vadd.s32 v16, v31;
	v30 =	vld.idx.msk [tilespmem:v35+s19+$0x0], $0xffff  }
0x59a: {  	v31 =	vor.u32 v29, v31;
	_ =	sdelay $0x3  }
0x59b: {  	[tilespmem:v39+s23+$0x0] =	vst.idx.msk $0xffff, v30  }
0x59c: {  	v51 =	vor.u32 s0, v51;
	v31 =	vld.idx.msk [tilespmem:v31+s19+$0x0], $0xffff  }
0x59d: {  	s31 =	simm.s32 $0x0  }
0x59e: {  	v50 =	vmov s31  }
0x59f: {  	v30 =	vshll.u32 v50, $0x4  }
0x5a0: {  	v54 =	vor.u32 v11, v30  }
0x5a1: {  	v58 =	vor.u32 v36, v54;
	[tilespmem:v51+s23+$0x0] =	vst.idx.msk $0xffff, v31;
	v51 =	vld [tilespmem:$0x1FF80];
	_ =	sdelay $0x4  }
0x5a2: {  	v55 =	vadd.s32 v21, v30;
	v31 =	vld.idx.msk [tilespmem:v58+s19+$0x0], $0xffff;
	v39 =	vor.u32 s31, v51  }
0x5a3: {  	v50 =	vor.u32 v36, v55;
	_ =	sdelay $0x3  }
0x5a4: {  	[tilespmem:v39+s23+$0x0] =	vst.idx.msk $0xffff, v31  }
0x5a5: {  	v31 =	vld.idx.msk [tilespmem:v50+s19+$0x0], $0xffff  }
0x5a6: {  	v50 =	vld [tilespmem:$0x1FF90];
	_ =	sdelay $0x4  }
0x5a7: {  	v56 =	vadd.s32 v17, v30;
	v53 =	vor.u32 s31, v50  }
0x5a8: {  	v35 =	vor.u32 v36, v56;
	v39 =	vld [tilespmem:$0x1FE00];
	_ =	sdelay $0x3  }
0x5a9: {  	[tilespmem:v53+s23+$0x0] =	vst.idx.msk $0xffff, v31  }
0x5aa: {  	v58 =	vor.u32 s31, v39;
	v53 =	vld.idx.msk [tilespmem:v35+s19+$0x0], $0xffff;
	_ =	sdelay $0x2  }
0x5ab: {  	v30 =	vadd.s32 v16, v30  }
0x5ac: {  	[tilespmem:$0x1FB00] =	vst v30;
	v30 =	vor.u32 v36, v30  }
0x5ad: {  	[tilespmem:v58+s23+$0x0] =	vst.idx.msk $0xffff, v53;
	v53 =	vld [tilespmem:$0x1FFA0];
	_ =	sdelay $0x1  }
0x5ae: {  	s0 =	simm.s32 $0x10  }
0x5af: {  	s14 =	simm.s32 $0x20;
	s8 =	simm.s32 $0x0;
	s2 =	simm.s32 $0x10;
	[tilespmem:$0x1FAF0] =	vst v56;
	v31 =	vmov s0  }
.LBB2_47:
0x5b0: {  	p0 =	sne.s32 s14, $0x70;
	v31 =	vshll.u32 v31, $0x4;
	v30 =	vld.idx.msk [tilespmem:v30+s19+$0x0], $0xffff  }
0x5b1: {  	v35 =	vor.u32 s8, v53;
	s8 =	smov.u32 s2;
	s2 =	smov.u32 s14;
	v34 =	vor.u32 v11, v31  }
0x5b2: {  	v34 =	vor.u32 v36, v34;
	_ =	sdelay $0x3  }
0x5b3: {  	[tilespmem:v35+s23+$0x0] =	vst.idx.msk $0xffff, v30  }
0x5b4: {  	v30 =	vld.idx.msk [tilespmem:v34+s19+$0x0], $0xffff  }
0x5b5: {  	v35 =	vadd.s32 v21, v31;
	v34 =	vor.u32 s8, v51  }
0x5b6: {  	v35 =	vor.u32 v36, v35;
	_ =	sdelay $0x3  }
0x5b7: {  	[tilespmem:v34+s23+$0x0] =	vst.idx.msk $0xffff, v30  }
0x5b8: {  	v30 =	vld.idx.msk [tilespmem:v35+s19+$0x0], $0xffff  }
0x5b9: {  	v34 =	vor.u32 s8, v50;
	v35 =	vadd.s32 v17, v31  }
0x5ba: {  	v35 =	vor.u32 v36, v35;
	_ =	sdelay $0x3  }
0x5bb: {  	[tilespmem:v34+s23+$0x0] =	vst.idx.msk $0xffff, v30  }
0x5bc: {  	v34 =	vld.idx.msk [tilespmem:v35+s19+$0x0], $0xffff  }
0x5bd: {  	v30 =	vadd.s32 v16, v31;
	v35 =	vor.u32 s8, v39  }
.Ltmp22:
0x5be: {  	v30 =	vor.u32 v36, v30;
	(pc) =	sbr.rel @p0 .LBB2_47-.Ltmp22, $2  }
0x5bf: {  	_ =	sdelay $0x2  }
0x5c0: {  	s14 =	sadd.s32 $0x10, s14;
	v31 =	vmov s2;
	[tilespmem:v35+s23+$0x0] =	vst.idx.msk $0xffff, v34  }
0x5c1: {  	_ =	sdelay $0x2  }
0x5c2: {  	v31 =	vshll.u32 v31, $0x4  }
0x5c3: {  	v30 =	vld.idx.msk [tilespmem:v30+s19+$0x0], $0xffff;
	v35 =	vor.u32 s8, v53;
	v34 =	vor.u32 v11, v31  }
0x5c4: {  	v34 =	vor.u32 v36, v34;
	_ =	sdelay $0x3  }
0x5c5: {  	[tilespmem:v35+s23+$0x0] =	vst.idx.msk $0xffff, v30  }
0x5c6: {  	v56 =	vor.u32 s2, v51;
	v58 =	vadd.s32 v21, v31;
	v30 =	vld.idx.msk [tilespmem:v34+s19+$0x0], $0xffff  }
0x5c7: {  	v35 =	vor.u32 v36, v58;
	_ =	sdelay $0x3  }
0x5c8: {  	[tilespmem:v56+s23+$0x0] =	vst.idx.msk $0xffff, v30  }
0x5c9: {  	v58 =	vadd.s32 v17, v31;
	v56 =	vor.u32 s2, v50;
	v30 =	vld.idx.msk [tilespmem:v35+s19+$0x0], $0xffff  }
0x5ca: {  	v35 =	vor.u32 v36, v58;
	_ =	sdelay $0x3  }
0x5cb: {  	[tilespmem:v56+s23+$0x0] =	vst.idx.msk $0xffff, v30  }
0x5cc: {  	v39 =	vor.u32 s2, v39;
	v31 =	vadd.s32 v16, v31;
	v30 =	vld.idx.msk [tilespmem:v35+s19+$0x0], $0xffff  }
0x5cd: {  	v31 =	vor.u32 v36, v31;
	_ =	sdelay $0x3  }
0x5ce: {  	[tilespmem:v39+s23+$0x0] =	vst.idx.msk $0xffff, v30  }
0x5cf: {  	v30 =	vld.idx.msk [tilespmem:v31+s19+$0x0], $0xffff;
	v31 =	vor.u32 s2, v53  }
0x5d0: {  	v54 =	vor.u32 v43, v54;
	v53 =	vld [tilespmem:$0x1FFB0];
	_ =	sdelay $0x3  }
0x5d1: {  	[tilespmem:v31+s23+$0x0] =	vst.idx.msk $0xffff, v30  }
0x5d2: {  	v31 =	vor.u32 s31, v53;
	v30 =	vld.idx.msk [tilespmem:v54+s19+$0x0], $0xffff  }
0x5d3: {  	v55 =	vor.u32 v43, v55;
	v39 =	vld [tilespmem:$0x1FE70]  }
0x5d4: {  	v56 =	vld [tilespmem:$0x1FAF0];
	_ =	sdelay $0x2  }
0x5d5: {  	[tilespmem:v31+s23+$0x0] =	vst.idx.msk $0xffff, v30  }
0x5d6: {  	v31 =	vor.u32 s31, v39;
	v30 =	vld.idx.msk [tilespmem:v55+s19+$0x0], $0xffff  }
0x5d7: {  	v34 =	vor.u32 v43, v56;
	v54 =	vld [tilespmem:$0x1FE80];
	_ =	sdelay $0x3  }
0x5d8: {  	[tilespmem:v31+s23+$0x0] =	vst.idx.msk $0xffff, v30;
	v30 =	vld [tilespmem:$0x1FB00]  }
0x5d9: {  	v58 =	vor.u32 s31, v54;
	v55 =	vld.idx.msk [tilespmem:v34+s19+$0x0], $0xffff;
	_ =	sdelay $0x3  }
0x5da: {  	v30 =	vor.u32 v43, v30  }
0x5db: {  	[tilespmem:v58+s23+$0x0] =	vst.idx.msk $0xffff, v55;
	v55 =	vld [tilespmem:$0x1FEA0];
	_ =	sdelay $0x2  }
0x5dc: {  	s2 =	simm.s32 $0x20;
	v31 =	vmov s0  }
.LBB2_49:
0x5dd: {  	p0 =	sne.s32 s2, $0x70;
	v31 =	vshll.u32 v31, $0x4;
	v30 =	vld.idx.msk [tilespmem:v30+s19+$0x0], $0xffff  }
0x5de: {  	v35 =	vor.u32 s31, v55;
	s31 =	smov.u32 s0;
	s0 =	smov.u32 s2;
	v34 =	vor.u32 v11, v31  }
0x5df: {  	v34 =	vor.u32 v43, v34;
	_ =	sdelay $0x3  }
0x5e0: {  	[tilespmem:v35+s23+$0x0] =	vst.idx.msk $0xffff, v30  }
0x5e1: {  	v30 =	vld.idx.msk [tilespmem:v34+s19+$0x0], $0xffff  }
0x5e2: {  	v35 =	vadd.s32 v21, v31;
	v34 =	vor.u32 s31, v53  }
0x5e3: {  	v35 =	vor.u32 v43, v35;
	_ =	sdelay $0x3  }
0x5e4: {  	[tilespmem:v34+s23+$0x0] =	vst.idx.msk $0xffff, v30  }
0x5e5: {  	v30 =	vld.idx.msk [tilespmem:v35+s19+$0x0], $0xffff  }
0x5e6: {  	v34 =	vor.u32 s31, v39;
	v35 =	vadd.s32 v17, v31  }
0x5e7: {  	v35 =	vor.u32 v43, v35;
	_ =	sdelay $0x3  }
0x5e8: {  	[tilespmem:v34+s23+$0x0] =	vst.idx.msk $0xffff, v30  }
0x5e9: {  	v34 =	vld.idx.msk [tilespmem:v35+s19+$0x0], $0xffff  }
0x5ea: {  	v30 =	vadd.s32 v16, v31;
	v35 =	vor.u32 s31, v54  }
.Ltmp23:
0x5eb: {  	v30 =	vor.u32 v43, v30;
	(pc) =	sbr.rel @p0 .LBB2_49-.Ltmp23, $2  }
0x5ec: {  	_ =	sdelay $0x2  }
0x5ed: {  	s2 =	sadd.s32 $0x10, s2;
	v31 =	vmov s0;
	[tilespmem:v35+s23+$0x0] =	vst.idx.msk $0xffff, v34  }
0x5ee: {  	_ =	sdelay $0x2  }
0x5ef: {  	v31 =	vshll.u32 v31, $0x4  }
0x5f0: {  	v30 =	vld.idx.msk [tilespmem:v30+s19+$0x0], $0xffff;
	v35 =	vor.u32 s31, v55;
	v34 =	vor.u32 v11, v31  }
0x5f1: {  	v34 =	vor.u32 v43, v34;
	_ =	sdelay $0x3  }
0x5f2: {  	[tilespmem:v35+s23+$0x0] =	vst.idx.msk $0xffff, v30  }
0x5f3: {  	v56 =	vor.u32 s0, v53;
	v58 =	vadd.s32 v21, v31;
	v30 =	vld.idx.msk [tilespmem:v34+s19+$0x0], $0xffff  }
0x5f4: {  	v35 =	vor.u32 v43, v58;
	_ =	sdelay $0x3  }
0x5f5: {  	[tilespmem:v56+s23+$0x0] =	vst.idx.msk $0xffff, v30  }
0x5f6: {  	v58 =	vadd.s32 v17, v31;
	v56 =	vor.u32 s0, v39;
	v30 =	vld.idx.msk [tilespmem:v35+s19+$0x0], $0xffff  }
0x5f7: {  	v35 =	vor.u32 v43, v58;
	_ =	sdelay $0x3  }
0x5f8: {  	[tilespmem:v56+s23+$0x0] =	vst.idx.msk $0xffff, v30  }
0x5f9: {  	v31 =	vadd.s32 v16, v31;
	v39 =	vor.u32 s0, v54;
	v30 =	vld.idx.msk [tilespmem:v35+s19+$0x0], $0xffff  }
0x5fa: {  	v31 =	vor.u32 v43, v31;
	_ =	sdelay $0x3  }
0x5fb: {  	[tilespmem:v39+s23+$0x0] =	vst.idx.msk $0xffff, v30  }
0x5fc: {  	v55 =	vor.u32 s0, v55;
	v31 =	vld.idx.msk [tilespmem:v31+s19+$0x0], $0xffff  }
0x5fd: {  	s31 =	simm.s32 $0x0  }
0x5fe: {  	v54 =	vmov s31  }
0x5ff: {  	v30 =	vshll.u32 v54, $0x4  }
0x600: {  	v58 =	vor.u32 v11, v30  }
0x601: {  	v56 =	vor.u32 v20, v58;
	[tilespmem:v55+s23+$0x0] =	vst.idx.msk $0xffff, v31;
	v55 =	vld [tilespmem:$0x1FFC0];
	_ =	sdelay $0x4  }
0x602: {  	v54 =	vadd.s32 v21, v30;
	v31 =	vld.idx.msk [tilespmem:v56+s19+$0x0], $0xffff;
	v39 =	vor.u32 s31, v55  }
0x603: {  	[tilespmem:$0x1FAC0] =	vst v54;
	v35 =	vor.u32 v20, v54;
	v54 =	vld [tilespmem:$0x1FEC0];
	_ =	sdelay $0x3  }
0x604: {  	[tilespmem:v39+s23+$0x0] =	vst.idx.msk $0xffff, v31  }
0x605: {  	v39 =	vor.u32 s31, v54;
	v31 =	vld.idx.msk [tilespmem:v35+s19+$0x0], $0xffff;
	_ =	sdelay $0x3  }
0x606: {  	v56 =	vadd.s32 v17, v30  }
0x607: {  	v35 =	vor.u32 v20, v56;
	[tilespmem:v39+s23+$0x0] =	vst.idx.msk $0xffff, v31;
	v39 =	vld [tilespmem:$0x1FED0];
	_ =	sdelay $0x4  }
0x608: {  	[tilespmem:$0x1FAD0] =	vst v56;
	v56 =	vld.idx.msk [tilespmem:v35+s19+$0x0], $0xffff;
	v35 =	vor.u32 s31, v39;
	_ =	sdelay $0x2  }
0x609: {  	v30 =	vadd.s32 v16, v30  }
0x60a: {  	[tilespmem:$0x1FAE0] =	vst v30;
	v30 =	vor.u32 v20, v30  }
0x60b: {  	[tilespmem:v35+s23+$0x0] =	vst.idx.msk $0xffff, v56;
	v56 =	vld [tilespmem:$0x1FEE0];
	_ =	sdelay $0x1  }
0x60c: {  	s0 =	simm.s32 $0x10  }
0x60d: {  	s14 =	simm.s32 $0x20;
	s8 =	simm.s32 $0x0;
	s2 =	simm.s32 $0x10;
	v31 =	vmov s0  }
.LBB2_51:
0x60e: {  	p0 =	sne.s32 s14, $0x70;
	v31 =	vshll.u32 v31, $0x4;
	v30 =	vld.idx.msk [tilespmem:v30+s19+$0x0], $0xffff  }
0x60f: {  	v35 =	vor.u32 s8, v56;
	s8 =	smov.u32 s2;
	s2 =	smov.u32 s14;
	v34 =	vor.u32 v11, v31  }
0x610: {  	v34 =	vor.u32 v20, v34;
	_ =	sdelay $0x3  }
0x611: {  	[tilespmem:v35+s23+$0x0] =	vst.idx.msk $0xffff, v30  }
0x612: {  	v30 =	vld.idx.msk [tilespmem:v34+s19+$0x0], $0xffff  }
0x613: {  	v35 =	vadd.s32 v21, v31;
	v34 =	vor.u32 s8, v55  }
0x614: {  	v35 =	vor.u32 v20, v35;
	_ =	sdelay $0x3  }
0x615: {  	[tilespmem:v34+s23+$0x0] =	vst.idx.msk $0xffff, v30  }
0x616: {  	v30 =	vld.idx.msk [tilespmem:v35+s19+$0x0], $0xffff  }
0x617: {  	v34 =	vor.u32 s8, v54;
	v35 =	vadd.s32 v17, v31  }
0x618: {  	v35 =	vor.u32 v20, v35;
	_ =	sdelay $0x3  }
0x619: {  	[tilespmem:v34+s23+$0x0] =	vst.idx.msk $0xffff, v30  }
0x61a: {  	v34 =	vld.idx.msk [tilespmem:v35+s19+$0x0], $0xffff  }
0x61b: {  	v30 =	vadd.s32 v16, v31;
	v35 =	vor.u32 s8, v39  }
.Ltmp24:
0x61c: {  	v30 =	vor.u32 v20, v30;
	(pc) =	sbr.rel @p0 .LBB2_51-.Ltmp24, $2  }
0x61d: {  	_ =	sdelay $0x2  }
0x61e: {  	s14 =	sadd.s32 $0x10, s14;
	v31 =	vmov s2;
	[tilespmem:v35+s23+$0x0] =	vst.idx.msk $0xffff, v34  }
0x61f: {  	_ =	sdelay $0x2  }
0x620: {  	v31 =	vshll.u32 v31, $0x4  }
0x621: {  	v30 =	vld.idx.msk [tilespmem:v30+s19+$0x0], $0xffff;
	v35 =	vor.u32 s8, v56;
	v34 =	vor.u32 v11, v31  }
0x622: {  	v34 =	vor.u32 v20, v34;
	_ =	sdelay $0x3  }
0x623: {  	[tilespmem:v35+s23+$0x0] =	vst.idx.msk $0xffff, v30  }
0x624: {  	v35 =	vadd.s32 v21, v31;
	v30 =	vld.idx.msk [tilespmem:v34+s19+$0x0], $0xffff;
	v34 =	vor.u32 s2, v55  }
0x625: {  	v35 =	vor.u32 v20, v35;
	_ =	sdelay $0x3  }
0x626: {  	[tilespmem:v34+s23+$0x0] =	vst.idx.msk $0xffff, v30  }
0x627: {  	v34 =	vor.u32 s2, v54;
	v54 =	vadd.s32 v17, v31;
	v30 =	vld.idx.msk [tilespmem:v35+s19+$0x0], $0xffff  }
0x628: {  	v35 =	vor.u32 v20, v54;
	_ =	sdelay $0x3  }
0x629: {  	[tilespmem:v34+s23+$0x0] =	vst.idx.msk $0xffff, v30  }
0x62a: {  	v31 =	vadd.s32 v16, v31;
	v54 =	vor.u32 s2, v39;
	v30 =	vld.idx.msk [tilespmem:v35+s19+$0x0], $0xffff  }
0x62b: {  	v31 =	vor.u32 v20, v31;
	_ =	sdelay $0x3  }
0x62c: {  	[tilespmem:v54+s23+$0x0] =	vst.idx.msk $0xffff, v30  }
0x62d: {  	v30 =	vld.idx.msk [tilespmem:v31+s19+$0x0], $0xffff;
	v31 =	vor.u32 s2, v56  }
0x62e: {  	v39 =	vor.u32 v52, v58;
	v56 =	vld [tilespmem:$0x1FFD0]  }
0x62f: {  	v54 =	vld [tilespmem:$0x1FAC0];
	_ =	sdelay $0x2  }
0x630: {  	[tilespmem:v31+s23+$0x0] =	vst.idx.msk $0xffff, v30  }
0x631: {  	v31 =	vor.u32 s31, v56;
	v30 =	vld.idx.msk [tilespmem:v39+s19+$0x0], $0xffff  }
0x632: {  	v35 =	vor.u32 v52, v54;
	v39 =	vld [tilespmem:$0x1FF00]  }
0x633: {  	v58 =	vld [tilespmem:$0x1FAD0];
	_ =	sdelay $0x2  }
0x634: {  	[tilespmem:v31+s23+$0x0] =	vst.idx.msk $0xffff, v30  }
0x635: {  	v31 =	vor.u32 s31, v39;
	v30 =	vld.idx.msk [tilespmem:v35+s19+$0x0], $0xffff  }
0x636: {  	v54 =	vld [tilespmem:$0x1FF10];
	v35 =	vor.u32 v52, v58;
	_ =	sdelay $0x3  }
0x637: {  	[tilespmem:v31+s23+$0x0] =	vst.idx.msk $0xffff, v30;
	v30 =	vld [tilespmem:$0x1FAE0]  }
0x638: {  	v58 =	vld.idx.msk [tilespmem:v35+s19+$0x0], $0xffff;
	v35 =	vor.u32 s31, v54;
	_ =	sdelay $0x3  }
0x639: {  	v30 =	vor.u32 v52, v30  }
0x63a: {  	[tilespmem:v35+s23+$0x0] =	vst.idx.msk $0xffff, v58;
	v58 =	vld [tilespmem:$0x1FFE0];
	_ =	sdelay $0x2  }
0x63b: {  	s2 =	simm.s32 $0x20;
	v31 =	vmov s0  }
.LBB2_53:
0x63c: {  	p0 =	sne.s32 s2, $0x70;
	v31 =	vshll.u32 v31, $0x4;
	v30 =	vld.idx.msk [tilespmem:v30+s19+$0x0], $0xffff  }
0x63d: {  	v35 =	vor.u32 s31, v58;
	s31 =	smov.u32 s0;
	s0 =	smov.u32 s2;
	v34 =	vor.u32 v11, v31  }
0x63e: {  	v34 =	vor.u32 v52, v34;
	_ =	sdelay $0x3  }
0x63f: {  	[tilespmem:v35+s23+$0x0] =	vst.idx.msk $0xffff, v30  }
0x640: {  	v30 =	vld.idx.msk [tilespmem:v34+s19+$0x0], $0xffff  }
0x641: {  	v35 =	vadd.s32 v21, v31;
	v34 =	vor.u32 s31, v56  }
0x642: {  	v35 =	vor.u32 v52, v35;
	_ =	sdelay $0x3  }
0x643: {  	[tilespmem:v34+s23+$0x0] =	vst.idx.msk $0xffff, v30  }
0x644: {  	v30 =	vld.idx.msk [tilespmem:v35+s19+$0x0], $0xffff  }
0x645: {  	v34 =	vor.u32 s31, v39;
	v35 =	vadd.s32 v17, v31  }
0x646: {  	v35 =	vor.u32 v52, v35;
	_ =	sdelay $0x3  }
0x647: {  	[tilespmem:v34+s23+$0x0] =	vst.idx.msk $0xffff, v30  }
0x648: {  	v34 =	vld.idx.msk [tilespmem:v35+s19+$0x0], $0xffff  }
0x649: {  	v30 =	vadd.s32 v16, v31;
	v35 =	vor.u32 s31, v54  }
.Ltmp25:
0x64a: {  	v30 =	vor.u32 v52, v30;
	(pc) =	sbr.rel @p0 .LBB2_53-.Ltmp25, $2  }
0x64b: {  	_ =	sdelay $0x2  }
0x64c: {  	s2 =	sadd.s32 $0x10, s2;
	v31 =	vmov s0;
	[tilespmem:v35+s23+$0x0] =	vst.idx.msk $0xffff, v34  }
0x64d: {  	_ =	sdelay $0x2  }
0x64e: {  	v31 =	vshll.u32 v31, $0x4  }
0x64f: {  	v30 =	vld.idx.msk [tilespmem:v30+s19+$0x0], $0xffff;
	v35 =	vor.u32 s31, v58;
	v34 =	vor.u32 v11, v31  }
0x650: {  	v34 =	vor.u32 v52, v34;
	_ =	sdelay $0x3  }
0x651: {  	[tilespmem:v35+s23+$0x0] =	vst.idx.msk $0xffff, v30  }
0x652: {  	v35 =	vadd.s32 v21, v31;
	v30 =	vld.idx.msk [tilespmem:v34+s19+$0x0], $0xffff;
	v34 =	vor.u32 s0, v56  }
0x653: {  	v35 =	vor.u32 v52, v35;
	_ =	sdelay $0x3  }
0x654: {  	[tilespmem:v34+s23+$0x0] =	vst.idx.msk $0xffff, v30  }
0x655: {  	v34 =	vor.u32 s0, v39;
	v39 =	vadd.s32 v17, v31;
	v30 =	vld.idx.msk [tilespmem:v35+s19+$0x0], $0xffff  }
0x656: {  	v35 =	vor.u32 v52, v39;
	_ =	sdelay $0x3  }
0x657: {  	[tilespmem:v34+s23+$0x0] =	vst.idx.msk $0xffff, v30  }
0x658: {  	v54 =	vor.u32 s0, v54;
	v31 =	vadd.s32 v16, v31;
	v30 =	vld.idx.msk [tilespmem:v35+s19+$0x0], $0xffff  }
0x659: {  	v31 =	vor.u32 v52, v31;
	_ =	sdelay $0x1  }
0x65a: {  	s31 =	simm.s32 $0x0  }
0x65b: {  	v39 =	vmov s31  }
0x65c: {  	[tilespmem:v54+s23+$0x0] =	vst.idx.msk $0xffff, v30;
	v30 =	vshll.u32 v39, $0x4  }
0x65d: {  	v54 =	vor.u32 s0, v58;
	v31 =	vld.idx.msk [tilespmem:v31+s19+$0x0], $0xffff;
	v39 =	vor.u32 v11, v30  }
0x65e: {  	v58 =	vor.u32 v57, v39;
	_ =	sdelay $0x3  }
0x65f: {  	[tilespmem:v54+s23+$0x0] =	vst.idx.msk $0xffff, v31  }
0x660: {  	v31 =	vld.idx.msk [tilespmem:v58+s19+$0x0], $0xffff  }
0x661: {  	v58 =	vld [tilespmem:$0x1FFF0];
	_ =	sdelay $0x4  }
0x662: {  	v54 =	vadd.s32 v21, v30;
	v34 =	vor.u32 s31, v58  }
0x663: {  	v35 =	vor.u32 v57, v54;
	_ =	sdelay $0x3  }
0x664: {  	[tilespmem:v34+s23+$0x0] =	vst.idx.msk $0xffff, v31  }
0x665: {  	[tilespmem:$0x1FA90] =	vst v54;
	v54 =	vadd.s32 v17, v30;
	v34 =	vor.u32 s31, v59;
	v31 =	vld.idx.msk [tilespmem:v35+s19+$0x0], $0xffff  }
0x666: {  	v35 =	vor.u32 v57, v54;
	_ =	sdelay $0x3  }
0x667: {  	[tilespmem:v34+s23+$0x0] =	vst.idx.msk $0xffff, v31  }
0x668: {  	v30 =	vadd.s32 v16, v30;
	[tilespmem:$0x1FAA0] =	vst v54;
	v54 =	vor.u32 s31, v60;
	v34 =	vld.idx.msk [tilespmem:v35+s19+$0x0], $0xffff  }
0x669: {  	[tilespmem:$0x1FAB0] =	vst v30;
	v30 =	vor.u32 v57, v30;
	_ =	sdelay $0x2  }
0x66a: {  	s0 =	simm.s32 $0x10  }
0x66b: {  	s14 =	simm.s32 $0x20;
	s8 =	simm.s32 $0x0;
	s2 =	simm.s32 $0x10;
	v31 =	vmov s0;
	[tilespmem:v54+s23+$0x0] =	vst.idx.msk $0xffff, v34  }
.LBB2_55:
0x66c: {  	p0 =	sne.s32 s14, $0x70;
	v31 =	vshll.u32 v31, $0x4;
	v30 =	vld.idx.msk [tilespmem:v30+s19+$0x0], $0xffff  }
0x66d: {  	v35 =	vor.u32 s8, v61;
	s8 =	smov.u32 s2;
	s2 =	smov.u32 s14;
	v34 =	vor.u32 v11, v31  }
0x66e: {  	v34 =	vor.u32 v57, v34;
	_ =	sdelay $0x3  }
0x66f: {  	[tilespmem:v35+s23+$0x0] =	vst.idx.msk $0xffff, v30  }
0x670: {  	v30 =	vld.idx.msk [tilespmem:v34+s19+$0x0], $0xffff  }
0x671: {  	v35 =	vadd.s32 v21, v31;
	v34 =	vor.u32 s8, v58  }
0x672: {  	v35 =	vor.u32 v57, v35;
	_ =	sdelay $0x3  }
0x673: {  	[tilespmem:v34+s23+$0x0] =	vst.idx.msk $0xffff, v30  }
0x674: {  	v30 =	vld.idx.msk [tilespmem:v35+s19+$0x0], $0xffff  }
0x675: {  	v34 =	vor.u32 s8, v59;
	v35 =	vadd.s32 v17, v31  }
0x676: {  	v35 =	vor.u32 v57, v35;
	_ =	sdelay $0x3  }
0x677: {  	[tilespmem:v34+s23+$0x0] =	vst.idx.msk $0xffff, v30  }
0x678: {  	v34 =	vld.idx.msk [tilespmem:v35+s19+$0x0], $0xffff  }
0x679: {  	v30 =	vadd.s32 v16, v31;
	v35 =	vor.u32 s8, v60  }
.Ltmp26:
0x67a: {  	v30 =	vor.u32 v57, v30;
	(pc) =	sbr.rel @p0 .LBB2_55-.Ltmp26, $2  }
0x67b: {  	_ =	sdelay $0x2  }
0x67c: {  	s14 =	sadd.s32 $0x10, s14;
	v31 =	vmov s2;
	[tilespmem:v35+s23+$0x0] =	vst.idx.msk $0xffff, v34  }
0x67d: {  	_ =	sdelay $0x2  }
0x67e: {  	v31 =	vshll.u32 v31, $0x4  }
0x67f: {  	v30 =	vld.idx.msk [tilespmem:v30+s19+$0x0], $0xffff;
	v35 =	vor.u32 s8, v61;
	v34 =	vor.u32 v11, v31  }
0x680: {  	v34 =	vor.u32 v57, v34;
	_ =	sdelay $0x3  }
0x681: {  	[tilespmem:v35+s23+$0x0] =	vst.idx.msk $0xffff, v30  }
0x682: {  	v54 =	vadd.s32 v21, v31;
	v30 =	vld.idx.msk [tilespmem:v34+s19+$0x0], $0xffff;
	v34 =	vor.u32 s2, v58  }
0x683: {  	v35 =	vor.u32 v57, v54;
	_ =	sdelay $0x3  }
0x684: {  	[tilespmem:v34+s23+$0x0] =	vst.idx.msk $0xffff, v30  }
0x685: {  	v54 =	vadd.s32 v17, v31;
	v34 =	vor.u32 s2, v59;
	v30 =	vld.idx.msk [tilespmem:v35+s19+$0x0], $0xffff  }
0x686: {  	v35 =	vor.u32 v57, v54;
	_ =	sdelay $0x3  }
0x687: {  	[tilespmem:v34+s23+$0x0] =	vst.idx.msk $0xffff, v30  }
0x688: {  	v31 =	vadd.s32 v16, v31;
	v54 =	vor.u32 s2, v60;
	v30 =	vld.idx.msk [tilespmem:v35+s19+$0x0], $0xffff  }
0x689: {  	v31 =	vor.u32 v57, v31;
	_ =	sdelay $0x3  }
0x68a: {  	[tilespmem:v54+s23+$0x0] =	vst.idx.msk $0xffff, v30  }
0x68b: {  	v30 =	vld.idx.msk [tilespmem:v31+s19+$0x0], $0xffff;
	v31 =	vor.u32 s2, v61  }
0x68c: {  	v39 =	vor.u32 v62, v39  }
0x68d: {  	v54 =	vld [tilespmem:$0x1FA90];
	_ =	sdelay $0x2  }
0x68e: {  	[tilespmem:v31+s23+$0x0] =	vst.idx.msk $0xffff, v30  }
0x68f: {  	v31 =	vor.u32 s31, v63;
	v30 =	vld.idx.msk [tilespmem:v39+s19+$0x0], $0xffff  }
0x690: {  	v34 =	vor.u32 v62, v54;
	_ =	sdelay $0x3  }
0x691: {  	v39 =	vld [tilespmem:$0x1FAA0];
	[tilespmem:v31+s23+$0x0] =	vst.idx.msk $0xffff, v30  }
0x692: {  	v31 =	vor.u32 s31, v18;
	v30 =	vld.idx.msk [tilespmem:v34+s19+$0x0], $0xffff;
	_ =	sdelay $0x3  }
0x693: {  	v34 =	vor.u32 v62, v39  }
0x694: {  	[tilespmem:v31+s23+$0x0] =	vst.idx.msk $0xffff, v30;
	v30 =	vld [tilespmem:$0x1FAB0];
	_ =	sdelay $0x3  }
0x695: {  	v54 =	vor.u32 s31, v19;
	v34 =	vld.idx.msk [tilespmem:v34+s19+$0x0], $0xffff  }
0x696: {  	v30 =	vor.u32 v62, v30;
	_ =	sdelay $0x3  }
0x697: {  	s2 =	simm.s32 $0x20;
	v31 =	vmov s0;
	[tilespmem:v54+s23+$0x0] =	vst.idx.msk $0xffff, v34  }
.LBB2_57:
0x698: {  	p0 =	sne.s32 s2, $0x70;
	v31 =	vshll.u32 v31, $0x4;
	v30 =	vld.idx.msk [tilespmem:v30+s19+$0x0], $0xffff  }
0x699: {  	v35 =	vor.u32 s31, v26;
	s31 =	smov.u32 s0;
	s0 =	smov.u32 s2;
	v34 =	vor.u32 v11, v31  }
0x69a: {  	v34 =	vor.u32 v62, v34;
	_ =	sdelay $0x3  }
0x69b: {  	[tilespmem:v35+s23+$0x0] =	vst.idx.msk $0xffff, v30  }
0x69c: {  	v30 =	vld.idx.msk [tilespmem:v34+s19+$0x0], $0xffff  }
0x69d: {  	v35 =	vadd.s32 v21, v31;
	v34 =	vor.u32 s31, v63  }
0x69e: {  	v35 =	vor.u32 v62, v35;
	_ =	sdelay $0x3  }
0x69f: {  	[tilespmem:v34+s23+$0x0] =	vst.idx.msk $0xffff, v30  }
0x6a0: {  	v30 =	vld.idx.msk [tilespmem:v35+s19+$0x0], $0xffff  }
0x6a1: {  	v34 =	vor.u32 s31, v18;
	v35 =	vadd.s32 v17, v31  }
0x6a2: {  	v35 =	vor.u32 v62, v35;
	_ =	sdelay $0x3  }
0x6a3: {  	[tilespmem:v34+s23+$0x0] =	vst.idx.msk $0xffff, v30  }
0x6a4: {  	v34 =	vld.idx.msk [tilespmem:v35+s19+$0x0], $0xffff  }
0x6a5: {  	v30 =	vadd.s32 v16, v31;
	v35 =	vor.u32 s31, v19  }
.Ltmp27:
0x6a6: {  	v30 =	vor.u32 v62, v30;
	(pc) =	sbr.rel @p0 .LBB2_57-.Ltmp27, $2  }
0x6a7: {  	_ =	sdelay $0x2  }
0x6a8: {  	s2 =	sadd.s32 $0x10, s2;
	v31 =	vmov s0;
	[tilespmem:v35+s23+$0x0] =	vst.idx.msk $0xffff, v34  }
0x6a9: {  	_ =	sdelay $0x2  }
0x6aa: {  	v31 =	vshll.u32 v31, $0x4  }
0x6ab: {  	v30 =	vld.idx.msk [tilespmem:v30+s19+$0x0], $0xffff;
	v35 =	vor.u32 s31, v26;
	v34 =	vor.u32 v11, v31  }
0x6ac: {  	v34 =	vor.u32 v62, v34;
	_ =	sdelay $0x3  }
0x6ad: {  	[tilespmem:v35+s23+$0x0] =	vst.idx.msk $0xffff, v30  }
0x6ae: {  	v39 =	vor.u32 s0, v63;
	v54 =	vadd.s32 v21, v31;
	v30 =	vld.idx.msk [tilespmem:v34+s19+$0x0], $0xffff  }
0x6af: {  	v35 =	vor.u32 v62, v54;
	_ =	sdelay $0x3  }
0x6b0: {  	[tilespmem:v39+s23+$0x0] =	vst.idx.msk $0xffff, v30  }
0x6b1: {  	v54 =	vadd.s32 v17, v31;
	v39 =	vor.u32 s0, v18;
	v30 =	vld.idx.msk [tilespmem:v35+s19+$0x0], $0xffff  }
0x6b2: {  	v35 =	vor.u32 v62, v54;
	_ =	sdelay $0x3  }
0x6b3: {  	[tilespmem:v39+s23+$0x0] =	vst.idx.msk $0xffff, v30  }
0x6b4: {  	v31 =	vadd.s32 v16, v31;
	v39 =	vor.u32 s0, v19;
	v30 =	vld.idx.msk [tilespmem:v35+s19+$0x0], $0xffff  }
0x6b5: {  	v31 =	vor.u32 v62, v31;
	_ =	sdelay $0x1  }
0x6b6: {  	s31 =	simm.s32 $0x0  }
0x6b7: {  	v54 =	vmov s31  }
0x6b8: {  	[tilespmem:v39+s23+$0x0] =	vst.idx.msk $0xffff, v30;
	v30 =	vshll.u32 v54, $0x4  }
0x6b9: {  	v39 =	vor.u32 s0, v26;
	v31 =	vld.idx.msk [tilespmem:v31+s19+$0x0], $0xffff;
	v35 =	vor.u32 v11, v30  }
0x6ba: {  	[tilespmem:$0x1FA60] =	vst v35;
	v35 =	vor.u32 v23, v35;
	_ =	sdelay $0x3  }
0x6bb: {  	[tilespmem:v39+s23+$0x0] =	vst.idx.msk $0xffff, v31  }
0x6bc: {  	v54 =	vor.u32 s31, v27;
	v39 =	vadd.s32 v21, v30;
	v31 =	vld.idx.msk [tilespmem:v35+s19+$0x0], $0xffff  }
0x6bd: {  	v35 =	vor.u32 v23, v39;
	_ =	sdelay $0x3  }
0x6be: {  	[tilespmem:v54+s23+$0x0] =	vst.idx.msk $0xffff, v31  }
0x6bf: {  	[tilespmem:$0x1FA70] =	vst v39;
	v39 =	vadd.s32 v17, v30;
	v54 =	vor.u32 s31, v32;
	v31 =	vld.idx.msk [tilespmem:v35+s19+$0x0], $0xffff  }
0x6c0: {  	v35 =	vor.u32 v23, v39;
	_ =	sdelay $0x3  }
0x6c1: {  	[tilespmem:v54+s23+$0x0] =	vst.idx.msk $0xffff, v31  }
0x6c2: {  	v54 =	vor.u32 s31, v33;
	v34 =	vld.idx.msk [tilespmem:v35+s19+$0x0], $0xffff;
	_ =	sdelay $0x2  }
0x6c3: {  	v30 =	vadd.s32 v16, v30  }
0x6c4: {  	[tilespmem:$0x1FA80] =	vst v39;
	v39 =	vmov v30;
	v30 =	vor.u32 v23, v30  }
0x6c5: {  	[tilespmem:v54+s23+$0x0] =	vst.idx.msk $0xffff, v34;
	v54 =	vld [tilespmem:$0x1FFE0];
	_ =	sdelay $0x1  }
0x6c6: {  	s0 =	simm.s32 $0x10  }
0x6c7: {  	s14 =	simm.s32 $0x20;
	s8 =	simm.s32 $0x0;
	s2 =	simm.s32 $0x10;
	v31 =	vmov s0  }
.LBB2_59:
0x6c8: {  	p0 =	sne.s32 s14, $0x70;
	v31 =	vshll.u32 v31, $0x4;
	v30 =	vld.idx.msk [tilespmem:v30+s19+$0x0], $0xffff  }
0x6c9: {  	v35 =	vor.u32 s8, v40;
	s8 =	smov.u32 s2;
	s2 =	smov.u32 s14;
	v34 =	vor.u32 v11, v31  }
0x6ca: {  	v34 =	vor.u32 v23, v34;
	_ =	sdelay $0x3  }
0x6cb: {  	[tilespmem:v35+s23+$0x0] =	vst.idx.msk $0xffff, v30  }
0x6cc: {  	v30 =	vld.idx.msk [tilespmem:v34+s19+$0x0], $0xffff  }
0x6cd: {  	v35 =	vadd.s32 v21, v31;
	v34 =	vor.u32 s8, v27  }
0x6ce: {  	v35 =	vor.u32 v23, v35;
	_ =	sdelay $0x3  }
0x6cf: {  	[tilespmem:v34+s23+$0x0] =	vst.idx.msk $0xffff, v30  }
0x6d0: {  	v30 =	vld.idx.msk [tilespmem:v35+s19+$0x0], $0xffff  }
0x6d1: {  	v34 =	vor.u32 s8, v32;
	v35 =	vadd.s32 v17, v31  }
0x6d2: {  	v35 =	vor.u32 v23, v35;
	_ =	sdelay $0x3  }
0x6d3: {  	[tilespmem:v34+s23+$0x0] =	vst.idx.msk $0xffff, v30  }
0x6d4: {  	v34 =	vld.idx.msk [tilespmem:v35+s19+$0x0], $0xffff  }
0x6d5: {  	v30 =	vadd.s32 v16, v31;
	v35 =	vor.u32 s8, v33  }
.Ltmp28:
0x6d6: {  	v30 =	vor.u32 v23, v30;
	(pc) =	sbr.rel @p0 .LBB2_59-.Ltmp28, $2  }
0x6d7: {  	_ =	sdelay $0x2  }
0x6d8: {  	s14 =	sadd.s32 $0x10, s14;
	v31 =	vmov s2;
	[tilespmem:v35+s23+$0x0] =	vst.idx.msk $0xffff, v34  }
0x6d9: {  	_ =	sdelay $0x2  }
0x6da: {  	v31 =	vshll.u32 v31, $0x4  }
0x6db: {  	v30 =	vld.idx.msk [tilespmem:v30+s19+$0x0], $0xffff;
	v35 =	vor.u32 s8, v40;
	v34 =	vor.u32 v11, v31  }
0x6dc: {  	v34 =	vor.u32 v23, v34;
	_ =	sdelay $0x3  }
0x6dd: {  	[tilespmem:v35+s23+$0x0] =	vst.idx.msk $0xffff, v30  }
0x6de: {  	v35 =	vadd.s32 v21, v31;
	v30 =	vld.idx.msk [tilespmem:v34+s19+$0x0], $0xffff;
	v34 =	vor.u32 s2, v27  }
0x6df: {  	v35 =	vor.u32 v23, v35;
	_ =	sdelay $0x3  }
0x6e0: {  	[tilespmem:v34+s23+$0x0] =	vst.idx.msk $0xffff, v30  }
0x6e1: {  	v34 =	vor.u32 s2, v32;
	v30 =	vld.idx.msk [tilespmem:v35+s19+$0x0], $0xffff;
	v35 =	vadd.s32 v17, v31  }
0x6e2: {  	v35 =	vor.u32 v23, v35;
	_ =	sdelay $0x3  }
0x6e3: {  	[tilespmem:v34+s23+$0x0] =	vst.idx.msk $0xffff, v30  }
0x6e4: {  	v31 =	vadd.s32 v16, v31;
	v34 =	vor.u32 s2, v33;
	v30 =	vld.idx.msk [tilespmem:v35+s19+$0x0], $0xffff  }
0x6e5: {  	v23 =	vor.u32 v23, v31  }
0x6e6: {  	v31 =	vld [tilespmem:$0x1FA60];
	_ =	sdelay $0x2  }
0x6e7: {  	[tilespmem:v34+s23+$0x0] =	vst.idx.msk $0xffff, v30  }
0x6e8: {  	v30 =	vor.u32 s2, v40;
	v23 =	vld.idx.msk [tilespmem:v23+s19+$0x0], $0xffff  }
0x6e9: {  	v31 =	vor.u32 v25, v31;
	_ =	sdelay $0x3  }
0x6ea: {  	[tilespmem:v30+s23+$0x0] =	vst.idx.msk $0xffff, v23  }
0x6eb: {  	v23 =	vld.idx.msk [tilespmem:v31+s19+$0x0], $0xffff  }
0x6ec: {  	v31 =	vld [tilespmem:$0x1FA70];
	_ =	sdelay $0x3  }
0x6ed: {  	v30 =	vor.u32 s31, v41  }
0x6ee: {  	v31 =	vor.u32 v25, v31;
	_ =	sdelay $0x3  }
0x6ef: {  	[tilespmem:v30+s23+$0x0] =	vst.idx.msk $0xffff, v23  }
0x6f0: {  	v23 =	vld.idx.msk [tilespmem:v31+s19+$0x0], $0xffff  }
0x6f1: {  	v31 =	vld [tilespmem:$0x1FA80];
	_ =	sdelay $0x3  }
0x6f2: {  	v30 =	vor.u32 s31, v0  }
0x6f3: {  	v31 =	vor.u32 v25, v31;
	_ =	sdelay $0x3  }
0x6f4: {  	[tilespmem:v30+s23+$0x0] =	vst.idx.msk $0xffff, v23  }
0x6f5: {  	v34 =	vor.u32 s31, v1;
	v31 =	vld.idx.msk [tilespmem:v31+s19+$0x0], $0xffff  }
0x6f6: {  	v23 =	vor.u32 v25, v39;
	_ =	sdelay $0x3  }
0x6f7: {  	s2 =	simm.s32 $0x20;
	v30 =	vmov s0;
	[tilespmem:v34+s23+$0x0] =	vst.idx.msk $0xffff, v31  }
.LBB2_61:
0x6f8: {  	p0 =	sne.s32 s2, $0x70;
	v30 =	vshll.u32 v30, $0x4;
	v23 =	vld.idx.msk [tilespmem:v23+s19+$0x0], $0xffff  }
0x6f9: {  	v34 =	vor.u32 s31, v2;
	s31 =	smov.u32 s0;
	s0 =	smov.u32 s2;
	v31 =	vor.u32 v11, v30  }
0x6fa: {  	v31 =	vor.u32 v25, v31;
	_ =	sdelay $0x3  }
0x6fb: {  	[tilespmem:v34+s23+$0x0] =	vst.idx.msk $0xffff, v23  }
0x6fc: {  	v23 =	vld.idx.msk [tilespmem:v31+s19+$0x0], $0xffff  }
0x6fd: {  	v34 =	vadd.s32 v21, v30;
	v31 =	vor.u32 s31, v41  }
0x6fe: {  	v34 =	vor.u32 v25, v34;
	_ =	sdelay $0x3  }
0x6ff: {  	[tilespmem:v31+s23+$0x0] =	vst.idx.msk $0xffff, v23  }
0x700: {  	v23 =	vld.idx.msk [tilespmem:v34+s19+$0x0], $0xffff  }
0x701: {  	v31 =	vor.u32 s31, v0;
	v34 =	vadd.s32 v17, v30  }
0x702: {  	v34 =	vor.u32 v25, v34;
	_ =	sdelay $0x3  }
0x703: {  	[tilespmem:v31+s23+$0x0] =	vst.idx.msk $0xffff, v23  }
0x704: {  	v31 =	vld.idx.msk [tilespmem:v34+s19+$0x0], $0xffff  }
0x705: {  	v23 =	vadd.s32 v16, v30;
	v34 =	vor.u32 s31, v1  }
.Ltmp29:
0x706: {  	v23 =	vor.u32 v25, v23;
	(pc) =	sbr.rel @p0 .LBB2_61-.Ltmp29, $2  }
0x707: {  	_ =	sdelay $0x2  }
0x708: {  	s2 =	sadd.s32 $0x10, s2;
	v30 =	vmov s0;
	[tilespmem:v34+s23+$0x0] =	vst.idx.msk $0xffff, v31  }
0x709: {  	_ =	sdelay $0x2  }
0x70a: {  	v30 =	vshll.u32 v30, $0x4  }
0x70b: {  	v23 =	vld.idx.msk [tilespmem:v23+s19+$0x0], $0xffff;
	v34 =	vor.u32 s31, v2;
	v31 =	vor.u32 v11, v30  }
0x70c: {  	v31 =	vor.u32 v25, v31;
	_ =	sdelay $0x3  }
0x70d: {  	[tilespmem:v34+s23+$0x0] =	vst.idx.msk $0xffff, v23  }
0x70e: {  	v39 =	vadd.s32 v21, v30;
	v23 =	vld.idx.msk [tilespmem:v31+s19+$0x0], $0xffff;
	v31 =	vor.u32 s0, v41  }
0x70f: {  	v34 =	vor.u32 v25, v39;
	_ =	sdelay $0x3  }
0x710: {  	[tilespmem:v31+s23+$0x0] =	vst.idx.msk $0xffff, v23  }
0x711: {  	v39 =	vadd.s32 v17, v30;
	v31 =	vor.u32 s0, v0;
	v23 =	vld.idx.msk [tilespmem:v34+s19+$0x0], $0xffff  }
0x712: {  	v34 =	vor.u32 v25, v39;
	_ =	sdelay $0x3  }
0x713: {  	[tilespmem:v31+s23+$0x0] =	vst.idx.msk $0xffff, v23  }
0x714: {  	v30 =	vadd.s32 v16, v30;
	v31 =	vor.u32 s0, v1;
	v23 =	vld.idx.msk [tilespmem:v34+s19+$0x0], $0xffff  }
0x715: {  	v25 =	vor.u32 v25, v30;
	_ =	sdelay $0x1  }
0x716: {  	s31 =	simm.s32 $0x0  }
0x717: {  	v30 =	vmov s31  }
0x718: {  	v30 =	vshll.u32 v30, $0x4;
	[tilespmem:v31+s23+$0x0] =	vst.idx.msk $0xffff, v23  }
0x719: {  	v31 =	vor.u32 v11, v30;
	v23 =	vld.idx.msk [tilespmem:v25+s19+$0x0], $0xffff;
	v25 =	vor.u32 s0, v2  }
0x71a: {  	[tilespmem:$0x1FA50] =	vst v31;
	v31 =	vor.u32 v24, v31;
	_ =	sdelay $0x3  }
0x71b: {  	[tilespmem:v25+s23+$0x0] =	vst.idx.msk $0xffff, v23  }
0x71c: {  	v25 =	vor.u32 s31, v3;
	v23 =	vld.idx.msk [tilespmem:v31+s19+$0x0], $0xffff;
	v31 =	vadd.s32 v21, v30  }
0x71d: {  	v39 =	vmov v31;
	v31 =	vor.u32 v24, v31;
	_ =	sdelay $0x3  }
0x71e: {  	[tilespmem:v25+s23+$0x0] =	vst.idx.msk $0xffff, v23  }
0x71f: {  	v23 =	vadd.s32 v17, v30;
	v25 =	vld.idx.msk [tilespmem:v31+s19+$0x0], $0xffff;
	v31 =	vor.u32 s31, v5  }
0x720: {  	v34 =	vor.u32 v24, v23;
	_ =	sdelay $0x3  }
0x721: {  	[tilespmem:v31+s23+$0x0] =	vst.idx.msk $0xffff, v25  }
0x722: {  	v35 =	vor.u32 s31, v6;
	v25 =	vadd.s32 v16, v30;
	v34 =	vld.idx.msk [tilespmem:v34+s19+$0x0], $0xffff  }
0x723: {  	v30 =	vor.u32 v24, v25;
	_ =	sdelay $0x2  }
0x724: {  	s0 =	simm.s32 $0x10  }
0x725: {  	s14 =	simm.s32 $0x20;
	s8 =	simm.s32 $0x0;
	s2 =	simm.s32 $0x10;
	v31 =	vmov s0;
	[tilespmem:v35+s23+$0x0] =	vst.idx.msk $0xffff, v34  }
.LBB2_63:
0x726: {  	p0 =	sne.s32 s14, $0x70;
	v31 =	vshll.u32 v31, $0x4;
	v30 =	vld.idx.msk [tilespmem:v30+s19+$0x0], $0xffff  }
0x727: {  	v35 =	vor.u32 s8, v7;
	s8 =	smov.u32 s2;
	s2 =	smov.u32 s14;
	v34 =	vor.u32 v11, v31  }
0x728: {  	v34 =	vor.u32 v24, v34;
	_ =	sdelay $0x3  }
0x729: {  	[tilespmem:v35+s23+$0x0] =	vst.idx.msk $0xffff, v30  }
0x72a: {  	v30 =	vld.idx.msk [tilespmem:v34+s19+$0x0], $0xffff  }
0x72b: {  	v35 =	vadd.s32 v21, v31;
	v34 =	vor.u32 s8, v3  }
0x72c: {  	v35 =	vor.u32 v24, v35;
	_ =	sdelay $0x3  }
0x72d: {  	[tilespmem:v34+s23+$0x0] =	vst.idx.msk $0xffff, v30  }
0x72e: {  	v30 =	vld.idx.msk [tilespmem:v35+s19+$0x0], $0xffff  }
0x72f: {  	v34 =	vor.u32 s8, v5;
	v35 =	vadd.s32 v17, v31  }
0x730: {  	v35 =	vor.u32 v24, v35;
	_ =	sdelay $0x3  }
0x731: {  	[tilespmem:v34+s23+$0x0] =	vst.idx.msk $0xffff, v30  }
0x732: {  	v34 =	vld.idx.msk [tilespmem:v35+s19+$0x0], $0xffff  }
0x733: {  	v30 =	vadd.s32 v16, v31;
	v35 =	vor.u32 s8, v6  }
.Ltmp30:
0x734: {  	v30 =	vor.u32 v24, v30;
	(pc) =	sbr.rel @p0 .LBB2_63-.Ltmp30, $2  }
0x735: {  	_ =	sdelay $0x2  }
0x736: {  	s14 =	sadd.s32 $0x10, s14;
	v31 =	vmov s2;
	[tilespmem:v35+s23+$0x0] =	vst.idx.msk $0xffff, v34  }
0x737: {  	_ =	sdelay $0x2  }
0x738: {  	v31 =	vshll.u32 v31, $0x4  }
0x739: {  	v30 =	vld.idx.msk [tilespmem:v30+s19+$0x0], $0xffff;
	v35 =	vor.u32 s8, v7;
	v34 =	vor.u32 v11, v31  }
0x73a: {  	v34 =	vor.u32 v24, v34;
	_ =	sdelay $0x3  }
0x73b: {  	[tilespmem:v35+s23+$0x0] =	vst.idx.msk $0xffff, v30  }
0x73c: {  	v35 =	vadd.s32 v21, v31;
	v30 =	vld.idx.msk [tilespmem:v34+s19+$0x0], $0xffff;
	v34 =	vor.u32 s2, v3  }
0x73d: {  	v35 =	vor.u32 v24, v35;
	_ =	sdelay $0x3  }
0x73e: {  	[tilespmem:v34+s23+$0x0] =	vst.idx.msk $0xffff, v30  }
0x73f: {  	v34 =	vor.u32 s2, v5;
	v30 =	vld.idx.msk [tilespmem:v35+s19+$0x0], $0xffff;
	v35 =	vadd.s32 v17, v31  }
0x740: {  	v35 =	vor.u32 v24, v35;
	_ =	sdelay $0x3  }
0x741: {  	[tilespmem:v34+s23+$0x0] =	vst.idx.msk $0xffff, v30  }
0x742: {  	v31 =	vadd.s32 v16, v31;
	v34 =	vor.u32 s2, v6;
	v30 =	vld.idx.msk [tilespmem:v35+s19+$0x0], $0xffff  }
0x743: {  	v24 =	vor.u32 v24, v31  }
0x744: {  	v31 =	vld [tilespmem:$0x1FA50];
	_ =	sdelay $0x2  }
0x745: {  	[tilespmem:v34+s23+$0x0] =	vst.idx.msk $0xffff, v30  }
0x746: {  	v30 =	vor.u32 s2, v7;
	v24 =	vld.idx.msk [tilespmem:v24+s19+$0x0], $0xffff  }
0x747: {  	v31 =	vor.u32 v28, v31;
	_ =	sdelay $0x3  }
0x748: {  	[tilespmem:v30+s23+$0x0] =	vst.idx.msk $0xffff, v24  }
0x749: {  	v30 =	vor.u32 s31, v8;
	v24 =	vld.idx.msk [tilespmem:v31+s19+$0x0], $0xffff  }
0x74a: {  	v31 =	vor.u32 v28, v39;
	_ =	sdelay $0x3  }
0x74b: {  	[tilespmem:v30+s23+$0x0] =	vst.idx.msk $0xffff, v24  }
0x74c: {  	v30 =	vor.u32 s31, v12;
	v24 =	vld.idx.msk [tilespmem:v31+s19+$0x0], $0xffff  }
0x74d: {  	v23 =	vor.u32 v28, v23;
	_ =	sdelay $0x3  }
0x74e: {  	[tilespmem:v30+s23+$0x0] =	vst.idx.msk $0xffff, v24  }
0x74f: {  	v31 =	vor.u32 s31, v13;
	v30 =	vld.idx.msk [tilespmem:v23+s19+$0x0], $0xffff  }
0x750: {  	v23 =	vor.u32 v28, v25;
	_ =	sdelay $0x3  }
0x751: {  	s2 =	simm.s32 $0x20;
	v24 =	vmov s0;
	[tilespmem:v31+s23+$0x0] =	vst.idx.msk $0xffff, v30  }
.LBB2_65:
0x752: {  	p0 =	sne.s32 s2, $0x70;
	v24 =	vshll.u32 v24, $0x4;
	v23 =	vld.idx.msk [tilespmem:v23+s19+$0x0], $0xffff  }
0x753: {  	v30 =	vor.u32 s31, v15;
	s31 =	smov.u32 s0;
	s0 =	smov.u32 s2;
	v25 =	vor.u32 v11, v24  }
0x754: {  	v25 =	vor.u32 v28, v25;
	_ =	sdelay $0x3  }
0x755: {  	[tilespmem:v30+s23+$0x0] =	vst.idx.msk $0xffff, v23  }
0x756: {  	v23 =	vld.idx.msk [tilespmem:v25+s19+$0x0], $0xffff  }
0x757: {  	v30 =	vadd.s32 v21, v24;
	v25 =	vor.u32 s31, v8  }
0x758: {  	v30 =	vor.u32 v28, v30;
	_ =	sdelay $0x3  }
0x759: {  	[tilespmem:v25+s23+$0x0] =	vst.idx.msk $0xffff, v23  }
0x75a: {  	v23 =	vld.idx.msk [tilespmem:v30+s19+$0x0], $0xffff  }
0x75b: {  	v25 =	vor.u32 s31, v12;
	v30 =	vadd.s32 v17, v24  }
0x75c: {  	v30 =	vor.u32 v28, v30;
	_ =	sdelay $0x3  }
0x75d: {  	[tilespmem:v25+s23+$0x0] =	vst.idx.msk $0xffff, v23  }
0x75e: {  	v25 =	vld.idx.msk [tilespmem:v30+s19+$0x0], $0xffff  }
0x75f: {  	v23 =	vadd.s32 v16, v24;
	v30 =	vor.u32 s31, v13  }
.Ltmp31:
0x760: {  	v23 =	vor.u32 v28, v23;
	(pc) =	sbr.rel @p0 .LBB2_65-.Ltmp31, $2  }
0x761: {  	_ =	sdelay $0x2  }
0x762: {  	s2 =	sadd.s32 $0x10, s2;
	v24 =	vmov s0;
	[tilespmem:v30+s23+$0x0] =	vst.idx.msk $0xffff, v25  }
0x763: {  	_ =	sdelay $0x2  }
0x764: {  	v24 =	vshll.u32 v24, $0x4  }
0x765: {  	v23 =	vld.idx.msk [tilespmem:v23+s19+$0x0], $0xffff;
	v30 =	vor.u32 s31, v15;
	v25 =	vor.u32 v11, v24  }
0x766: {  	v25 =	vor.u32 v28, v25;
	_ =	sdelay $0x3  }
0x767: {  	[tilespmem:v30+s23+$0x0] =	vst.idx.msk $0xffff, v23  }
0x768: {  	v30 =	vadd.s32 v21, v24;
	v23 =	vld.idx.msk [tilespmem:v25+s19+$0x0], $0xffff;
	v25 =	vor.u32 s0, v8  }
0x769: {  	v30 =	vor.u32 v28, v30;
	_ =	sdelay $0x3  }
0x76a: {  	[tilespmem:v25+s23+$0x0] =	vst.idx.msk $0xffff, v23  }
0x76b: {  	v25 =	vor.u32 s0, v12;
	v23 =	vld.idx.msk [tilespmem:v30+s19+$0x0], $0xffff;
	v30 =	vadd.s32 v17, v24  }
0x76c: {  	v30 =	vor.u32 v28, v30;
	_ =	sdelay $0x3  }
0x76d: {  	[tilespmem:v25+s23+$0x0] =	vst.idx.msk $0xffff, v23  }
0x76e: {  	v24 =	vadd.s32 v16, v24;
	v25 =	vor.u32 s0, v13;
	v23 =	vld.idx.msk [tilespmem:v30+s19+$0x0], $0xffff  }
0x76f: {  	v24 =	vor.u32 v28, v24;
	_ =	sdelay $0x3  }
0x770: {  	[tilespmem:v25+s23+$0x0] =	vst.idx.msk $0xffff, v23  }
0x771: {  	v23 =	vld.idx.msk [tilespmem:v24+s19+$0x0], $0xffff;
	v24 =	vor.u32 s0, v15;
	_ =	sdelay $0x1  }
0x772: {  	s29 =	sadd.s32 $0x1, s29  }
0x773: {  	p0 =	sne.s32 s29, $0x19  }
.Ltmp32:
0x774: {  	_ = 	snop;
	(pc) =	sbr.rel @p0 .LBB2_2-.Ltmp32, $4  }
0x775: {  	s14 =	sadd.s32 s30, s12;
	[tilespmem:v24+s23+$0x0] =	vst.idx.msk $0xffff, v23  }
0x776: {  	[hbm4b:s14+s3] =	stream.linear.scatter [tilespmem:s23], [sflag:$0x5], $0x1000, $0x38;
	[tilespmem:$0x8400] =	vst v63  }
0x777: {  	s31 =	sadd.s32 s30, s13  }
0x778: {  	v35 =	vld [tilespmem:$0x1FF60];
	[hbm4b:s31+s3] =	stream.linear.scatter [tilespmem:s24], [sflag:$0x5], $0x1000, $0x38  }
0x779: {  	_ =	swait.ge [sflag:s25], $0x1000  }
0x77a: {  	[sflag:s25] =	ssyncset.done $0x0  }
0x77b: {  	[sflag:s25] =	ssyncadd.s32 $0xFFFFF000  }
0x77c: {  	_ =	swait.ge [sflag:s25], $0x1000  }
0x77d: {  	[sflag:s25] =	ssyncset.done $0x0  }
0x77e: {  	[sflag:s25] =	ssyncadd.s32 $0xFFFFF000  }
0x77f: {  	_ =	swait.ge [sflag:s26], $0x1000  }
0x780: {  	[sflag:s26] =	ssyncset.done $0x0  }
0x781: {  	[sflag:s26] =	ssyncadd.s32 $0xFFFFF000  }
0x782: {  	_ =	swait.ge [sflag:s26], $0x1000  }
0x783: {  	s28 =	sadd.s32 $0x1, s28;
	s0 =	rddreg [dreg:$0x4]  }
0x784: {  	p0 =	sne.s32 s28, s0  }
.Ltmp33:
0x785: {  	_ = 	snop;
	(pc) =	sbr.rel @p0 .LBB2_1-.Ltmp33, $3  }
0x786: {  	_ =	sdelay $0x1  }
0x787: {  	[sflag:s26] =	ssyncset.done $0x0  }
0x788: {  	[sflag:s26] =	ssyncadd.s32 $0xFFFFF000  }
0x789: {  	_ =	sfence.sel $0x180000  }
0x78a: {  	[bflag:$0x0] =	sbarrier.arrive $0xFFFF  }
0x78b: {  	_ =	strace $0x90000047  }
0x78c: {  	s0 =	stileid.u32;
	[bflag:$0x2] =	sbarrier.arrive $0xFFFF  }
0x78d: {  	p0 =	sne.s32 s0, $0x0;
	s0 =	rddreg [dreg:$0x2]  }
0x78e: {  	s0 =	sadd.s32 @!p0 $0x100000, s0  }
0x78f: {  	[sflag:s0] =	ssyncadd.tile.s32 @!p0 $0x1;
	_ =	shalt  }
.Lfunc_end2:
_tile_overlayer_lowered:
.L_overlay_start_2:
0x790: {  	(tag) =	ssettag $0x2  }
0x791: {  	s0 =	rddreg [dreg:$0x0];
	s2 =	stileid.u32  }
0x792: {  	s1 =	rddreg [dreg:$0x1];
	p0 =	sne.s32 s2, $0x0  }
0x793: {  	s3 =	rddreg [dreg:$0x2];
	[bflag:$0x3] =	sbarrier.arrive $0xFFFF;
	s2 =	simm.s32 @!p0 $0x1C06  }
0x794: {  	[timem:s3], [sflag:s2] =	dma.local @!p0 [hbm:s0], s1  }
0x795: {  	s0 =	simm.s32 @!p0 $0x6  }
0x796: {  	_ =	swait.ge @!p0 [sflag:s0], s1  }
0x797: {  	s1 =	ssub.s32 @!p0 $0x0, s1;
	[sflag:s0] =	ssyncset.done @!p0 $0x0  }
0x798: {  	[sflag:s0] =	ssyncadd.s32 @!p0 s1  }
0x799: {  	[bflag:$0x3] =	sbarrier.arrive $0xFFFF  }
0x79a: {  	_ =	shalt  }

</sc_bundles>
